<compile_context>
chip_gen: v7x
topology: tpu7x:2x2x1
jax: 0.10.2.dev20260603
libtpu: 0.0.44.dev20260713+nightly
codegen_flags: <defaults>
</compile_context>

<pallas_src>
import functools

import jax
import jax.numpy as jnp
from jax import lax
from jax.experimental import pallas as pl
from jax.experimental.pallas import tpu as pltpu
from jax.experimental.pallas import tpu_sc as plsc

_BATCH, _HIST, _DIM = 4096, 50, 32
_NC, _NS = 2, 16
_NW = _NC * _NS
_BPW = _BATCH // _NW
_IPW = _BPW * _HIST
_G = 128
_NG = _IPW // _G
_K = 5
_NGRP = _NG // _K


def _sc_lookup(table, idx_w, rep, zeros):
    mesh = plsc.VectorSubcoreMesh(core_axis_name="c", subcore_axis_name="s")

    @functools.partial(
        pl.kernel,
        out_type=jax.ShapeDtypeStruct((_BATCH, _DIM), jnp.float32),
        mesh=mesh,
        compiler_params=pltpu.CompilerParams(use_tc_tiling_on_sc=False),
        scratch_types=[
            pltpu.VMEM((_NG, _G), jnp.int32),
            pltpu.VMEM((_NG, _G), jnp.int32),
            pltpu.VMEM((2, _K, _G, _DIM), jnp.float32),
            pltpu.VMEM_SHARED((_NS * _BPW, _DIM), jnp.float32),
            pltpu.SemaphoreType.DMA,
            pltpu.SemaphoreType.DMA,
        ],
    )
    def k(table_hbm, idx_hbm, rep_hbm, zeros_hbm, out_hbm,
          idx_v, rep_v, rows_v, acc_sh, gsem, ssem):
        c = lax.axis_index("c")
        s = lax.axis_index("s")
        wid = s * _NC + c
        pltpu.sync_copy(idx_hbm.at[wid], idx_v)
        pltpu.sync_copy(rep_hbm.at[s], rep_v)
        pltpu.sync_copy(zeros_hbm, acc_sh.at[pl.ds(s * _BPW, _BPW)])

        def fire_gathers(g, dst_set):
            return [pltpu.async_copy(table_hbm.at[idx_v.at[g * _K + b]],
                                     rows_v.at[dst_set, b], gsem)
                    for b in range(_K)]

        gd = fire_gathers(0, 0)
        sd = []
        for g in range(_NGRP):
            cur = g % 2
            for d in gd:
                d.wait()
            for d in sd:
                d.wait()
            if g + 1 < _NGRP:
                gd = fire_gathers(g + 1, 1 - cur)
            sd = [pltpu.async_copy(rows_v.at[cur, b],
                                   acc_sh.at[rep_v.at[g * _K + b]],
                                   ssem, add=True)
                  for b in range(_K)]
        for d in sd:
            d.wait()
        pltpu.sync_copy(acc_sh.at[pl.ds(s * _BPW, _BPW)],
                        out_hbm.at[pl.ds(wid * _BPW, _BPW)])

    return k(table, idx_w, rep, zeros)


def kernel(idx, table):
    idx_w = idx.reshape(_NW, _NG, _G)
    rep = (jnp.arange(_IPW, dtype=jnp.int32) // _HIST).reshape(1, _NG, _G)
    rep = rep + (jnp.arange(_NS, dtype=jnp.int32) * _BPW)[:, None, None]
    zeros = jnp.zeros((_BPW, _DIM), jnp.float32)
    out = _sc_lookup(table, idx_w, rep, zeros)
    return out[:, None, :]

# --- scband reference (transcript-rebuilt; emitter-appended) ---
"""Pipeline reference for scband-embedding-lookup-sparse-43490838839820 (READ-ONLY COPY).

The authoritative reference and input builder live on the scoring server;
editing this copy changes nothing except your own understanding.
"""

import jax, jax.numpy as jnp
import numpy as np

BATCH = 4096
HIST = 50
VOCAB = 1000000
DIM = 32

def setup_inputs(seed: int = 0) -> dict:
    key = jax.random.key(seed)
    k1, k2 = jax.random.split(key)
    idx = jax.random.randint(k1, (BATCH, HIST), 0, VOCAB, dtype=jnp.int64 if jax.config.jax_enable_x64 else jnp.int32).astype(jnp.int32)
    table = jax.random.normal(k2, (VOCAB, DIM), dtype=jnp.float32) * 0.02
    return {"idx": idx, "table": table}

def reference(idx, table):
    # tf.nn.embedding_lookup_sparse with combiner='sum', no weights:
    # gather rows for each sparse id in a bag and sum within the bag.
    # Sparse ids densified as [batch, hist_len] full bags.
    emb = jnp.take(table, idx, axis=0)          # [B, L, D] gather
    combined = jnp.sum(emb, axis=1)             # [B, D] sum-combine per bag
    return jnp.expand_dims(combined, 1)         # [B, 1, D] matches tf.expand_dims(..., 1)

if __name__ == "__main__":
    import jax
    _d = setup_inputs()
    print(jax.jit(kernel)(*tuple(_d.values())))

</pallas_src>

<mosaic_0001>
#map = affine_map<(d0, d1) -> (0, 0)>
#map1 = affine_map<(d0, d1) -> (0, 0, 0)>
module attributes {stable_mosaic.version = 14 : i64} {
  func.func @k(%arg0: i32, %arg1: i32, %arg2: memref<1000000x32xf32, #tpu.memory_space<hbm>>, %arg3: memref<32x50x128xi32, #tpu.memory_space<hbm>>, %arg4: memref<16x50x128xi32, #tpu.memory_space<hbm>>, %arg5: memref<128x32xf32, #tpu.memory_space<hbm>>, %arg6: memref<4096x32xf32, #tpu.memory_space<hbm>>, %arg7: memref<50x128xi32, #tpu.memory_space<vmem>>, %arg8: memref<50x128xi32, #tpu.memory_space<vmem>>, %arg9: memref<2x5x128x32xf32, #tpu.memory_space<vmem>>, %arg10: memref<2048x32xf32, #tpu.memory_space<vmem_shared>>, %arg11: memref<!tpu.dma_semaphore, #tpu.memory_space<semaphore_mem>>, %arg12: memref<!tpu.dma_semaphore, #tpu.memory_space<semaphore_mem>>) attributes {dimension_semantics = [#tpu.dimension_semantics<core_parallel>, #tpu.dimension_semantics<subcore_parallel>], iteration_bounds = array<i64: 2, 16>, scalar_prefetch = 0 : i64, scratch_operands = 6 : i64, tpu.core_type = #tpu.core_type<sc_vector_subcore>, window_params = [{transform_indices = #map}, {transform_indices = #map1}, {transform_indices = #map1}, {transform_indices = #map}, {transform_indices = #map}]} {
    %mul3A = arith.constant 2 : i32
    %mul3A_0 = arith.muli %arg1, %mul3A : i32
    %add3A = arith.addi %mul3A_0, %arg0 : i32
    "tpu.region"() ({
      %run_scoped3A = tpu.sem_alloc : memref<!tpu.dma_semaphore, #tpu.memory_space<semaphore_mem>>
      %dma_start3A_2605 = arith.constant 0 : i32
      %dma_start3A_2606 = arith.constant 0 : i32
      %dma_start3A_2607 = tpu.memref_slice %arg3[%add3A, %dma_start3A_2605, %dma_start3A_2606] : memref<32x50x128xi32, #tpu.memory_space<hbm>> -> memref<1x50x128xi32, #tpu.memory_space<hbm>>
      %dma_start3A_2608 = tpu.memref_squeeze %dma_start3A_2607 : memref<1x50x128xi32, #tpu.memory_space<hbm>> -> memref<50x128xi32, #tpu.memory_space<hbm>>
      %dma_start3A_2609 = arith.constant 0 : i32
      %dma_start3A_2610 = arith.constant 0 : i32
      %dma_start3A_2611 = tpu.memref_slice %arg3[%add3A, %dma_start3A_2609, %dma_start3A_2610] : memref<32x50x128xi32, #tpu.memory_space<hbm>> -> memref<1x50x128xi32, #tpu.memory_space<hbm>>
      %dma_start3A_2612 = tpu.memref_squeeze %dma_start3A_2611 : memref<1x50x128xi32, #tpu.memory_space<hbm>> -> memref<50x128xi32, #tpu.memory_space<hbm>>
      tpu.enqueue_dma source(%dma_start3A_2612 : memref<50x128xi32, #tpu.memory_space<hbm>>) target(%arg7 : memref<50x128xi32, #tpu.memory_space<vmem>>) target_semaphore(%run_scoped3A : memref<!tpu.dma_semaphore, #tpu.memory_space<semaphore_mem>>)
      %dma_wait3A_2613 = arith.constant 0 : i32
      %dma_wait3A_2614 = arith.constant 0 : i32
      %dma_wait3A_2615 = tpu.memref_slice %arg3[%add3A, %dma_wait3A_2613, %dma_wait3A_2614] : memref<32x50x128xi32, #tpu.memory_space<hbm>> -> memref<1x50x128xi32, #tpu.memory_space<hbm>>
      %dma_wait3A_2616 = tpu.memref_squeeze %dma_wait3A_2615 : memref<1x50x128xi32, #tpu.memory_space<hbm>> -> memref<50x128xi32, #tpu.memory_space<hbm>>
      %dma_wait3A_2617 = arith.constant 0 : i32
      %dma_wait3A_2618 = arith.constant 0 : i32
      %dma_wait3A_2619 = tpu.memref_slice %arg3[%add3A, %dma_wait3A_2617, %dma_wait3A_2618] : memref<32x50x128xi32, #tpu.memory_space<hbm>> -> memref<1x50x128xi32, #tpu.memory_space<hbm>>
      %dma_wait3A_2620 = tpu.memref_squeeze %dma_wait3A_2619 : memref<1x50x128xi32, #tpu.memory_space<hbm>> -> memref<50x128xi32, #tpu.memory_space<hbm>>
      tpu.wait_dma2 semaphore(%run_scoped3A : memref<!tpu.dma_semaphore, #tpu.memory_space<semaphore_mem>>) src(%dma_wait3A_2620 : memref<50x128xi32, #tpu.memory_space<hbm>>) dst(%arg7 : memref<50x128xi32, #tpu.memory_space<vmem>>)
      tpu.yield
    }) : () -> ()
    "tpu.region"() ({
      %run_scoped3A = tpu.sem_alloc : memref<!tpu.dma_semaphore, #tpu.memory_space<semaphore_mem>>
      %dma_start3A_2605 = arith.constant 0 : i32
      %dma_start3A_2606 = arith.constant 0 : i32
      %dma_start3A_2607 = tpu.memref_slice %arg4[%arg1, %dma_start3A_2605, %dma_start3A_2606] : memref<16x50x128xi32, #tpu.memory_space<hbm>> -> memref<1x50x128xi32, #tpu.memory_space<hbm>>
      %dma_start3A_2608 = tpu.memref_squeeze %dma_start3A_2607 : memref<1x50x128xi32, #tpu.memory_space<hbm>> -> memref<50x128xi32, #tpu.memory_space<hbm>>
      %dma_start3A_2609 = arith.constant 0 : i32
      %dma_start3A_2610 = arith.constant 0 : i32
      %dma_start3A_2611 = tpu.memref_slice %arg4[%arg1, %dma_start3A_2609, %dma_start3A_2610] : memref<16x50x128xi32, #tpu.memory_space<hbm>> -> memref<1x50x128xi32, #tpu.memory_space<hbm>>
      %dma_start3A_2612 = tpu.memref_squeeze %dma_start3A_2611 : memref<1x50x128xi32, #tpu.memory_space<hbm>> -> memref<50x128xi32, #tpu.memory_space<hbm>>
      tpu.enqueue_dma source(%dma_start3A_2612 : memref<50x128xi32, #tpu.memory_space<hbm>>) target(%arg8 : memref<50x128xi32, #tpu.memory_space<vmem>>) target_semaphore(%run_scoped3A : memref<!tpu.dma_semaphore, #tpu.memory_space<semaphore_mem>>)
      %dma_wait3A_2613 = arith.constant 0 : i32
      %dma_wait3A_2614 = arith.constant 0 : i32
      %dma_wait3A_2615 = tpu.memref_slice %arg4[%arg1, %dma_wait3A_2613, %dma_wait3A_2614] : memref<16x50x128xi32, #tpu.memory_space<hbm>> -> memref<1x50x128xi32, #tpu.memory_space<hbm>>
      %dma_wait3A_2616 = tpu.memref_squeeze %dma_wait3A_2615 : memref<1x50x128xi32, #tpu.memory_space<hbm>> -> memref<50x128xi32, #tpu.memory_space<hbm>>
      %dma_wait3A_2617 = arith.constant 0 : i32
      %dma_wait3A_2618 = arith.constant 0 : i32
      %dma_wait3A_2619 = tpu.memref_slice %arg4[%arg1, %dma_wait3A_2617, %dma_wait3A_2618] : memref<16x50x128xi32, #tpu.memory_space<hbm>> -> memref<1x50x128xi32, #tpu.memory_space<hbm>>
      %dma_wait3A_2620 = tpu.memref_squeeze %dma_wait3A_2619 : memref<1x50x128xi32, #tpu.memory_space<hbm>> -> memref<50x128xi32, #tpu.memory_space<hbm>>
      tpu.wait_dma2 semaphore(%run_scoped3A : memref<!tpu.dma_semaphore, #tpu.memory_space<semaphore_mem>>) src(%dma_wait3A_2620 : memref<50x128xi32, #tpu.memory_space<hbm>>) dst(%arg8 : memref<50x128xi32, #tpu.memory_space<vmem>>)
      tpu.yield
    }) : () -> ()
    %mul3A_1 = arith.constant 128 : i32
    %mul3A_2 = arith.muli %arg1, %mul3A_1 : i32
    "tpu.region"() ({
      %run_scoped3A = tpu.sem_alloc : memref<!tpu.dma_semaphore, #tpu.memory_space<semaphore_mem>>
      %dma_start3A_2605 = arith.constant 0 : i32
      %dma_start3A_2606 = tpu.memref_slice %arg10[%mul3A_2, %dma_start3A_2605] : memref<2048x32xf32, #tpu.memory_space<vmem_shared>> -> memref<128x32xf32, #tpu.memory_space<vmem_shared>>
      tpu.enqueue_dma source(%arg5 : memref<128x32xf32, #tpu.memory_space<hbm>>) target(%dma_start3A_2606 : memref<128x32xf32, #tpu.memory_space<vmem_shared>>) target_semaphore(%run_scoped3A : memref<!tpu.dma_semaphore, #tpu.memory_space<semaphore_mem>>)
      %dma_wait3A_2607 = arith.constant 0 : i32
      %dma_wait3A_2608 = tpu.memref_slice %arg10[%mul3A_2, %dma_wait3A_2607] : memref<2048x32xf32, #tpu.memory_space<vmem_shared>> -> memref<128x32xf32, #tpu.memory_space<vmem_shared>>
      tpu.wait_dma2 semaphore(%run_scoped3A : memref<!tpu.dma_semaphore, #tpu.memory_space<semaphore_mem>>) src(%arg5 : memref<128x32xf32, #tpu.memory_space<hbm>>) dst(%dma_wait3A_2608 : memref<128x32xf32, #tpu.memory_space<vmem_shared>>)
      tpu.yield
    }) : () -> ()
    %dma_start3A = arith.constant 0 : i32
    %dma_start3A_3 = arith.constant 0 : i32
    %dma_start3A_4 = arith.constant 0 : i32
    %dma_start3A_5 = arith.constant 0 : i32
    %dma_start3A_6 = arith.constant 0 : i32
    %dma_start3A_7 = tpu.memref_slice %arg9[%dma_start3A_3, %dma_start3A_4, %dma_start3A_5, %dma_start3A_6] : memref<2x5x128x32xf32, #tpu.memory_space<vmem>> -> memref<1x1x128x32xf32, #tpu.memory_space<vmem>>
    %dma_start3A_8 = tpu.memref_squeeze %dma_start3A_7 : memref<1x1x128x32xf32, #tpu.memory_space<vmem>> -> memref<128x32xf32, #tpu.memory_space<vmem>>
    %dma_start3A_9 = arith.constant 0 : i32
    %dma_start3A_10 = tpu.memref_slice %arg7[%dma_start3A, %dma_start3A_9] : memref<50x128xi32, #tpu.memory_space<vmem>> -> memref<1x128xi32, #tpu.memory_space<vmem>>
    %dma_start3A_11 = tpu.memref_squeeze %dma_start3A_10 : memref<1x128xi32, #tpu.memory_space<vmem>> -> memref<128xi32, #tpu.memory_space<vmem>>
    %dma_start3A_12 = arith.constant 0 : i32
    %dma_start3A_13 = arith.constant 0 : i32
    %dma_start3A_14 = tpu.memref_slice %arg2[%dma_start3A_12, %dma_start3A_13] : memref<1000000x32xf32, #tpu.memory_space<hbm>> -> memref<1000000x32xf32, #tpu.memory_space<hbm>>
    tpu.enqueue_indirect_dma source(%dma_start3A_14 : memref<1000000x32xf32, #tpu.memory_space<hbm>>) target(%dma_start3A_8 : memref<128x32xf32, #tpu.memory_space<vmem>>) offsets(%dma_start3A_11 : memref<128xi32, #tpu.memory_space<vmem>>) semaphore(%arg11 : memref<!tpu.dma_semaphore, #tpu.memory_space<semaphore_mem>>)
    %dma_start3A_15 = arith.constant 1 : i32
    %dma_start3A_16 = arith.constant 0 : i32
    %dma_start3A_17 = arith.constant 1 : i32
    %dma_start3A_18 = arith.constant 0 : i32
    %dma_start3A_19 = arith.constant 0 : i32
    %dma_start3A_20 = tpu.memref_slice %arg9[%dma_start3A_16, %dma_start3A_17, %dma_start3A_18, %dma_start3A_19] : memref<2x5x128x32xf32, #tpu.memory_space<vmem>> -> memref<1x1x128x32xf32, #tpu.memory_space<vmem>>
    %dma_start3A_21 = tpu.memref_squeeze %dma_start3A_20 : memref<1x1x128x32xf32, #tpu.memory_space<vmem>> -> memref<128x32xf32, #tpu.memory_space<vmem>>
    %dma_start3A_22 = arith.constant 0 : i32
    %dma_start3A_23 = tpu.memref_slice %arg7[%dma_start3A_15, %dma_start3A_22] : memref<50x128xi32, #tpu.memory_space<vmem>> -> memref<1x128xi32, #tpu.memory_space<vmem>>
    %dma_start3A_24 = tpu.memref_squeeze %dma_start3A_23 : memref<1x128xi32, #tpu.memory_space<vmem>> -> memref<128xi32, #tpu.memory_space<vmem>>
    %dma_start3A_25 = arith.constant 0 : i32
    %dma_start3A_26 = arith.constant 0 : i32
    %dma_start3A_27 = tpu.memref_slice %arg2[%dma_start3A_25, %dma_start3A_26] : memref<1000000x32xf32, #tpu.memory_space<hbm>> -> memref<1000000x32xf32, #tpu.memory_space<hbm>>
    tpu.enqueue_indirect_dma source(%dma_start3A_27 : memref<1000000x32xf32, #tpu.memory_space<hbm>>) target(%dma_start3A_21 : memref<128x32xf32, #tpu.memory_space<vmem>>) offsets(%dma_start3A_24 : memref<128xi32, #tpu.memory_space<vmem>>) semaphore(%arg11 : memref<!tpu.dma_semaphore, #tpu.memory_space<semaphore_mem>>)
    %dma_start3A_28 = arith.constant 2 : i32
    %dma_start3A_29 = arith.constant 0 : i32
    %dma_start3A_30 = arith.constant 2 : i32
    %dma_start3A_31 = arith.constant 0 : i32
    %dma_start3A_32 = arith.constant 0 : i32
    %dma_start3A_33 = tpu.memref_slice %arg9[%dma_start3A_29, %dma_start3A_30, %dma_start3A_31, %dma_start3A_32] : memref<2x5x128x32xf32, #tpu.memory_space<vmem>> -> memref<1x1x128x32xf32, #tpu.memory_space<vmem>>
    %dma_start3A_34 = tpu.memref_squeeze %dma_start3A_33 : memref<1x1x128x32xf32, #tpu.memory_space<vmem>> -> memref<128x32xf32, #tpu.memory_space<vmem>>
    %dma_start3A_35 = arith.constant 0 : i32
    %dma_start3A_36 = tpu.memref_slice %arg7[%dma_start3A_28, %dma_start3A_35] : memref<50x128xi32, #tpu.memory_space<vmem>> -> memref<1x128xi32, #tpu.memory_space<vmem>>
    %dma_start3A_37 = tpu.memref_squeeze %dma_start3A_36 : memref<1x128xi32, #tpu.memory_space<vmem>> -> memref<128xi32, #tpu.memory_space<vmem>>
    %dma_start3A_38 = arith.constant 0 : i32
    %dma_start3A_39 = arith.constant 0 : i32
    %dma_start3A_40 = tpu.memref_slice %arg2[%dma_start3A_38, %dma_start3A_39] : memref<1000000x32xf32, #tpu.memory_space<hbm>> -> memref<1000000x32xf32, #tpu.memory_space<hbm>>
    tpu.enqueue_indirect_dma source(%dma_start3A_40 : memref<1000000x32xf32, #tpu.memory_space<hbm>>) target(%dma_start3A_34 : memref<128x32xf32, #tpu.memory_space<vmem>>) offsets(%dma_start3A_37 : memref<128xi32, #tpu.memory_space<vmem>>) semaphore(%arg11 : memref<!tpu.dma_semaphore, #tpu.memory_space<semaphore_mem>>)
    %dma_start3A_41 = arith.constant 3 : i32
    %dma_start3A_42 = arith.constant 0 : i32
    %dma_start3A_43 = arith.constant 3 : i32
    %dma_start3A_44 = arith.constant 0 : i32
    %dma_start3A_45 = arith.constant 0 : i32
    %dma_start3A_46 = tpu.memref_slice %arg9[%dma_start3A_42, %dma_start3A_43, %dma_start3A_44, %dma_start3A_45] : memref<2x5x128x32xf32, #tpu.memory_space<vmem>> -> memref<1x1x128x32xf32, #tpu.memory_space<vmem>>
    %dma_start3A_47 = tpu.memref_squeeze %dma_start3A_46 : memref<1x1x128x32xf32, #tpu.memory_space<vmem>> -> memref<128x32xf32, #tpu.memory_space<vmem>>
    %dma_start3A_48 = arith.constant 0 : i32
    %dma_start3A_49 = tpu.memref_slice %arg7[%dma_start3A_41, %dma_start3A_48] : memref<50x128xi32, #tpu.memory_space<vmem>> -> memref<1x128xi32, #tpu.memory_space<vmem>>
    %dma_start3A_50 = tpu.memref_squeeze %dma_start3A_49 : memref<1x128xi32, #tpu.memory_space<vmem>> -> memref<128xi32, #tpu.memory_space<vmem>>
    %dma_start3A_51 = arith.constant 0 : i32
    %dma_start3A_52 = arith.constant 0 : i32
    %dma_start3A_53 = tpu.memref_slice %arg2[%dma_start3A_51, %dma_start3A_52] : memref<1000000x32xf32, #tpu.memory_space<hbm>> -> memref<1000000x32xf32, #tpu.memory_space<hbm>>
    tpu.enqueue_indirect_dma source(%dma_start3A_53 : memref<1000000x32xf32, #tpu.memory_space<hbm>>) target(%dma_start3A_47 : memref<128x32xf32, #tpu.memory_space<vmem>>) offsets(%dma_start3A_50 : memref<128xi32, #tpu.memory_space<vmem>>) semaphore(%arg11 : memref<!tpu.dma_semaphore, #tpu.memory_space<semaphore_mem>>)
    %dma_start3A_54 = arith.constant 4 : i32
    %dma_start3A_55 = arith.constant 0 : i32
    %dma_start3A_56 = arith.constant 4 : i32
    %dma_start3A_57 = arith.constant 0 : i32
    %dma_start3A_58 = arith.constant 0 : i32
    %dma_start3A_59 = tpu.memref_slice %arg9[%dma_start3A_55, %dma_start3A_56, %dma_start3A_57, %dma_start3A_58] : memref<2x5x128x32xf32, #tpu.memory_space<vmem>> -> memref<1x1x128x32xf32, #tpu.memory_space<vmem>>
    %dma_start3A_60 = tpu.memref_squeeze %dma_start3A_59 : memref<1x1x128x32xf32, #tpu.memory_space<vmem>> -> memref<128x32xf32, #tpu.memory_space<vmem>>
    %dma_start3A_61 = arith.constant 0 : i32
    %dma_start3A_62 = tpu.memref_slice %arg7[%dma_start3A_54, %dma_start3A_61] : memref<50x128xi32, #tpu.memory_space<vmem>> -> memref<1x128xi32, #tpu.memory_space<vmem>>
    %dma_start3A_63 = tpu.memref_squeeze %dma_start3A_62 : memref<1x128xi32, #tpu.memory_space<vmem>> -> memref<128xi32, #tpu.memory_space<vmem>>
    %dma_start3A_64 = arith.constant 0 : i32
    %dma_start3A_65 = arith.constant 0 : i32
    %dma_start3A_66 = tpu.memref_slice %arg2[%dma_start3A_64, %dma_start3A_65] : memref<1000000x32xf32, #tpu.memory_space<hbm>> -> memref<1000000x32xf32, #tpu.memory_space<hbm>>
    tpu.enqueue_indirect_dma source(%dma_start3A_66 : memref<1000000x32xf32, #tpu.memory_space<hbm>>) target(%dma_start3A_60 : memref<128x32xf32, #tpu.memory_space<vmem>>) offsets(%dma_start3A_63 : memref<128xi32, #tpu.memory_space<vmem>>) semaphore(%arg11 : memref<!tpu.dma_semaphore, #tpu.memory_space<semaphore_mem>>)
    %dma_wait3A = arith.constant 0 : i32
    %dma_wait3A_67 = arith.constant 0 : i32
    %dma_wait3A_68 = arith.constant 0 : i32
    %dma_wait3A_69 = arith.constant 0 : i32
    %dma_wait3A_70 = arith.constant 0 : i32
    %dma_wait3A_71 = tpu.memref_slice %arg9[%dma_wait3A_67, %dma_wait3A_68, %dma_wait3A_69, %dma_wait3A_70] : memref<2x5x128x32xf32, #tpu.memory_space<vmem>> -> memref<1x1x128x32xf32, #tpu.memory_space<vmem>>
    %dma_wait3A_72 = tpu.memref_squeeze %dma_wait3A_71 : memref<1x1x128x32xf32, #tpu.memory_space<vmem>> -> memref<128x32xf32, #tpu.memory_space<vmem>>
    %dma_wait3A_73 = arith.constant 0 : i32
    %dma_wait3A_74 = tpu.memref_slice %arg7[%dma_wait3A, %dma_wait3A_73] : memref<50x128xi32, #tpu.memory_space<vmem>> -> memref<1x128xi32, #tpu.memory_space<vmem>>
    %dma_wait3A_75 = tpu.memref_squeeze %dma_wait3A_74 : memref<1x128xi32, #tpu.memory_space<vmem>> -> memref<128xi32, #tpu.memory_space<vmem>>
    %dma_wait3A_76 = arith.constant 0 : i32
    %dma_wait3A_77 = arith.constant 0 : i32
    %dma_wait3A_78 = tpu.memref_slice %arg2[%dma_wait3A_76, %dma_wait3A_77] : memref<1000000x32xf32, #tpu.memory_space<hbm>> -> memref<1000000x32xf32, #tpu.memory_space<hbm>>
    tpu.wait_indirect_dma semaphore(%arg11 : memref<!tpu.dma_semaphore, #tpu.memory_space<semaphore_mem>>) src(%dma_wait3A_78 : memref<1000000x32xf32, #tpu.memory_space<hbm>>) dst(%dma_wait3A_72 : memref<128x32xf32, #tpu.memory_space<vmem>>)
    %dma_wait3A_79 = arith.constant 1 : i32
    %dma_wait3A_80 = arith.constant 0 : i32
    %dma_wait3A_81 = arith.constant 1 : i32
    %dma_wait3A_82 = arith.constant 0 : i32
    %dma_wait3A_83 = arith.constant 0 : i32
    %dma_wait3A_84 = tpu.memref_slice %arg9[%dma_wait3A_80, %dma_wait3A_81, %dma_wait3A_82, %dma_wait3A_83] : memref<2x5x128x32xf32, #tpu.memory_space<vmem>> -> memref<1x1x128x32xf32, #tpu.memory_space<vmem>>
    %dma_wait3A_85 = tpu.memref_squeeze %dma_wait3A_84 : memref<1x1x128x32xf32, #tpu.memory_space<vmem>> -> memref<128x32xf32, #tpu.memory_space<vmem>>
    %dma_wait3A_86 = arith.constant 0 : i32
    %dma_wait3A_87 = tpu.memref_slice %arg7[%dma_wait3A_79, %dma_wait3A_86] : memref<50x128xi32, #tpu.memory_space<vmem>> -> memref<1x128xi32, #tpu.memory_space<vmem>>
    %dma_wait3A_88 = tpu.memref_squeeze %dma_wait3A_87 : memref<1x128xi32, #tpu.memory_space<vmem>> -> memref<128xi32, #tpu.memory_space<vmem>>
    %dma_wait3A_89 = arith.constant 0 : i32
    %dma_wait3A_90 = arith.constant 0 : i32
    %dma_wait3A_91 = tpu.memref_slice %arg2[%dma_wait3A_89, %dma_wait3A_90] : memref<1000000x32xf32, #tpu.memory_space<hbm>> -> memref<1000000x32xf32, #tpu.memory_space<hbm>>
    tpu.wait_indirect_dma semaphore(%arg11 : memref<!tpu.dma_semaphore, #tpu.memory_space<semaphore_mem>>) src(%dma_wait3A_91 : memref<1000000x32xf32, #tpu.memory_space<hbm>>) dst(%dma_wait3A_85 : memref<128x32xf32, #tpu.memory_space<vmem>>)
    %dma_wait3A_92 = arith.constant 2 : i32
    %dma_wait3A_93 = arith.constant 0 : i32
    %dma_wait3A_94 = arith.constant 2 : i32
    %dma_wait3A_95 = arith.constant 0 : i32
    %dma_wait3A_96 = arith.constant 0 : i32
    %dma_wait3A_97 = tpu.memref_slice %arg9[%dma_wait3A_93, %dma_wait3A_94, %dma_wait3A_95, %dma_wait3A_96] : memref<2x5x128x32xf32, #tpu.memory_space<vmem>> -> memref<1x1x128x32xf32, #tpu.memory_space<vmem>>
    %dma_wait3A_98 = tpu.memref_squeeze %dma_wait3A_97 : memref<1x1x128x32xf32, #tpu.memory_space<vmem>> -> memref<128x32xf32, #tpu.memory_space<vmem>>
    %dma_wait3A_99 = arith.constant 0 : i32
    %dma_wait3A_100 = tpu.memref_slice %arg7[%dma_wait3A_92, %dma_wait3A_99] : memref<50x128xi32, #tpu.memory_space<vmem>> -> memref<1x128xi32, #tpu.memory_space<vmem>>
    %dma_wait3A_101 = tpu.memref_squeeze %dma_wait3A_100 : memref<1x128xi32, #tpu.memory_space<vmem>> -> memref<128xi32, #tpu.memory_space<vmem>>
    %dma_wait3A_102 = arith.constant 0 : i32
    %dma_wait3A_103 = arith.constant 0 : i32
    %dma_wait3A_104 = tpu.memref_slice %arg2[%dma_wait3A_102, %dma_wait3A_103] : memref<1000000x32xf32, #tpu.memory_space<hbm>> -> memref<1000000x32xf32, #tpu.memory_space<hbm>>
    tpu.wait_indirect_dma semaphore(%arg11 : memref<!tpu.dma_semaphore, #tpu.memory_space<semaphore_mem>>) src(%dma_wait3A_104 : memref<1000000x32xf32, #tpu.memory_space<hbm>>) dst(%dma_wait3A_98 : memref<128x32xf32, #tpu.memory_space<vmem>>)
    %dma_wait3A_105 = arith.constant 3 : i32
    %dma_wait3A_106 = arith.constant 0 : i32
    %dma_wait3A_107 = arith.constant 3 : i32
    %dma_wait3A_108 = arith.constant 0 : i32
    %dma_wait3A_109 = arith.constant 0 : i32
    %dma_wait3A_110 = tpu.memref_slice %arg9[%dma_wait3A_106, %dma_wait3A_107, %dma_wait3A_108, %dma_wait3A_109] : memref<2x5x128x32xf32, #tpu.memory_space<vmem>> -> memref<1x1x128x32xf32, #tpu.memory_space<vmem>>
    %dma_wait3A_111 = tpu.memref_squeeze %dma_wait3A_110 : memref<1x1x128x32xf32, #tpu.memory_space<vmem>> -> memref<128x32xf32, #tpu.memory_space<vmem>>
    %dma_wait3A_112 = arith.constant 0 : i32
    %dma_wait3A_113 = tpu.memref_slice %arg7[%dma_wait3A_105, %dma_wait3A_112] : memref<50x128xi32, #tpu.memory_space<vmem>> -> memref<1x128xi32, #tpu.memory_space<vmem>>
    %dma_wait3A_114 = tpu.memref_squeeze %dma_wait3A_113 : memref<1x128xi32, #tpu.memory_space<vmem>> -> memref<128xi32, #tpu.memory_space<vmem>>
    %dma_wait3A_115 = arith.constant 0 : i32
    %dma_wait3A_116 = arith.constant 0 : i32
    %dma_wait3A_117 = tpu.memref_slice %arg2[%dma_wait3A_115, %dma_wait3A_116] : memref<1000000x32xf32, #tpu.memory_space<hbm>> -> memref<1000000x32xf32, #tpu.memory_space<hbm>>
    tpu.wait_indirect_dma semaphore(%arg11 : memref<!tpu.dma_semaphore, #tpu.memory_space<semaphore_mem>>) src(%dma_wait3A_117 : memref<1000000x32xf32, #tpu.memory_space<hbm>>) dst(%dma_wait3A_111 : memref<128x32xf32, #tpu.memory_space<vmem>>)
    %dma_wait3A_118 = arith.constant 4 : i32
    %dma_wait3A_119 = arith.constant 0 : i32
    %dma_wait3A_120 = arith.constant 4 : i32
    %dma_wait3A_121 = arith.constant 0 : i32
    %dma_wait3A_122 = arith.constant 0 : i32
    %dma_wait3A_123 = tpu.memref_slice %arg9[%dma_wait3A_119, %dma_wait3A_120, %dma_wait3A_121, %dma_wait3A_122] : memref<2x5x128x32xf32, #tpu.memory_space<vmem>> -> memref<1x1x128x32xf32, #tpu.memory_space<vmem>>
    %dma_wait3A_124 = tpu.memref_squeeze %dma_wait3A_123 : memref<1x1x128x32xf32, #tpu.memory_space<vmem>> -> memref<128x32xf32, #tpu.memory_space<vmem>>
    %dma_wait3A_125 = arith.constant 0 : i32
    %dma_wait3A_126 = tpu.memref_slice %arg7[%dma_wait3A_118, %dma_wait3A_125] : memref<50x128xi32, #tpu.memory_space<vmem>> -> memref<1x128xi32, #tpu.memory_space<vmem>>
    %dma_wait3A_127 = tpu.memref_squeeze %dma_wait3A_126 : memref<1x128xi32, #tpu.memory_space<vmem>> -> memref<128xi32, #tpu.memory_space<vmem>>
    %dma_wait3A_128 = arith.constant 0 : i32
    %dma_wait3A_129 = arith.constant 0 : i32
    %dma_wait3A_130 = tpu.memref_slice %arg2[%dma_wait3A_128, %dma_wait3A_129] : memref<1000000x32xf32, #tpu.memory_space<hbm>> -> memref<1000000x32xf32, #tpu.memory_space<hbm>>
    tpu.wait_indirect_dma semaphore(%arg11 : memref<!tpu.dma_semaphore, #tpu.memory_space<semaphore_mem>>) src(%dma_wait3A_130 : memref<1000000x32xf32, #tpu.memory_space<hbm>>) dst(%dma_wait3A_124 : memref<128x32xf32, #tpu.memory_space<vmem>>)
    %dma_start3A_131 = arith.constant 5 : i32
    %dma_start3A_132 = arith.constant 1 : i32
    %dma_start3A_133 = arith.constant 0 : i32
    %dma_start3A_134 = arith.constant 0 : i32
    %dma_start3A_135 = arith.constant 0 : i32
    %dma_start3A_136 = tpu.memref_slice %arg9[%dma_start3A_132, %dma_start3A_133, %dma_start3A_134, %dma_start3A_135] : memref<2x5x128x32xf32, #tpu.memory_space<vmem>> -> memref<1x1x128x32xf32, #tpu.memory_space<vmem>>
    %dma_start3A_137 = tpu.memref_squeeze %dma_start3A_136 : memref<1x1x128x32xf32, #tpu.memory_space<vmem>> -> memref<128x32xf32, #tpu.memory_space<vmem>>
    %dma_start3A_138 = arith.constant 0 : i32
    %dma_start3A_139 = tpu.memref_slice %arg7[%dma_start3A_131, %dma_start3A_138] : memref<50x128xi32, #tpu.memory_space<vmem>> -> memref<1x128xi32, #tpu.memory_space<vmem>>
    %dma_start3A_140 = tpu.memref_squeeze %dma_start3A_139 : memref<1x128xi32, #tpu.memory_space<vmem>> -> memref<128xi32, #tpu.memory_space<vmem>>
    %dma_start3A_141 = arith.constant 0 : i32
    %dma_start3A_142 = arith.constant 0 : i32
    %dma_start3A_143 = tpu.memref_slice %arg2[%dma_start3A_141, %dma_start3A_142] : memref<1000000x32xf32, #tpu.memory_space<hbm>> -> memref<1000000x32xf32, #tpu.memory_space<hbm>>
    tpu.enqueue_indirect_dma source(%dma_start3A_143 : memref<1000000x32xf32, #tpu.memory_space<hbm>>) target(%dma_start3A_137 : memref<128x32xf32, #tpu.memory_space<vmem>>) offsets(%dma_start3A_140 : memref<128xi32, #tpu.memory_space<vmem>>) semaphore(%arg11 : memref<!tpu.dma_semaphore, #tpu.memory_space<semaphore_mem>>)
    %dma_start3A_144 = arith.constant 6 : i32
    %dma_start3A_145 = arith.constant 1 : i32
    %dma_start3A_146 = arith.constant 1 : i32
    %dma_start3A_147 = arith.constant 0 : i32
    %dma_start3A_148 = arith.constant 0 : i32
    %dma_start3A_149 = tpu.memref_slice %arg9[%dma_start3A_145, %dma_start3A_146, %dma_start3A_147, %dma_start3A_148] : memref<2x5x128x32xf32, #tpu.memory_space<vmem>> -> memref<1x1x128x32xf32, #tpu.memory_space<vmem>>
    %dma_start3A_150 = tpu.memref_squeeze %dma_start3A_149 : memref<1x1x128x32xf32, #tpu.memory_space<vmem>> -> memref<128x32xf32, #tpu.memory_space<vmem>>
    %dma_start3A_151 = arith.constant 0 : i32
    %dma_start3A_152 = tpu.memref_slice %arg7[%dma_start3A_144, %dma_start3A_151] : memref<50x128xi32, #tpu.memory_space<vmem>> -> memref<1x128xi32, #tpu.memory_space<vmem>>
    %dma_start3A_153 = tpu.memref_squeeze %dma_start3A_152 : memref<1x128xi32, #tpu.memory_space<vmem>> -> memref<128xi32, #tpu.memory_space<vmem>>
    %dma_start3A_154 = arith.constant 0 : i32
    %dma_start3A_155 = arith.constant 0 : i32
    %dma_start3A_156 = tpu.memref_slice %arg2[%dma_start3A_154, %dma_start3A_155] : memref<1000000x32xf32, #tpu.memory_space<hbm>> -> memref<1000000x32xf32, #tpu.memory_space<hbm>>
    tpu.enqueue_indirect_dma source(%dma_start3A_156 : memref<1000000x32xf32, #tpu.memory_space<hbm>>) target(%dma_start3A_150 : memref<128x32xf32, #tpu.memory_space<vmem>>) offsets(%dma_start3A_153 : memref<128xi32, #tpu.memory_space<vmem>>) semaphore(%arg11 : memref<!tpu.dma_semaphore, #tpu.memory_space<semaphore_mem>>)
    %dma_start3A_157 = arith.constant 7 : i32
    %dma_start3A_158 = arith.constant 1 : i32
    %dma_start3A_159 = arith.constant 2 : i32
    %dma_start3A_160 = arith.constant 0 : i32
    %dma_start3A_161 = arith.constant 0 : i32
    %dma_start3A_162 = tpu.memref_slice %arg9[%dma_start3A_158, %dma_start3A_159, %dma_start3A_160, %dma_start3A_161] : memref<2x5x128x32xf32, #tpu.memory_space<vmem>> -> memref<1x1x128x32xf32, #tpu.memory_space<vmem>>
    %dma_start3A_163 = tpu.memref_squeeze %dma_start3A_162 : memref<1x1x128x32xf32, #tpu.memory_space<vmem>> -> memref<128x32xf32, #tpu.memory_space<vmem>>
    %dma_start3A_164 = arith.constant 0 : i32
    %dma_start3A_165 = tpu.memref_slice %arg7[%dma_start3A_157, %dma_start3A_164] : memref<50x128xi32, #tpu.memory_space<vmem>> -> memref<1x128xi32, #tpu.memory_space<vmem>>
    %dma_start3A_166 = tpu.memref_squeeze %dma_start3A_165 : memref<1x128xi32, #tpu.memory_space<vmem>> -> memref<128xi32, #tpu.memory_space<vmem>>
    %dma_start3A_167 = arith.constant 0 : i32
    %dma_start3A_168 = arith.constant 0 : i32
    %dma_start3A_169 = tpu.memref_slice %arg2[%dma_start3A_167, %dma_start3A_168] : memref<1000000x32xf32, #tpu.memory_space<hbm>> -> memref<1000000x32xf32, #tpu.memory_space<hbm>>
    tpu.enqueue_indirect_dma source(%dma_start3A_169 : memref<1000000x32xf32, #tpu.memory_space<hbm>>) target(%dma_start3A_163 : memref<128x32xf32, #tpu.memory_space<vmem>>) offsets(%dma_start3A_166 : memref<128xi32, #tpu.memory_space<vmem>>) semaphore(%arg11 : memref<!tpu.dma_semaphore, #tpu.memory_space<semaphore_mem>>)
    %dma_start3A_170 = arith.constant 8 : i32
    %dma_start3A_171 = arith.constant 1 : i32
    %dma_start3A_172 = arith.constant 3 : i32
    %dma_start3A_173 = arith.constant 0 : i32
    %dma_start3A_174 = arith.constant 0 : i32
    %dma_start3A_175 = tpu.memref_slice %arg9[%dma_start3A_171, %dma_start3A_172, %dma_start3A_173, %dma_start3A_174] : memref<2x5x128x32xf32, #tpu.memory_space<vmem>> -> memref<1x1x128x32xf32, #tpu.memory_space<vmem>>
    %dma_start3A_176 = tpu.memref_squeeze %dma_start3A_175 : memref<1x1x128x32xf32, #tpu.memory_space<vmem>> -> memref<128x32xf32, #tpu.memory_space<vmem>>
    %dma_start3A_177 = arith.constant 0 : i32
    %dma_start3A_178 = tpu.memref_slice %arg7[%dma_start3A_170, %dma_start3A_177] : memref<50x128xi32, #tpu.memory_space<vmem>> -> memref<1x128xi32, #tpu.memory_space<vmem>>
    %dma_start3A_179 = tpu.memref_squeeze %dma_start3A_178 : memref<1x128xi32, #tpu.memory_space<vmem>> -> memref<128xi32, #tpu.memory_space<vmem>>
    %dma_start3A_180 = arith.constant 0 : i32
    %dma_start3A_181 = arith.constant 0 : i32
    %dma_start3A_182 = tpu.memref_slice %arg2[%dma_start3A_180, %dma_start3A_181] : memref<1000000x32xf32, #tpu.memory_space<hbm>> -> memref<1000000x32xf32, #tpu.memory_space<hbm>>
    tpu.enqueue_indirect_dma source(%dma_start3A_182 : memref<1000000x32xf32, #tpu.memory_space<hbm>>) target(%dma_start3A_176 : memref<128x32xf32, #tpu.memory_space<vmem>>) offsets(%dma_start3A_179 : memref<128xi32, #tpu.memory_space<vmem>>) semaphore(%arg11 : memref<!tpu.dma_semaphore, #tpu.memory_space<semaphore_mem>>)
    %dma_start3A_183 = arith.constant 9 : i32
    %dma_start3A_184 = arith.constant 1 : i32
    %dma_start3A_185 = arith.constant 4 : i32
    %dma_start3A_186 = arith.constant 0 : i32
    %dma_start3A_187 = arith.constant 0 : i32
    %dma_start3A_188 = tpu.memref_slice %arg9[%dma_start3A_184, %dma_start3A_185, %dma_start3A_186, %dma_start3A_187] : memref<2x5x128x32xf32, #tpu.memory_space<vmem>> -> memref<1x1x128x32xf32, #tpu.memory_space<vmem>>
    %dma_start3A_189 = tpu.memref_squeeze %dma_start3A_188 : memref<1x1x128x32xf32, #tpu.memory_space<vmem>> -> memref<128x32xf32, #tpu.memory_space<vmem>>
    %dma_start3A_190 = arith.constant 0 : i32
    %dma_start3A_191 = tpu.memref_slice %arg7[%dma_start3A_183, %dma_start3A_190] : memref<50x128xi32, #tpu.memory_space<vmem>> -> memref<1x128xi32, #tpu.memory_space<vmem>>
    %dma_start3A_192 = tpu.memref_squeeze %dma_start3A_191 : memref<1x128xi32, #tpu.memory_space<vmem>> -> memref<128xi32, #tpu.memory_space<vmem>>
    %dma_start3A_193 = arith.constant 0 : i32
    %dma_start3A_194 = arith.constant 0 : i32
    %dma_start3A_195 = tpu.memref_slice %arg2[%dma_start3A_193, %dma_start3A_194] : memref<1000000x32xf32, #tpu.memory_space<hbm>> -> memref<1000000x32xf32, #tpu.memory_space<hbm>>
    tpu.enqueue_indirect_dma source(%dma_start3A_195 : memref<1000000x32xf32, #tpu.memory_space<hbm>>) target(%dma_start3A_189 : memref<128x32xf32, #tpu.memory_space<vmem>>) offsets(%dma_start3A_192 : memref<128xi32, #tpu.memory_space<vmem>>) semaphore(%arg11 : memref<!tpu.dma_semaphore, #tpu.memory_space<semaphore_mem>>)
    %dma_start3A_196 = arith.constant 0 : i32
    %dma_start3A_197 = arith.constant 0 : i32
    %dma_start3A_198 = arith.constant 0 : i32
    %dma_start3A_199 = arith.constant 0 : i32
    %dma_start3A_200 = arith.constant 0 : i32
    %dma_start3A_201 = tpu.memref_slice %arg9[%dma_start3A_196, %dma_start3A_197, %dma_start3A_199, %dma_start3A_200] : memref<2x5x128x32xf32, #tpu.memory_space<vmem>> -> memref<1x1x128x32xf32, #tpu.memory_space<vmem>>
    %dma_start3A_202 = tpu.memref_squeeze %dma_start3A_201 : memref<1x1x128x32xf32, #tpu.memory_space<vmem>> -> memref<128x32xf32, #tpu.memory_space<vmem>>
    %dma_start3A_203 = arith.constant 0 : i32
    %dma_start3A_204 = tpu.memref_slice %arg8[%dma_start3A_198, %dma_start3A_203] : memref<50x128xi32, #tpu.memory_space<vmem>> -> memref<1x128xi32, #tpu.memory_space<vmem>>
    %dma_start3A_205 = tpu.memref_squeeze %dma_start3A_204 : memref<1x128xi32, #tpu.memory_space<vmem>> -> memref<128xi32, #tpu.memory_space<vmem>>
    %dma_start3A_206 = arith.constant 0 : i32
    %dma_start3A_207 = arith.constant 0 : i32
    %dma_start3A_208 = tpu.memref_slice %arg10[%dma_start3A_206, %dma_start3A_207] : memref<2048x32xf32, #tpu.memory_space<vmem_shared>> -> memref<2048x32xf32, #tpu.memory_space<vmem_shared>>
    tpu.enqueue_indirect_dma source(%dma_start3A_202 : memref<128x32xf32, #tpu.memory_space<vmem>>) target(%dma_start3A_208 : memref<2048x32xf32, #tpu.memory_space<vmem_shared>>) offsets(%dma_start3A_205 : memref<128xi32, #tpu.memory_space<vmem>>) semaphore(%arg12 : memref<!tpu.dma_semaphore, #tpu.memory_space<semaphore_mem>>) {add = true}
    %dma_start3A_209 = arith.constant 0 : i32
    %dma_start3A_210 = arith.constant 1 : i32
    %dma_start3A_211 = arith.constant 1 : i32
    %dma_start3A_212 = arith.constant 0 : i32
    %dma_start3A_213 = arith.constant 0 : i32
    %dma_start3A_214 = tpu.memref_slice %arg9[%dma_start3A_209, %dma_start3A_210, %dma_start3A_212, %dma_start3A_213] : memref<2x5x128x32xf32, #tpu.memory_space<vmem>> -> memref<1x1x128x32xf32, #tpu.memory_space<vmem>>
    %dma_start3A_215 = tpu.memref_squeeze %dma_start3A_214 : memref<1x1x128x32xf32, #tpu.memory_space<vmem>> -> memref<128x32xf32, #tpu.memory_space<vmem>>
    %dma_start3A_216 = arith.constant 0 : i32
    %dma_start3A_217 = tpu.memref_slice %arg8[%dma_start3A_211, %dma_start3A_216] : memref<50x128xi32, #tpu.memory_space<vmem>> -> memref<1x128xi32, #tpu.memory_space<vmem>>
    %dma_start3A_218 = tpu.memref_squeeze %dma_start3A_217 : memref<1x128xi32, #tpu.memory_space<vmem>> -> memref<128xi32, #tpu.memory_space<vmem>>
    %dma_start3A_219 = arith.constant 0 : i32
    %dma_start3A_220 = arith.constant 0 : i32
    %dma_start3A_221 = tpu.memref_slice %arg10[%dma_start3A_219, %dma_start3A_220] : memref<2048x32xf32, #tpu.memory_space<vmem_shared>> -> memref<2048x32xf32, #tpu.memory_space<vmem_shared>>
    tpu.enqueue_indirect_dma source(%dma_start3A_215 : memref<128x32xf32, #tpu.memory_space<vmem>>) target(%dma_start3A_221 : memref<2048x32xf32, #tpu.memory_space<vmem_shared>>) offsets(%dma_start3A_218 : memref<128xi32, #tpu.memory_space<vmem>>) semaphore(%arg12 : memref<!tpu.dma_semaphore, #tpu.memory_space<semaphore_mem>>) {add = true}
    %dma_start3A_222 = arith.constant 0 : i32
    %dma_start3A_223 = arith.constant 2 : i32
    %dma_start3A_224 = arith.constant 2 : i32
    %dma_start3A_225 = arith.constant 0 : i32
    %dma_start3A_226 = arith.constant 0 : i32
    %dma_start3A_227 = tpu.memref_slice %arg9[%dma_start3A_222, %dma_start3A_223, %dma_start3A_225, %dma_start3A_226] : memref<2x5x128x32xf32, #tpu.memory_space<vmem>> -> memref<1x1x128x32xf32, #tpu.memory_space<vmem>>
    %dma_start3A_228 = tpu.memref_squeeze %dma_start3A_227 : memref<1x1x128x32xf32, #tpu.memory_space<vmem>> -> memref<128x32xf32, #tpu.memory_space<vmem>>
    %dma_start3A_229 = arith.constant 0 : i32
    %dma_start3A_230 = tpu.memref_slice %arg8[%dma_start3A_224, %dma_start3A_229] : memref<50x128xi32, #tpu.memory_space<vmem>> -> memref<1x128xi32, #tpu.memory_space<vmem>>
    %dma_start3A_231 = tpu.memref_squeeze %dma_start3A_230 : memref<1x128xi32, #tpu.memory_space<vmem>> -> memref<128xi32, #tpu.memory_space<vmem>>
    %dma_start3A_232 = arith.constant 0 : i32
    %dma_start3A_233 = arith.constant 0 : i32
    %dma_start3A_234 = tpu.memref_slice %arg10[%dma_start3A_232, %dma_start3A_233] : memref<2048x32xf32, #tpu.memory_space<vmem_shared>> -> memref<2048x32xf32, #tpu.memory_space<vmem_shared>>
    tpu.enqueue_indirect_dma source(%dma_start3A_228 : memref<128x32xf32, #tpu.memory_space<vmem>>) target(%dma_start3A_234 : memref<2048x32xf32, #tpu.memory_space<vmem_shared>>) offsets(%dma_start3A_231 : memref<128xi32, #tpu.memory_space<vmem>>) semaphore(%arg12 : memref<!tpu.dma_semaphore, #tpu.memory_space<semaphore_mem>>) {add = true}
    %dma_start3A_235 = arith.constant 0 : i32
    %dma_start3A_236 = arith.constant 3 : i32
    %dma_start3A_237 = arith.constant 3 : i32
    %dma_start3A_238 = arith.constant 0 : i32
    %dma_start3A_239 = arith.constant 0 : i32
    %dma_start3A_240 = tpu.memref_slice %arg9[%dma_start3A_235, %dma_start3A_236, %dma_start3A_238, %dma_start3A_239] : memref<2x5x128x32xf32, #tpu.memory_space<vmem>> -> memref<1x1x128x32xf32, #tpu.memory_space<vmem>>
    %dma_start3A_241 = tpu.memref_squeeze %dma_start3A_240 : memref<1x1x128x32xf32, #tpu.memory_space<vmem>> -> memref<128x32xf32, #tpu.memory_space<vmem>>
    %dma_start3A_242 = arith.constant 0 : i32
    %dma_start3A_243 = tpu.memref_slice %arg8[%dma_start3A_237, %dma_start3A_242] : memref<50x128xi32, #tpu.memory_space<vmem>> -> memref<1x128xi32, #tpu.memory_space<vmem>>
    %dma_start3A_244 = tpu.memref_squeeze %dma_start3A_243 : memref<1x128xi32, #tpu.memory_space<vmem>> -> memref<128xi32, #tpu.memory_space<vmem>>
    %dma_start3A_245 = arith.constant 0 : i32
    %dma_start3A_246 = arith.constant 0 : i32
    %dma_start3A_247 = tpu.memref_slice %arg10[%dma_start3A_245, %dma_start3A_246] : memref<2048x32xf32, #tpu.memory_space<vmem_shared>> -> memref<2048x32xf32, #tpu.memory_space<vmem_shared>>
    tpu.enqueue_indirect_dma source(%dma_start3A_241 : memref<128x32xf32, #tpu.memory_space<vmem>>) target(%dma_start3A_247 : memref<2048x32xf32, #tpu.memory_space<vmem_shared>>) offsets(%dma_start3A_244 : memref<128xi32, #tpu.memory_space<vmem>>) semaphore(%arg12 : memref<!tpu.dma_semaphore, #tpu.memory_space<semaphore_mem>>) {add = true}
    %dma_start3A_248 = arith.constant 0 : i32
    %dma_start3A_249 = arith.constant 4 : i32
    %dma_start3A_250 = arith.constant 4 : i32
    %dma_start3A_251 = arith.constant 0 : i32
    %dma_start3A_252 = arith.constant 0 : i32
    %dma_start3A_253 = tpu.memref_slice %arg9[%dma_start3A_248, %dma_start3A_249, %dma_start3A_251, %dma_start3A_252] : memref<2x5x128x32xf32, #tpu.memory_space<vmem>> -> memref<1x1x128x32xf32, #tpu.memory_space<vmem>>
    %dma_start3A_254 = tpu.memref_squeeze %dma_start3A_253 : memref<1x1x128x32xf32, #tpu.memory_space<vmem>> -> memref<128x32xf32, #tpu.memory_space<vmem>>
    %dma_start3A_255 = arith.constant 0 : i32
    %dma_start3A_256 = tpu.memref_slice %arg8[%dma_start3A_250, %dma_start3A_255] : memref<50x128xi32, #tpu.memory_space<vmem>> -> memref<1x128xi32, #tpu.memory_space<vmem>>
    %dma_start3A_257 = tpu.memref_squeeze %dma_start3A_256 : memref<1x128xi32, #tpu.memory_space<vmem>> -> memref<128xi32, #tpu.memory_space<vmem>>
    %dma_start3A_258 = arith.constant 0 : i32
    %dma_start3A_259 = arith.constant 0 : i32
    %dma_start3A_260 = tpu.memref_slice %arg10[%dma_start3A_258, %dma_start3A_259] : memref<2048x32xf32, #tpu.memory_space<vmem_shared>> -> memref<2048x32xf32, #tpu.memory_space<vmem_shared>>
    tpu.enqueue_indirect_dma source(%dma_start3A_254 : memref<128x32xf32, #tpu.memory_space<vmem>>) target(%dma_start3A_260 : memref<2048x32xf32, #tpu.memory_space<vmem_shared>>) offsets(%dma_start3A_257 : memref<128xi32, #tpu.memory_space<vmem>>) semaphore(%arg12 : memref<!tpu.dma_semaphore, #tpu.memory_space<semaphore_mem>>) {add = true}
    %dma_wait3A_261 = arith.constant 5 : i32
    %dma_wait3A_262 = arith.constant 1 : i32
    %dma_wait3A_263 = arith.constant 0 : i32
    %dma_wait3A_264 = arith.constant 0 : i32
    %dma_wait3A_265 = arith.constant 0 : i32
    %dma_wait3A_266 = tpu.memref_slice %arg9[%dma_wait3A_262, %dma_wait3A_263, %dma_wait3A_264, %dma_wait3A_265] : memref<2x5x128x32xf32, #tpu.memory_space<vmem>> -> memref<1x1x128x32xf32, #tpu.memory_space<vmem>>
    %dma_wait3A_267 = tpu.memref_squeeze %dma_wait3A_266 : memref<1x1x128x32xf32, #tpu.memory_space<vmem>> -> memref<128x32xf32, #tpu.memory_space<vmem>>
    %dma_wait3A_268 = arith.constant 0 : i32
    %dma_wait3A_269 = tpu.memref_slice %arg7[%dma_wait3A_261, %dma_wait3A_268] : memref<50x128xi32, #tpu.memory_space<vmem>> -> memref<1x128xi32, #tpu.memory_space<vmem>>
    %dma_wait3A_270 = tpu.memref_squeeze %dma_wait3A_269 : memref<1x128xi32, #tpu.memory_space<vmem>> -> memref<128xi32, #tpu.memory_space<vmem>>
    %dma_wait3A_271 = arith.constant 0 : i32
    %dma_wait3A_272 = arith.constant 0 : i32
    %dma_wait3A_273 = tpu.memref_slice %arg2[%dma_wait3A_271, %dma_wait3A_272] : memref<1000000x32xf32, #tpu.memory_space<hbm>> -> memref<1000000x32xf32, #tpu.memory_space<hbm>>
    tpu.wait_indirect_dma semaphore(%arg11 : memref<!tpu.dma_semaphore, #tpu.memory_space<semaphore_mem>>) src(%dma_wait3A_273 : memref<1000000x32xf32, #tpu.memory_space<hbm>>) dst(%dma_wait3A_267 : memref<128x32xf32, #tpu.memory_space<vmem>>)
    %dma_wait3A_274 = arith.constant 6 : i32
    %dma_wait3A_275 = arith.constant 1 : i32
    %dma_wait3A_276 = arith.constant 1 : i32
    %dma_wait3A_277 = arith.constant 0 : i32
    %dma_wait3A_278 = arith.constant 0 : i32
    %dma_wait3A_279 = tpu.memref_slice %arg9[%dma_wait3A_275, %dma_wait3A_276, %dma_wait3A_277, %dma_wait3A_278] : memref<2x5x128x32xf32, #tpu.memory_space<vmem>> -> memref<1x1x128x32xf32, #tpu.memory_space<vmem>>
    %dma_wait3A_280 = tpu.memref_squeeze %dma_wait3A_279 : memref<1x1x128x32xf32, #tpu.memory_space<vmem>> -> memref<128x32xf32, #tpu.memory_space<vmem>>
    %dma_wait3A_281 = arith.constant 0 : i32
    %dma_wait3A_282 = tpu.memref_slice %arg7[%dma_wait3A_274, %dma_wait3A_281] : memref<50x128xi32, #tpu.memory_space<vmem>> -> memref<1x128xi32, #tpu.memory_space<vmem>>
    %dma_wait3A_283 = tpu.memref_squeeze %dma_wait3A_282 : memref<1x128xi32, #tpu.memory_space<vmem>> -> memref<128xi32, #tpu.memory_space<vmem>>
    %dma_wait3A_284 = arith.constant 0 : i32
    %dma_wait3A_285 = arith.constant 0 : i32
    %dma_wait3A_286 = tpu.memref_slice %arg2[%dma_wait3A_284, %dma_wait3A_285] : memref<1000000x32xf32, #tpu.memory_space<hbm>> -> memref<1000000x32xf32, #tpu.memory_space<hbm>>
    tpu.wait_indirect_dma semaphore(%arg11 : memref<!tpu.dma_semaphore, #tpu.memory_space<semaphore_mem>>) src(%dma_wait3A_286 : memref<1000000x32xf32, #tpu.memory_space<hbm>>) dst(%dma_wait3A_280 : memref<128x32xf32, #tpu.memory_space<vmem>>)
    %dma_wait3A_287 = arith.constant 7 : i32
    %dma_wait3A_288 = arith.constant 1 : i32
    %dma_wait3A_289 = arith.constant 2 : i32
    %dma_wait3A_290 = arith.constant 0 : i32
    %dma_wait3A_291 = arith.constant 0 : i32
    %dma_wait3A_292 = tpu.memref_slice %arg9[%dma_wait3A_288, %dma_wait3A_289, %dma_wait3A_290, %dma_wait3A_291] : memref<2x5x128x32xf32, #tpu.memory_space<vmem>> -> memref<1x1x128x32xf32, #tpu.memory_space<vmem>>
    %dma_wait3A_293 = tpu.memref_squeeze %dma_wait3A_292 : memref<1x1x128x32xf32, #tpu.memory_space<vmem>> -> memref<128x32xf32, #tpu.memory_space<vmem>>
    %dma_wait3A_294 = arith.constant 0 : i32
    %dma_wait3A_295 = tpu.memref_slice %arg7[%dma_wait3A_287, %dma_wait3A_294] : memref<50x128xi32, #tpu.memory_space<vmem>> -> memref<1x128xi32, #tpu.memory_space<vmem>>
    %dma_wait3A_296 = tpu.memref_squeeze %dma_wait3A_295 : memref<1x128xi32, #tpu.memory_space<vmem>> -> memref<128xi32, #tpu.memory_space<vmem>>
    %dma_wait3A_297 = arith.constant 0 : i32
    %dma_wait3A_298 = arith.constant 0 : i32
    %dma_wait3A_299 = tpu.memref_slice %arg2[%dma_wait3A_297, %dma_wait3A_298] : memref<1000000x32xf32, #tpu.memory_space<hbm>> -> memref<1000000x32xf32, #tpu.memory_space<hbm>>
    tpu.wait_indirect_dma semaphore(%arg11 : memref<!tpu.dma_semaphore, #tpu.memory_space<semaphore_mem>>) src(%dma_wait3A_299 : memref<1000000x32xf32, #tpu.memory_space<hbm>>) dst(%dma_wait3A_293 : memref<128x32xf32, #tpu.memory_space<vmem>>)
    %dma_wait3A_300 = arith.constant 8 : i32
    %dma_wait3A_301 = arith.constant 1 : i32
    %dma_wait3A_302 = arith.constant 3 : i32
    %dma_wait3A_303 = arith.constant 0 : i32
    %dma_wait3A_304 = arith.constant 0 : i32
    %dma_wait3A_305 = tpu.memref_slice %arg9[%dma_wait3A_301, %dma_wait3A_302, %dma_wait3A_303, %dma_wait3A_304] : memref<2x5x128x32xf32, #tpu.memory_space<vmem>> -> memref<1x1x128x32xf32, #tpu.memory_space<vmem>>
    %dma_wait3A_306 = tpu.memref_squeeze %dma_wait3A_305 : memref<1x1x128x32xf32, #tpu.memory_space<vmem>> -> memref<128x32xf32, #tpu.memory_space<vmem>>
    %dma_wait3A_307 = arith.constant 0 : i32
    %dma_wait3A_308 = tpu.memref_slice %arg7[%dma_wait3A_300, %dma_wait3A_307] : memref<50x128xi32, #tpu.memory_space<vmem>> -> memref<1x128xi32, #tpu.memory_space<vmem>>
    %dma_wait3A_309 = tpu.memref_squeeze %dma_wait3A_308 : memref<1x128xi32, #tpu.memory_space<vmem>> -> memref<128xi32, #tpu.memory_space<vmem>>
    %dma_wait3A_310 = arith.constant 0 : i32
    %dma_wait3A_311 = arith.constant 0 : i32
    %dma_wait3A_312 = tpu.memref_slice %arg2[%dma_wait3A_310, %dma_wait3A_311] : memref<1000000x32xf32, #tpu.memory_space<hbm>> -> memref<1000000x32xf32, #tpu.memory_space<hbm>>
    tpu.wait_indirect_dma semaphore(%arg11 : memref<!tpu.dma_semaphore, #tpu.memory_space<semaphore_mem>>) src(%dma_wait3A_312 : memref<1000000x32xf32, #tpu.memory_space<hbm>>) dst(%dma_wait3A_306 : memref<128x32xf32, #tpu.memory_space<vmem>>)
    %dma_wait3A_313 = arith.constant 9 : i32
    %dma_wait3A_314 = arith.constant 1 : i32
    %dma_wait3A_315 = arith.constant 4 : i32
    %dma_wait3A_316 = arith.constant 0 : i32
    %dma_wait3A_317 = arith.constant 0 : i32
    %dma_wait3A_318 = tpu.memref_slice %arg9[%dma_wait3A_314, %dma_wait3A_315, %dma_wait3A_316, %dma_wait3A_317] : memref<2x5x128x32xf32, #tpu.memory_space<vmem>> -> memref<1x1x128x32xf32, #tpu.memory_space<vmem>>
    %dma_wait3A_319 = tpu.memref_squeeze %dma_wait3A_318 : memref<1x1x128x32xf32, #tpu.memory_space<vmem>> -> memref<128x32xf32, #tpu.memory_space<vmem>>
    %dma_wait3A_320 = arith.constant 0 : i32
    %dma_wait3A_321 = tpu.memref_slice %arg7[%dma_wait3A_313, %dma_wait3A_320] : memref<50x128xi32, #tpu.memory_space<vmem>> -> memref<1x128xi32, #tpu.memory_space<vmem>>
    %dma_wait3A_322 = tpu.memref_squeeze %dma_wait3A_321 : memref<1x128xi32, #tpu.memory_space<vmem>> -> memref<128xi32, #tpu.memory_space<vmem>>
    %dma_wait3A_323 = arith.constant 0 : i32
    %dma_wait3A_324 = arith.constant 0 : i32
    %dma_wait3A_325 = tpu.memref_slice %arg2[%dma_wait3A_323, %dma_wait3A_324] : memref<1000000x32xf32, #tpu.memory_space<hbm>> -> memref<1000000x32xf32, #tpu.memory_space<hbm>>
    tpu.wait_indirect_dma semaphore(%arg11 : memref<!tpu.dma_semaphore, #tpu.memory_space<semaphore_mem>>) src(%dma_wait3A_325 : memref<1000000x32xf32, #tpu.memory_space<hbm>>) dst(%dma_wait3A_319 : memref<128x32xf32, #tpu.memory_space<vmem>>)
    %dma_wait3A_326 = arith.constant 0 : i32
    %dma_wait3A_327 = arith.constant 0 : i32
    %dma_wait3A_328 = arith.constant 0 : i32
    %dma_wait3A_329 = arith.constant 0 : i32
    %dma_wait3A_330 = arith.constant 0 : i32
    %dma_wait3A_331 = tpu.memref_slice %arg9[%dma_wait3A_326, %dma_wait3A_327, %dma_wait3A_329, %dma_wait3A_330] : memref<2x5x128x32xf32, #tpu.memory_space<vmem>> -> memref<1x1x128x32xf32, #tpu.memory_space<vmem>>
    %dma_wait3A_332 = tpu.memref_squeeze %dma_wait3A_331 : memref<1x1x128x32xf32, #tpu.memory_space<vmem>> -> memref<128x32xf32, #tpu.memory_space<vmem>>
    %dma_wait3A_333 = arith.constant 0 : i32
    %dma_wait3A_334 = tpu.memref_slice %arg8[%dma_wait3A_328, %dma_wait3A_333] : memref<50x128xi32, #tpu.memory_space<vmem>> -> memref<1x128xi32, #tpu.memory_space<vmem>>
    %dma_wait3A_335 = tpu.memref_squeeze %dma_wait3A_334 : memref<1x128xi32, #tpu.memory_space<vmem>> -> memref<128xi32, #tpu.memory_space<vmem>>
    %dma_wait3A_336 = arith.constant 0 : i32
    %dma_wait3A_337 = arith.constant 0 : i32
    %dma_wait3A_338 = tpu.memref_slice %arg10[%dma_wait3A_336, %dma_wait3A_337] : memref<2048x32xf32, #tpu.memory_space<vmem_shared>> -> memref<2048x32xf32, #tpu.memory_space<vmem_shared>>
    tpu.wait_indirect_dma semaphore(%arg12 : memref<!tpu.dma_semaphore, #tpu.memory_space<semaphore_mem>>) src(%dma_wait3A_332 : memref<128x32xf32, #tpu.memory_space<vmem>>) dst(%dma_wait3A_338 : memref<2048x32xf32, #tpu.memory_space<vmem_shared>>)
    %dma_wait3A_339 = arith.constant 0 : i32
    %dma_wait3A_340 = arith.constant 1 : i32
    %dma_wait3A_341 = arith.constant 1 : i32
    %dma_wait3A_342 = arith.constant 0 : i32
    %dma_wait3A_343 = arith.constant 0 : i32
    %dma_wait3A_344 = tpu.memref_slice %arg9[%dma_wait3A_339, %dma_wait3A_340, %dma_wait3A_342, %dma_wait3A_343] : memref<2x5x128x32xf32, #tpu.memory_space<vmem>> -> memref<1x1x128x32xf32, #tpu.memory_space<vmem>>
    %dma_wait3A_345 = tpu.memref_squeeze %dma_wait3A_344 : memref<1x1x128x32xf32, #tpu.memory_space<vmem>> -> memref<128x32xf32, #tpu.memory_space<vmem>>
    %dma_wait3A_346 = arith.constant 0 : i32
    %dma_wait3A_347 = tpu.memref_slice %arg8[%dma_wait3A_341, %dma_wait3A_346] : memref<50x128xi32, #tpu.memory_space<vmem>> -> memref<1x128xi32, #tpu.memory_space<vmem>>
    %dma_wait3A_348 = tpu.memref_squeeze %dma_wait3A_347 : memref<1x128xi32, #tpu.memory_space<vmem>> -> memref<128xi32, #tpu.memory_space<vmem>>
    %dma_wait3A_349 = arith.constant 0 : i32
    %dma_wait3A_350 = arith.constant 0 : i32
    %dma_wait3A_351 = tpu.memref_slice %arg10[%dma_wait3A_349, %dma_wait3A_350] : memref<2048x32xf32, #tpu.memory_space<vmem_shared>> -> memref<2048x32xf32, #tpu.memory_space<vmem_shared>>
    tpu.wait_indirect_dma semaphore(%arg12 : memref<!tpu.dma_semaphore, #tpu.memory_space<semaphore_mem>>) src(%dma_wait3A_345 : memref<128x32xf32, #tpu.memory_space<vmem>>) dst(%dma_wait3A_351 : memref<2048x32xf32, #tpu.memory_space<vmem_shared>>)
    %dma_wait3A_352 = arith.constant 0 : i32
    %dma_wait3A_353 = arith.constant 2 : i32
    %dma_wait3A_354 = arith.constant 2 : i32
    %dma_wait3A_355 = arith.constant 0 : i32
    %dma_wait3A_356 = arith.constant 0 : i32
    %dma_wait3A_357 = tpu.memref_slice %arg9[%dma_wait3A_352, %dma_wait3A_353, %dma_wait3A_355, %dma_wait3A_356] : memref<2x5x128x32xf32, #tpu.memory_space<vmem>> -> memref<1x1x128x32xf32, #tpu.memory_space<vmem>>
    %dma_wait3A_358 = tpu.memref_squeeze %dma_wait3A_357 : memref<1x1x128x32xf32, #tpu.memory_space<vmem>> -> memref<128x32xf32, #tpu.memory_space<vmem>>
    %dma_wait3A_359 = arith.constant 0 : i32
    %dma_wait3A_360 = tpu.memref_slice %arg8[%dma_wait3A_354, %dma_wait3A_359] : memref<50x128xi32, #tpu.memory_space<vmem>> -> memref<1x128xi32, #tpu.memory_space<vmem>>
    %dma_wait3A_361 = tpu.memref_squeeze %dma_wait3A_360 : memref<1x128xi32, #tpu.memory_space<vmem>> -> memref<128xi32, #tpu.memory_space<vmem>>
    %dma_wait3A_362 = arith.constant 0 : i32
    %dma_wait3A_363 = arith.constant 0 : i32
    %dma_wait3A_364 = tpu.memref_slice %arg10[%dma_wait3A_362, %dma_wait3A_363] : memref<2048x32xf32, #tpu.memory_space<vmem_shared>> -> memref<2048x32xf32, #tpu.memory_space<vmem_shared>>
    tpu.wait_indirect_dma semaphore(%arg12 : memref<!tpu.dma_semaphore, #tpu.memory_space<semaphore_mem>>) src(%dma_wait3A_358 : memref<128x32xf32, #tpu.memory_space<vmem>>) dst(%dma_wait3A_364 : memref<2048x32xf32, #tpu.memory_space<vmem_shared>>)
    %dma_wait3A_365 = arith.constant 0 : i32
    %dma_wait3A_366 = arith.constant 3 : i32
    %dma_wait3A_367 = arith.constant 3 : i32
    %dma_wait3A_368 = arith.constant 0 : i32
    %dma_wait3A_369 = arith.constant 0 : i32
    %dma_wait3A_370 = tpu.memref_slice %arg9[%dma_wait3A_365, %dma_wait3A_366, %dma_wait3A_368, %dma_wait3A_369] : memref<2x5x128x32xf32, #tpu.memory_space<vmem>> -> memref<1x1x128x32xf32, #tpu.memory_space<vmem>>
    %dma_wait3A_371 = tpu.memref_squeeze %dma_wait3A_370 : memref<1x1x128x32xf32, #tpu.memory_space<vmem>> -> memref<128x32xf32, #tpu.memory_space<vmem>>
    %dma_wait3A_372 = arith.constant 0 : i32
    %dma_wait3A_373 = tpu.memref_slice %arg8[%dma_wait3A_367, %dma_wait3A_372] : memref<50x128xi32, #tpu.memory_space<vmem>> -> memref<1x128xi32, #tpu.memory_space<vmem>>
    %dma_wait3A_374 = tpu.memref_squeeze %dma_wait3A_373 : memref<1x128xi32, #tpu.memory_space<vmem>> -> memref<128xi32, #tpu.memory_space<vmem>>
    %dma_wait3A_375 = arith.constant 0 : i32
    %dma_wait3A_376 = arith.constant 0 : i32
    %dma_wait3A_377 = tpu.memref_slice %arg10[%dma_wait3A_375, %dma_wait3A_376] : memref<2048x32xf32, #tpu.memory_space<vmem_shared>> -> memref<2048x32xf32, #tpu.memory_space<vmem_shared>>
    tpu.wait_indirect_dma semaphore(%arg12 : memref<!tpu.dma_semaphore, #tpu.memory_space<semaphore_mem>>) src(%dma_wait3A_371 : memref<128x32xf32, #tpu.memory_space<vmem>>) dst(%dma_wait3A_377 : memref<2048x32xf32, #tpu.memory_space<vmem_shared>>)
    %dma_wait3A_378 = arith.constant 0 : i32
    %dma_wait3A_379 = arith.constant 4 : i32
    %dma_wait3A_380 = arith.constant 4 : i32
    %dma_wait3A_381 = arith.constant 0 : i32
    %dma_wait3A_382 = arith.constant 0 : i32
    %dma_wait3A_383 = tpu.memref_slice %arg9[%dma_wait3A_378, %dma_wait3A_379, %dma_wait3A_381, %dma_wait3A_382] : memref<2x5x128x32xf32, #tpu.memory_space<vmem>> -> memref<1x1x128x32xf32, #tpu.memory_space<vmem>>
    %dma_wait3A_384 = tpu.memref_squeeze %dma_wait3A_383 : memref<1x1x128x32xf32, #tpu.memory_space<vmem>> -> memref<128x32xf32, #tpu.memory_space<vmem>>
    %dma_wait3A_385 = arith.constant 0 : i32
    %dma_wait3A_386 = tpu.memref_slice %arg8[%dma_wait3A_380, %dma_wait3A_385] : memref<50x128xi32, #tpu.memory_space<vmem>> -> memref<1x128xi32, #tpu.memory_space<vmem>>
    %dma_wait3A_387 = tpu.memref_squeeze %dma_wait3A_386 : memref<1x128xi32, #tpu.memory_space<vmem>> -> memref<128xi32, #tpu.memory_space<vmem>>
    %dma_wait3A_388 = arith.constant 0 : i32
    %dma_wait3A_389 = arith.constant 0 : i32
    %dma_wait3A_390 = tpu.memref_slice %arg10[%dma_wait3A_388, %dma_wait3A_389] : memref<2048x32xf32, #tpu.memory_space<vmem_shared>> -> memref<2048x32xf32, #tpu.memory_space<vmem_shared>>
    tpu.wait_indirect_dma semaphore(%arg12 : memref<!tpu.dma_semaphore, #tpu.memory_space<semaphore_mem>>) src(%dma_wait3A_384 : memref<128x32xf32, #tpu.memory_space<vmem>>) dst(%dma_wait3A_390 : memref<2048x32xf32, #tpu.memory_space<vmem_shared>>)
    %dma_start3A_391 = arith.constant 10 : i32
    %dma_start3A_392 = arith.constant 0 : i32
    %dma_start3A_393 = arith.constant 0 : i32
    %dma_start3A_394 = arith.constant 0 : i32
    %dma_start3A_395 = arith.constant 0 : i32
    %dma_start3A_396 = tpu.memref_slice %arg9[%dma_start3A_392, %dma_start3A_393, %dma_start3A_394, %dma_start3A_395] : memref<2x5x128x32xf32, #tpu.memory_space<vmem>> -> memref<1x1x128x32xf32, #tpu.memory_space<vmem>>
    %dma_start3A_397 = tpu.memref_squeeze %dma_start3A_396 : memref<1x1x128x32xf32, #tpu.memory_space<vmem>> -> memref<128x32xf32, #tpu.memory_space<vmem>>
    %dma_start3A_398 = arith.constant 0 : i32
    %dma_start3A_399 = tpu.memref_slice %arg7[%dma_start3A_391, %dma_start3A_398] : memref<50x128xi32, #tpu.memory_space<vmem>> -> memref<1x128xi32, #tpu.memory_space<vmem>>
    %dma_start3A_400 = tpu.memref_squeeze %dma_start3A_399 : memref<1x128xi32, #tpu.memory_space<vmem>> -> memref<128xi32, #tpu.memory_space<vmem>>
    %dma_start3A_401 = arith.constant 0 : i32
    %dma_start3A_402 = arith.constant 0 : i32
    %dma_start3A_403 = tpu.memref_slice %arg2[%dma_start3A_401, %dma_start3A_402] : memref<1000000x32xf32, #tpu.memory_space<hbm>> -> memref<1000000x32xf32, #tpu.memory_space<hbm>>
    tpu.enqueue_indirect_dma source(%dma_start3A_403 : memref<1000000x32xf32, #tpu.memory_space<hbm>>) target(%dma_start3A_397 : memref<128x32xf32, #tpu.memory_space<vmem>>) offsets(%dma_start3A_400 : memref<128xi32, #tpu.memory_space<vmem>>) semaphore(%arg11 : memref<!tpu.dma_semaphore, #tpu.memory_space<semaphore_mem>>)
    %dma_start3A_404 = arith.constant 11 : i32
    %dma_start3A_405 = arith.constant 0 : i32
    %dma_start3A_406 = arith.constant 1 : i32
    %dma_start3A_407 = arith.constant 0 : i32
    %dma_start3A_408 = arith.constant 0 : i32
    %dma_start3A_409 = tpu.memref_slice %arg9[%dma_start3A_405, %dma_start3A_406, %dma_start3A_407, %dma_start3A_408] : memref<2x5x128x32xf32, #tpu.memory_space<vmem>> -> memref<1x1x128x32xf32, #tpu.memory_space<vmem>>
    %dma_start3A_410 = tpu.memref_squeeze %dma_start3A_409 : memref<1x1x128x32xf32, #tpu.memory_space<vmem>> -> memref<128x32xf32, #tpu.memory_space<vmem>>
    %dma_start3A_411 = arith.constant 0 : i32
    %dma_start3A_412 = tpu.memref_slice %arg7[%dma_start3A_404, %dma_start3A_411] : memref<50x128xi32, #tpu.memory_space<vmem>> -> memref<1x128xi32, #tpu.memory_space<vmem>>
    %dma_start3A_413 = tpu.memref_squeeze %dma_start3A_412 : memref<1x128xi32, #tpu.memory_space<vmem>> -> memref<128xi32, #tpu.memory_space<vmem>>
    %dma_start3A_414 = arith.constant 0 : i32
    %dma_start3A_415 = arith.constant 0 : i32
    %dma_start3A_416 = tpu.memref_slice %arg2[%dma_start3A_414, %dma_start3A_415] : memref<1000000x32xf32, #tpu.memory_space<hbm>> -> memref<1000000x32xf32, #tpu.memory_space<hbm>>
    tpu.enqueue_indirect_dma source(%dma_start3A_416 : memref<1000000x32xf32, #tpu.memory_space<hbm>>) target(%dma_start3A_410 : memref<128x32xf32, #tpu.memory_space<vmem>>) offsets(%dma_start3A_413 : memref<128xi32, #tpu.memory_space<vmem>>) semaphore(%arg11 : memref<!tpu.dma_semaphore, #tpu.memory_space<semaphore_mem>>)
    %dma_start3A_417 = arith.constant 12 : i32
    %dma_start3A_418 = arith.constant 0 : i32
    %dma_start3A_419 = arith.constant 2 : i32
    %dma_start3A_420 = arith.constant 0 : i32
    %dma_start3A_421 = arith.constant 0 : i32
    %dma_start3A_422 = tpu.memref_slice %arg9[%dma_start3A_418, %dma_start3A_419, %dma_start3A_420, %dma_start3A_421] : memref<2x5x128x32xf32, #tpu.memory_space<vmem>> -> memref<1x1x128x32xf32, #tpu.memory_space<vmem>>
    %dma_start3A_423 = tpu.memref_squeeze %dma_start3A_422 : memref<1x1x128x32xf32, #tpu.memory_space<vmem>> -> memref<128x32xf32, #tpu.memory_space<vmem>>
    %dma_start3A_424 = arith.constant 0 : i32
    %dma_start3A_425 = tpu.memref_slice %arg7[%dma_start3A_417, %dma_start3A_424] : memref<50x128xi32, #tpu.memory_space<vmem>> -> memref<1x128xi32, #tpu.memory_space<vmem>>
    %dma_start3A_426 = tpu.memref_squeeze %dma_start3A_425 : memref<1x128xi32, #tpu.memory_space<vmem>> -> memref<128xi32, #tpu.memory_space<vmem>>
    %dma_start3A_427 = arith.constant 0 : i32
    %dma_start3A_428 = arith.constant 0 : i32
    %dma_start3A_429 = tpu.memref_slice %arg2[%dma_start3A_427, %dma_start3A_428] : memref<1000000x32xf32, #tpu.memory_space<hbm>> -> memref<1000000x32xf32, #tpu.memory_space<hbm>>
    tpu.enqueue_indirect_dma source(%dma_start3A_429 : memref<1000000x32xf32, #tpu.memory_space<hbm>>) target(%dma_start3A_423 : memref<128x32xf32, #tpu.memory_space<vmem>>) offsets(%dma_start3A_426 : memref<128xi32, #tpu.memory_space<vmem>>) semaphore(%arg11 : memref<!tpu.dma_semaphore, #tpu.memory_space<semaphore_mem>>)
    %dma_start3A_430 = arith.constant 13 : i32
    %dma_start3A_431 = arith.constant 0 : i32
    %dma_start3A_432 = arith.constant 3 : i32
    %dma_start3A_433 = arith.constant 0 : i32
    %dma_start3A_434 = arith.constant 0 : i32
    %dma_start3A_435 = tpu.memref_slice %arg9[%dma_start3A_431, %dma_start3A_432, %dma_start3A_433, %dma_start3A_434] : memref<2x5x128x32xf32, #tpu.memory_space<vmem>> -> memref<1x1x128x32xf32, #tpu.memory_space<vmem>>
    %dma_start3A_436 = tpu.memref_squeeze %dma_start3A_435 : memref<1x1x128x32xf32, #tpu.memory_space<vmem>> -> memref<128x32xf32, #tpu.memory_space<vmem>>
    %dma_start3A_437 = arith.constant 0 : i32
    %dma_start3A_438 = tpu.memref_slice %arg7[%dma_start3A_430, %dma_start3A_437] : memref<50x128xi32, #tpu.memory_space<vmem>> -> memref<1x128xi32, #tpu.memory_space<vmem>>
    %dma_start3A_439 = tpu.memref_squeeze %dma_start3A_438 : memref<1x128xi32, #tpu.memory_space<vmem>> -> memref<128xi32, #tpu.memory_space<vmem>>
    %dma_start3A_440 = arith.constant 0 : i32
    %dma_start3A_441 = arith.constant 0 : i32
    %dma_start3A_442 = tpu.memref_slice %arg2[%dma_start3A_440, %dma_start3A_441] : memref<1000000x32xf32, #tpu.memory_space<hbm>> -> memref<1000000x32xf32, #tpu.memory_space<hbm>>
    tpu.enqueue_indirect_dma source(%dma_start3A_442 : memref<1000000x32xf32, #tpu.memory_space<hbm>>) target(%dma_start3A_436 : memref<128x32xf32, #tpu.memory_space<vmem>>) offsets(%dma_start3A_439 : memref<128xi32, #tpu.memory_space<vmem>>) semaphore(%arg11 : memref<!tpu.dma_semaphore, #tpu.memory_space<semaphore_mem>>)
    %dma_start3A_443 = arith.constant 14 : i32
    %dma_start3A_444 = arith.constant 0 : i32
    %dma_start3A_445 = arith.constant 4 : i32
    %dma_start3A_446 = arith.constant 0 : i32
    %dma_start3A_447 = arith.constant 0 : i32
    %dma_start3A_448 = tpu.memref_slice %arg9[%dma_start3A_444, %dma_start3A_445, %dma_start3A_446, %dma_start3A_447] : memref<2x5x128x32xf32, #tpu.memory_space<vmem>> -> memref<1x1x128x32xf32, #tpu.memory_space<vmem>>
    %dma_start3A_449 = tpu.memref_squeeze %dma_start3A_448 : memref<1x1x128x32xf32, #tpu.memory_space<vmem>> -> memref<128x32xf32, #tpu.memory_space<vmem>>
    %dma_start3A_450 = arith.constant 0 : i32
    %dma_start3A_451 = tpu.memref_slice %arg7[%dma_start3A_443, %dma_start3A_450] : memref<50x128xi32, #tpu.memory_space<vmem>> -> memref<1x128xi32, #tpu.memory_space<vmem>>
    %dma_start3A_452 = tpu.memref_squeeze %dma_start3A_451 : memref<1x128xi32, #tpu.memory_space<vmem>> -> memref<128xi32, #tpu.memory_space<vmem>>
    %dma_start3A_453 = arith.constant 0 : i32
    %dma_start3A_454 = arith.constant 0 : i32
    %dma_start3A_455 = tpu.memref_slice %arg2[%dma_start3A_453, %dma_start3A_454] : memref<1000000x32xf32, #tpu.memory_space<hbm>> -> memref<1000000x32xf32, #tpu.memory_space<hbm>>
    tpu.enqueue_indirect_dma source(%dma_start3A_455 : memref<1000000x32xf32, #tpu.memory_space<hbm>>) target(%dma_start3A_449 : memref<128x32xf32, #tpu.memory_space<vmem>>) offsets(%dma_start3A_452 : memref<128xi32, #tpu.memory_space<vmem>>) semaphore(%arg11 : memref<!tpu.dma_semaphore, #tpu.memory_space<semaphore_mem>>)
    %dma_start3A_456 = arith.constant 1 : i32
    %dma_start3A_457 = arith.constant 0 : i32
    %dma_start3A_458 = arith.constant 5 : i32
    %dma_start3A_459 = arith.constant 0 : i32
    %dma_start3A_460 = arith.constant 0 : i32
    %dma_start3A_461 = tpu.memref_slice %arg9[%dma_start3A_456, %dma_start3A_457, %dma_start3A_459, %dma_start3A_460] : memref<2x5x128x32xf32, #tpu.memory_space<vmem>> -> memref<1x1x128x32xf32, #tpu.memory_space<vmem>>
    %dma_start3A_462 = tpu.memref_squeeze %dma_start3A_461 : memref<1x1x128x32xf32, #tpu.memory_space<vmem>> -> memref<128x32xf32, #tpu.memory_space<vmem>>
    %dma_start3A_463 = arith.constant 0 : i32
    %dma_start3A_464 = tpu.memref_slice %arg8[%dma_start3A_458, %dma_start3A_463] : memref<50x128xi32, #tpu.memory_space<vmem>> -> memref<1x128xi32, #tpu.memory_space<vmem>>
    %dma_start3A_465 = tpu.memref_squeeze %dma_start3A_464 : memref<1x128xi32, #tpu.memory_space<vmem>> -> memref<128xi32, #tpu.memory_space<vmem>>
    %dma_start3A_466 = arith.constant 0 : i32
    %dma_start3A_467 = arith.constant 0 : i32
    %dma_start3A_468 = tpu.memref_slice %arg10[%dma_start3A_466, %dma_start3A_467] : memref<2048x32xf32, #tpu.memory_space<vmem_shared>> -> memref<2048x32xf32, #tpu.memory_space<vmem_shared>>
    tpu.enqueue_indirect_dma source(%dma_start3A_462 : memref<128x32xf32, #tpu.memory_space<vmem>>) target(%dma_start3A_468 : memref<2048x32xf32, #tpu.memory_space<vmem_shared>>) offsets(%dma_start3A_465 : memref<128xi32, #tpu.memory_space<vmem>>) semaphore(%arg12 : memref<!tpu.dma_semaphore, #tpu.memory_space<semaphore_mem>>) {add = true}
    %dma_start3A_469 = arith.constant 1 : i32
    %dma_start3A_470 = arith.constant 1 : i32
    %dma_start3A_471 = arith.constant 6 : i32
    %dma_start3A_472 = arith.constant 0 : i32
    %dma_start3A_473 = arith.constant 0 : i32
    %dma_start3A_474 = tpu.memref_slice %arg9[%dma_start3A_469, %dma_start3A_470, %dma_start3A_472, %dma_start3A_473] : memref<2x5x128x32xf32, #tpu.memory_space<vmem>> -> memref<1x1x128x32xf32, #tpu.memory_space<vmem>>
    %dma_start3A_475 = tpu.memref_squeeze %dma_start3A_474 : memref<1x1x128x32xf32, #tpu.memory_space<vmem>> -> memref<128x32xf32, #tpu.memory_space<vmem>>
    %dma_start3A_476 = arith.constant 0 : i32
    %dma_start3A_477 = tpu.memref_slice %arg8[%dma_start3A_471, %dma_start3A_476] : memref<50x128xi32, #tpu.memory_space<vmem>> -> memref<1x128xi32, #tpu.memory_space<vmem>>
    %dma_start3A_478 = tpu.memref_squeeze %dma_start3A_477 : memref<1x128xi32, #tpu.memory_space<vmem>> -> memref<128xi32, #tpu.memory_space<vmem>>
    %dma_start3A_479 = arith.constant 0 : i32
    %dma_start3A_480 = arith.constant 0 : i32
    %dma_start3A_481 = tpu.memref_slice %arg10[%dma_start3A_479, %dma_start3A_480] : memref<2048x32xf32, #tpu.memory_space<vmem_shared>> -> memref<2048x32xf32, #tpu.memory_space<vmem_shared>>
    tpu.enqueue_indirect_dma source(%dma_start3A_475 : memref<128x32xf32, #tpu.memory_space<vmem>>) target(%dma_start3A_481 : memref<2048x32xf32, #tpu.memory_space<vmem_shared>>) offsets(%dma_start3A_478 : memref<128xi32, #tpu.memory_space<vmem>>) semaphore(%arg12 : memref<!tpu.dma_semaphore, #tpu.memory_space<semaphore_mem>>) {add = true}
    %dma_start3A_482 = arith.constant 1 : i32
    %dma_start3A_483 = arith.constant 2 : i32
    %dma_start3A_484 = arith.constant 7 : i32
    %dma_start3A_485 = arith.constant 0 : i32
    %dma_start3A_486 = arith.constant 0 : i32
    %dma_start3A_487 = tpu.memref_slice %arg9[%dma_start3A_482, %dma_start3A_483, %dma_start3A_485, %dma_start3A_486] : memref<2x5x128x32xf32, #tpu.memory_space<vmem>> -> memref<1x1x128x32xf32, #tpu.memory_space<vmem>>
    %dma_start3A_488 = tpu.memref_squeeze %dma_start3A_487 : memref<1x1x128x32xf32, #tpu.memory_space<vmem>> -> memref<128x32xf32, #tpu.memory_space<vmem>>
    %dma_start3A_489 = arith.constant 0 : i32
    %dma_start3A_490 = tpu.memref_slice %arg8[%dma_start3A_484, %dma_start3A_489] : memref<50x128xi32, #tpu.memory_space<vmem>> -> memref<1x128xi32, #tpu.memory_space<vmem>>
    %dma_start3A_491 = tpu.memref_squeeze %dma_start3A_490 : memref<1x128xi32, #tpu.memory_space<vmem>> -> memref<128xi32, #tpu.memory_space<vmem>>
    %dma_start3A_492 = arith.constant 0 : i32
    %dma_start3A_493 = arith.constant 0 : i32
    %dma_start3A_494 = tpu.memref_slice %arg10[%dma_start3A_492, %dma_start3A_493] : memref<2048x32xf32, #tpu.memory_space<vmem_shared>> -> memref<2048x32xf32, #tpu.memory_space<vmem_shared>>
    tpu.enqueue_indirect_dma source(%dma_start3A_488 : memref<128x32xf32, #tpu.memory_space<vmem>>) target(%dma_start3A_494 : memref<2048x32xf32, #tpu.memory_space<vmem_shared>>) offsets(%dma_start3A_491 : memref<128xi32, #tpu.memory_space<vmem>>) semaphore(%arg12 : memref<!tpu.dma_semaphore, #tpu.memory_space<semaphore_mem>>) {add = true}
    %dma_start3A_495 = arith.constant 1 : i32
    %dma_start3A_496 = arith.constant 3 : i32
    %dma_start3A_497 = arith.constant 8 : i32
    %dma_start3A_498 = arith.constant 0 : i32
    %dma_start3A_499 = arith.constant 0 : i32
    %dma_start3A_500 = tpu.memref_slice %arg9[%dma_start3A_495, %dma_start3A_496, %dma_start3A_498, %dma_start3A_499] : memref<2x5x128x32xf32, #tpu.memory_space<vmem>> -> memref<1x1x128x32xf32, #tpu.memory_space<vmem>>
    %dma_start3A_501 = tpu.memref_squeeze %dma_start3A_500 : memref<1x1x128x32xf32, #tpu.memory_space<vmem>> -> memref<128x32xf32, #tpu.memory_space<vmem>>
    %dma_start3A_502 = arith.constant 0 : i32
    %dma_start3A_503 = tpu.memref_slice %arg8[%dma_start3A_497, %dma_start3A_502] : memref<50x128xi32, #tpu.memory_space<vmem>> -> memref<1x128xi32, #tpu.memory_space<vmem>>
    %dma_start3A_504 = tpu.memref_squeeze %dma_start3A_503 : memref<1x128xi32, #tpu.memory_space<vmem>> -> memref<128xi32, #tpu.memory_space<vmem>>
    %dma_start3A_505 = arith.constant 0 : i32
    %dma_start3A_506 = arith.constant 0 : i32
    %dma_start3A_507 = tpu.memref_slice %arg10[%dma_start3A_505, %dma_start3A_506] : memref<2048x32xf32, #tpu.memory_space<vmem_shared>> -> memref<2048x32xf32, #tpu.memory_space<vmem_shared>>
    tpu.enqueue_indirect_dma source(%dma_start3A_501 : memref<128x32xf32, #tpu.memory_space<vmem>>) target(%dma_start3A_507 : memref<2048x32xf32, #tpu.memory_space<vmem_shared>>) offsets(%dma_start3A_504 : memref<128xi32, #tpu.memory_space<vmem>>) semaphore(%arg12 : memref<!tpu.dma_semaphore, #tpu.memory_space<semaphore_mem>>) {add = true}
    %dma_start3A_508 = arith.constant 1 : i32
    %dma_start3A_509 = arith.constant 4 : i32
    %dma_start3A_510 = arith.constant 9 : i32
    %dma_start3A_511 = arith.constant 0 : i32
    %dma_start3A_512 = arith.constant 0 : i32
    %dma_start3A_513 = tpu.memref_slice %arg9[%dma_start3A_508, %dma_start3A_509, %dma_start3A_511, %dma_start3A_512] : memref<2x5x128x32xf32, #tpu.memory_space<vmem>> -> memref<1x1x128x32xf32, #tpu.memory_space<vmem>>
    %dma_start3A_514 = tpu.memref_squeeze %dma_start3A_513 : memref<1x1x128x32xf32, #tpu.memory_space<vmem>> -> memref<128x32xf32, #tpu.memory_space<vmem>>
    %dma_start3A_515 = arith.constant 0 : i32
    %dma_start3A_516 = tpu.memref_slice %arg8[%dma_start3A_510, %dma_start3A_515] : memref<50x128xi32, #tpu.memory_space<vmem>> -> memref<1x128xi32, #tpu.memory_space<vmem>>
    %dma_start3A_517 = tpu.memref_squeeze %dma_start3A_516 : memref<1x128xi32, #tpu.memory_space<vmem>> -> memref<128xi32, #tpu.memory_space<vmem>>
    %dma_start3A_518 = arith.constant 0 : i32
    %dma_start3A_519 = arith.constant 0 : i32
    %dma_start3A_520 = tpu.memref_slice %arg10[%dma_start3A_518, %dma_start3A_519] : memref<2048x32xf32, #tpu.memory_space<vmem_shared>> -> memref<2048x32xf32, #tpu.memory_space<vmem_shared>>
    tpu.enqueue_indirect_dma source(%dma_start3A_514 : memref<128x32xf32, #tpu.memory_space<vmem>>) target(%dma_start3A_520 : memref<2048x32xf32, #tpu.memory_space<vmem_shared>>) offsets(%dma_start3A_517 : memref<128xi32, #tpu.memory_space<vmem>>) semaphore(%arg12 : memref<!tpu.dma_semaphore, #tpu.memory_space<semaphore_mem>>) {add = true}
    %dma_wait3A_521 = arith.constant 10 : i32
    %dma_wait3A_522 = arith.constant 0 : i32
    %dma_wait3A_523 = arith.constant 0 : i32
    %dma_wait3A_524 = arith.constant 0 : i32
    %dma_wait3A_525 = arith.constant 0 : i32
    %dma_wait3A_526 = tpu.memref_slice %arg9[%dma_wait3A_522, %dma_wait3A_523, %dma_wait3A_524, %dma_wait3A_525] : memref<2x5x128x32xf32, #tpu.memory_space<vmem>> -> memref<1x1x128x32xf32, #tpu.memory_space<vmem>>
    %dma_wait3A_527 = tpu.memref_squeeze %dma_wait3A_526 : memref<1x1x128x32xf32, #tpu.memory_space<vmem>> -> memref<128x32xf32, #tpu.memory_space<vmem>>
    %dma_wait3A_528 = arith.constant 0 : i32
    %dma_wait3A_529 = tpu.memref_slice %arg7[%dma_wait3A_521, %dma_wait3A_528] : memref<50x128xi32, #tpu.memory_space<vmem>> -> memref<1x128xi32, #tpu.memory_space<vmem>>
    %dma_wait3A_530 = tpu.memref_squeeze %dma_wait3A_529 : memref<1x128xi32, #tpu.memory_space<vmem>> -> memref<128xi32, #tpu.memory_space<vmem>>
    %dma_wait3A_531 = arith.constant 0 : i32
    %dma_wait3A_532 = arith.constant 0 : i32
    %dma_wait3A_533 = tpu.memref_slice %arg2[%dma_wait3A_531, %dma_wait3A_532] : memref<1000000x32xf32, #tpu.memory_space<hbm>> -> memref<1000000x32xf32, #tpu.memory_space<hbm>>
    tpu.wait_indirect_dma semaphore(%arg11 : memref<!tpu.dma_semaphore, #tpu.memory_space<semaphore_mem>>) src(%dma_wait3A_533 : memref<1000000x32xf32, #tpu.memory_space<hbm>>) dst(%dma_wait3A_527 : memref<128x32xf32, #tpu.memory_space<vmem>>)
    %dma_wait3A_534 = arith.constant 11 : i32
    %dma_wait3A_535 = arith.constant 0 : i32
    %dma_wait3A_536 = arith.constant 1 : i32
    %dma_wait3A_537 = arith.constant 0 : i32
    %dma_wait3A_538 = arith.constant 0 : i32
    %dma_wait3A_539 = tpu.memref_slice %arg9[%dma_wait3A_535, %dma_wait3A_536, %dma_wait3A_537, %dma_wait3A_538] : memref<2x5x128x32xf32, #tpu.memory_space<vmem>> -> memref<1x1x128x32xf32, #tpu.memory_space<vmem>>
    %dma_wait3A_540 = tpu.memref_squeeze %dma_wait3A_539 : memref<1x1x128x32xf32, #tpu.memory_space<vmem>> -> memref<128x32xf32, #tpu.memory_space<vmem>>
    %dma_wait3A_541 = arith.constant 0 : i32
    %dma_wait3A_542 = tpu.memref_slice %arg7[%dma_wait3A_534, %dma_wait3A_541] : memref<50x128xi32, #tpu.memory_space<vmem>> -> memref<1x128xi32, #tpu.memory_space<vmem>>
    %dma_wait3A_543 = tpu.memref_squeeze %dma_wait3A_542 : memref<1x128xi32, #tpu.memory_space<vmem>> -> memref<128xi32, #tpu.memory_space<vmem>>
    %dma_wait3A_544 = arith.constant 0 : i32
    %dma_wait3A_545 = arith.constant 0 : i32
    %dma_wait3A_546 = tpu.memref_slice %arg2[%dma_wait3A_544, %dma_wait3A_545] : memref<1000000x32xf32, #tpu.memory_space<hbm>> -> memref<1000000x32xf32, #tpu.memory_space<hbm>>
    tpu.wait_indirect_dma semaphore(%arg11 : memref<!tpu.dma_semaphore, #tpu.memory_space<semaphore_mem>>) src(%dma_wait3A_546 : memref<1000000x32xf32, #tpu.memory_space<hbm>>) dst(%dma_wait3A_540 : memref<128x32xf32, #tpu.memory_space<vmem>>)
    %dma_wait3A_547 = arith.constant 12 : i32
    %dma_wait3A_548 = arith.constant 0 : i32
    %dma_wait3A_549 = arith.constant 2 : i32
    %dma_wait3A_550 = arith.constant 0 : i32
    %dma_wait3A_551 = arith.constant 0 : i32
    %dma_wait3A_552 = tpu.memref_slice %arg9[%dma_wait3A_548, %dma_wait3A_549, %dma_wait3A_550, %dma_wait3A_551] : memref<2x5x128x32xf32, #tpu.memory_space<vmem>> -> memref<1x1x128x32xf32, #tpu.memory_space<vmem>>
    %dma_wait3A_553 = tpu.memref_squeeze %dma_wait3A_552 : memref<1x1x128x32xf32, #tpu.memory_space<vmem>> -> memref<128x32xf32, #tpu.memory_space<vmem>>
    %dma_wait3A_554 = arith.constant 0 : i32
    %dma_wait3A_555 = tpu.memref_slice %arg7[%dma_wait3A_547, %dma_wait3A_554] : memref<50x128xi32, #tpu.memory_space<vmem>> -> memref<1x128xi32, #tpu.memory_space<vmem>>
    %dma_wait3A_556 = tpu.memref_squeeze %dma_wait3A_555 : memref<1x128xi32, #tpu.memory_space<vmem>> -> memref<128xi32, #tpu.memory_space<vmem>>
    %dma_wait3A_557 = arith.constant 0 : i32
    %dma_wait3A_558 = arith.constant 0 : i32
    %dma_wait3A_559 = tpu.memref_slice %arg2[%dma_wait3A_557, %dma_wait3A_558] : memref<1000000x32xf32, #tpu.memory_space<hbm>> -> memref<1000000x32xf32, #tpu.memory_space<hbm>>
    tpu.wait_indirect_dma semaphore(%arg11 : memref<!tpu.dma_semaphore, #tpu.memory_space<semaphore_mem>>) src(%dma_wait3A_559 : memref<1000000x32xf32, #tpu.memory_space<hbm>>) dst(%dma_wait3A_553 : memref<128x32xf32, #tpu.memory_space<vmem>>)
    %dma_wait3A_560 = arith.constant 13 : i32
    %dma_wait3A_561 = arith.constant 0 : i32
    %dma_wait3A_562 = arith.constant 3 : i32
    %dma_wait3A_563 = arith.constant 0 : i32
    %dma_wait3A_564 = arith.constant 0 : i32
    %dma_wait3A_565 = tpu.memref_slice %arg9[%dma_wait3A_561, %dma_wait3A_562, %dma_wait3A_563, %dma_wait3A_564] : memref<2x5x128x32xf32, #tpu.memory_space<vmem>> -> memref<1x1x128x32xf32, #tpu.memory_space<vmem>>
    %dma_wait3A_566 = tpu.memref_squeeze %dma_wait3A_565 : memref<1x1x128x32xf32, #tpu.memory_space<vmem>> -> memref<128x32xf32, #tpu.memory_space<vmem>>
    %dma_wait3A_567 = arith.constant 0 : i32
    %dma_wait3A_568 = tpu.memref_slice %arg7[%dma_wait3A_560, %dma_wait3A_567] : memref<50x128xi32, #tpu.memory_space<vmem>> -> memref<1x128xi32, #tpu.memory_space<vmem>>
    %dma_wait3A_569 = tpu.memref_squeeze %dma_wait3A_568 : memref<1x128xi32, #tpu.memory_space<vmem>> -> memref<128xi32, #tpu.memory_space<vmem>>
    %dma_wait3A_570 = arith.constant 0 : i32
    %dma_wait3A_571 = arith.constant 0 : i32
    %dma_wait3A_572 = tpu.memref_slice %arg2[%dma_wait3A_570, %dma_wait3A_571] : memref<1000000x32xf32, #tpu.memory_space<hbm>> -> memref<1000000x32xf32, #tpu.memory_space<hbm>>
    tpu.wait_indirect_dma semaphore(%arg11 : memref<!tpu.dma_semaphore, #tpu.memory_space<semaphore_mem>>) src(%dma_wait3A_572 : memref<1000000x32xf32, #tpu.memory_space<hbm>>) dst(%dma_wait3A_566 : memref<128x32xf32, #tpu.memory_space<vmem>>)
    %dma_wait3A_573 = arith.constant 14 : i32
    %dma_wait3A_574 = arith.constant 0 : i32
    %dma_wait3A_575 = arith.constant 4 : i32
    %dma_wait3A_576 = arith.constant 0 : i32
    %dma_wait3A_577 = arith.constant 0 : i32
    %dma_wait3A_578 = tpu.memref_slice %arg9[%dma_wait3A_574, %dma_wait3A_575, %dma_wait3A_576, %dma_wait3A_577] : memref<2x5x128x32xf32, #tpu.memory_space<vmem>> -> memref<1x1x128x32xf32, #tpu.memory_space<vmem>>
    %dma_wait3A_579 = tpu.memref_squeeze %dma_wait3A_578 : memref<1x1x128x32xf32, #tpu.memory_space<vmem>> -> memref<128x32xf32, #tpu.memory_space<vmem>>
    %dma_wait3A_580 = arith.constant 0 : i32
    %dma_wait3A_581 = tpu.memref_slice %arg7[%dma_wait3A_573, %dma_wait3A_580] : memref<50x128xi32, #tpu.memory_space<vmem>> -> memref<1x128xi32, #tpu.memory_space<vmem>>
    %dma_wait3A_582 = tpu.memref_squeeze %dma_wait3A_581 : memref<1x128xi32, #tpu.memory_space<vmem>> -> memref<128xi32, #tpu.memory_space<vmem>>
    %dma_wait3A_583 = arith.constant 0 : i32
    %dma_wait3A_584 = arith.constant 0 : i32
    %dma_wait3A_585 = tpu.memref_slice %arg2[%dma_wait3A_583, %dma_wait3A_584] : memref<1000000x32xf32, #tpu.memory_space<hbm>> -> memref<1000000x32xf32, #tpu.memory_space<hbm>>
    tpu.wait_indirect_dma semaphore(%arg11 : memref<!tpu.dma_semaphore, #tpu.memory_space<semaphore_mem>>) src(%dma_wait3A_585 : memref<1000000x32xf32, #tpu.memory_space<hbm>>) dst(%dma_wait3A_579 : memref<128x32xf32, #tpu.memory_space<vmem>>)
    %dma_wait3A_586 = arith.constant 1 : i32
    %dma_wait3A_587 = arith.constant 0 : i32
    %dma_wait3A_588 = arith.constant 5 : i32
    %dma_wait3A_589 = arith.constant 0 : i32
    %dma_wait3A_590 = arith.constant 0 : i32
    %dma_wait3A_591 = tpu.memref_slice %arg9[%dma_wait3A_586, %dma_wait3A_587, %dma_wait3A_589, %dma_wait3A_590] : memref<2x5x128x32xf32, #tpu.memory_space<vmem>> -> memref<1x1x128x32xf32, #tpu.memory_space<vmem>>
    %dma_wait3A_592 = tpu.memref_squeeze %dma_wait3A_591 : memref<1x1x128x32xf32, #tpu.memory_space<vmem>> -> memref<128x32xf32, #tpu.memory_space<vmem>>
    %dma_wait3A_593 = arith.constant 0 : i32
    %dma_wait3A_594 = tpu.memref_slice %arg8[%dma_wait3A_588, %dma_wait3A_593] : memref<50x128xi32, #tpu.memory_space<vmem>> -> memref<1x128xi32, #tpu.memory_space<vmem>>
    %dma_wait3A_595 = tpu.memref_squeeze %dma_wait3A_594 : memref<1x128xi32, #tpu.memory_space<vmem>> -> memref<128xi32, #tpu.memory_space<vmem>>
    %dma_wait3A_596 = arith.constant 0 : i32
    %dma_wait3A_597 = arith.constant 0 : i32
    %dma_wait3A_598 = tpu.memref_slice %arg10[%dma_wait3A_596, %dma_wait3A_597] : memref<2048x32xf32, #tpu.memory_space<vmem_shared>> -> memref<2048x32xf32, #tpu.memory_space<vmem_shared>>
    tpu.wait_indirect_dma semaphore(%arg12 : memref<!tpu.dma_semaphore, #tpu.memory_space<semaphore_mem>>) src(%dma_wait3A_592 : memref<128x32xf32, #tpu.memory_space<vmem>>) dst(%dma_wait3A_598 : memref<2048x32xf32, #tpu.memory_space<vmem_shared>>)
    %dma_wait3A_599 = arith.constant 1 : i32
    %dma_wait3A_600 = arith.constant 1 : i32
    %dma_wait3A_601 = arith.constant 6 : i32
    %dma_wait3A_602 = arith.constant 0 : i32
    %dma_wait3A_603 = arith.constant 0 : i32
    %dma_wait3A_604 = tpu.memref_slice %arg9[%dma_wait3A_599, %dma_wait3A_600, %dma_wait3A_602, %dma_wait3A_603] : memref<2x5x128x32xf32, #tpu.memory_space<vmem>> -> memref<1x1x128x32xf32, #tpu.memory_space<vmem>>
    %dma_wait3A_605 = tpu.memref_squeeze %dma_wait3A_604 : memref<1x1x128x32xf32, #tpu.memory_space<vmem>> -> memref<128x32xf32, #tpu.memory_space<vmem>>
    %dma_wait3A_606 = arith.constant 0 : i32
    %dma_wait3A_607 = tpu.memref_slice %arg8[%dma_wait3A_601, %dma_wait3A_606] : memref<50x128xi32, #tpu.memory_space<vmem>> -> memref<1x128xi32, #tpu.memory_space<vmem>>
    %dma_wait3A_608 = tpu.memref_squeeze %dma_wait3A_607 : memref<1x128xi32, #tpu.memory_space<vmem>> -> memref<128xi32, #tpu.memory_space<vmem>>
    %dma_wait3A_609 = arith.constant 0 : i32
    %dma_wait3A_610 = arith.constant 0 : i32
    %dma_wait3A_611 = tpu.memref_slice %arg10[%dma_wait3A_609, %dma_wait3A_610] : memref<2048x32xf32, #tpu.memory_space<vmem_shared>> -> memref<2048x32xf32, #tpu.memory_space<vmem_shared>>
    tpu.wait_indirect_dma semaphore(%arg12 : memref<!tpu.dma_semaphore, #tpu.memory_space<semaphore_mem>>) src(%dma_wait3A_605 : memref<128x32xf32, #tpu.memory_space<vmem>>) dst(%dma_wait3A_611 : memref<2048x32xf32, #tpu.memory_space<vmem_shared>>)
    %dma_wait3A_612 = arith.constant 1 : i32
    %dma_wait3A_613 = arith.constant 2 : i32
    %dma_wait3A_614 = arith.constant 7 : i32
    %dma_wait3A_615 = arith.constant 0 : i32
    %dma_wait3A_616 = arith.constant 0 : i32
    %dma_wait3A_617 = tpu.memref_slice %arg9[%dma_wait3A_612, %dma_wait3A_613, %dma_wait3A_615, %dma_wait3A_616] : memref<2x5x128x32xf32, #tpu.memory_space<vmem>> -> memref<1x1x128x32xf32, #tpu.memory_space<vmem>>
    %dma_wait3A_618 = tpu.memref_squeeze %dma_wait3A_617 : memref<1x1x128x32xf32, #tpu.memory_space<vmem>> -> memref<128x32xf32, #tpu.memory_space<vmem>>
    %dma_wait3A_619 = arith.constant 0 : i32
    %dma_wait3A_620 = tpu.memref_slice %arg8[%dma_wait3A_614, %dma_wait3A_619] : memref<50x128xi32, #tpu.memory_space<vmem>> -> memref<1x128xi32, #tpu.memory_space<vmem>>
    %dma_wait3A_621 = tpu.memref_squeeze %dma_wait3A_620 : memref<1x128xi32, #tpu.memory_space<vmem>> -> memref<128xi32, #tpu.memory_space<vmem>>
    %dma_wait3A_622 = arith.constant 0 : i32
    %dma_wait3A_623 = arith.constant 0 : i32
    %dma_wait3A_624 = tpu.memref_slice %arg10[%dma_wait3A_622, %dma_wait3A_623] : memref<2048x32xf32, #tpu.memory_space<vmem_shared>> -> memref<2048x32xf32, #tpu.memory_space<vmem_shared>>
    tpu.wait_indirect_dma semaphore(%arg12 : memref<!tpu.dma_semaphore, #tpu.memory_space<semaphore_mem>>) src(%dma_wait3A_618 : memref<128x32xf32, #tpu.memory_space<vmem>>) dst(%dma_wait3A_624 : memref<2048x32xf32, #tpu.memory_space<vmem_shared>>)
    %dma_wait3A_625 = arith.constant 1 : i32
    %dma_wait3A_626 = arith.constant 3 : i32
    %dma_wait3A_627 = arith.constant 8 : i32
    %dma_wait3A_628 = arith.constant 0 : i32
    %dma_wait3A_629 = arith.constant 0 : i32
    %dma_wait3A_630 = tpu.memref_slice %arg9[%dma_wait3A_625, %dma_wait3A_626, %dma_wait3A_628, %dma_wait3A_629] : memref<2x5x128x32xf32, #tpu.memory_space<vmem>> -> memref<1x1x128x32xf32, #tpu.memory_space<vmem>>
    %dma_wait3A_631 = tpu.memref_squeeze %dma_wait3A_630 : memref<1x1x128x32xf32, #tpu.memory_space<vmem>> -> memref<128x32xf32, #tpu.memory_space<vmem>>
    %dma_wait3A_632 = arith.constant 0 : i32
    %dma_wait3A_633 = tpu.memref_slice %arg8[%dma_wait3A_627, %dma_wait3A_632] : memref<50x128xi32, #tpu.memory_space<vmem>> -> memref<1x128xi32, #tpu.memory_space<vmem>>
    %dma_wait3A_634 = tpu.memref_squeeze %dma_wait3A_633 : memref<1x128xi32, #tpu.memory_space<vmem>> -> memref<128xi32, #tpu.memory_space<vmem>>
    %dma_wait3A_635 = arith.constant 0 : i32
    %dma_wait3A_636 = arith.constant 0 : i32
    %dma_wait3A_637 = tpu.memref_slice %arg10[%dma_wait3A_635, %dma_wait3A_636] : memref<2048x32xf32, #tpu.memory_space<vmem_shared>> -> memref<2048x32xf32, #tpu.memory_space<vmem_shared>>
    tpu.wait_indirect_dma semaphore(%arg12 : memref<!tpu.dma_semaphore, #tpu.memory_space<semaphore_mem>>) src(%dma_wait3A_631 : memref<128x32xf32, #tpu.memory_space<vmem>>) dst(%dma_wait3A_637 : memref<2048x32xf32, #tpu.memory_space<vmem_shared>>)
    %dma_wait3A_638 = arith.constant 1 : i32
    %dma_wait3A_639 = arith.constant 4 : i32
    %dma_wait3A_640 = arith.constant 9 : i32
    %dma_wait3A_641 = arith.constant 0 : i32
    %dma_wait3A_642 = arith.constant 0 : i32
    %dma_wait3A_643 = tpu.memref_slice %arg9[%dma_wait3A_638, %dma_wait3A_639, %dma_wait3A_641, %dma_wait3A_642] : memref<2x5x128x32xf32, #tpu.memory_space<vmem>> -> memref<1x1x128x32xf32, #tpu.memory_space<vmem>>
    %dma_wait3A_644 = tpu.memref_squeeze %dma_wait3A_643 : memref<1x1x128x32xf32, #tpu.memory_space<vmem>> -> memref<128x32xf32, #tpu.memory_space<vmem>>
    %dma_wait3A_645 = arith.constant 0 : i32
    %dma_wait3A_646 = tpu.memref_slice %arg8[%dma_wait3A_640, %dma_wait3A_645] : memref<50x128xi32, #tpu.memory_space<vmem>> -> memref<1x128xi32, #tpu.memory_space<vmem>>
    %dma_wait3A_647 = tpu.memref_squeeze %dma_wait3A_646 : memref<1x128xi32, #tpu.memory_space<vmem>> -> memref<128xi32, #tpu.memory_space<vmem>>
    %dma_wait3A_648 = arith.constant 0 : i32
    %dma_wait3A_649 = arith.constant 0 : i32
    %dma_wait3A_650 = tpu.memref_slice %arg10[%dma_wait3A_648, %dma_wait3A_649] : memref<2048x32xf32, #tpu.memory_space<vmem_shared>> -> memref<2048x32xf32, #tpu.memory_space<vmem_shared>>
    tpu.wait_indirect_dma semaphore(%arg12 : memref<!tpu.dma_semaphore, #tpu.memory_space<semaphore_mem>>) src(%dma_wait3A_644 : memref<128x32xf32, #tpu.memory_space<vmem>>) dst(%dma_wait3A_650 : memref<2048x32xf32, #tpu.memory_space<vmem_shared>>)
    %dma_start3A_651 = arith.constant 15 : i32
    %dma_start3A_652 = arith.constant 1 : i32
    %dma_start3A_653 = arith.constant 0 : i32
    %dma_start3A_654 = arith.constant 0 : i32
    %dma_start3A_655 = arith.constant 0 : i32
    %dma_start3A_656 = tpu.memref_slice %arg9[%dma_start3A_652, %dma_start3A_653, %dma_start3A_654, %dma_start3A_655] : memref<2x5x128x32xf32, #tpu.memory_space<vmem>> -> memref<1x1x128x32xf32, #tpu.memory_space<vmem>>
    %dma_start3A_657 = tpu.memref_squeeze %dma_start3A_656 : memref<1x1x128x32xf32, #tpu.memory_space<vmem>> -> memref<128x32xf32, #tpu.memory_space<vmem>>
    %dma_start3A_658 = arith.constant 0 : i32
    %dma_start3A_659 = tpu.memref_slice %arg7[%dma_start3A_651, %dma_start3A_658] : memref<50x128xi32, #tpu.memory_space<vmem>> -> memref<1x128xi32, #tpu.memory_space<vmem>>
    %dma_start3A_660 = tpu.memref_squeeze %dma_start3A_659 : memref<1x128xi32, #tpu.memory_space<vmem>> -> memref<128xi32, #tpu.memory_space<vmem>>
    %dma_start3A_661 = arith.constant 0 : i32
    %dma_start3A_662 = arith.constant 0 : i32
    %dma_start3A_663 = tpu.memref_slice %arg2[%dma_start3A_661, %dma_start3A_662] : memref<1000000x32xf32, #tpu.memory_space<hbm>> -> memref<1000000x32xf32, #tpu.memory_space<hbm>>
    tpu.enqueue_indirect_dma source(%dma_start3A_663 : memref<1000000x32xf32, #tpu.memory_space<hbm>>) target(%dma_start3A_657 : memref<128x32xf32, #tpu.memory_space<vmem>>) offsets(%dma_start3A_660 : memref<128xi32, #tpu.memory_space<vmem>>) semaphore(%arg11 : memref<!tpu.dma_semaphore, #tpu.memory_space<semaphore_mem>>)
    %dma_start3A_664 = arith.constant 16 : i32
    %dma_start3A_665 = arith.constant 1 : i32
    %dma_start3A_666 = arith.constant 1 : i32
    %dma_start3A_667 = arith.constant 0 : i32
    %dma_start3A_668 = arith.constant 0 : i32
    %dma_start3A_669 = tpu.memref_slice %arg9[%dma_start3A_665, %dma_start3A_666, %dma_start3A_667, %dma_start3A_668] : memref<2x5x128x32xf32, #tpu.memory_space<vmem>> -> memref<1x1x128x32xf32, #tpu.memory_space<vmem>>
    %dma_start3A_670 = tpu.memref_squeeze %dma_start3A_669 : memref<1x1x128x32xf32, #tpu.memory_space<vmem>> -> memref<128x32xf32, #tpu.memory_space<vmem>>
    %dma_start3A_671 = arith.constant 0 : i32
    %dma_start3A_672 = tpu.memref_slice %arg7[%dma_start3A_664, %dma_start3A_671] : memref<50x128xi32, #tpu.memory_space<vmem>> -> memref<1x128xi32, #tpu.memory_space<vmem>>
    %dma_start3A_673 = tpu.memref_squeeze %dma_start3A_672 : memref<1x128xi32, #tpu.memory_space<vmem>> -> memref<128xi32, #tpu.memory_space<vmem>>
    %dma_start3A_674 = arith.constant 0 : i32
    %dma_start3A_675 = arith.constant 0 : i32
    %dma_start3A_676 = tpu.memref_slice %arg2[%dma_start3A_674, %dma_start3A_675] : memref<1000000x32xf32, #tpu.memory_space<hbm>> -> memref<1000000x32xf32, #tpu.memory_space<hbm>>
    tpu.enqueue_indirect_dma source(%dma_start3A_676 : memref<1000000x32xf32, #tpu.memory_space<hbm>>) target(%dma_start3A_670 : memref<128x32xf32, #tpu.memory_space<vmem>>) offsets(%dma_start3A_673 : memref<128xi32, #tpu.memory_space<vmem>>) semaphore(%arg11 : memref<!tpu.dma_semaphore, #tpu.memory_space<semaphore_mem>>)
    %dma_start3A_677 = arith.constant 17 : i32
    %dma_start3A_678 = arith.constant 1 : i32
    %dma_start3A_679 = arith.constant 2 : i32
    %dma_start3A_680 = arith.constant 0 : i32
    %dma_start3A_681 = arith.constant 0 : i32
    %dma_start3A_682 = tpu.memref_slice %arg9[%dma_start3A_678, %dma_start3A_679, %dma_start3A_680, %dma_start3A_681] : memref<2x5x128x32xf32, #tpu.memory_space<vmem>> -> memref<1x1x128x32xf32, #tpu.memory_space<vmem>>
    %dma_start3A_683 = tpu.memref_squeeze %dma_start3A_682 : memref<1x1x128x32xf32, #tpu.memory_space<vmem>> -> memref<128x32xf32, #tpu.memory_space<vmem>>
    %dma_start3A_684 = arith.constant 0 : i32
    %dma_start3A_685 = tpu.memref_slice %arg7[%dma_start3A_677, %dma_start3A_684] : memref<50x128xi32, #tpu.memory_space<vmem>> -> memref<1x128xi32, #tpu.memory_space<vmem>>
    %dma_start3A_686 = tpu.memref_squeeze %dma_start3A_685 : memref<1x128xi32, #tpu.memory_space<vmem>> -> memref<128xi32, #tpu.memory_space<vmem>>
    %dma_start3A_687 = arith.constant 0 : i32
    %dma_start3A_688 = arith.constant 0 : i32
    %dma_start3A_689 = tpu.memref_slice %arg2[%dma_start3A_687, %dma_start3A_688] : memref<1000000x32xf32, #tpu.memory_space<hbm>> -> memref<1000000x32xf32, #tpu.memory_space<hbm>>
    tpu.enqueue_indirect_dma source(%dma_start3A_689 : memref<1000000x32xf32, #tpu.memory_space<hbm>>) target(%dma_start3A_683 : memref<128x32xf32, #tpu.memory_space<vmem>>) offsets(%dma_start3A_686 : memref<128xi32, #tpu.memory_space<vmem>>) semaphore(%arg11 : memref<!tpu.dma_semaphore, #tpu.memory_space<semaphore_mem>>)
    %dma_start3A_690 = arith.constant 18 : i32
    %dma_start3A_691 = arith.constant 1 : i32
    %dma_start3A_692 = arith.constant 3 : i32
    %dma_start3A_693 = arith.constant 0 : i32
    %dma_start3A_694 = arith.constant 0 : i32
    %dma_start3A_695 = tpu.memref_slice %arg9[%dma_start3A_691, %dma_start3A_692, %dma_start3A_693, %dma_start3A_694] : memref<2x5x128x32xf32, #tpu.memory_space<vmem>> -> memref<1x1x128x32xf32, #tpu.memory_space<vmem>>
    %dma_start3A_696 = tpu.memref_squeeze %dma_start3A_695 : memref<1x1x128x32xf32, #tpu.memory_space<vmem>> -> memref<128x32xf32, #tpu.memory_space<vmem>>
    %dma_start3A_697 = arith.constant 0 : i32
    %dma_start3A_698 = tpu.memref_slice %arg7[%dma_start3A_690, %dma_start3A_697] : memref<50x128xi32, #tpu.memory_space<vmem>> -> memref<1x128xi32, #tpu.memory_space<vmem>>
    %dma_start3A_699 = tpu.memref_squeeze %dma_start3A_698 : memref<1x128xi32, #tpu.memory_space<vmem>> -> memref<128xi32, #tpu.memory_space<vmem>>
    %dma_start3A_700 = arith.constant 0 : i32
    %dma_start3A_701 = arith.constant 0 : i32
    %dma_start3A_702 = tpu.memref_slice %arg2[%dma_start3A_700, %dma_start3A_701] : memref<1000000x32xf32, #tpu.memory_space<hbm>> -> memref<1000000x32xf32, #tpu.memory_space<hbm>>
    tpu.enqueue_indirect_dma source(%dma_start3A_702 : memref<1000000x32xf32, #tpu.memory_space<hbm>>) target(%dma_start3A_696 : memref<128x32xf32, #tpu.memory_space<vmem>>) offsets(%dma_start3A_699 : memref<128xi32, #tpu.memory_space<vmem>>) semaphore(%arg11 : memref<!tpu.dma_semaphore, #tpu.memory_space<semaphore_mem>>)
    %dma_start3A_703 = arith.constant 19 : i32
    %dma_start3A_704 = arith.constant 1 : i32
    %dma_start3A_705 = arith.constant 4 : i32
    %dma_start3A_706 = arith.constant 0 : i32
    %dma_start3A_707 = arith.constant 0 : i32
    %dma_start3A_708 = tpu.memref_slice %arg9[%dma_start3A_704, %dma_start3A_705, %dma_start3A_706, %dma_start3A_707] : memref<2x5x128x32xf32, #tpu.memory_space<vmem>> -> memref<1x1x128x32xf32, #tpu.memory_space<vmem>>
    %dma_start3A_709 = tpu.memref_squeeze %dma_start3A_708 : memref<1x1x128x32xf32, #tpu.memory_space<vmem>> -> memref<128x32xf32, #tpu.memory_space<vmem>>
    %dma_start3A_710 = arith.constant 0 : i32
    %dma_start3A_711 = tpu.memref_slice %arg7[%dma_start3A_703, %dma_start3A_710] : memref<50x128xi32, #tpu.memory_space<vmem>> -> memref<1x128xi32, #tpu.memory_space<vmem>>
    %dma_start3A_712 = tpu.memref_squeeze %dma_start3A_711 : memref<1x128xi32, #tpu.memory_space<vmem>> -> memref<128xi32, #tpu.memory_space<vmem>>
    %dma_start3A_713 = arith.constant 0 : i32
    %dma_start3A_714 = arith.constant 0 : i32
    %dma_start3A_715 = tpu.memref_slice %arg2[%dma_start3A_713, %dma_start3A_714] : memref<1000000x32xf32, #tpu.memory_space<hbm>> -> memref<1000000x32xf32, #tpu.memory_space<hbm>>
    tpu.enqueue_indirect_dma source(%dma_start3A_715 : memref<1000000x32xf32, #tpu.memory_space<hbm>>) target(%dma_start3A_709 : memref<128x32xf32, #tpu.memory_space<vmem>>) offsets(%dma_start3A_712 : memref<128xi32, #tpu.memory_space<vmem>>) semaphore(%arg11 : memref<!tpu.dma_semaphore, #tpu.memory_space<semaphore_mem>>)
    %dma_start3A_716 = arith.constant 0 : i32
    %dma_start3A_717 = arith.constant 0 : i32
    %dma_start3A_718 = arith.constant 10 : i32
    %dma_start3A_719 = arith.constant 0 : i32
    %dma_start3A_720 = arith.constant 0 : i32
    %dma_start3A_721 = tpu.memref_slice %arg9[%dma_start3A_716, %dma_start3A_717, %dma_start3A_719, %dma_start3A_720] : memref<2x5x128x32xf32, #tpu.memory_space<vmem>> -> memref<1x1x128x32xf32, #tpu.memory_space<vmem>>
    %dma_start3A_722 = tpu.memref_squeeze %dma_start3A_721 : memref<1x1x128x32xf32, #tpu.memory_space<vmem>> -> memref<128x32xf32, #tpu.memory_space<vmem>>
    %dma_start3A_723 = arith.constant 0 : i32
    %dma_start3A_724 = tpu.memref_slice %arg8[%dma_start3A_718, %dma_start3A_723] : memref<50x128xi32, #tpu.memory_space<vmem>> -> memref<1x128xi32, #tpu.memory_space<vmem>>
    %dma_start3A_725 = tpu.memref_squeeze %dma_start3A_724 : memref<1x128xi32, #tpu.memory_space<vmem>> -> memref<128xi32, #tpu.memory_space<vmem>>
    %dma_start3A_726 = arith.constant 0 : i32
    %dma_start3A_727 = arith.constant 0 : i32
    %dma_start3A_728 = tpu.memref_slice %arg10[%dma_start3A_726, %dma_start3A_727] : memref<2048x32xf32, #tpu.memory_space<vmem_shared>> -> memref<2048x32xf32, #tpu.memory_space<vmem_shared>>
    tpu.enqueue_indirect_dma source(%dma_start3A_722 : memref<128x32xf32, #tpu.memory_space<vmem>>) target(%dma_start3A_728 : memref<2048x32xf32, #tpu.memory_space<vmem_shared>>) offsets(%dma_start3A_725 : memref<128xi32, #tpu.memory_space<vmem>>) semaphore(%arg12 : memref<!tpu.dma_semaphore, #tpu.memory_space<semaphore_mem>>) {add = true}
    %dma_start3A_729 = arith.constant 0 : i32
    %dma_start3A_730 = arith.constant 1 : i32
    %dma_start3A_731 = arith.constant 11 : i32
    %dma_start3A_732 = arith.constant 0 : i32
    %dma_start3A_733 = arith.constant 0 : i32
    %dma_start3A_734 = tpu.memref_slice %arg9[%dma_start3A_729, %dma_start3A_730, %dma_start3A_732, %dma_start3A_733] : memref<2x5x128x32xf32, #tpu.memory_space<vmem>> -> memref<1x1x128x32xf32, #tpu.memory_space<vmem>>
    %dma_start3A_735 = tpu.memref_squeeze %dma_start3A_734 : memref<1x1x128x32xf32, #tpu.memory_space<vmem>> -> memref<128x32xf32, #tpu.memory_space<vmem>>
    %dma_start3A_736 = arith.constant 0 : i32
    %dma_start3A_737 = tpu.memref_slice %arg8[%dma_start3A_731, %dma_start3A_736] : memref<50x128xi32, #tpu.memory_space<vmem>> -> memref<1x128xi32, #tpu.memory_space<vmem>>
    %dma_start3A_738 = tpu.memref_squeeze %dma_start3A_737 : memref<1x128xi32, #tpu.memory_space<vmem>> -> memref<128xi32, #tpu.memory_space<vmem>>
    %dma_start3A_739 = arith.constant 0 : i32
    %dma_start3A_740 = arith.constant 0 : i32
    %dma_start3A_741 = tpu.memref_slice %arg10[%dma_start3A_739, %dma_start3A_740] : memref<2048x32xf32, #tpu.memory_space<vmem_shared>> -> memref<2048x32xf32, #tpu.memory_space<vmem_shared>>
    tpu.enqueue_indirect_dma source(%dma_start3A_735 : memref<128x32xf32, #tpu.memory_space<vmem>>) target(%dma_start3A_741 : memref<2048x32xf32, #tpu.memory_space<vmem_shared>>) offsets(%dma_start3A_738 : memref<128xi32, #tpu.memory_space<vmem>>) semaphore(%arg12 : memref<!tpu.dma_semaphore, #tpu.memory_space<semaphore_mem>>) {add = true}
    %dma_start3A_742 = arith.constant 0 : i32
    %dma_start3A_743 = arith.constant 2 : i32
    %dma_start3A_744 = arith.constant 12 : i32
    %dma_start3A_745 = arith.constant 0 : i32
    %dma_start3A_746 = arith.constant 0 : i32
    %dma_start3A_747 = tpu.memref_slice %arg9[%dma_start3A_742, %dma_start3A_743, %dma_start3A_745, %dma_start3A_746] : memref<2x5x128x32xf32, #tpu.memory_space<vmem>> -> memref<1x1x128x32xf32, #tpu.memory_space<vmem>>
    %dma_start3A_748 = tpu.memref_squeeze %dma_start3A_747 : memref<1x1x128x32xf32, #tpu.memory_space<vmem>> -> memref<128x32xf32, #tpu.memory_space<vmem>>
    %dma_start3A_749 = arith.constant 0 : i32
    %dma_start3A_750 = tpu.memref_slice %arg8[%dma_start3A_744, %dma_start3A_749] : memref<50x128xi32, #tpu.memory_space<vmem>> -> memref<1x128xi32, #tpu.memory_space<vmem>>
    %dma_start3A_751 = tpu.memref_squeeze %dma_start3A_750 : memref<1x128xi32, #tpu.memory_space<vmem>> -> memref<128xi32, #tpu.memory_space<vmem>>
    %dma_start3A_752 = arith.constant 0 : i32
    %dma_start3A_753 = arith.constant 0 : i32
    %dma_start3A_754 = tpu.memref_slice %arg10[%dma_start3A_752, %dma_start3A_753] : memref<2048x32xf32, #tpu.memory_space<vmem_shared>> -> memref<2048x32xf32, #tpu.memory_space<vmem_shared>>
    tpu.enqueue_indirect_dma source(%dma_start3A_748 : memref<128x32xf32, #tpu.memory_space<vmem>>) target(%dma_start3A_754 : memref<2048x32xf32, #tpu.memory_space<vmem_shared>>) offsets(%dma_start3A_751 : memref<128xi32, #tpu.memory_space<vmem>>) semaphore(%arg12 : memref<!tpu.dma_semaphore, #tpu.memory_space<semaphore_mem>>) {add = true}
    %dma_start3A_755 = arith.constant 0 : i32
    %dma_start3A_756 = arith.constant 3 : i32
    %dma_start3A_757 = arith.constant 13 : i32
    %dma_start3A_758 = arith.constant 0 : i32
    %dma_start3A_759 = arith.constant 0 : i32
    %dma_start3A_760 = tpu.memref_slice %arg9[%dma_start3A_755, %dma_start3A_756, %dma_start3A_758, %dma_start3A_759] : memref<2x5x128x32xf32, #tpu.memory_space<vmem>> -> memref<1x1x128x32xf32, #tpu.memory_space<vmem>>
    %dma_start3A_761 = tpu.memref_squeeze %dma_start3A_760 : memref<1x1x128x32xf32, #tpu.memory_space<vmem>> -> memref<128x32xf32, #tpu.memory_space<vmem>>
    %dma_start3A_762 = arith.constant 0 : i32
    %dma_start3A_763 = tpu.memref_slice %arg8[%dma_start3A_757, %dma_start3A_762] : memref<50x128xi32, #tpu.memory_space<vmem>> -> memref<1x128xi32, #tpu.memory_space<vmem>>
    %dma_start3A_764 = tpu.memref_squeeze %dma_start3A_763 : memref<1x128xi32, #tpu.memory_space<vmem>> -> memref<128xi32, #tpu.memory_space<vmem>>
    %dma_start3A_765 = arith.constant 0 : i32
    %dma_start3A_766 = arith.constant 0 : i32
    %dma_start3A_767 = tpu.memref_slice %arg10[%dma_start3A_765, %dma_start3A_766] : memref<2048x32xf32, #tpu.memory_space<vmem_shared>> -> memref<2048x32xf32, #tpu.memory_space<vmem_shared>>
    tpu.enqueue_indirect_dma source(%dma_start3A_761 : memref<128x32xf32, #tpu.memory_space<vmem>>) target(%dma_start3A_767 : memref<2048x32xf32, #tpu.memory_space<vmem_shared>>) offsets(%dma_start3A_764 : memref<128xi32, #tpu.memory_space<vmem>>) semaphore(%arg12 : memref<!tpu.dma_semaphore, #tpu.memory_space<semaphore_mem>>) {add = true}
    %dma_start3A_768 = arith.constant 0 : i32
    %dma_start3A_769 = arith.constant 4 : i32
    %dma_start3A_770 = arith.constant 14 : i32
    %dma_start3A_771 = arith.constant 0 : i32
    %dma_start3A_772 = arith.constant 0 : i32
    %dma_start3A_773 = tpu.memref_slice %arg9[%dma_start3A_768, %dma_start3A_769, %dma_start3A_771, %dma_start3A_772] : memref<2x5x128x32xf32, #tpu.memory_space<vmem>> -> memref<1x1x128x32xf32, #tpu.memory_space<vmem>>
    %dma_start3A_774 = tpu.memref_squeeze %dma_start3A_773 : memref<1x1x128x32xf32, #tpu.memory_space<vmem>> -> memref<128x32xf32, #tpu.memory_space<vmem>>
    %dma_start3A_775 = arith.constant 0 : i32
    %dma_start3A_776 = tpu.memref_slice %arg8[%dma_start3A_770, %dma_start3A_775] : memref<50x128xi32, #tpu.memory_space<vmem>> -> memref<1x128xi32, #tpu.memory_space<vmem>>
    %dma_start3A_777 = tpu.memref_squeeze %dma_start3A_776 : memref<1x128xi32, #tpu.memory_space<vmem>> -> memref<128xi32, #tpu.memory_space<vmem>>
    %dma_start3A_778 = arith.constant 0 : i32
    %dma_start3A_779 = arith.constant 0 : i32
    %dma_start3A_780 = tpu.memref_slice %arg10[%dma_start3A_778, %dma_start3A_779] : memref<2048x32xf32, #tpu.memory_space<vmem_shared>> -> memref<2048x32xf32, #tpu.memory_space<vmem_shared>>
    tpu.enqueue_indirect_dma source(%dma_start3A_774 : memref<128x32xf32, #tpu.memory_space<vmem>>) target(%dma_start3A_780 : memref<2048x32xf32, #tpu.memory_space<vmem_shared>>) offsets(%dma_start3A_777 : memref<128xi32, #tpu.memory_space<vmem>>) semaphore(%arg12 : memref<!tpu.dma_semaphore, #tpu.memory_space<semaphore_mem>>) {add = true}
    %dma_wait3A_781 = arith.constant 15 : i32
    %dma_wait3A_782 = arith.constant 1 : i32
    %dma_wait3A_783 = arith.constant 0 : i32
    %dma_wait3A_784 = arith.constant 0 : i32
    %dma_wait3A_785 = arith.constant 0 : i32
    %dma_wait3A_786 = tpu.memref_slice %arg9[%dma_wait3A_782, %dma_wait3A_783, %dma_wait3A_784, %dma_wait3A_785] : memref<2x5x128x32xf32, #tpu.memory_space<vmem>> -> memref<1x1x128x32xf32, #tpu.memory_space<vmem>>
    %dma_wait3A_787 = tpu.memref_squeeze %dma_wait3A_786 : memref<1x1x128x32xf32, #tpu.memory_space<vmem>> -> memref<128x32xf32, #tpu.memory_space<vmem>>
    %dma_wait3A_788 = arith.constant 0 : i32
    %dma_wait3A_789 = tpu.memref_slice %arg7[%dma_wait3A_781, %dma_wait3A_788] : memref<50x128xi32, #tpu.memory_space<vmem>> -> memref<1x128xi32, #tpu.memory_space<vmem>>
    %dma_wait3A_790 = tpu.memref_squeeze %dma_wait3A_789 : memref<1x128xi32, #tpu.memory_space<vmem>> -> memref<128xi32, #tpu.memory_space<vmem>>
    %dma_wait3A_791 = arith.constant 0 : i32
    %dma_wait3A_792 = arith.constant 0 : i32
    %dma_wait3A_793 = tpu.memref_slice %arg2[%dma_wait3A_791, %dma_wait3A_792] : memref<1000000x32xf32, #tpu.memory_space<hbm>> -> memref<1000000x32xf32, #tpu.memory_space<hbm>>
    tpu.wait_indirect_dma semaphore(%arg11 : memref<!tpu.dma_semaphore, #tpu.memory_space<semaphore_mem>>) src(%dma_wait3A_793 : memref<1000000x32xf32, #tpu.memory_space<hbm>>) dst(%dma_wait3A_787 : memref<128x32xf32, #tpu.memory_space<vmem>>)
    %dma_wait3A_794 = arith.constant 16 : i32
    %dma_wait3A_795 = arith.constant 1 : i32
    %dma_wait3A_796 = arith.constant 1 : i32
    %dma_wait3A_797 = arith.constant 0 : i32
    %dma_wait3A_798 = arith.constant 0 : i32
    %dma_wait3A_799 = tpu.memref_slice %arg9[%dma_wait3A_795, %dma_wait3A_796, %dma_wait3A_797, %dma_wait3A_798] : memref<2x5x128x32xf32, #tpu.memory_space<vmem>> -> memref<1x1x128x32xf32, #tpu.memory_space<vmem>>
    %dma_wait3A_800 = tpu.memref_squeeze %dma_wait3A_799 : memref<1x1x128x32xf32, #tpu.memory_space<vmem>> -> memref<128x32xf32, #tpu.memory_space<vmem>>
    %dma_wait3A_801 = arith.constant 0 : i32
    %dma_wait3A_802 = tpu.memref_slice %arg7[%dma_wait3A_794, %dma_wait3A_801] : memref<50x128xi32, #tpu.memory_space<vmem>> -> memref<1x128xi32, #tpu.memory_space<vmem>>
    %dma_wait3A_803 = tpu.memref_squeeze %dma_wait3A_802 : memref<1x128xi32, #tpu.memory_space<vmem>> -> memref<128xi32, #tpu.memory_space<vmem>>
    %dma_wait3A_804 = arith.constant 0 : i32
    %dma_wait3A_805 = arith.constant 0 : i32
    %dma_wait3A_806 = tpu.memref_slice %arg2[%dma_wait3A_804, %dma_wait3A_805] : memref<1000000x32xf32, #tpu.memory_space<hbm>> -> memref<1000000x32xf32, #tpu.memory_space<hbm>>
    tpu.wait_indirect_dma semaphore(%arg11 : memref<!tpu.dma_semaphore, #tpu.memory_space<semaphore_mem>>) src(%dma_wait3A_806 : memref<1000000x32xf32, #tpu.memory_space<hbm>>) dst(%dma_wait3A_800 : memref<128x32xf32, #tpu.memory_space<vmem>>)
    %dma_wait3A_807 = arith.constant 17 : i32
    %dma_wait3A_808 = arith.constant 1 : i32
    %dma_wait3A_809 = arith.constant 2 : i32
    %dma_wait3A_810 = arith.constant 0 : i32
    %dma_wait3A_811 = arith.constant 0 : i32
    %dma_wait3A_812 = tpu.memref_slice %arg9[%dma_wait3A_808, %dma_wait3A_809, %dma_wait3A_810, %dma_wait3A_811] : memref<2x5x128x32xf32, #tpu.memory_space<vmem>> -> memref<1x1x128x32xf32, #tpu.memory_space<vmem>>
    %dma_wait3A_813 = tpu.memref_squeeze %dma_wait3A_812 : memref<1x1x128x32xf32, #tpu.memory_space<vmem>> -> memref<128x32xf32, #tpu.memory_space<vmem>>
    %dma_wait3A_814 = arith.constant 0 : i32
    %dma_wait3A_815 = tpu.memref_slice %arg7[%dma_wait3A_807, %dma_wait3A_814] : memref<50x128xi32, #tpu.memory_space<vmem>> -> memref<1x128xi32, #tpu.memory_space<vmem>>
    %dma_wait3A_816 = tpu.memref_squeeze %dma_wait3A_815 : memref<1x128xi32, #tpu.memory_space<vmem>> -> memref<128xi32, #tpu.memory_space<vmem>>
    %dma_wait3A_817 = arith.constant 0 : i32
    %dma_wait3A_818 = arith.constant 0 : i32
    %dma_wait3A_819 = tpu.memref_slice %arg2[%dma_wait3A_817, %dma_wait3A_818] : memref<1000000x32xf32, #tpu.memory_space<hbm>> -> memref<1000000x32xf32, #tpu.memory_space<hbm>>
    tpu.wait_indirect_dma semaphore(%arg11 : memref<!tpu.dma_semaphore, #tpu.memory_space<semaphore_mem>>) src(%dma_wait3A_819 : memref<1000000x32xf32, #tpu.memory_space<hbm>>) dst(%dma_wait3A_813 : memref<128x32xf32, #tpu.memory_space<vmem>>)
    %dma_wait3A_820 = arith.constant 18 : i32
    %dma_wait3A_821 = arith.constant 1 : i32
    %dma_wait3A_822 = arith.constant 3 : i32
    %dma_wait3A_823 = arith.constant 0 : i32
    %dma_wait3A_824 = arith.constant 0 : i32
    %dma_wait3A_825 = tpu.memref_slice %arg9[%dma_wait3A_821, %dma_wait3A_822, %dma_wait3A_823, %dma_wait3A_824] : memref<2x5x128x32xf32, #tpu.memory_space<vmem>> -> memref<1x1x128x32xf32, #tpu.memory_space<vmem>>
    %dma_wait3A_826 = tpu.memref_squeeze %dma_wait3A_825 : memref<1x1x128x32xf32, #tpu.memory_space<vmem>> -> memref<128x32xf32, #tpu.memory_space<vmem>>
    %dma_wait3A_827 = arith.constant 0 : i32
    %dma_wait3A_828 = tpu.memref_slice %arg7[%dma_wait3A_820, %dma_wait3A_827] : memref<50x128xi32, #tpu.memory_space<vmem>> -> memref<1x128xi32, #tpu.memory_space<vmem>>
    %dma_wait3A_829 = tpu.memref_squeeze %dma_wait3A_828 : memref<1x128xi32, #tpu.memory_space<vmem>> -> memref<128xi32, #tpu.memory_space<vmem>>
    %dma_wait3A_830 = arith.constant 0 : i32
    %dma_wait3A_831 = arith.constant 0 : i32
    %dma_wait3A_832 = tpu.memref_slice %arg2[%dma_wait3A_830, %dma_wait3A_831] : memref<1000000x32xf32, #tpu.memory_space<hbm>> -> memref<1000000x32xf32, #tpu.memory_space<hbm>>
    tpu.wait_indirect_dma semaphore(%arg11 : memref<!tpu.dma_semaphore, #tpu.memory_space<semaphore_mem>>) src(%dma_wait3A_832 : memref<1000000x32xf32, #tpu.memory_space<hbm>>) dst(%dma_wait3A_826 : memref<128x32xf32, #tpu.memory_space<vmem>>)
    %dma_wait3A_833 = arith.constant 19 : i32
    %dma_wait3A_834 = arith.constant 1 : i32
    %dma_wait3A_835 = arith.constant 4 : i32
    %dma_wait3A_836 = arith.constant 0 : i32
    %dma_wait3A_837 = arith.constant 0 : i32
    %dma_wait3A_838 = tpu.memref_slice %arg9[%dma_wait3A_834, %dma_wait3A_835, %dma_wait3A_836, %dma_wait3A_837] : memref<2x5x128x32xf32, #tpu.memory_space<vmem>> -> memref<1x1x128x32xf32, #tpu.memory_space<vmem>>
    %dma_wait3A_839 = tpu.memref_squeeze %dma_wait3A_838 : memref<1x1x128x32xf32, #tpu.memory_space<vmem>> -> memref<128x32xf32, #tpu.memory_space<vmem>>
    %dma_wait3A_840 = arith.constant 0 : i32
    %dma_wait3A_841 = tpu.memref_slice %arg7[%dma_wait3A_833, %dma_wait3A_840] : memref<50x128xi32, #tpu.memory_space<vmem>> -> memref<1x128xi32, #tpu.memory_space<vmem>>
    %dma_wait3A_842 = tpu.memref_squeeze %dma_wait3A_841 : memref<1x128xi32, #tpu.memory_space<vmem>> -> memref<128xi32, #tpu.memory_space<vmem>>
    %dma_wait3A_843 = arith.constant 0 : i32
    %dma_wait3A_844 = arith.constant 0 : i32
    %dma_wait3A_845 = tpu.memref_slice %arg2[%dma_wait3A_843, %dma_wait3A_844] : memref<1000000x32xf32, #tpu.memory_space<hbm>> -> memref<1000000x32xf32, #tpu.memory_space<hbm>>
    tpu.wait_indirect_dma semaphore(%arg11 : memref<!tpu.dma_semaphore, #tpu.memory_space<semaphore_mem>>) src(%dma_wait3A_845 : memref<1000000x32xf32, #tpu.memory_space<hbm>>) dst(%dma_wait3A_839 : memref<128x32xf32, #tpu.memory_space<vmem>>)
    %dma_wait3A_846 = arith.constant 0 : i32
    %dma_wait3A_847 = arith.constant 0 : i32
    %dma_wait3A_848 = arith.constant 10 : i32
    %dma_wait3A_849 = arith.constant 0 : i32
    %dma_wait3A_850 = arith.constant 0 : i32
    %dma_wait3A_851 = tpu.memref_slice %arg9[%dma_wait3A_846, %dma_wait3A_847, %dma_wait3A_849, %dma_wait3A_850] : memref<2x5x128x32xf32, #tpu.memory_space<vmem>> -> memref<1x1x128x32xf32, #tpu.memory_space<vmem>>
    %dma_wait3A_852 = tpu.memref_squeeze %dma_wait3A_851 : memref<1x1x128x32xf32, #tpu.memory_space<vmem>> -> memref<128x32xf32, #tpu.memory_space<vmem>>
    %dma_wait3A_853 = arith.constant 0 : i32
    %dma_wait3A_854 = tpu.memref_slice %arg8[%dma_wait3A_848, %dma_wait3A_853] : memref<50x128xi32, #tpu.memory_space<vmem>> -> memref<1x128xi32, #tpu.memory_space<vmem>>
    %dma_wait3A_855 = tpu.memref_squeeze %dma_wait3A_854 : memref<1x128xi32, #tpu.memory_space<vmem>> -> memref<128xi32, #tpu.memory_space<vmem>>
    %dma_wait3A_856 = arith.constant 0 : i32
    %dma_wait3A_857 = arith.constant 0 : i32
    %dma_wait3A_858 = tpu.memref_slice %arg10[%dma_wait3A_856, %dma_wait3A_857] : memref<2048x32xf32, #tpu.memory_space<vmem_shared>> -> memref<2048x32xf32, #tpu.memory_space<vmem_shared>>
    tpu.wait_indirect_dma semaphore(%arg12 : memref<!tpu.dma_semaphore, #tpu.memory_space<semaphore_mem>>) src(%dma_wait3A_852 : memref<128x32xf32, #tpu.memory_space<vmem>>) dst(%dma_wait3A_858 : memref<2048x32xf32, #tpu.memory_space<vmem_shared>>)
    %dma_wait3A_859 = arith.constant 0 : i32
    %dma_wait3A_860 = arith.constant 1 : i32
    %dma_wait3A_861 = arith.constant 11 : i32
    %dma_wait3A_862 = arith.constant 0 : i32
    %dma_wait3A_863 = arith.constant 0 : i32
    %dma_wait3A_864 = tpu.memref_slice %arg9[%dma_wait3A_859, %dma_wait3A_860, %dma_wait3A_862, %dma_wait3A_863] : memref<2x5x128x32xf32, #tpu.memory_space<vmem>> -> memref<1x1x128x32xf32, #tpu.memory_space<vmem>>
    %dma_wait3A_865 = tpu.memref_squeeze %dma_wait3A_864 : memref<1x1x128x32xf32, #tpu.memory_space<vmem>> -> memref<128x32xf32, #tpu.memory_space<vmem>>
    %dma_wait3A_866 = arith.constant 0 : i32
    %dma_wait3A_867 = tpu.memref_slice %arg8[%dma_wait3A_861, %dma_wait3A_866] : memref<50x128xi32, #tpu.memory_space<vmem>> -> memref<1x128xi32, #tpu.memory_space<vmem>>
    %dma_wait3A_868 = tpu.memref_squeeze %dma_wait3A_867 : memref<1x128xi32, #tpu.memory_space<vmem>> -> memref<128xi32, #tpu.memory_space<vmem>>
    %dma_wait3A_869 = arith.constant 0 : i32
    %dma_wait3A_870 = arith.constant 0 : i32
    %dma_wait3A_871 = tpu.memref_slice %arg10[%dma_wait3A_869, %dma_wait3A_870] : memref<2048x32xf32, #tpu.memory_space<vmem_shared>> -> memref<2048x32xf32, #tpu.memory_space<vmem_shared>>
    tpu.wait_indirect_dma semaphore(%arg12 : memref<!tpu.dma_semaphore, #tpu.memory_space<semaphore_mem>>) src(%dma_wait3A_865 : memref<128x32xf32, #tpu.memory_space<vmem>>) dst(%dma_wait3A_871 : memref<2048x32xf32, #tpu.memory_space<vmem_shared>>)
    %dma_wait3A_872 = arith.constant 0 : i32
    %dma_wait3A_873 = arith.constant 2 : i32
    %dma_wait3A_874 = arith.constant 12 : i32
    %dma_wait3A_875 = arith.constant 0 : i32
    %dma_wait3A_876 = arith.constant 0 : i32
    %dma_wait3A_877 = tpu.memref_slice %arg9[%dma_wait3A_872, %dma_wait3A_873, %dma_wait3A_875, %dma_wait3A_876] : memref<2x5x128x32xf32, #tpu.memory_space<vmem>> -> memref<1x1x128x32xf32, #tpu.memory_space<vmem>>
    %dma_wait3A_878 = tpu.memref_squeeze %dma_wait3A_877 : memref<1x1x128x32xf32, #tpu.memory_space<vmem>> -> memref<128x32xf32, #tpu.memory_space<vmem>>
    %dma_wait3A_879 = arith.constant 0 : i32
    %dma_wait3A_880 = tpu.memref_slice %arg8[%dma_wait3A_874, %dma_wait3A_879] : memref<50x128xi32, #tpu.memory_space<vmem>> -> memref<1x128xi32, #tpu.memory_space<vmem>>
    %dma_wait3A_881 = tpu.memref_squeeze %dma_wait3A_880 : memref<1x128xi32, #tpu.memory_space<vmem>> -> memref<128xi32, #tpu.memory_space<vmem>>
    %dma_wait3A_882 = arith.constant 0 : i32
    %dma_wait3A_883 = arith.constant 0 : i32
    %dma_wait3A_884 = tpu.memref_slice %arg10[%dma_wait3A_882, %dma_wait3A_883] : memref<2048x32xf32, #tpu.memory_space<vmem_shared>> -> memref<2048x32xf32, #tpu.memory_space<vmem_shared>>
    tpu.wait_indirect_dma semaphore(%arg12 : memref<!tpu.dma_semaphore, #tpu.memory_space<semaphore_mem>>) src(%dma_wait3A_878 : memref<128x32xf32, #tpu.memory_space<vmem>>) dst(%dma_wait3A_884 : memref<2048x32xf32, #tpu.memory_space<vmem_shared>>)
    %dma_wait3A_885 = arith.constant 0 : i32
    %dma_wait3A_886 = arith.constant 3 : i32
    %dma_wait3A_887 = arith.constant 13 : i32
    %dma_wait3A_888 = arith.constant 0 : i32
    %dma_wait3A_889 = arith.constant 0 : i32
    %dma_wait3A_890 = tpu.memref_slice %arg9[%dma_wait3A_885, %dma_wait3A_886, %dma_wait3A_888, %dma_wait3A_889] : memref<2x5x128x32xf32, #tpu.memory_space<vmem>> -> memref<1x1x128x32xf32, #tpu.memory_space<vmem>>
    %dma_wait3A_891 = tpu.memref_squeeze %dma_wait3A_890 : memref<1x1x128x32xf32, #tpu.memory_space<vmem>> -> memref<128x32xf32, #tpu.memory_space<vmem>>
    %dma_wait3A_892 = arith.constant 0 : i32
    %dma_wait3A_893 = tpu.memref_slice %arg8[%dma_wait3A_887, %dma_wait3A_892] : memref<50x128xi32, #tpu.memory_space<vmem>> -> memref<1x128xi32, #tpu.memory_space<vmem>>
    %dma_wait3A_894 = tpu.memref_squeeze %dma_wait3A_893 : memref<1x128xi32, #tpu.memory_space<vmem>> -> memref<128xi32, #tpu.memory_space<vmem>>
    %dma_wait3A_895 = arith.constant 0 : i32
    %dma_wait3A_896 = arith.constant 0 : i32
    %dma_wait3A_897 = tpu.memref_slice %arg10[%dma_wait3A_895, %dma_wait3A_896] : memref<2048x32xf32, #tpu.memory_space<vmem_shared>> -> memref<2048x32xf32, #tpu.memory_space<vmem_shared>>
    tpu.wait_indirect_dma semaphore(%arg12 : memref<!tpu.dma_semaphore, #tpu.memory_space<semaphore_mem>>) src(%dma_wait3A_891 : memref<128x32xf32, #tpu.memory_space<vmem>>) dst(%dma_wait3A_897 : memref<2048x32xf32, #tpu.memory_space<vmem_shared>>)
    %dma_wait3A_898 = arith.constant 0 : i32
    %dma_wait3A_899 = arith.constant 4 : i32
    %dma_wait3A_900 = arith.constant 14 : i32
    %dma_wait3A_901 = arith.constant 0 : i32
    %dma_wait3A_902 = arith.constant 0 : i32
    %dma_wait3A_903 = tpu.memref_slice %arg9[%dma_wait3A_898, %dma_wait3A_899, %dma_wait3A_901, %dma_wait3A_902] : memref<2x5x128x32xf32, #tpu.memory_space<vmem>> -> memref<1x1x128x32xf32, #tpu.memory_space<vmem>>
    %dma_wait3A_904 = tpu.memref_squeeze %dma_wait3A_903 : memref<1x1x128x32xf32, #tpu.memory_space<vmem>> -> memref<128x32xf32, #tpu.memory_space<vmem>>
    %dma_wait3A_905 = arith.constant 0 : i32
    %dma_wait3A_906 = tpu.memref_slice %arg8[%dma_wait3A_900, %dma_wait3A_905] : memref<50x128xi32, #tpu.memory_space<vmem>> -> memref<1x128xi32, #tpu.memory_space<vmem>>
    %dma_wait3A_907 = tpu.memref_squeeze %dma_wait3A_906 : memref<1x128xi32, #tpu.memory_space<vmem>> -> memref<128xi32, #tpu.memory_space<vmem>>
    %dma_wait3A_908 = arith.constant 0 : i32
    %dma_wait3A_909 = arith.constant 0 : i32
    %dma_wait3A_910 = tpu.memref_slice %arg10[%dma_wait3A_908, %dma_wait3A_909] : memref<2048x32xf32, #tpu.memory_space<vmem_shared>> -> memref<2048x32xf32, #tpu.memory_space<vmem_shared>>
    tpu.wait_indirect_dma semaphore(%arg12 : memref<!tpu.dma_semaphore, #tpu.memory_space<semaphore_mem>>) src(%dma_wait3A_904 : memref<128x32xf32, #tpu.memory_space<vmem>>) dst(%dma_wait3A_910 : memref<2048x32xf32, #tpu.memory_space<vmem_shared>>)
    %dma_start3A_911 = arith.constant 20 : i32
    %dma_start3A_912 = arith.constant 0 : i32
    %dma_start3A_913 = arith.constant 0 : i32
    %dma_start3A_914 = arith.constant 0 : i32
    %dma_start3A_915 = arith.constant 0 : i32
    %dma_start3A_916 = tpu.memref_slice %arg9[%dma_start3A_912, %dma_start3A_913, %dma_start3A_914, %dma_start3A_915] : memref<2x5x128x32xf32, #tpu.memory_space<vmem>> -> memref<1x1x128x32xf32, #tpu.memory_space<vmem>>
    %dma_start3A_917 = tpu.memref_squeeze %dma_start3A_916 : memref<1x1x128x32xf32, #tpu.memory_space<vmem>> -> memref<128x32xf32, #tpu.memory_space<vmem>>
    %dma_start3A_918 = arith.constant 0 : i32
    %dma_start3A_919 = tpu.memref_slice %arg7[%dma_start3A_911, %dma_start3A_918] : memref<50x128xi32, #tpu.memory_space<vmem>> -> memref<1x128xi32, #tpu.memory_space<vmem>>
    %dma_start3A_920 = tpu.memref_squeeze %dma_start3A_919 : memref<1x128xi32, #tpu.memory_space<vmem>> -> memref<128xi32, #tpu.memory_space<vmem>>
    %dma_start3A_921 = arith.constant 0 : i32
    %dma_start3A_922 = arith.constant 0 : i32
    %dma_start3A_923 = tpu.memref_slice %arg2[%dma_start3A_921, %dma_start3A_922] : memref<1000000x32xf32, #tpu.memory_space<hbm>> -> memref<1000000x32xf32, #tpu.memory_space<hbm>>
    tpu.enqueue_indirect_dma source(%dma_start3A_923 : memref<1000000x32xf32, #tpu.memory_space<hbm>>) target(%dma_start3A_917 : memref<128x32xf32, #tpu.memory_space<vmem>>) offsets(%dma_start3A_920 : memref<128xi32, #tpu.memory_space<vmem>>) semaphore(%arg11 : memref<!tpu.dma_semaphore, #tpu.memory_space<semaphore_mem>>)
    %dma_start3A_924 = arith.constant 21 : i32
    %dma_start3A_925 = arith.constant 0 : i32
    %dma_start3A_926 = arith.constant 1 : i32
    %dma_start3A_927 = arith.constant 0 : i32
    %dma_start3A_928 = arith.constant 0 : i32
    %dma_start3A_929 = tpu.memref_slice %arg9[%dma_start3A_925, %dma_start3A_926, %dma_start3A_927, %dma_start3A_928] : memref<2x5x128x32xf32, #tpu.memory_space<vmem>> -> memref<1x1x128x32xf32, #tpu.memory_space<vmem>>
    %dma_start3A_930 = tpu.memref_squeeze %dma_start3A_929 : memref<1x1x128x32xf32, #tpu.memory_space<vmem>> -> memref<128x32xf32, #tpu.memory_space<vmem>>
    %dma_start3A_931 = arith.constant 0 : i32
    %dma_start3A_932 = tpu.memref_slice %arg7[%dma_start3A_924, %dma_start3A_931] : memref<50x128xi32, #tpu.memory_space<vmem>> -> memref<1x128xi32, #tpu.memory_space<vmem>>
    %dma_start3A_933 = tpu.memref_squeeze %dma_start3A_932 : memref<1x128xi32, #tpu.memory_space<vmem>> -> memref<128xi32, #tpu.memory_space<vmem>>
    %dma_start3A_934 = arith.constant 0 : i32
    %dma_start3A_935 = arith.constant 0 : i32
    %dma_start3A_936 = tpu.memref_slice %arg2[%dma_start3A_934, %dma_start3A_935] : memref<1000000x32xf32, #tpu.memory_space<hbm>> -> memref<1000000x32xf32, #tpu.memory_space<hbm>>
    tpu.enqueue_indirect_dma source(%dma_start3A_936 : memref<1000000x32xf32, #tpu.memory_space<hbm>>) target(%dma_start3A_930 : memref<128x32xf32, #tpu.memory_space<vmem>>) offsets(%dma_start3A_933 : memref<128xi32, #tpu.memory_space<vmem>>) semaphore(%arg11 : memref<!tpu.dma_semaphore, #tpu.memory_space<semaphore_mem>>)
    %dma_start3A_937 = arith.constant 22 : i32
    %dma_start3A_938 = arith.constant 0 : i32
    %dma_start3A_939 = arith.constant 2 : i32
    %dma_start3A_940 = arith.constant 0 : i32
    %dma_start3A_941 = arith.constant 0 : i32
    %dma_start3A_942 = tpu.memref_slice %arg9[%dma_start3A_938, %dma_start3A_939, %dma_start3A_940, %dma_start3A_941] : memref<2x5x128x32xf32, #tpu.memory_space<vmem>> -> memref<1x1x128x32xf32, #tpu.memory_space<vmem>>
    %dma_start3A_943 = tpu.memref_squeeze %dma_start3A_942 : memref<1x1x128x32xf32, #tpu.memory_space<vmem>> -> memref<128x32xf32, #tpu.memory_space<vmem>>
    %dma_start3A_944 = arith.constant 0 : i32
    %dma_start3A_945 = tpu.memref_slice %arg7[%dma_start3A_937, %dma_start3A_944] : memref<50x128xi32, #tpu.memory_space<vmem>> -> memref<1x128xi32, #tpu.memory_space<vmem>>
    %dma_start3A_946 = tpu.memref_squeeze %dma_start3A_945 : memref<1x128xi32, #tpu.memory_space<vmem>> -> memref<128xi32, #tpu.memory_space<vmem>>
    %dma_start3A_947 = arith.constant 0 : i32
    %dma_start3A_948 = arith.constant 0 : i32
    %dma_start3A_949 = tpu.memref_slice %arg2[%dma_start3A_947, %dma_start3A_948] : memref<1000000x32xf32, #tpu.memory_space<hbm>> -> memref<1000000x32xf32, #tpu.memory_space<hbm>>
    tpu.enqueue_indirect_dma source(%dma_start3A_949 : memref<1000000x32xf32, #tpu.memory_space<hbm>>) target(%dma_start3A_943 : memref<128x32xf32, #tpu.memory_space<vmem>>) offsets(%dma_start3A_946 : memref<128xi32, #tpu.memory_space<vmem>>) semaphore(%arg11 : memref<!tpu.dma_semaphore, #tpu.memory_space<semaphore_mem>>)
    %dma_start3A_950 = arith.constant 23 : i32
    %dma_start3A_951 = arith.constant 0 : i32
    %dma_start3A_952 = arith.constant 3 : i32
    %dma_start3A_953 = arith.constant 0 : i32
    %dma_start3A_954 = arith.constant 0 : i32
    %dma_start3A_955 = tpu.memref_slice %arg9[%dma_start3A_951, %dma_start3A_952, %dma_start3A_953, %dma_start3A_954] : memref<2x5x128x32xf32, #tpu.memory_space<vmem>> -> memref<1x1x128x32xf32, #tpu.memory_space<vmem>>
    %dma_start3A_956 = tpu.memref_squeeze %dma_start3A_955 : memref<1x1x128x32xf32, #tpu.memory_space<vmem>> -> memref<128x32xf32, #tpu.memory_space<vmem>>
    %dma_start3A_957 = arith.constant 0 : i32
    %dma_start3A_958 = tpu.memref_slice %arg7[%dma_start3A_950, %dma_start3A_957] : memref<50x128xi32, #tpu.memory_space<vmem>> -> memref<1x128xi32, #tpu.memory_space<vmem>>
    %dma_start3A_959 = tpu.memref_squeeze %dma_start3A_958 : memref<1x128xi32, #tpu.memory_space<vmem>> -> memref<128xi32, #tpu.memory_space<vmem>>
    %dma_start3A_960 = arith.constant 0 : i32
    %dma_start3A_961 = arith.constant 0 : i32
    %dma_start3A_962 = tpu.memref_slice %arg2[%dma_start3A_960, %dma_start3A_961] : memref<1000000x32xf32, #tpu.memory_space<hbm>> -> memref<1000000x32xf32, #tpu.memory_space<hbm>>
    tpu.enqueue_indirect_dma source(%dma_start3A_962 : memref<1000000x32xf32, #tpu.memory_space<hbm>>) target(%dma_start3A_956 : memref<128x32xf32, #tpu.memory_space<vmem>>) offsets(%dma_start3A_959 : memref<128xi32, #tpu.memory_space<vmem>>) semaphore(%arg11 : memref<!tpu.dma_semaphore, #tpu.memory_space<semaphore_mem>>)
    %dma_start3A_963 = arith.constant 24 : i32
    %dma_start3A_964 = arith.constant 0 : i32
    %dma_start3A_965 = arith.constant 4 : i32
    %dma_start3A_966 = arith.constant 0 : i32
    %dma_start3A_967 = arith.constant 0 : i32
    %dma_start3A_968 = tpu.memref_slice %arg9[%dma_start3A_964, %dma_start3A_965, %dma_start3A_966, %dma_start3A_967] : memref<2x5x128x32xf32, #tpu.memory_space<vmem>> -> memref<1x1x128x32xf32, #tpu.memory_space<vmem>>
    %dma_start3A_969 = tpu.memref_squeeze %dma_start3A_968 : memref<1x1x128x32xf32, #tpu.memory_space<vmem>> -> memref<128x32xf32, #tpu.memory_space<vmem>>
    %dma_start3A_970 = arith.constant 0 : i32
    %dma_start3A_971 = tpu.memref_slice %arg7[%dma_start3A_963, %dma_start3A_970] : memref<50x128xi32, #tpu.memory_space<vmem>> -> memref<1x128xi32, #tpu.memory_space<vmem>>
    %dma_start3A_972 = tpu.memref_squeeze %dma_start3A_971 : memref<1x128xi32, #tpu.memory_space<vmem>> -> memref<128xi32, #tpu.memory_space<vmem>>
    %dma_start3A_973 = arith.constant 0 : i32
    %dma_start3A_974 = arith.constant 0 : i32
    %dma_start3A_975 = tpu.memref_slice %arg2[%dma_start3A_973, %dma_start3A_974] : memref<1000000x32xf32, #tpu.memory_space<hbm>> -> memref<1000000x32xf32, #tpu.memory_space<hbm>>
    tpu.enqueue_indirect_dma source(%dma_start3A_975 : memref<1000000x32xf32, #tpu.memory_space<hbm>>) target(%dma_start3A_969 : memref<128x32xf32, #tpu.memory_space<vmem>>) offsets(%dma_start3A_972 : memref<128xi32, #tpu.memory_space<vmem>>) semaphore(%arg11 : memref<!tpu.dma_semaphore, #tpu.memory_space<semaphore_mem>>)
    %dma_start3A_976 = arith.constant 1 : i32
    %dma_start3A_977 = arith.constant 0 : i32
    %dma_start3A_978 = arith.constant 15 : i32
    %dma_start3A_979 = arith.constant 0 : i32
    %dma_start3A_980 = arith.constant 0 : i32
    %dma_start3A_981 = tpu.memref_slice %arg9[%dma_start3A_976, %dma_start3A_977, %dma_start3A_979, %dma_start3A_980] : memref<2x5x128x32xf32, #tpu.memory_space<vmem>> -> memref<1x1x128x32xf32, #tpu.memory_space<vmem>>
    %dma_start3A_982 = tpu.memref_squeeze %dma_start3A_981 : memref<1x1x128x32xf32, #tpu.memory_space<vmem>> -> memref<128x32xf32, #tpu.memory_space<vmem>>
    %dma_start3A_983 = arith.constant 0 : i32
    %dma_start3A_984 = tpu.memref_slice %arg8[%dma_start3A_978, %dma_start3A_983] : memref<50x128xi32, #tpu.memory_space<vmem>> -> memref<1x128xi32, #tpu.memory_space<vmem>>
    %dma_start3A_985 = tpu.memref_squeeze %dma_start3A_984 : memref<1x128xi32, #tpu.memory_space<vmem>> -> memref<128xi32, #tpu.memory_space<vmem>>
    %dma_start3A_986 = arith.constant 0 : i32
    %dma_start3A_987 = arith.constant 0 : i32
    %dma_start3A_988 = tpu.memref_slice %arg10[%dma_start3A_986, %dma_start3A_987] : memref<2048x32xf32, #tpu.memory_space<vmem_shared>> -> memref<2048x32xf32, #tpu.memory_space<vmem_shared>>
    tpu.enqueue_indirect_dma source(%dma_start3A_982 : memref<128x32xf32, #tpu.memory_space<vmem>>) target(%dma_start3A_988 : memref<2048x32xf32, #tpu.memory_space<vmem_shared>>) offsets(%dma_start3A_985 : memref<128xi32, #tpu.memory_space<vmem>>) semaphore(%arg12 : memref<!tpu.dma_semaphore, #tpu.memory_space<semaphore_mem>>) {add = true}
    %dma_start3A_989 = arith.constant 1 : i32
    %dma_start3A_990 = arith.constant 1 : i32
    %dma_start3A_991 = arith.constant 16 : i32
    %dma_start3A_992 = arith.constant 0 : i32
    %dma_start3A_993 = arith.constant 0 : i32
    %dma_start3A_994 = tpu.memref_slice %arg9[%dma_start3A_989, %dma_start3A_990, %dma_start3A_992, %dma_start3A_993] : memref<2x5x128x32xf32, #tpu.memory_space<vmem>> -> memref<1x1x128x32xf32, #tpu.memory_space<vmem>>
    %dma_start3A_995 = tpu.memref_squeeze %dma_start3A_994 : memref<1x1x128x32xf32, #tpu.memory_space<vmem>> -> memref<128x32xf32, #tpu.memory_space<vmem>>
    %dma_start3A_996 = arith.constant 0 : i32
    %dma_start3A_997 = tpu.memref_slice %arg8[%dma_start3A_991, %dma_start3A_996] : memref<50x128xi32, #tpu.memory_space<vmem>> -> memref<1x128xi32, #tpu.memory_space<vmem>>
    %dma_start3A_998 = tpu.memref_squeeze %dma_start3A_997 : memref<1x128xi32, #tpu.memory_space<vmem>> -> memref<128xi32, #tpu.memory_space<vmem>>
    %dma_start3A_999 = arith.constant 0 : i32
    %dma_start3A_1000 = arith.constant 0 : i32
    %dma_start3A_1001 = tpu.memref_slice %arg10[%dma_start3A_999, %dma_start3A_1000] : memref<2048x32xf32, #tpu.memory_space<vmem_shared>> -> memref<2048x32xf32, #tpu.memory_space<vmem_shared>>
    tpu.enqueue_indirect_dma source(%dma_start3A_995 : memref<128x32xf32, #tpu.memory_space<vmem>>) target(%dma_start3A_1001 : memref<2048x32xf32, #tpu.memory_space<vmem_shared>>) offsets(%dma_start3A_998 : memref<128xi32, #tpu.memory_space<vmem>>) semaphore(%arg12 : memref<!tpu.dma_semaphore, #tpu.memory_space<semaphore_mem>>) {add = true}
    %dma_start3A_1002 = arith.constant 1 : i32
    %dma_start3A_1003 = arith.constant 2 : i32
    %dma_start3A_1004 = arith.constant 17 : i32
    %dma_start3A_1005 = arith.constant 0 : i32
    %dma_start3A_1006 = arith.constant 0 : i32
    %dma_start3A_1007 = tpu.memref_slice %arg9[%dma_start3A_1002, %dma_start3A_1003, %dma_start3A_1005, %dma_start3A_1006] : memref<2x5x128x32xf32, #tpu.memory_space<vmem>> -> memref<1x1x128x32xf32, #tpu.memory_space<vmem>>
    %dma_start3A_1008 = tpu.memref_squeeze %dma_start3A_1007 : memref<1x1x128x32xf32, #tpu.memory_space<vmem>> -> memref<128x32xf32, #tpu.memory_space<vmem>>
    %dma_start3A_1009 = arith.constant 0 : i32
    %dma_start3A_1010 = tpu.memref_slice %arg8[%dma_start3A_1004, %dma_start3A_1009] : memref<50x128xi32, #tpu.memory_space<vmem>> -> memref<1x128xi32, #tpu.memory_space<vmem>>
    %dma_start3A_1011 = tpu.memref_squeeze %dma_start3A_1010 : memref<1x128xi32, #tpu.memory_space<vmem>> -> memref<128xi32, #tpu.memory_space<vmem>>
    %dma_start3A_1012 = arith.constant 0 : i32
    %dma_start3A_1013 = arith.constant 0 : i32
    %dma_start3A_1014 = tpu.memref_slice %arg10[%dma_start3A_1012, %dma_start3A_1013] : memref<2048x32xf32, #tpu.memory_space<vmem_shared>> -> memref<2048x32xf32, #tpu.memory_space<vmem_shared>>
    tpu.enqueue_indirect_dma source(%dma_start3A_1008 : memref<128x32xf32, #tpu.memory_space<vmem>>) target(%dma_start3A_1014 : memref<2048x32xf32, #tpu.memory_space<vmem_shared>>) offsets(%dma_start3A_1011 : memref<128xi32, #tpu.memory_space<vmem>>) semaphore(%arg12 : memref<!tpu.dma_semaphore, #tpu.memory_space<semaphore_mem>>) {add = true}
    %dma_start3A_1015 = arith.constant 1 : i32
    %dma_start3A_1016 = arith.constant 3 : i32
    %dma_start3A_1017 = arith.constant 18 : i32
    %dma_start3A_1018 = arith.constant 0 : i32
    %dma_start3A_1019 = arith.constant 0 : i32
    %dma_start3A_1020 = tpu.memref_slice %arg9[%dma_start3A_1015, %dma_start3A_1016, %dma_start3A_1018, %dma_start3A_1019] : memref<2x5x128x32xf32, #tpu.memory_space<vmem>> -> memref<1x1x128x32xf32, #tpu.memory_space<vmem>>
    %dma_start3A_1021 = tpu.memref_squeeze %dma_start3A_1020 : memref<1x1x128x32xf32, #tpu.memory_space<vmem>> -> memref<128x32xf32, #tpu.memory_space<vmem>>
    %dma_start3A_1022 = arith.constant 0 : i32
    %dma_start3A_1023 = tpu.memref_slice %arg8[%dma_start3A_1017, %dma_start3A_1022] : memref<50x128xi32, #tpu.memory_space<vmem>> -> memref<1x128xi32, #tpu.memory_space<vmem>>
    %dma_start3A_1024 = tpu.memref_squeeze %dma_start3A_1023 : memref<1x128xi32, #tpu.memory_space<vmem>> -> memref<128xi32, #tpu.memory_space<vmem>>
    %dma_start3A_1025 = arith.constant 0 : i32
    %dma_start3A_1026 = arith.constant 0 : i32
    %dma_start3A_1027 = tpu.memref_slice %arg10[%dma_start3A_1025, %dma_start3A_1026] : memref<2048x32xf32, #tpu.memory_space<vmem_shared>> -> memref<2048x32xf32, #tpu.memory_space<vmem_shared>>
    tpu.enqueue_indirect_dma source(%dma_start3A_1021 : memref<128x32xf32, #tpu.memory_space<vmem>>) target(%dma_start3A_1027 : memref<2048x32xf32, #tpu.memory_space<vmem_shared>>) offsets(%dma_start3A_1024 : memref<128xi32, #tpu.memory_space<vmem>>) semaphore(%arg12 : memref<!tpu.dma_semaphore, #tpu.memory_space<semaphore_mem>>) {add = true}
    %dma_start3A_1028 = arith.constant 1 : i32
    %dma_start3A_1029 = arith.constant 4 : i32
    %dma_start3A_1030 = arith.constant 19 : i32
    %dma_start3A_1031 = arith.constant 0 : i32
    %dma_start3A_1032 = arith.constant 0 : i32
    %dma_start3A_1033 = tpu.memref_slice %arg9[%dma_start3A_1028, %dma_start3A_1029, %dma_start3A_1031, %dma_start3A_1032] : memref<2x5x128x32xf32, #tpu.memory_space<vmem>> -> memref<1x1x128x32xf32, #tpu.memory_space<vmem>>
    %dma_start3A_1034 = tpu.memref_squeeze %dma_start3A_1033 : memref<1x1x128x32xf32, #tpu.memory_space<vmem>> -> memref<128x32xf32, #tpu.memory_space<vmem>>
    %dma_start3A_1035 = arith.constant 0 : i32
    %dma_start3A_1036 = tpu.memref_slice %arg8[%dma_start3A_1030, %dma_start3A_1035] : memref<50x128xi32, #tpu.memory_space<vmem>> -> memref<1x128xi32, #tpu.memory_space<vmem>>
    %dma_start3A_1037 = tpu.memref_squeeze %dma_start3A_1036 : memref<1x128xi32, #tpu.memory_space<vmem>> -> memref<128xi32, #tpu.memory_space<vmem>>
    %dma_start3A_1038 = arith.constant 0 : i32
    %dma_start3A_1039 = arith.constant 0 : i32
    %dma_start3A_1040 = tpu.memref_slice %arg10[%dma_start3A_1038, %dma_start3A_1039] : memref<2048x32xf32, #tpu.memory_space<vmem_shared>> -> memref<2048x32xf32, #tpu.memory_space<vmem_shared>>
    tpu.enqueue_indirect_dma source(%dma_start3A_1034 : memref<128x32xf32, #tpu.memory_space<vmem>>) target(%dma_start3A_1040 : memref<2048x32xf32, #tpu.memory_space<vmem_shared>>) offsets(%dma_start3A_1037 : memref<128xi32, #tpu.memory_space<vmem>>) semaphore(%arg12 : memref<!tpu.dma_semaphore, #tpu.memory_space<semaphore_mem>>) {add = true}
    %dma_wait3A_1041 = arith.constant 20 : i32
    %dma_wait3A_1042 = arith.constant 0 : i32
    %dma_wait3A_1043 = arith.constant 0 : i32
    %dma_wait3A_1044 = arith.constant 0 : i32
    %dma_wait3A_1045 = arith.constant 0 : i32
    %dma_wait3A_1046 = tpu.memref_slice %arg9[%dma_wait3A_1042, %dma_wait3A_1043, %dma_wait3A_1044, %dma_wait3A_1045] : memref<2x5x128x32xf32, #tpu.memory_space<vmem>> -> memref<1x1x128x32xf32, #tpu.memory_space<vmem>>
    %dma_wait3A_1047 = tpu.memref_squeeze %dma_wait3A_1046 : memref<1x1x128x32xf32, #tpu.memory_space<vmem>> -> memref<128x32xf32, #tpu.memory_space<vmem>>
    %dma_wait3A_1048 = arith.constant 0 : i32
    %dma_wait3A_1049 = tpu.memref_slice %arg7[%dma_wait3A_1041, %dma_wait3A_1048] : memref<50x128xi32, #tpu.memory_space<vmem>> -> memref<1x128xi32, #tpu.memory_space<vmem>>
    %dma_wait3A_1050 = tpu.memref_squeeze %dma_wait3A_1049 : memref<1x128xi32, #tpu.memory_space<vmem>> -> memref<128xi32, #tpu.memory_space<vmem>>
    %dma_wait3A_1051 = arith.constant 0 : i32
    %dma_wait3A_1052 = arith.constant 0 : i32
    %dma_wait3A_1053 = tpu.memref_slice %arg2[%dma_wait3A_1051, %dma_wait3A_1052] : memref<1000000x32xf32, #tpu.memory_space<hbm>> -> memref<1000000x32xf32, #tpu.memory_space<hbm>>
    tpu.wait_indirect_dma semaphore(%arg11 : memref<!tpu.dma_semaphore, #tpu.memory_space<semaphore_mem>>) src(%dma_wait3A_1053 : memref<1000000x32xf32, #tpu.memory_space<hbm>>) dst(%dma_wait3A_1047 : memref<128x32xf32, #tpu.memory_space<vmem>>)
    %dma_wait3A_1054 = arith.constant 21 : i32
    %dma_wait3A_1055 = arith.constant 0 : i32
    %dma_wait3A_1056 = arith.constant 1 : i32
    %dma_wait3A_1057 = arith.constant 0 : i32
    %dma_wait3A_1058 = arith.constant 0 : i32
    %dma_wait3A_1059 = tpu.memref_slice %arg9[%dma_wait3A_1055, %dma_wait3A_1056, %dma_wait3A_1057, %dma_wait3A_1058] : memref<2x5x128x32xf32, #tpu.memory_space<vmem>> -> memref<1x1x128x32xf32, #tpu.memory_space<vmem>>
    %dma_wait3A_1060 = tpu.memref_squeeze %dma_wait3A_1059 : memref<1x1x128x32xf32, #tpu.memory_space<vmem>> -> memref<128x32xf32, #tpu.memory_space<vmem>>
    %dma_wait3A_1061 = arith.constant 0 : i32
    %dma_wait3A_1062 = tpu.memref_slice %arg7[%dma_wait3A_1054, %dma_wait3A_1061] : memref<50x128xi32, #tpu.memory_space<vmem>> -> memref<1x128xi32, #tpu.memory_space<vmem>>
    %dma_wait3A_1063 = tpu.memref_squeeze %dma_wait3A_1062 : memref<1x128xi32, #tpu.memory_space<vmem>> -> memref<128xi32, #tpu.memory_space<vmem>>
    %dma_wait3A_1064 = arith.constant 0 : i32
    %dma_wait3A_1065 = arith.constant 0 : i32
    %dma_wait3A_1066 = tpu.memref_slice %arg2[%dma_wait3A_1064, %dma_wait3A_1065] : memref<1000000x32xf32, #tpu.memory_space<hbm>> -> memref<1000000x32xf32, #tpu.memory_space<hbm>>
    tpu.wait_indirect_dma semaphore(%arg11 : memref<!tpu.dma_semaphore, #tpu.memory_space<semaphore_mem>>) src(%dma_wait3A_1066 : memref<1000000x32xf32, #tpu.memory_space<hbm>>) dst(%dma_wait3A_1060 : memref<128x32xf32, #tpu.memory_space<vmem>>)
    %dma_wait3A_1067 = arith.constant 22 : i32
    %dma_wait3A_1068 = arith.constant 0 : i32
    %dma_wait3A_1069 = arith.constant 2 : i32
    %dma_wait3A_1070 = arith.constant 0 : i32
    %dma_wait3A_1071 = arith.constant 0 : i32
    %dma_wait3A_1072 = tpu.memref_slice %arg9[%dma_wait3A_1068, %dma_wait3A_1069, %dma_wait3A_1070, %dma_wait3A_1071] : memref<2x5x128x32xf32, #tpu.memory_space<vmem>> -> memref<1x1x128x32xf32, #tpu.memory_space<vmem>>
    %dma_wait3A_1073 = tpu.memref_squeeze %dma_wait3A_1072 : memref<1x1x128x32xf32, #tpu.memory_space<vmem>> -> memref<128x32xf32, #tpu.memory_space<vmem>>
    %dma_wait3A_1074 = arith.constant 0 : i32
    %dma_wait3A_1075 = tpu.memref_slice %arg7[%dma_wait3A_1067, %dma_wait3A_1074] : memref<50x128xi32, #tpu.memory_space<vmem>> -> memref<1x128xi32, #tpu.memory_space<vmem>>
    %dma_wait3A_1076 = tpu.memref_squeeze %dma_wait3A_1075 : memref<1x128xi32, #tpu.memory_space<vmem>> -> memref<128xi32, #tpu.memory_space<vmem>>
    %dma_wait3A_1077 = arith.constant 0 : i32
    %dma_wait3A_1078 = arith.constant 0 : i32
    %dma_wait3A_1079 = tpu.memref_slice %arg2[%dma_wait3A_1077, %dma_wait3A_1078] : memref<1000000x32xf32, #tpu.memory_space<hbm>> -> memref<1000000x32xf32, #tpu.memory_space<hbm>>
    tpu.wait_indirect_dma semaphore(%arg11 : memref<!tpu.dma_semaphore, #tpu.memory_space<semaphore_mem>>) src(%dma_wait3A_1079 : memref<1000000x32xf32, #tpu.memory_space<hbm>>) dst(%dma_wait3A_1073 : memref<128x32xf32, #tpu.memory_space<vmem>>)
    %dma_wait3A_1080 = arith.constant 23 : i32
    %dma_wait3A_1081 = arith.constant 0 : i32
    %dma_wait3A_1082 = arith.constant 3 : i32
    %dma_wait3A_1083 = arith.constant 0 : i32
    %dma_wait3A_1084 = arith.constant 0 : i32
    %dma_wait3A_1085 = tpu.memref_slice %arg9[%dma_wait3A_1081, %dma_wait3A_1082, %dma_wait3A_1083, %dma_wait3A_1084] : memref<2x5x128x32xf32, #tpu.memory_space<vmem>> -> memref<1x1x128x32xf32, #tpu.memory_space<vmem>>
    %dma_wait3A_1086 = tpu.memref_squeeze %dma_wait3A_1085 : memref<1x1x128x32xf32, #tpu.memory_space<vmem>> -> memref<128x32xf32, #tpu.memory_space<vmem>>
    %dma_wait3A_1087 = arith.constant 0 : i32
    %dma_wait3A_1088 = tpu.memref_slice %arg7[%dma_wait3A_1080, %dma_wait3A_1087] : memref<50x128xi32, #tpu.memory_space<vmem>> -> memref<1x128xi32, #tpu.memory_space<vmem>>
    %dma_wait3A_1089 = tpu.memref_squeeze %dma_wait3A_1088 : memref<1x128xi32, #tpu.memory_space<vmem>> -> memref<128xi32, #tpu.memory_space<vmem>>
    %dma_wait3A_1090 = arith.constant 0 : i32
    %dma_wait3A_1091 = arith.constant 0 : i32
    %dma_wait3A_1092 = tpu.memref_slice %arg2[%dma_wait3A_1090, %dma_wait3A_1091] : memref<1000000x32xf32, #tpu.memory_space<hbm>> -> memref<1000000x32xf32, #tpu.memory_space<hbm>>
    tpu.wait_indirect_dma semaphore(%arg11 : memref<!tpu.dma_semaphore, #tpu.memory_space<semaphore_mem>>) src(%dma_wait3A_1092 : memref<1000000x32xf32, #tpu.memory_space<hbm>>) dst(%dma_wait3A_1086 : memref<128x32xf32, #tpu.memory_space<vmem>>)
    %dma_wait3A_1093 = arith.constant 24 : i32
    %dma_wait3A_1094 = arith.constant 0 : i32
    %dma_wait3A_1095 = arith.constant 4 : i32
    %dma_wait3A_1096 = arith.constant 0 : i32
    %dma_wait3A_1097 = arith.constant 0 : i32
    %dma_wait3A_1098 = tpu.memref_slice %arg9[%dma_wait3A_1094, %dma_wait3A_1095, %dma_wait3A_1096, %dma_wait3A_1097] : memref<2x5x128x32xf32, #tpu.memory_space<vmem>> -> memref<1x1x128x32xf32, #tpu.memory_space<vmem>>
    %dma_wait3A_1099 = tpu.memref_squeeze %dma_wait3A_1098 : memref<1x1x128x32xf32, #tpu.memory_space<vmem>> -> memref<128x32xf32, #tpu.memory_space<vmem>>
    %dma_wait3A_1100 = arith.constant 0 : i32
    %dma_wait3A_1101 = tpu.memref_slice %arg7[%dma_wait3A_1093, %dma_wait3A_1100] : memref<50x128xi32, #tpu.memory_space<vmem>> -> memref<1x128xi32, #tpu.memory_space<vmem>>
    %dma_wait3A_1102 = tpu.memref_squeeze %dma_wait3A_1101 : memref<1x128xi32, #tpu.memory_space<vmem>> -> memref<128xi32, #tpu.memory_space<vmem>>
    %dma_wait3A_1103 = arith.constant 0 : i32
    %dma_wait3A_1104 = arith.constant 0 : i32
    %dma_wait3A_1105 = tpu.memref_slice %arg2[%dma_wait3A_1103, %dma_wait3A_1104] : memref<1000000x32xf32, #tpu.memory_space<hbm>> -> memref<1000000x32xf32, #tpu.memory_space<hbm>>
    tpu.wait_indirect_dma semaphore(%arg11 : memref<!tpu.dma_semaphore, #tpu.memory_space<semaphore_mem>>) src(%dma_wait3A_1105 : memref<1000000x32xf32, #tpu.memory_space<hbm>>) dst(%dma_wait3A_1099 : memref<128x32xf32, #tpu.memory_space<vmem>>)
    %dma_wait3A_1106 = arith.constant 1 : i32
    %dma_wait3A_1107 = arith.constant 0 : i32
    %dma_wait3A_1108 = arith.constant 15 : i32
    %dma_wait3A_1109 = arith.constant 0 : i32
    %dma_wait3A_1110 = arith.constant 0 : i32
    %dma_wait3A_1111 = tpu.memref_slice %arg9[%dma_wait3A_1106, %dma_wait3A_1107, %dma_wait3A_1109, %dma_wait3A_1110] : memref<2x5x128x32xf32, #tpu.memory_space<vmem>> -> memref<1x1x128x32xf32, #tpu.memory_space<vmem>>
    %dma_wait3A_1112 = tpu.memref_squeeze %dma_wait3A_1111 : memref<1x1x128x32xf32, #tpu.memory_space<vmem>> -> memref<128x32xf32, #tpu.memory_space<vmem>>
    %dma_wait3A_1113 = arith.constant 0 : i32
    %dma_wait3A_1114 = tpu.memref_slice %arg8[%dma_wait3A_1108, %dma_wait3A_1113] : memref<50x128xi32, #tpu.memory_space<vmem>> -> memref<1x128xi32, #tpu.memory_space<vmem>>
    %dma_wait3A_1115 = tpu.memref_squeeze %dma_wait3A_1114 : memref<1x128xi32, #tpu.memory_space<vmem>> -> memref<128xi32, #tpu.memory_space<vmem>>
    %dma_wait3A_1116 = arith.constant 0 : i32
    %dma_wait3A_1117 = arith.constant 0 : i32
    %dma_wait3A_1118 = tpu.memref_slice %arg10[%dma_wait3A_1116, %dma_wait3A_1117] : memref<2048x32xf32, #tpu.memory_space<vmem_shared>> -> memref<2048x32xf32, #tpu.memory_space<vmem_shared>>
    tpu.wait_indirect_dma semaphore(%arg12 : memref<!tpu.dma_semaphore, #tpu.memory_space<semaphore_mem>>) src(%dma_wait3A_1112 : memref<128x32xf32, #tpu.memory_space<vmem>>) dst(%dma_wait3A_1118 : memref<2048x32xf32, #tpu.memory_space<vmem_shared>>)
    %dma_wait3A_1119 = arith.constant 1 : i32
    %dma_wait3A_1120 = arith.constant 1 : i32
    %dma_wait3A_1121 = arith.constant 16 : i32
    %dma_wait3A_1122 = arith.constant 0 : i32
    %dma_wait3A_1123 = arith.constant 0 : i32
    %dma_wait3A_1124 = tpu.memref_slice %arg9[%dma_wait3A_1119, %dma_wait3A_1120, %dma_wait3A_1122, %dma_wait3A_1123] : memref<2x5x128x32xf32, #tpu.memory_space<vmem>> -> memref<1x1x128x32xf32, #tpu.memory_space<vmem>>
    %dma_wait3A_1125 = tpu.memref_squeeze %dma_wait3A_1124 : memref<1x1x128x32xf32, #tpu.memory_space<vmem>> -> memref<128x32xf32, #tpu.memory_space<vmem>>
    %dma_wait3A_1126 = arith.constant 0 : i32
    %dma_wait3A_1127 = tpu.memref_slice %arg8[%dma_wait3A_1121, %dma_wait3A_1126] : memref<50x128xi32, #tpu.memory_space<vmem>> -> memref<1x128xi32, #tpu.memory_space<vmem>>
    %dma_wait3A_1128 = tpu.memref_squeeze %dma_wait3A_1127 : memref<1x128xi32, #tpu.memory_space<vmem>> -> memref<128xi32, #tpu.memory_space<vmem>>
    %dma_wait3A_1129 = arith.constant 0 : i32
    %dma_wait3A_1130 = arith.constant 0 : i32
    %dma_wait3A_1131 = tpu.memref_slice %arg10[%dma_wait3A_1129, %dma_wait3A_1130] : memref<2048x32xf32, #tpu.memory_space<vmem_shared>> -> memref<2048x32xf32, #tpu.memory_space<vmem_shared>>
    tpu.wait_indirect_dma semaphore(%arg12 : memref<!tpu.dma_semaphore, #tpu.memory_space<semaphore_mem>>) src(%dma_wait3A_1125 : memref<128x32xf32, #tpu.memory_space<vmem>>) dst(%dma_wait3A_1131 : memref<2048x32xf32, #tpu.memory_space<vmem_shared>>)
    %dma_wait3A_1132 = arith.constant 1 : i32
    %dma_wait3A_1133 = arith.constant 2 : i32
    %dma_wait3A_1134 = arith.constant 17 : i32
    %dma_wait3A_1135 = arith.constant 0 : i32
    %dma_wait3A_1136 = arith.constant 0 : i32
    %dma_wait3A_1137 = tpu.memref_slice %arg9[%dma_wait3A_1132, %dma_wait3A_1133, %dma_wait3A_1135, %dma_wait3A_1136] : memref<2x5x128x32xf32, #tpu.memory_space<vmem>> -> memref<1x1x128x32xf32, #tpu.memory_space<vmem>>
    %dma_wait3A_1138 = tpu.memref_squeeze %dma_wait3A_1137 : memref<1x1x128x32xf32, #tpu.memory_space<vmem>> -> memref<128x32xf32, #tpu.memory_space<vmem>>
    %dma_wait3A_1139 = arith.constant 0 : i32
    %dma_wait3A_1140 = tpu.memref_slice %arg8[%dma_wait3A_1134, %dma_wait3A_1139] : memref<50x128xi32, #tpu.memory_space<vmem>> -> memref<1x128xi32, #tpu.memory_space<vmem>>
    %dma_wait3A_1141 = tpu.memref_squeeze %dma_wait3A_1140 : memref<1x128xi32, #tpu.memory_space<vmem>> -> memref<128xi32, #tpu.memory_space<vmem>>
    %dma_wait3A_1142 = arith.constant 0 : i32
    %dma_wait3A_1143 = arith.constant 0 : i32
    %dma_wait3A_1144 = tpu.memref_slice %arg10[%dma_wait3A_1142, %dma_wait3A_1143] : memref<2048x32xf32, #tpu.memory_space<vmem_shared>> -> memref<2048x32xf32, #tpu.memory_space<vmem_shared>>
    tpu.wait_indirect_dma semaphore(%arg12 : memref<!tpu.dma_semaphore, #tpu.memory_space<semaphore_mem>>) src(%dma_wait3A_1138 : memref<128x32xf32, #tpu.memory_space<vmem>>) dst(%dma_wait3A_1144 : memref<2048x32xf32, #tpu.memory_space<vmem_shared>>)
    %dma_wait3A_1145 = arith.constant 1 : i32
    %dma_wait3A_1146 = arith.constant 3 : i32
    %dma_wait3A_1147 = arith.constant 18 : i32
    %dma_wait3A_1148 = arith.constant 0 : i32
    %dma_wait3A_1149 = arith.constant 0 : i32
    %dma_wait3A_1150 = tpu.memref_slice %arg9[%dma_wait3A_1145, %dma_wait3A_1146, %dma_wait3A_1148, %dma_wait3A_1149] : memref<2x5x128x32xf32, #tpu.memory_space<vmem>> -> memref<1x1x128x32xf32, #tpu.memory_space<vmem>>
    %dma_wait3A_1151 = tpu.memref_squeeze %dma_wait3A_1150 : memref<1x1x128x32xf32, #tpu.memory_space<vmem>> -> memref<128x32xf32, #tpu.memory_space<vmem>>
    %dma_wait3A_1152 = arith.constant 0 : i32
    %dma_wait3A_1153 = tpu.memref_slice %arg8[%dma_wait3A_1147, %dma_wait3A_1152] : memref<50x128xi32, #tpu.memory_space<vmem>> -> memref<1x128xi32, #tpu.memory_space<vmem>>
    %dma_wait3A_1154 = tpu.memref_squeeze %dma_wait3A_1153 : memref<1x128xi32, #tpu.memory_space<vmem>> -> memref<128xi32, #tpu.memory_space<vmem>>
    %dma_wait3A_1155 = arith.constant 0 : i32
    %dma_wait3A_1156 = arith.constant 0 : i32
    %dma_wait3A_1157 = tpu.memref_slice %arg10[%dma_wait3A_1155, %dma_wait3A_1156] : memref<2048x32xf32, #tpu.memory_space<vmem_shared>> -> memref<2048x32xf32, #tpu.memory_space<vmem_shared>>
    tpu.wait_indirect_dma semaphore(%arg12 : memref<!tpu.dma_semaphore, #tpu.memory_space<semaphore_mem>>) src(%dma_wait3A_1151 : memref<128x32xf32, #tpu.memory_space<vmem>>) dst(%dma_wait3A_1157 : memref<2048x32xf32, #tpu.memory_space<vmem_shared>>)
    %dma_wait3A_1158 = arith.constant 1 : i32
    %dma_wait3A_1159 = arith.constant 4 : i32
    %dma_wait3A_1160 = arith.constant 19 : i32
    %dma_wait3A_1161 = arith.constant 0 : i32
    %dma_wait3A_1162 = arith.constant 0 : i32
    %dma_wait3A_1163 = tpu.memref_slice %arg9[%dma_wait3A_1158, %dma_wait3A_1159, %dma_wait3A_1161, %dma_wait3A_1162] : memref<2x5x128x32xf32, #tpu.memory_space<vmem>> -> memref<1x1x128x32xf32, #tpu.memory_space<vmem>>
    %dma_wait3A_1164 = tpu.memref_squeeze %dma_wait3A_1163 : memref<1x1x128x32xf32, #tpu.memory_space<vmem>> -> memref<128x32xf32, #tpu.memory_space<vmem>>
    %dma_wait3A_1165 = arith.constant 0 : i32
    %dma_wait3A_1166 = tpu.memref_slice %arg8[%dma_wait3A_1160, %dma_wait3A_1165] : memref<50x128xi32, #tpu.memory_space<vmem>> -> memref<1x128xi32, #tpu.memory_space<vmem>>
    %dma_wait3A_1167 = tpu.memref_squeeze %dma_wait3A_1166 : memref<1x128xi32, #tpu.memory_space<vmem>> -> memref<128xi32, #tpu.memory_space<vmem>>
    %dma_wait3A_1168 = arith.constant 0 : i32
    %dma_wait3A_1169 = arith.constant 0 : i32
    %dma_wait3A_1170 = tpu.memref_slice %arg10[%dma_wait3A_1168, %dma_wait3A_1169] : memref<2048x32xf32, #tpu.memory_space<vmem_shared>> -> memref<2048x32xf32, #tpu.memory_space<vmem_shared>>
    tpu.wait_indirect_dma semaphore(%arg12 : memref<!tpu.dma_semaphore, #tpu.memory_space<semaphore_mem>>) src(%dma_wait3A_1164 : memref<128x32xf32, #tpu.memory_space<vmem>>) dst(%dma_wait3A_1170 : memref<2048x32xf32, #tpu.memory_space<vmem_shared>>)
    %dma_start3A_1171 = arith.constant 25 : i32
    %dma_start3A_1172 = arith.constant 1 : i32
    %dma_start3A_1173 = arith.constant 0 : i32
    %dma_start3A_1174 = arith.constant 0 : i32
    %dma_start3A_1175 = arith.constant 0 : i32
    %dma_start3A_1176 = tpu.memref_slice %arg9[%dma_start3A_1172, %dma_start3A_1173, %dma_start3A_1174, %dma_start3A_1175] : memref<2x5x128x32xf32, #tpu.memory_space<vmem>> -> memref<1x1x128x32xf32, #tpu.memory_space<vmem>>
    %dma_start3A_1177 = tpu.memref_squeeze %dma_start3A_1176 : memref<1x1x128x32xf32, #tpu.memory_space<vmem>> -> memref<128x32xf32, #tpu.memory_space<vmem>>
    %dma_start3A_1178 = arith.constant 0 : i32
    %dma_start3A_1179 = tpu.memref_slice %arg7[%dma_start3A_1171, %dma_start3A_1178] : memref<50x128xi32, #tpu.memory_space<vmem>> -> memref<1x128xi32, #tpu.memory_space<vmem>>
    %dma_start3A_1180 = tpu.memref_squeeze %dma_start3A_1179 : memref<1x128xi32, #tpu.memory_space<vmem>> -> memref<128xi32, #tpu.memory_space<vmem>>
    %dma_start3A_1181 = arith.constant 0 : i32
    %dma_start3A_1182 = arith.constant 0 : i32
    %dma_start3A_1183 = tpu.memref_slice %arg2[%dma_start3A_1181, %dma_start3A_1182] : memref<1000000x32xf32, #tpu.memory_space<hbm>> -> memref<1000000x32xf32, #tpu.memory_space<hbm>>
    tpu.enqueue_indirect_dma source(%dma_start3A_1183 : memref<1000000x32xf32, #tpu.memory_space<hbm>>) target(%dma_start3A_1177 : memref<128x32xf32, #tpu.memory_space<vmem>>) offsets(%dma_start3A_1180 : memref<128xi32, #tpu.memory_space<vmem>>) semaphore(%arg11 : memref<!tpu.dma_semaphore, #tpu.memory_space<semaphore_mem>>)
    %dma_start3A_1184 = arith.constant 26 : i32
    %dma_start3A_1185 = arith.constant 1 : i32
    %dma_start3A_1186 = arith.constant 1 : i32
    %dma_start3A_1187 = arith.constant 0 : i32
    %dma_start3A_1188 = arith.constant 0 : i32
    %dma_start3A_1189 = tpu.memref_slice %arg9[%dma_start3A_1185, %dma_start3A_1186, %dma_start3A_1187, %dma_start3A_1188] : memref<2x5x128x32xf32, #tpu.memory_space<vmem>> -> memref<1x1x128x32xf32, #tpu.memory_space<vmem>>
    %dma_start3A_1190 = tpu.memref_squeeze %dma_start3A_1189 : memref<1x1x128x32xf32, #tpu.memory_space<vmem>> -> memref<128x32xf32, #tpu.memory_space<vmem>>
    %dma_start3A_1191 = arith.constant 0 : i32
    %dma_start3A_1192 = tpu.memref_slice %arg7[%dma_start3A_1184, %dma_start3A_1191] : memref<50x128xi32, #tpu.memory_space<vmem>> -> memref<1x128xi32, #tpu.memory_space<vmem>>
    %dma_start3A_1193 = tpu.memref_squeeze %dma_start3A_1192 : memref<1x128xi32, #tpu.memory_space<vmem>> -> memref<128xi32, #tpu.memory_space<vmem>>
    %dma_start3A_1194 = arith.constant 0 : i32
    %dma_start3A_1195 = arith.constant 0 : i32
    %dma_start3A_1196 = tpu.memref_slice %arg2[%dma_start3A_1194, %dma_start3A_1195] : memref<1000000x32xf32, #tpu.memory_space<hbm>> -> memref<1000000x32xf32, #tpu.memory_space<hbm>>
    tpu.enqueue_indirect_dma source(%dma_start3A_1196 : memref<1000000x32xf32, #tpu.memory_space<hbm>>) target(%dma_start3A_1190 : memref<128x32xf32, #tpu.memory_space<vmem>>) offsets(%dma_start3A_1193 : memref<128xi32, #tpu.memory_space<vmem>>) semaphore(%arg11 : memref<!tpu.dma_semaphore, #tpu.memory_space<semaphore_mem>>)
    %dma_start3A_1197 = arith.constant 27 : i32
    %dma_start3A_1198 = arith.constant 1 : i32
    %dma_start3A_1199 = arith.constant 2 : i32
    %dma_start3A_1200 = arith.constant 0 : i32
    %dma_start3A_1201 = arith.constant 0 : i32
    %dma_start3A_1202 = tpu.memref_slice %arg9[%dma_start3A_1198, %dma_start3A_1199, %dma_start3A_1200, %dma_start3A_1201] : memref<2x5x128x32xf32, #tpu.memory_space<vmem>> -> memref<1x1x128x32xf32, #tpu.memory_space<vmem>>
    %dma_start3A_1203 = tpu.memref_squeeze %dma_start3A_1202 : memref<1x1x128x32xf32, #tpu.memory_space<vmem>> -> memref<128x32xf32, #tpu.memory_space<vmem>>
    %dma_start3A_1204 = arith.constant 0 : i32
    %dma_start3A_1205 = tpu.memref_slice %arg7[%dma_start3A_1197, %dma_start3A_1204] : memref<50x128xi32, #tpu.memory_space<vmem>> -> memref<1x128xi32, #tpu.memory_space<vmem>>
    %dma_start3A_1206 = tpu.memref_squeeze %dma_start3A_1205 : memref<1x128xi32, #tpu.memory_space<vmem>> -> memref<128xi32, #tpu.memory_space<vmem>>
    %dma_start3A_1207 = arith.constant 0 : i32
    %dma_start3A_1208 = arith.constant 0 : i32
    %dma_start3A_1209 = tpu.memref_slice %arg2[%dma_start3A_1207, %dma_start3A_1208] : memref<1000000x32xf32, #tpu.memory_space<hbm>> -> memref<1000000x32xf32, #tpu.memory_space<hbm>>
    tpu.enqueue_indirect_dma source(%dma_start3A_1209 : memref<1000000x32xf32, #tpu.memory_space<hbm>>) target(%dma_start3A_1203 : memref<128x32xf32, #tpu.memory_space<vmem>>) offsets(%dma_start3A_1206 : memref<128xi32, #tpu.memory_space<vmem>>) semaphore(%arg11 : memref<!tpu.dma_semaphore, #tpu.memory_space<semaphore_mem>>)
    %dma_start3A_1210 = arith.constant 28 : i32
    %dma_start3A_1211 = arith.constant 1 : i32
    %dma_start3A_1212 = arith.constant 3 : i32
    %dma_start3A_1213 = arith.constant 0 : i32
    %dma_start3A_1214 = arith.constant 0 : i32
    %dma_start3A_1215 = tpu.memref_slice %arg9[%dma_start3A_1211, %dma_start3A_1212, %dma_start3A_1213, %dma_start3A_1214] : memref<2x5x128x32xf32, #tpu.memory_space<vmem>> -> memref<1x1x128x32xf32, #tpu.memory_space<vmem>>
    %dma_start3A_1216 = tpu.memref_squeeze %dma_start3A_1215 : memref<1x1x128x32xf32, #tpu.memory_space<vmem>> -> memref<128x32xf32, #tpu.memory_space<vmem>>
    %dma_start3A_1217 = arith.constant 0 : i32
    %dma_start3A_1218 = tpu.memref_slice %arg7[%dma_start3A_1210, %dma_start3A_1217] : memref<50x128xi32, #tpu.memory_space<vmem>> -> memref<1x128xi32, #tpu.memory_space<vmem>>
    %dma_start3A_1219 = tpu.memref_squeeze %dma_start3A_1218 : memref<1x128xi32, #tpu.memory_space<vmem>> -> memref<128xi32, #tpu.memory_space<vmem>>
    %dma_start3A_1220 = arith.constant 0 : i32
    %dma_start3A_1221 = arith.constant 0 : i32
    %dma_start3A_1222 = tpu.memref_slice %arg2[%dma_start3A_1220, %dma_start3A_1221] : memref<1000000x32xf32, #tpu.memory_space<hbm>> -> memref<1000000x32xf32, #tpu.memory_space<hbm>>
    tpu.enqueue_indirect_dma source(%dma_start3A_1222 : memref<1000000x32xf32, #tpu.memory_space<hbm>>) target(%dma_start3A_1216 : memref<128x32xf32, #tpu.memory_space<vmem>>) offsets(%dma_start3A_1219 : memref<128xi32, #tpu.memory_space<vmem>>) semaphore(%arg11 : memref<!tpu.dma_semaphore, #tpu.memory_space<semaphore_mem>>)
    %dma_start3A_1223 = arith.constant 29 : i32
    %dma_start3A_1224 = arith.constant 1 : i32
    %dma_start3A_1225 = arith.constant 4 : i32
    %dma_start3A_1226 = arith.constant 0 : i32
    %dma_start3A_1227 = arith.constant 0 : i32
    %dma_start3A_1228 = tpu.memref_slice %arg9[%dma_start3A_1224, %dma_start3A_1225, %dma_start3A_1226, %dma_start3A_1227] : memref<2x5x128x32xf32, #tpu.memory_space<vmem>> -> memref<1x1x128x32xf32, #tpu.memory_space<vmem>>
    %dma_start3A_1229 = tpu.memref_squeeze %dma_start3A_1228 : memref<1x1x128x32xf32, #tpu.memory_space<vmem>> -> memref<128x32xf32, #tpu.memory_space<vmem>>
    %dma_start3A_1230 = arith.constant 0 : i32
    %dma_start3A_1231 = tpu.memref_slice %arg7[%dma_start3A_1223, %dma_start3A_1230] : memref<50x128xi32, #tpu.memory_space<vmem>> -> memref<1x128xi32, #tpu.memory_space<vmem>>
    %dma_start3A_1232 = tpu.memref_squeeze %dma_start3A_1231 : memref<1x128xi32, #tpu.memory_space<vmem>> -> memref<128xi32, #tpu.memory_space<vmem>>
    %dma_start3A_1233 = arith.constant 0 : i32
    %dma_start3A_1234 = arith.constant 0 : i32
    %dma_start3A_1235 = tpu.memref_slice %arg2[%dma_start3A_1233, %dma_start3A_1234] : memref<1000000x32xf32, #tpu.memory_space<hbm>> -> memref<1000000x32xf32, #tpu.memory_space<hbm>>
    tpu.enqueue_indirect_dma source(%dma_start3A_1235 : memref<1000000x32xf32, #tpu.memory_space<hbm>>) target(%dma_start3A_1229 : memref<128x32xf32, #tpu.memory_space<vmem>>) offsets(%dma_start3A_1232 : memref<128xi32, #tpu.memory_space<vmem>>) semaphore(%arg11 : memref<!tpu.dma_semaphore, #tpu.memory_space<semaphore_mem>>)
    %dma_start3A_1236 = arith.constant 0 : i32
    %dma_start3A_1237 = arith.constant 0 : i32
    %dma_start3A_1238 = arith.constant 20 : i32
    %dma_start3A_1239 = arith.constant 0 : i32
    %dma_start3A_1240 = arith.constant 0 : i32
    %dma_start3A_1241 = tpu.memref_slice %arg9[%dma_start3A_1236, %dma_start3A_1237, %dma_start3A_1239, %dma_start3A_1240] : memref<2x5x128x32xf32, #tpu.memory_space<vmem>> -> memref<1x1x128x32xf32, #tpu.memory_space<vmem>>
    %dma_start3A_1242 = tpu.memref_squeeze %dma_start3A_1241 : memref<1x1x128x32xf32, #tpu.memory_space<vmem>> -> memref<128x32xf32, #tpu.memory_space<vmem>>
    %dma_start3A_1243 = arith.constant 0 : i32
    %dma_start3A_1244 = tpu.memref_slice %arg8[%dma_start3A_1238, %dma_start3A_1243] : memref<50x128xi32, #tpu.memory_space<vmem>> -> memref<1x128xi32, #tpu.memory_space<vmem>>
    %dma_start3A_1245 = tpu.memref_squeeze %dma_start3A_1244 : memref<1x128xi32, #tpu.memory_space<vmem>> -> memref<128xi32, #tpu.memory_space<vmem>>
    %dma_start3A_1246 = arith.constant 0 : i32
    %dma_start3A_1247 = arith.constant 0 : i32
    %dma_start3A_1248 = tpu.memref_slice %arg10[%dma_start3A_1246, %dma_start3A_1247] : memref<2048x32xf32, #tpu.memory_space<vmem_shared>> -> memref<2048x32xf32, #tpu.memory_space<vmem_shared>>
    tpu.enqueue_indirect_dma source(%dma_start3A_1242 : memref<128x32xf32, #tpu.memory_space<vmem>>) target(%dma_start3A_1248 : memref<2048x32xf32, #tpu.memory_space<vmem_shared>>) offsets(%dma_start3A_1245 : memref<128xi32, #tpu.memory_space<vmem>>) semaphore(%arg12 : memref<!tpu.dma_semaphore, #tpu.memory_space<semaphore_mem>>) {add = true}
    %dma_start3A_1249 = arith.constant 0 : i32
    %dma_start3A_1250 = arith.constant 1 : i32
    %dma_start3A_1251 = arith.constant 21 : i32
    %dma_start3A_1252 = arith.constant 0 : i32
    %dma_start3A_1253 = arith.constant 0 : i32
    %dma_start3A_1254 = tpu.memref_slice %arg9[%dma_start3A_1249, %dma_start3A_1250, %dma_start3A_1252, %dma_start3A_1253] : memref<2x5x128x32xf32, #tpu.memory_space<vmem>> -> memref<1x1x128x32xf32, #tpu.memory_space<vmem>>
    %dma_start3A_1255 = tpu.memref_squeeze %dma_start3A_1254 : memref<1x1x128x32xf32, #tpu.memory_space<vmem>> -> memref<128x32xf32, #tpu.memory_space<vmem>>
    %dma_start3A_1256 = arith.constant 0 : i32
    %dma_start3A_1257 = tpu.memref_slice %arg8[%dma_start3A_1251, %dma_start3A_1256] : memref<50x128xi32, #tpu.memory_space<vmem>> -> memref<1x128xi32, #tpu.memory_space<vmem>>
    %dma_start3A_1258 = tpu.memref_squeeze %dma_start3A_1257 : memref<1x128xi32, #tpu.memory_space<vmem>> -> memref<128xi32, #tpu.memory_space<vmem>>
    %dma_start3A_1259 = arith.constant 0 : i32
    %dma_start3A_1260 = arith.constant 0 : i32
    %dma_start3A_1261 = tpu.memref_slice %arg10[%dma_start3A_1259, %dma_start3A_1260] : memref<2048x32xf32, #tpu.memory_space<vmem_shared>> -> memref<2048x32xf32, #tpu.memory_space<vmem_shared>>
    tpu.enqueue_indirect_dma source(%dma_start3A_1255 : memref<128x32xf32, #tpu.memory_space<vmem>>) target(%dma_start3A_1261 : memref<2048x32xf32, #tpu.memory_space<vmem_shared>>) offsets(%dma_start3A_1258 : memref<128xi32, #tpu.memory_space<vmem>>) semaphore(%arg12 : memref<!tpu.dma_semaphore, #tpu.memory_space<semaphore_mem>>) {add = true}
    %dma_start3A_1262 = arith.constant 0 : i32
    %dma_start3A_1263 = arith.constant 2 : i32
    %dma_start3A_1264 = arith.constant 22 : i32
    %dma_start3A_1265 = arith.constant 0 : i32
    %dma_start3A_1266 = arith.constant 0 : i32
    %dma_start3A_1267 = tpu.memref_slice %arg9[%dma_start3A_1262, %dma_start3A_1263, %dma_start3A_1265, %dma_start3A_1266] : memref<2x5x128x32xf32, #tpu.memory_space<vmem>> -> memref<1x1x128x32xf32, #tpu.memory_space<vmem>>
    %dma_start3A_1268 = tpu.memref_squeeze %dma_start3A_1267 : memref<1x1x128x32xf32, #tpu.memory_space<vmem>> -> memref<128x32xf32, #tpu.memory_space<vmem>>
    %dma_start3A_1269 = arith.constant 0 : i32
    %dma_start3A_1270 = tpu.memref_slice %arg8[%dma_start3A_1264, %dma_start3A_1269] : memref<50x128xi32, #tpu.memory_space<vmem>> -> memref<1x128xi32, #tpu.memory_space<vmem>>
    %dma_start3A_1271 = tpu.memref_squeeze %dma_start3A_1270 : memref<1x128xi32, #tpu.memory_space<vmem>> -> memref<128xi32, #tpu.memory_space<vmem>>
    %dma_start3A_1272 = arith.constant 0 : i32
    %dma_start3A_1273 = arith.constant 0 : i32
    %dma_start3A_1274 = tpu.memref_slice %arg10[%dma_start3A_1272, %dma_start3A_1273] : memref<2048x32xf32, #tpu.memory_space<vmem_shared>> -> memref<2048x32xf32, #tpu.memory_space<vmem_shared>>
    tpu.enqueue_indirect_dma source(%dma_start3A_1268 : memref<128x32xf32, #tpu.memory_space<vmem>>) target(%dma_start3A_1274 : memref<2048x32xf32, #tpu.memory_space<vmem_shared>>) offsets(%dma_start3A_1271 : memref<128xi32, #tpu.memory_space<vmem>>) semaphore(%arg12 : memref<!tpu.dma_semaphore, #tpu.memory_space<semaphore_mem>>) {add = true}
    %dma_start3A_1275 = arith.constant 0 : i32
    %dma_start3A_1276 = arith.constant 3 : i32
    %dma_start3A_1277 = arith.constant 23 : i32
    %dma_start3A_1278 = arith.constant 0 : i32
    %dma_start3A_1279 = arith.constant 0 : i32
    %dma_start3A_1280 = tpu.memref_slice %arg9[%dma_start3A_1275, %dma_start3A_1276, %dma_start3A_1278, %dma_start3A_1279] : memref<2x5x128x32xf32, #tpu.memory_space<vmem>> -> memref<1x1x128x32xf32, #tpu.memory_space<vmem>>
    %dma_start3A_1281 = tpu.memref_squeeze %dma_start3A_1280 : memref<1x1x128x32xf32, #tpu.memory_space<vmem>> -> memref<128x32xf32, #tpu.memory_space<vmem>>
    %dma_start3A_1282 = arith.constant 0 : i32
    %dma_start3A_1283 = tpu.memref_slice %arg8[%dma_start3A_1277, %dma_start3A_1282] : memref<50x128xi32, #tpu.memory_space<vmem>> -> memref<1x128xi32, #tpu.memory_space<vmem>>
    %dma_start3A_1284 = tpu.memref_squeeze %dma_start3A_1283 : memref<1x128xi32, #tpu.memory_space<vmem>> -> memref<128xi32, #tpu.memory_space<vmem>>
    %dma_start3A_1285 = arith.constant 0 : i32
    %dma_start3A_1286 = arith.constant 0 : i32
    %dma_start3A_1287 = tpu.memref_slice %arg10[%dma_start3A_1285, %dma_start3A_1286] : memref<2048x32xf32, #tpu.memory_space<vmem_shared>> -> memref<2048x32xf32, #tpu.memory_space<vmem_shared>>
    tpu.enqueue_indirect_dma source(%dma_start3A_1281 : memref<128x32xf32, #tpu.memory_space<vmem>>) target(%dma_start3A_1287 : memref<2048x32xf32, #tpu.memory_space<vmem_shared>>) offsets(%dma_start3A_1284 : memref<128xi32, #tpu.memory_space<vmem>>) semaphore(%arg12 : memref<!tpu.dma_semaphore, #tpu.memory_space<semaphore_mem>>) {add = true}
    %dma_start3A_1288 = arith.constant 0 : i32
    %dma_start3A_1289 = arith.constant 4 : i32
    %dma_start3A_1290 = arith.constant 24 : i32
    %dma_start3A_1291 = arith.constant 0 : i32
    %dma_start3A_1292 = arith.constant 0 : i32
    %dma_start3A_1293 = tpu.memref_slice %arg9[%dma_start3A_1288, %dma_start3A_1289, %dma_start3A_1291, %dma_start3A_1292] : memref<2x5x128x32xf32, #tpu.memory_space<vmem>> -> memref<1x1x128x32xf32, #tpu.memory_space<vmem>>
    %dma_start3A_1294 = tpu.memref_squeeze %dma_start3A_1293 : memref<1x1x128x32xf32, #tpu.memory_space<vmem>> -> memref<128x32xf32, #tpu.memory_space<vmem>>
    %dma_start3A_1295 = arith.constant 0 : i32
    %dma_start3A_1296 = tpu.memref_slice %arg8[%dma_start3A_1290, %dma_start3A_1295] : memref<50x128xi32, #tpu.memory_space<vmem>> -> memref<1x128xi32, #tpu.memory_space<vmem>>
    %dma_start3A_1297 = tpu.memref_squeeze %dma_start3A_1296 : memref<1x128xi32, #tpu.memory_space<vmem>> -> memref<128xi32, #tpu.memory_space<vmem>>
    %dma_start3A_1298 = arith.constant 0 : i32
    %dma_start3A_1299 = arith.constant 0 : i32
    %dma_start3A_1300 = tpu.memref_slice %arg10[%dma_start3A_1298, %dma_start3A_1299] : memref<2048x32xf32, #tpu.memory_space<vmem_shared>> -> memref<2048x32xf32, #tpu.memory_space<vmem_shared>>
    tpu.enqueue_indirect_dma source(%dma_start3A_1294 : memref<128x32xf32, #tpu.memory_space<vmem>>) target(%dma_start3A_1300 : memref<2048x32xf32, #tpu.memory_space<vmem_shared>>) offsets(%dma_start3A_1297 : memref<128xi32, #tpu.memory_space<vmem>>) semaphore(%arg12 : memref<!tpu.dma_semaphore, #tpu.memory_space<semaphore_mem>>) {add = true}
    %dma_wait3A_1301 = arith.constant 25 : i32
    %dma_wait3A_1302 = arith.constant 1 : i32
    %dma_wait3A_1303 = arith.constant 0 : i32
    %dma_wait3A_1304 = arith.constant 0 : i32
    %dma_wait3A_1305 = arith.constant 0 : i32
    %dma_wait3A_1306 = tpu.memref_slice %arg9[%dma_wait3A_1302, %dma_wait3A_1303, %dma_wait3A_1304, %dma_wait3A_1305] : memref<2x5x128x32xf32, #tpu.memory_space<vmem>> -> memref<1x1x128x32xf32, #tpu.memory_space<vmem>>
    %dma_wait3A_1307 = tpu.memref_squeeze %dma_wait3A_1306 : memref<1x1x128x32xf32, #tpu.memory_space<vmem>> -> memref<128x32xf32, #tpu.memory_space<vmem>>
    %dma_wait3A_1308 = arith.constant 0 : i32
    %dma_wait3A_1309 = tpu.memref_slice %arg7[%dma_wait3A_1301, %dma_wait3A_1308] : memref<50x128xi32, #tpu.memory_space<vmem>> -> memref<1x128xi32, #tpu.memory_space<vmem>>
    %dma_wait3A_1310 = tpu.memref_squeeze %dma_wait3A_1309 : memref<1x128xi32, #tpu.memory_space<vmem>> -> memref<128xi32, #tpu.memory_space<vmem>>
    %dma_wait3A_1311 = arith.constant 0 : i32
    %dma_wait3A_1312 = arith.constant 0 : i32
    %dma_wait3A_1313 = tpu.memref_slice %arg2[%dma_wait3A_1311, %dma_wait3A_1312] : memref<1000000x32xf32, #tpu.memory_space<hbm>> -> memref<1000000x32xf32, #tpu.memory_space<hbm>>
    tpu.wait_indirect_dma semaphore(%arg11 : memref<!tpu.dma_semaphore, #tpu.memory_space<semaphore_mem>>) src(%dma_wait3A_1313 : memref<1000000x32xf32, #tpu.memory_space<hbm>>) dst(%dma_wait3A_1307 : memref<128x32xf32, #tpu.memory_space<vmem>>)
    %dma_wait3A_1314 = arith.constant 26 : i32
    %dma_wait3A_1315 = arith.constant 1 : i32
    %dma_wait3A_1316 = arith.constant 1 : i32
    %dma_wait3A_1317 = arith.constant 0 : i32
    %dma_wait3A_1318 = arith.constant 0 : i32
    %dma_wait3A_1319 = tpu.memref_slice %arg9[%dma_wait3A_1315, %dma_wait3A_1316, %dma_wait3A_1317, %dma_wait3A_1318] : memref<2x5x128x32xf32, #tpu.memory_space<vmem>> -> memref<1x1x128x32xf32, #tpu.memory_space<vmem>>
    %dma_wait3A_1320 = tpu.memref_squeeze %dma_wait3A_1319 : memref<1x1x128x32xf32, #tpu.memory_space<vmem>> -> memref<128x32xf32, #tpu.memory_space<vmem>>
    %dma_wait3A_1321 = arith.constant 0 : i32
    %dma_wait3A_1322 = tpu.memref_slice %arg7[%dma_wait3A_1314, %dma_wait3A_1321] : memref<50x128xi32, #tpu.memory_space<vmem>> -> memref<1x128xi32, #tpu.memory_space<vmem>>
    %dma_wait3A_1323 = tpu.memref_squeeze %dma_wait3A_1322 : memref<1x128xi32, #tpu.memory_space<vmem>> -> memref<128xi32, #tpu.memory_space<vmem>>
    %dma_wait3A_1324 = arith.constant 0 : i32
    %dma_wait3A_1325 = arith.constant 0 : i32
    %dma_wait3A_1326 = tpu.memref_slice %arg2[%dma_wait3A_1324, %dma_wait3A_1325] : memref<1000000x32xf32, #tpu.memory_space<hbm>> -> memref<1000000x32xf32, #tpu.memory_space<hbm>>
    tpu.wait_indirect_dma semaphore(%arg11 : memref<!tpu.dma_semaphore, #tpu.memory_space<semaphore_mem>>) src(%dma_wait3A_1326 : memref<1000000x32xf32, #tpu.memory_space<hbm>>) dst(%dma_wait3A_1320 : memref<128x32xf32, #tpu.memory_space<vmem>>)
    %dma_wait3A_1327 = arith.constant 27 : i32
    %dma_wait3A_1328 = arith.constant 1 : i32
    %dma_wait3A_1329 = arith.constant 2 : i32
    %dma_wait3A_1330 = arith.constant 0 : i32
    %dma_wait3A_1331 = arith.constant 0 : i32
    %dma_wait3A_1332 = tpu.memref_slice %arg9[%dma_wait3A_1328, %dma_wait3A_1329, %dma_wait3A_1330, %dma_wait3A_1331] : memref<2x5x128x32xf32, #tpu.memory_space<vmem>> -> memref<1x1x128x32xf32, #tpu.memory_space<vmem>>
    %dma_wait3A_1333 = tpu.memref_squeeze %dma_wait3A_1332 : memref<1x1x128x32xf32, #tpu.memory_space<vmem>> -> memref<128x32xf32, #tpu.memory_space<vmem>>
    %dma_wait3A_1334 = arith.constant 0 : i32
    %dma_wait3A_1335 = tpu.memref_slice %arg7[%dma_wait3A_1327, %dma_wait3A_1334] : memref<50x128xi32, #tpu.memory_space<vmem>> -> memref<1x128xi32, #tpu.memory_space<vmem>>
    %dma_wait3A_1336 = tpu.memref_squeeze %dma_wait3A_1335 : memref<1x128xi32, #tpu.memory_space<vmem>> -> memref<128xi32, #tpu.memory_space<vmem>>
    %dma_wait3A_1337 = arith.constant 0 : i32
    %dma_wait3A_1338 = arith.constant 0 : i32
    %dma_wait3A_1339 = tpu.memref_slice %arg2[%dma_wait3A_1337, %dma_wait3A_1338] : memref<1000000x32xf32, #tpu.memory_space<hbm>> -> memref<1000000x32xf32, #tpu.memory_space<hbm>>
    tpu.wait_indirect_dma semaphore(%arg11 : memref<!tpu.dma_semaphore, #tpu.memory_space<semaphore_mem>>) src(%dma_wait3A_1339 : memref<1000000x32xf32, #tpu.memory_space<hbm>>) dst(%dma_wait3A_1333 : memref<128x32xf32, #tpu.memory_space<vmem>>)
    %dma_wait3A_1340 = arith.constant 28 : i32
    %dma_wait3A_1341 = arith.constant 1 : i32
    %dma_wait3A_1342 = arith.constant 3 : i32
    %dma_wait3A_1343 = arith.constant 0 : i32
    %dma_wait3A_1344 = arith.constant 0 : i32
    %dma_wait3A_1345 = tpu.memref_slice %arg9[%dma_wait3A_1341, %dma_wait3A_1342, %dma_wait3A_1343, %dma_wait3A_1344] : memref<2x5x128x32xf32, #tpu.memory_space<vmem>> -> memref<1x1x128x32xf32, #tpu.memory_space<vmem>>
    %dma_wait3A_1346 = tpu.memref_squeeze %dma_wait3A_1345 : memref<1x1x128x32xf32, #tpu.memory_space<vmem>> -> memref<128x32xf32, #tpu.memory_space<vmem>>
    %dma_wait3A_1347 = arith.constant 0 : i32
    %dma_wait3A_1348 = tpu.memref_slice %arg7[%dma_wait3A_1340, %dma_wait3A_1347] : memref<50x128xi32, #tpu.memory_space<vmem>> -> memref<1x128xi32, #tpu.memory_space<vmem>>
    %dma_wait3A_1349 = tpu.memref_squeeze %dma_wait3A_1348 : memref<1x128xi32, #tpu.memory_space<vmem>> -> memref<128xi32, #tpu.memory_space<vmem>>
    %dma_wait3A_1350 = arith.constant 0 : i32
    %dma_wait3A_1351 = arith.constant 0 : i32
    %dma_wait3A_1352 = tpu.memref_slice %arg2[%dma_wait3A_1350, %dma_wait3A_1351] : memref<1000000x32xf32, #tpu.memory_space<hbm>> -> memref<1000000x32xf32, #tpu.memory_space<hbm>>
    tpu.wait_indirect_dma semaphore(%arg11 : memref<!tpu.dma_semaphore, #tpu.memory_space<semaphore_mem>>) src(%dma_wait3A_1352 : memref<1000000x32xf32, #tpu.memory_space<hbm>>) dst(%dma_wait3A_1346 : memref<128x32xf32, #tpu.memory_space<vmem>>)
    %dma_wait3A_1353 = arith.constant 29 : i32
    %dma_wait3A_1354 = arith.constant 1 : i32
    %dma_wait3A_1355 = arith.constant 4 : i32
    %dma_wait3A_1356 = arith.constant 0 : i32
    %dma_wait3A_1357 = arith.constant 0 : i32
    %dma_wait3A_1358 = tpu.memref_slice %arg9[%dma_wait3A_1354, %dma_wait3A_1355, %dma_wait3A_1356, %dma_wait3A_1357] : memref<2x5x128x32xf32, #tpu.memory_space<vmem>> -> memref<1x1x128x32xf32, #tpu.memory_space<vmem>>
    %dma_wait3A_1359 = tpu.memref_squeeze %dma_wait3A_1358 : memref<1x1x128x32xf32, #tpu.memory_space<vmem>> -> memref<128x32xf32, #tpu.memory_space<vmem>>
    %dma_wait3A_1360 = arith.constant 0 : i32
    %dma_wait3A_1361 = tpu.memref_slice %arg7[%dma_wait3A_1353, %dma_wait3A_1360] : memref<50x128xi32, #tpu.memory_space<vmem>> -> memref<1x128xi32, #tpu.memory_space<vmem>>
    %dma_wait3A_1362 = tpu.memref_squeeze %dma_wait3A_1361 : memref<1x128xi32, #tpu.memory_space<vmem>> -> memref<128xi32, #tpu.memory_space<vmem>>
    %dma_wait3A_1363 = arith.constant 0 : i32
    %dma_wait3A_1364 = arith.constant 0 : i32
    %dma_wait3A_1365 = tpu.memref_slice %arg2[%dma_wait3A_1363, %dma_wait3A_1364] : memref<1000000x32xf32, #tpu.memory_space<hbm>> -> memref<1000000x32xf32, #tpu.memory_space<hbm>>
    tpu.wait_indirect_dma semaphore(%arg11 : memref<!tpu.dma_semaphore, #tpu.memory_space<semaphore_mem>>) src(%dma_wait3A_1365 : memref<1000000x32xf32, #tpu.memory_space<hbm>>) dst(%dma_wait3A_1359 : memref<128x32xf32, #tpu.memory_space<vmem>>)
    %dma_wait3A_1366 = arith.constant 0 : i32
    %dma_wait3A_1367 = arith.constant 0 : i32
    %dma_wait3A_1368 = arith.constant 20 : i32
    %dma_wait3A_1369 = arith.constant 0 : i32
    %dma_wait3A_1370 = arith.constant 0 : i32
    %dma_wait3A_1371 = tpu.memref_slice %arg9[%dma_wait3A_1366, %dma_wait3A_1367, %dma_wait3A_1369, %dma_wait3A_1370] : memref<2x5x128x32xf32, #tpu.memory_space<vmem>> -> memref<1x1x128x32xf32, #tpu.memory_space<vmem>>
    %dma_wait3A_1372 = tpu.memref_squeeze %dma_wait3A_1371 : memref<1x1x128x32xf32, #tpu.memory_space<vmem>> -> memref<128x32xf32, #tpu.memory_space<vmem>>
    %dma_wait3A_1373 = arith.constant 0 : i32
    %dma_wait3A_1374 = tpu.memref_slice %arg8[%dma_wait3A_1368, %dma_wait3A_1373] : memref<50x128xi32, #tpu.memory_space<vmem>> -> memref<1x128xi32, #tpu.memory_space<vmem>>
    %dma_wait3A_1375 = tpu.memref_squeeze %dma_wait3A_1374 : memref<1x128xi32, #tpu.memory_space<vmem>> -> memref<128xi32, #tpu.memory_space<vmem>>
    %dma_wait3A_1376 = arith.constant 0 : i32
    %dma_wait3A_1377 = arith.constant 0 : i32
    %dma_wait3A_1378 = tpu.memref_slice %arg10[%dma_wait3A_1376, %dma_wait3A_1377] : memref<2048x32xf32, #tpu.memory_space<vmem_shared>> -> memref<2048x32xf32, #tpu.memory_space<vmem_shared>>
    tpu.wait_indirect_dma semaphore(%arg12 : memref<!tpu.dma_semaphore, #tpu.memory_space<semaphore_mem>>) src(%dma_wait3A_1372 : memref<128x32xf32, #tpu.memory_space<vmem>>) dst(%dma_wait3A_1378 : memref<2048x32xf32, #tpu.memory_space<vmem_shared>>)
    %dma_wait3A_1379 = arith.constant 0 : i32
    %dma_wait3A_1380 = arith.constant 1 : i32
    %dma_wait3A_1381 = arith.constant 21 : i32
    %dma_wait3A_1382 = arith.constant 0 : i32
    %dma_wait3A_1383 = arith.constant 0 : i32
    %dma_wait3A_1384 = tpu.memref_slice %arg9[%dma_wait3A_1379, %dma_wait3A_1380, %dma_wait3A_1382, %dma_wait3A_1383] : memref<2x5x128x32xf32, #tpu.memory_space<vmem>> -> memref<1x1x128x32xf32, #tpu.memory_space<vmem>>
    %dma_wait3A_1385 = tpu.memref_squeeze %dma_wait3A_1384 : memref<1x1x128x32xf32, #tpu.memory_space<vmem>> -> memref<128x32xf32, #tpu.memory_space<vmem>>
    %dma_wait3A_1386 = arith.constant 0 : i32
    %dma_wait3A_1387 = tpu.memref_slice %arg8[%dma_wait3A_1381, %dma_wait3A_1386] : memref<50x128xi32, #tpu.memory_space<vmem>> -> memref<1x128xi32, #tpu.memory_space<vmem>>
    %dma_wait3A_1388 = tpu.memref_squeeze %dma_wait3A_1387 : memref<1x128xi32, #tpu.memory_space<vmem>> -> memref<128xi32, #tpu.memory_space<vmem>>
    %dma_wait3A_1389 = arith.constant 0 : i32
    %dma_wait3A_1390 = arith.constant 0 : i32
    %dma_wait3A_1391 = tpu.memref_slice %arg10[%dma_wait3A_1389, %dma_wait3A_1390] : memref<2048x32xf32, #tpu.memory_space<vmem_shared>> -> memref<2048x32xf32, #tpu.memory_space<vmem_shared>>
    tpu.wait_indirect_dma semaphore(%arg12 : memref<!tpu.dma_semaphore, #tpu.memory_space<semaphore_mem>>) src(%dma_wait3A_1385 : memref<128x32xf32, #tpu.memory_space<vmem>>) dst(%dma_wait3A_1391 : memref<2048x32xf32, #tpu.memory_space<vmem_shared>>)
    %dma_wait3A_1392 = arith.constant 0 : i32
    %dma_wait3A_1393 = arith.constant 2 : i32
    %dma_wait3A_1394 = arith.constant 22 : i32
    %dma_wait3A_1395 = arith.constant 0 : i32
    %dma_wait3A_1396 = arith.constant 0 : i32
    %dma_wait3A_1397 = tpu.memref_slice %arg9[%dma_wait3A_1392, %dma_wait3A_1393, %dma_wait3A_1395, %dma_wait3A_1396] : memref<2x5x128x32xf32, #tpu.memory_space<vmem>> -> memref<1x1x128x32xf32, #tpu.memory_space<vmem>>
    %dma_wait3A_1398 = tpu.memref_squeeze %dma_wait3A_1397 : memref<1x1x128x32xf32, #tpu.memory_space<vmem>> -> memref<128x32xf32, #tpu.memory_space<vmem>>
    %dma_wait3A_1399 = arith.constant 0 : i32
    %dma_wait3A_1400 = tpu.memref_slice %arg8[%dma_wait3A_1394, %dma_wait3A_1399] : memref<50x128xi32, #tpu.memory_space<vmem>> -> memref<1x128xi32, #tpu.memory_space<vmem>>
    %dma_wait3A_1401 = tpu.memref_squeeze %dma_wait3A_1400 : memref<1x128xi32, #tpu.memory_space<vmem>> -> memref<128xi32, #tpu.memory_space<vmem>>
    %dma_wait3A_1402 = arith.constant 0 : i32
    %dma_wait3A_1403 = arith.constant 0 : i32
    %dma_wait3A_1404 = tpu.memref_slice %arg10[%dma_wait3A_1402, %dma_wait3A_1403] : memref<2048x32xf32, #tpu.memory_space<vmem_shared>> -> memref<2048x32xf32, #tpu.memory_space<vmem_shared>>
    tpu.wait_indirect_dma semaphore(%arg12 : memref<!tpu.dma_semaphore, #tpu.memory_space<semaphore_mem>>) src(%dma_wait3A_1398 : memref<128x32xf32, #tpu.memory_space<vmem>>) dst(%dma_wait3A_1404 : memref<2048x32xf32, #tpu.memory_space<vmem_shared>>)
    %dma_wait3A_1405 = arith.constant 0 : i32
    %dma_wait3A_1406 = arith.constant 3 : i32
    %dma_wait3A_1407 = arith.constant 23 : i32
    %dma_wait3A_1408 = arith.constant 0 : i32
    %dma_wait3A_1409 = arith.constant 0 : i32
    %dma_wait3A_1410 = tpu.memref_slice %arg9[%dma_wait3A_1405, %dma_wait3A_1406, %dma_wait3A_1408, %dma_wait3A_1409] : memref<2x5x128x32xf32, #tpu.memory_space<vmem>> -> memref<1x1x128x32xf32, #tpu.memory_space<vmem>>
    %dma_wait3A_1411 = tpu.memref_squeeze %dma_wait3A_1410 : memref<1x1x128x32xf32, #tpu.memory_space<vmem>> -> memref<128x32xf32, #tpu.memory_space<vmem>>
    %dma_wait3A_1412 = arith.constant 0 : i32
    %dma_wait3A_1413 = tpu.memref_slice %arg8[%dma_wait3A_1407, %dma_wait3A_1412] : memref<50x128xi32, #tpu.memory_space<vmem>> -> memref<1x128xi32, #tpu.memory_space<vmem>>
    %dma_wait3A_1414 = tpu.memref_squeeze %dma_wait3A_1413 : memref<1x128xi32, #tpu.memory_space<vmem>> -> memref<128xi32, #tpu.memory_space<vmem>>
    %dma_wait3A_1415 = arith.constant 0 : i32
    %dma_wait3A_1416 = arith.constant 0 : i32
    %dma_wait3A_1417 = tpu.memref_slice %arg10[%dma_wait3A_1415, %dma_wait3A_1416] : memref<2048x32xf32, #tpu.memory_space<vmem_shared>> -> memref<2048x32xf32, #tpu.memory_space<vmem_shared>>
    tpu.wait_indirect_dma semaphore(%arg12 : memref<!tpu.dma_semaphore, #tpu.memory_space<semaphore_mem>>) src(%dma_wait3A_1411 : memref<128x32xf32, #tpu.memory_space<vmem>>) dst(%dma_wait3A_1417 : memref<2048x32xf32, #tpu.memory_space<vmem_shared>>)
    %dma_wait3A_1418 = arith.constant 0 : i32
    %dma_wait3A_1419 = arith.constant 4 : i32
    %dma_wait3A_1420 = arith.constant 24 : i32
    %dma_wait3A_1421 = arith.constant 0 : i32
    %dma_wait3A_1422 = arith.constant 0 : i32
    %dma_wait3A_1423 = tpu.memref_slice %arg9[%dma_wait3A_1418, %dma_wait3A_1419, %dma_wait3A_1421, %dma_wait3A_1422] : memref<2x5x128x32xf32, #tpu.memory_space<vmem>> -> memref<1x1x128x32xf32, #tpu.memory_space<vmem>>
    %dma_wait3A_1424 = tpu.memref_squeeze %dma_wait3A_1423 : memref<1x1x128x32xf32, #tpu.memory_space<vmem>> -> memref<128x32xf32, #tpu.memory_space<vmem>>
    %dma_wait3A_1425 = arith.constant 0 : i32
    %dma_wait3A_1426 = tpu.memref_slice %arg8[%dma_wait3A_1420, %dma_wait3A_1425] : memref<50x128xi32, #tpu.memory_space<vmem>> -> memref<1x128xi32, #tpu.memory_space<vmem>>
    %dma_wait3A_1427 = tpu.memref_squeeze %dma_wait3A_1426 : memref<1x128xi32, #tpu.memory_space<vmem>> -> memref<128xi32, #tpu.memory_space<vmem>>
    %dma_wait3A_1428 = arith.constant 0 : i32
    %dma_wait3A_1429 = arith.constant 0 : i32
    %dma_wait3A_1430 = tpu.memref_slice %arg10[%dma_wait3A_1428, %dma_wait3A_1429] : memref<2048x32xf32, #tpu.memory_space<vmem_shared>> -> memref<2048x32xf32, #tpu.memory_space<vmem_shared>>
    tpu.wait_indirect_dma semaphore(%arg12 : memref<!tpu.dma_semaphore, #tpu.memory_space<semaphore_mem>>) src(%dma_wait3A_1424 : memref<128x32xf32, #tpu.memory_space<vmem>>) dst(%dma_wait3A_1430 : memref<2048x32xf32, #tpu.memory_space<vmem_shared>>)
    %dma_start3A_1431 = arith.constant 30 : i32
    %dma_start3A_1432 = arith.constant 0 : i32
    %dma_start3A_1433 = arith.constant 0 : i32
    %dma_start3A_1434 = arith.constant 0 : i32
    %dma_start3A_1435 = arith.constant 0 : i32
    %dma_start3A_1436 = tpu.memref_slice %arg9[%dma_start3A_1432, %dma_start3A_1433, %dma_start3A_1434, %dma_start3A_1435] : memref<2x5x128x32xf32, #tpu.memory_space<vmem>> -> memref<1x1x128x32xf32, #tpu.memory_space<vmem>>
    %dma_start3A_1437 = tpu.memref_squeeze %dma_start3A_1436 : memref<1x1x128x32xf32, #tpu.memory_space<vmem>> -> memref<128x32xf32, #tpu.memory_space<vmem>>
    %dma_start3A_1438 = arith.constant 0 : i32
    %dma_start3A_1439 = tpu.memref_slice %arg7[%dma_start3A_1431, %dma_start3A_1438] : memref<50x128xi32, #tpu.memory_space<vmem>> -> memref<1x128xi32, #tpu.memory_space<vmem>>
    %dma_start3A_1440 = tpu.memref_squeeze %dma_start3A_1439 : memref<1x128xi32, #tpu.memory_space<vmem>> -> memref<128xi32, #tpu.memory_space<vmem>>
    %dma_start3A_1441 = arith.constant 0 : i32
    %dma_start3A_1442 = arith.constant 0 : i32
    %dma_start3A_1443 = tpu.memref_slice %arg2[%dma_start3A_1441, %dma_start3A_1442] : memref<1000000x32xf32, #tpu.memory_space<hbm>> -> memref<1000000x32xf32, #tpu.memory_space<hbm>>
    tpu.enqueue_indirect_dma source(%dma_start3A_1443 : memref<1000000x32xf32, #tpu.memory_space<hbm>>) target(%dma_start3A_1437 : memref<128x32xf32, #tpu.memory_space<vmem>>) offsets(%dma_start3A_1440 : memref<128xi32, #tpu.memory_space<vmem>>) semaphore(%arg11 : memref<!tpu.dma_semaphore, #tpu.memory_space<semaphore_mem>>)
    %dma_start3A_1444 = arith.constant 31 : i32
    %dma_start3A_1445 = arith.constant 0 : i32
    %dma_start3A_1446 = arith.constant 1 : i32
    %dma_start3A_1447 = arith.constant 0 : i32
    %dma_start3A_1448 = arith.constant 0 : i32
    %dma_start3A_1449 = tpu.memref_slice %arg9[%dma_start3A_1445, %dma_start3A_1446, %dma_start3A_1447, %dma_start3A_1448] : memref<2x5x128x32xf32, #tpu.memory_space<vmem>> -> memref<1x1x128x32xf32, #tpu.memory_space<vmem>>
    %dma_start3A_1450 = tpu.memref_squeeze %dma_start3A_1449 : memref<1x1x128x32xf32, #tpu.memory_space<vmem>> -> memref<128x32xf32, #tpu.memory_space<vmem>>
    %dma_start3A_1451 = arith.constant 0 : i32
    %dma_start3A_1452 = tpu.memref_slice %arg7[%dma_start3A_1444, %dma_start3A_1451] : memref<50x128xi32, #tpu.memory_space<vmem>> -> memref<1x128xi32, #tpu.memory_space<vmem>>
    %dma_start3A_1453 = tpu.memref_squeeze %dma_start3A_1452 : memref<1x128xi32, #tpu.memory_space<vmem>> -> memref<128xi32, #tpu.memory_space<vmem>>
    %dma_start3A_1454 = arith.constant 0 : i32
    %dma_start3A_1455 = arith.constant 0 : i32
    %dma_start3A_1456 = tpu.memref_slice %arg2[%dma_start3A_1454, %dma_start3A_1455] : memref<1000000x32xf32, #tpu.memory_space<hbm>> -> memref<1000000x32xf32, #tpu.memory_space<hbm>>
    tpu.enqueue_indirect_dma source(%dma_start3A_1456 : memref<1000000x32xf32, #tpu.memory_space<hbm>>) target(%dma_start3A_1450 : memref<128x32xf32, #tpu.memory_space<vmem>>) offsets(%dma_start3A_1453 : memref<128xi32, #tpu.memory_space<vmem>>) semaphore(%arg11 : memref<!tpu.dma_semaphore, #tpu.memory_space<semaphore_mem>>)
    %dma_start3A_1457 = arith.constant 32 : i32
    %dma_start3A_1458 = arith.constant 0 : i32
    %dma_start3A_1459 = arith.constant 2 : i32
    %dma_start3A_1460 = arith.constant 0 : i32
    %dma_start3A_1461 = arith.constant 0 : i32
    %dma_start3A_1462 = tpu.memref_slice %arg9[%dma_start3A_1458, %dma_start3A_1459, %dma_start3A_1460, %dma_start3A_1461] : memref<2x5x128x32xf32, #tpu.memory_space<vmem>> -> memref<1x1x128x32xf32, #tpu.memory_space<vmem>>
    %dma_start3A_1463 = tpu.memref_squeeze %dma_start3A_1462 : memref<1x1x128x32xf32, #tpu.memory_space<vmem>> -> memref<128x32xf32, #tpu.memory_space<vmem>>
    %dma_start3A_1464 = arith.constant 0 : i32
    %dma_start3A_1465 = tpu.memref_slice %arg7[%dma_start3A_1457, %dma_start3A_1464] : memref<50x128xi32, #tpu.memory_space<vmem>> -> memref<1x128xi32, #tpu.memory_space<vmem>>
    %dma_start3A_1466 = tpu.memref_squeeze %dma_start3A_1465 : memref<1x128xi32, #tpu.memory_space<vmem>> -> memref<128xi32, #tpu.memory_space<vmem>>
    %dma_start3A_1467 = arith.constant 0 : i32
    %dma_start3A_1468 = arith.constant 0 : i32
    %dma_start3A_1469 = tpu.memref_slice %arg2[%dma_start3A_1467, %dma_start3A_1468] : memref<1000000x32xf32, #tpu.memory_space<hbm>> -> memref<1000000x32xf32, #tpu.memory_space<hbm>>
    tpu.enqueue_indirect_dma source(%dma_start3A_1469 : memref<1000000x32xf32, #tpu.memory_space<hbm>>) target(%dma_start3A_1463 : memref<128x32xf32, #tpu.memory_space<vmem>>) offsets(%dma_start3A_1466 : memref<128xi32, #tpu.memory_space<vmem>>) semaphore(%arg11 : memref<!tpu.dma_semaphore, #tpu.memory_space<semaphore_mem>>)
    %dma_start3A_1470 = arith.constant 33 : i32
    %dma_start3A_1471 = arith.constant 0 : i32
    %dma_start3A_1472 = arith.constant 3 : i32
    %dma_start3A_1473 = arith.constant 0 : i32
    %dma_start3A_1474 = arith.constant 0 : i32
    %dma_start3A_1475 = tpu.memref_slice %arg9[%dma_start3A_1471, %dma_start3A_1472, %dma_start3A_1473, %dma_start3A_1474] : memref<2x5x128x32xf32, #tpu.memory_space<vmem>> -> memref<1x1x128x32xf32, #tpu.memory_space<vmem>>
    %dma_start3A_1476 = tpu.memref_squeeze %dma_start3A_1475 : memref<1x1x128x32xf32, #tpu.memory_space<vmem>> -> memref<128x32xf32, #tpu.memory_space<vmem>>
    %dma_start3A_1477 = arith.constant 0 : i32
    %dma_start3A_1478 = tpu.memref_slice %arg7[%dma_start3A_1470, %dma_start3A_1477] : memref<50x128xi32, #tpu.memory_space<vmem>> -> memref<1x128xi32, #tpu.memory_space<vmem>>
    %dma_start3A_1479 = tpu.memref_squeeze %dma_start3A_1478 : memref<1x128xi32, #tpu.memory_space<vmem>> -> memref<128xi32, #tpu.memory_space<vmem>>
    %dma_start3A_1480 = arith.constant 0 : i32
    %dma_start3A_1481 = arith.constant 0 : i32
    %dma_start3A_1482 = tpu.memref_slice %arg2[%dma_start3A_1480, %dma_start3A_1481] : memref<1000000x32xf32, #tpu.memory_space<hbm>> -> memref<1000000x32xf32, #tpu.memory_space<hbm>>
    tpu.enqueue_indirect_dma source(%dma_start3A_1482 : memref<1000000x32xf32, #tpu.memory_space<hbm>>) target(%dma_start3A_1476 : memref<128x32xf32, #tpu.memory_space<vmem>>) offsets(%dma_start3A_1479 : memref<128xi32, #tpu.memory_space<vmem>>) semaphore(%arg11 : memref<!tpu.dma_semaphore, #tpu.memory_space<semaphore_mem>>)
    %dma_start3A_1483 = arith.constant 34 : i32
    %dma_start3A_1484 = arith.constant 0 : i32
    %dma_start3A_1485 = arith.constant 4 : i32
    %dma_start3A_1486 = arith.constant 0 : i32
    %dma_start3A_1487 = arith.constant 0 : i32
    %dma_start3A_1488 = tpu.memref_slice %arg9[%dma_start3A_1484, %dma_start3A_1485, %dma_start3A_1486, %dma_start3A_1487] : memref<2x5x128x32xf32, #tpu.memory_space<vmem>> -> memref<1x1x128x32xf32, #tpu.memory_space<vmem>>
    %dma_start3A_1489 = tpu.memref_squeeze %dma_start3A_1488 : memref<1x1x128x32xf32, #tpu.memory_space<vmem>> -> memref<128x32xf32, #tpu.memory_space<vmem>>
    %dma_start3A_1490 = arith.constant 0 : i32
    %dma_start3A_1491 = tpu.memref_slice %arg7[%dma_start3A_1483, %dma_start3A_1490] : memref<50x128xi32, #tpu.memory_space<vmem>> -> memref<1x128xi32, #tpu.memory_space<vmem>>
    %dma_start3A_1492 = tpu.memref_squeeze %dma_start3A_1491 : memref<1x128xi32, #tpu.memory_space<vmem>> -> memref<128xi32, #tpu.memory_space<vmem>>
    %dma_start3A_1493 = arith.constant 0 : i32
    %dma_start3A_1494 = arith.constant 0 : i32
    %dma_start3A_1495 = tpu.memref_slice %arg2[%dma_start3A_1493, %dma_start3A_1494] : memref<1000000x32xf32, #tpu.memory_space<hbm>> -> memref<1000000x32xf32, #tpu.memory_space<hbm>>
    tpu.enqueue_indirect_dma source(%dma_start3A_1495 : memref<1000000x32xf32, #tpu.memory_space<hbm>>) target(%dma_start3A_1489 : memref<128x32xf32, #tpu.memory_space<vmem>>) offsets(%dma_start3A_1492 : memref<128xi32, #tpu.memory_space<vmem>>) semaphore(%arg11 : memref<!tpu.dma_semaphore, #tpu.memory_space<semaphore_mem>>)
    %dma_start3A_1496 = arith.constant 1 : i32
    %dma_start3A_1497 = arith.constant 0 : i32
    %dma_start3A_1498 = arith.constant 25 : i32
    %dma_start3A_1499 = arith.constant 0 : i32
    %dma_start3A_1500 = arith.constant 0 : i32
    %dma_start3A_1501 = tpu.memref_slice %arg9[%dma_start3A_1496, %dma_start3A_1497, %dma_start3A_1499, %dma_start3A_1500] : memref<2x5x128x32xf32, #tpu.memory_space<vmem>> -> memref<1x1x128x32xf32, #tpu.memory_space<vmem>>
    %dma_start3A_1502 = tpu.memref_squeeze %dma_start3A_1501 : memref<1x1x128x32xf32, #tpu.memory_space<vmem>> -> memref<128x32xf32, #tpu.memory_space<vmem>>
    %dma_start3A_1503 = arith.constant 0 : i32
    %dma_start3A_1504 = tpu.memref_slice %arg8[%dma_start3A_1498, %dma_start3A_1503] : memref<50x128xi32, #tpu.memory_space<vmem>> -> memref<1x128xi32, #tpu.memory_space<vmem>>
    %dma_start3A_1505 = tpu.memref_squeeze %dma_start3A_1504 : memref<1x128xi32, #tpu.memory_space<vmem>> -> memref<128xi32, #tpu.memory_space<vmem>>
    %dma_start3A_1506 = arith.constant 0 : i32
    %dma_start3A_1507 = arith.constant 0 : i32
    %dma_start3A_1508 = tpu.memref_slice %arg10[%dma_start3A_1506, %dma_start3A_1507] : memref<2048x32xf32, #tpu.memory_space<vmem_shared>> -> memref<2048x32xf32, #tpu.memory_space<vmem_shared>>
    tpu.enqueue_indirect_dma source(%dma_start3A_1502 : memref<128x32xf32, #tpu.memory_space<vmem>>) target(%dma_start3A_1508 : memref<2048x32xf32, #tpu.memory_space<vmem_shared>>) offsets(%dma_start3A_1505 : memref<128xi32, #tpu.memory_space<vmem>>) semaphore(%arg12 : memref<!tpu.dma_semaphore, #tpu.memory_space<semaphore_mem>>) {add = true}
    %dma_start3A_1509 = arith.constant 1 : i32
    %dma_start3A_1510 = arith.constant 1 : i32
    %dma_start3A_1511 = arith.constant 26 : i32
    %dma_start3A_1512 = arith.constant 0 : i32
    %dma_start3A_1513 = arith.constant 0 : i32
    %dma_start3A_1514 = tpu.memref_slice %arg9[%dma_start3A_1509, %dma_start3A_1510, %dma_start3A_1512, %dma_start3A_1513] : memref<2x5x128x32xf32, #tpu.memory_space<vmem>> -> memref<1x1x128x32xf32, #tpu.memory_space<vmem>>
    %dma_start3A_1515 = tpu.memref_squeeze %dma_start3A_1514 : memref<1x1x128x32xf32, #tpu.memory_space<vmem>> -> memref<128x32xf32, #tpu.memory_space<vmem>>
    %dma_start3A_1516 = arith.constant 0 : i32
    %dma_start3A_1517 = tpu.memref_slice %arg8[%dma_start3A_1511, %dma_start3A_1516] : memref<50x128xi32, #tpu.memory_space<vmem>> -> memref<1x128xi32, #tpu.memory_space<vmem>>
    %dma_start3A_1518 = tpu.memref_squeeze %dma_start3A_1517 : memref<1x128xi32, #tpu.memory_space<vmem>> -> memref<128xi32, #tpu.memory_space<vmem>>
    %dma_start3A_1519 = arith.constant 0 : i32
    %dma_start3A_1520 = arith.constant 0 : i32
    %dma_start3A_1521 = tpu.memref_slice %arg10[%dma_start3A_1519, %dma_start3A_1520] : memref<2048x32xf32, #tpu.memory_space<vmem_shared>> -> memref<2048x32xf32, #tpu.memory_space<vmem_shared>>
    tpu.enqueue_indirect_dma source(%dma_start3A_1515 : memref<128x32xf32, #tpu.memory_space<vmem>>) target(%dma_start3A_1521 : memref<2048x32xf32, #tpu.memory_space<vmem_shared>>) offsets(%dma_start3A_1518 : memref<128xi32, #tpu.memory_space<vmem>>) semaphore(%arg12 : memref<!tpu.dma_semaphore, #tpu.memory_space<semaphore_mem>>) {add = true}
    %dma_start3A_1522 = arith.constant 1 : i32
    %dma_start3A_1523 = arith.constant 2 : i32
    %dma_start3A_1524 = arith.constant 27 : i32
    %dma_start3A_1525 = arith.constant 0 : i32
    %dma_start3A_1526 = arith.constant 0 : i32
    %dma_start3A_1527 = tpu.memref_slice %arg9[%dma_start3A_1522, %dma_start3A_1523, %dma_start3A_1525, %dma_start3A_1526] : memref<2x5x128x32xf32, #tpu.memory_space<vmem>> -> memref<1x1x128x32xf32, #tpu.memory_space<vmem>>
    %dma_start3A_1528 = tpu.memref_squeeze %dma_start3A_1527 : memref<1x1x128x32xf32, #tpu.memory_space<vmem>> -> memref<128x32xf32, #tpu.memory_space<vmem>>
    %dma_start3A_1529 = arith.constant 0 : i32
    %dma_start3A_1530 = tpu.memref_slice %arg8[%dma_start3A_1524, %dma_start3A_1529] : memref<50x128xi32, #tpu.memory_space<vmem>> -> memref<1x128xi32, #tpu.memory_space<vmem>>
    %dma_start3A_1531 = tpu.memref_squeeze %dma_start3A_1530 : memref<1x128xi32, #tpu.memory_space<vmem>> -> memref<128xi32, #tpu.memory_space<vmem>>
    %dma_start3A_1532 = arith.constant 0 : i32
    %dma_start3A_1533 = arith.constant 0 : i32
    %dma_start3A_1534 = tpu.memref_slice %arg10[%dma_start3A_1532, %dma_start3A_1533] : memref<2048x32xf32, #tpu.memory_space<vmem_shared>> -> memref<2048x32xf32, #tpu.memory_space<vmem_shared>>
    tpu.enqueue_indirect_dma source(%dma_start3A_1528 : memref<128x32xf32, #tpu.memory_space<vmem>>) target(%dma_start3A_1534 : memref<2048x32xf32, #tpu.memory_space<vmem_shared>>) offsets(%dma_start3A_1531 : memref<128xi32, #tpu.memory_space<vmem>>) semaphore(%arg12 : memref<!tpu.dma_semaphore, #tpu.memory_space<semaphore_mem>>) {add = true}
    %dma_start3A_1535 = arith.constant 1 : i32
    %dma_start3A_1536 = arith.constant 3 : i32
    %dma_start3A_1537 = arith.constant 28 : i32
    %dma_start3A_1538 = arith.constant 0 : i32
    %dma_start3A_1539 = arith.constant 0 : i32
    %dma_start3A_1540 = tpu.memref_slice %arg9[%dma_start3A_1535, %dma_start3A_1536, %dma_start3A_1538, %dma_start3A_1539] : memref<2x5x128x32xf32, #tpu.memory_space<vmem>> -> memref<1x1x128x32xf32, #tpu.memory_space<vmem>>
    %dma_start3A_1541 = tpu.memref_squeeze %dma_start3A_1540 : memref<1x1x128x32xf32, #tpu.memory_space<vmem>> -> memref<128x32xf32, #tpu.memory_space<vmem>>
    %dma_start3A_1542 = arith.constant 0 : i32
    %dma_start3A_1543 = tpu.memref_slice %arg8[%dma_start3A_1537, %dma_start3A_1542] : memref<50x128xi32, #tpu.memory_space<vmem>> -> memref<1x128xi32, #tpu.memory_space<vmem>>
    %dma_start3A_1544 = tpu.memref_squeeze %dma_start3A_1543 : memref<1x128xi32, #tpu.memory_space<vmem>> -> memref<128xi32, #tpu.memory_space<vmem>>
    %dma_start3A_1545 = arith.constant 0 : i32
    %dma_start3A_1546 = arith.constant 0 : i32
    %dma_start3A_1547 = tpu.memref_slice %arg10[%dma_start3A_1545, %dma_start3A_1546] : memref<2048x32xf32, #tpu.memory_space<vmem_shared>> -> memref<2048x32xf32, #tpu.memory_space<vmem_shared>>
    tpu.enqueue_indirect_dma source(%dma_start3A_1541 : memref<128x32xf32, #tpu.memory_space<vmem>>) target(%dma_start3A_1547 : memref<2048x32xf32, #tpu.memory_space<vmem_shared>>) offsets(%dma_start3A_1544 : memref<128xi32, #tpu.memory_space<vmem>>) semaphore(%arg12 : memref<!tpu.dma_semaphore, #tpu.memory_space<semaphore_mem>>) {add = true}
    %dma_start3A_1548 = arith.constant 1 : i32
    %dma_start3A_1549 = arith.constant 4 : i32
    %dma_start3A_1550 = arith.constant 29 : i32
    %dma_start3A_1551 = arith.constant 0 : i32
    %dma_start3A_1552 = arith.constant 0 : i32
    %dma_start3A_1553 = tpu.memref_slice %arg9[%dma_start3A_1548, %dma_start3A_1549, %dma_start3A_1551, %dma_start3A_1552] : memref<2x5x128x32xf32, #tpu.memory_space<vmem>> -> memref<1x1x128x32xf32, #tpu.memory_space<vmem>>
    %dma_start3A_1554 = tpu.memref_squeeze %dma_start3A_1553 : memref<1x1x128x32xf32, #tpu.memory_space<vmem>> -> memref<128x32xf32, #tpu.memory_space<vmem>>
    %dma_start3A_1555 = arith.constant 0 : i32
    %dma_start3A_1556 = tpu.memref_slice %arg8[%dma_start3A_1550, %dma_start3A_1555] : memref<50x128xi32, #tpu.memory_space<vmem>> -> memref<1x128xi32, #tpu.memory_space<vmem>>
    %dma_start3A_1557 = tpu.memref_squeeze %dma_start3A_1556 : memref<1x128xi32, #tpu.memory_space<vmem>> -> memref<128xi32, #tpu.memory_space<vmem>>
    %dma_start3A_1558 = arith.constant 0 : i32
    %dma_start3A_1559 = arith.constant 0 : i32
    %dma_start3A_1560 = tpu.memref_slice %arg10[%dma_start3A_1558, %dma_start3A_1559] : memref<2048x32xf32, #tpu.memory_space<vmem_shared>> -> memref<2048x32xf32, #tpu.memory_space<vmem_shared>>
    tpu.enqueue_indirect_dma source(%dma_start3A_1554 : memref<128x32xf32, #tpu.memory_space<vmem>>) target(%dma_start3A_1560 : memref<2048x32xf32, #tpu.memory_space<vmem_shared>>) offsets(%dma_start3A_1557 : memref<128xi32, #tpu.memory_space<vmem>>) semaphore(%arg12 : memref<!tpu.dma_semaphore, #tpu.memory_space<semaphore_mem>>) {add = true}
    %dma_wait3A_1561 = arith.constant 30 : i32
    %dma_wait3A_1562 = arith.constant 0 : i32
    %dma_wait3A_1563 = arith.constant 0 : i32
    %dma_wait3A_1564 = arith.constant 0 : i32
    %dma_wait3A_1565 = arith.constant 0 : i32
    %dma_wait3A_1566 = tpu.memref_slice %arg9[%dma_wait3A_1562, %dma_wait3A_1563, %dma_wait3A_1564, %dma_wait3A_1565] : memref<2x5x128x32xf32, #tpu.memory_space<vmem>> -> memref<1x1x128x32xf32, #tpu.memory_space<vmem>>
    %dma_wait3A_1567 = tpu.memref_squeeze %dma_wait3A_1566 : memref<1x1x128x32xf32, #tpu.memory_space<vmem>> -> memref<128x32xf32, #tpu.memory_space<vmem>>
    %dma_wait3A_1568 = arith.constant 0 : i32
    %dma_wait3A_1569 = tpu.memref_slice %arg7[%dma_wait3A_1561, %dma_wait3A_1568] : memref<50x128xi32, #tpu.memory_space<vmem>> -> memref<1x128xi32, #tpu.memory_space<vmem>>
    %dma_wait3A_1570 = tpu.memref_squeeze %dma_wait3A_1569 : memref<1x128xi32, #tpu.memory_space<vmem>> -> memref<128xi32, #tpu.memory_space<vmem>>
    %dma_wait3A_1571 = arith.constant 0 : i32
    %dma_wait3A_1572 = arith.constant 0 : i32
    %dma_wait3A_1573 = tpu.memref_slice %arg2[%dma_wait3A_1571, %dma_wait3A_1572] : memref<1000000x32xf32, #tpu.memory_space<hbm>> -> memref<1000000x32xf32, #tpu.memory_space<hbm>>
    tpu.wait_indirect_dma semaphore(%arg11 : memref<!tpu.dma_semaphore, #tpu.memory_space<semaphore_mem>>) src(%dma_wait3A_1573 : memref<1000000x32xf32, #tpu.memory_space<hbm>>) dst(%dma_wait3A_1567 : memref<128x32xf32, #tpu.memory_space<vmem>>)
    %dma_wait3A_1574 = arith.constant 31 : i32
    %dma_wait3A_1575 = arith.constant 0 : i32
    %dma_wait3A_1576 = arith.constant 1 : i32
    %dma_wait3A_1577 = arith.constant 0 : i32
    %dma_wait3A_1578 = arith.constant 0 : i32
    %dma_wait3A_1579 = tpu.memref_slice %arg9[%dma_wait3A_1575, %dma_wait3A_1576, %dma_wait3A_1577, %dma_wait3A_1578] : memref<2x5x128x32xf32, #tpu.memory_space<vmem>> -> memref<1x1x128x32xf32, #tpu.memory_space<vmem>>
    %dma_wait3A_1580 = tpu.memref_squeeze %dma_wait3A_1579 : memref<1x1x128x32xf32, #tpu.memory_space<vmem>> -> memref<128x32xf32, #tpu.memory_space<vmem>>
    %dma_wait3A_1581 = arith.constant 0 : i32
    %dma_wait3A_1582 = tpu.memref_slice %arg7[%dma_wait3A_1574, %dma_wait3A_1581] : memref<50x128xi32, #tpu.memory_space<vmem>> -> memref<1x128xi32, #tpu.memory_space<vmem>>
    %dma_wait3A_1583 = tpu.memref_squeeze %dma_wait3A_1582 : memref<1x128xi32, #tpu.memory_space<vmem>> -> memref<128xi32, #tpu.memory_space<vmem>>
    %dma_wait3A_1584 = arith.constant 0 : i32
    %dma_wait3A_1585 = arith.constant 0 : i32
    %dma_wait3A_1586 = tpu.memref_slice %arg2[%dma_wait3A_1584, %dma_wait3A_1585] : memref<1000000x32xf32, #tpu.memory_space<hbm>> -> memref<1000000x32xf32, #tpu.memory_space<hbm>>
    tpu.wait_indirect_dma semaphore(%arg11 : memref<!tpu.dma_semaphore, #tpu.memory_space<semaphore_mem>>) src(%dma_wait3A_1586 : memref<1000000x32xf32, #tpu.memory_space<hbm>>) dst(%dma_wait3A_1580 : memref<128x32xf32, #tpu.memory_space<vmem>>)
    %dma_wait3A_1587 = arith.constant 32 : i32
    %dma_wait3A_1588 = arith.constant 0 : i32
    %dma_wait3A_1589 = arith.constant 2 : i32
    %dma_wait3A_1590 = arith.constant 0 : i32
    %dma_wait3A_1591 = arith.constant 0 : i32
    %dma_wait3A_1592 = tpu.memref_slice %arg9[%dma_wait3A_1588, %dma_wait3A_1589, %dma_wait3A_1590, %dma_wait3A_1591] : memref<2x5x128x32xf32, #tpu.memory_space<vmem>> -> memref<1x1x128x32xf32, #tpu.memory_space<vmem>>
    %dma_wait3A_1593 = tpu.memref_squeeze %dma_wait3A_1592 : memref<1x1x128x32xf32, #tpu.memory_space<vmem>> -> memref<128x32xf32, #tpu.memory_space<vmem>>
    %dma_wait3A_1594 = arith.constant 0 : i32
    %dma_wait3A_1595 = tpu.memref_slice %arg7[%dma_wait3A_1587, %dma_wait3A_1594] : memref<50x128xi32, #tpu.memory_space<vmem>> -> memref<1x128xi32, #tpu.memory_space<vmem>>
    %dma_wait3A_1596 = tpu.memref_squeeze %dma_wait3A_1595 : memref<1x128xi32, #tpu.memory_space<vmem>> -> memref<128xi32, #tpu.memory_space<vmem>>
    %dma_wait3A_1597 = arith.constant 0 : i32
    %dma_wait3A_1598 = arith.constant 0 : i32
    %dma_wait3A_1599 = tpu.memref_slice %arg2[%dma_wait3A_1597, %dma_wait3A_1598] : memref<1000000x32xf32, #tpu.memory_space<hbm>> -> memref<1000000x32xf32, #tpu.memory_space<hbm>>
    tpu.wait_indirect_dma semaphore(%arg11 : memref<!tpu.dma_semaphore, #tpu.memory_space<semaphore_mem>>) src(%dma_wait3A_1599 : memref<1000000x32xf32, #tpu.memory_space<hbm>>) dst(%dma_wait3A_1593 : memref<128x32xf32, #tpu.memory_space<vmem>>)
    %dma_wait3A_1600 = arith.constant 33 : i32
    %dma_wait3A_1601 = arith.constant 0 : i32
    %dma_wait3A_1602 = arith.constant 3 : i32
    %dma_wait3A_1603 = arith.constant 0 : i32
    %dma_wait3A_1604 = arith.constant 0 : i32
    %dma_wait3A_1605 = tpu.memref_slice %arg9[%dma_wait3A_1601, %dma_wait3A_1602, %dma_wait3A_1603, %dma_wait3A_1604] : memref<2x5x128x32xf32, #tpu.memory_space<vmem>> -> memref<1x1x128x32xf32, #tpu.memory_space<vmem>>
    %dma_wait3A_1606 = tpu.memref_squeeze %dma_wait3A_1605 : memref<1x1x128x32xf32, #tpu.memory_space<vmem>> -> memref<128x32xf32, #tpu.memory_space<vmem>>
    %dma_wait3A_1607 = arith.constant 0 : i32
    %dma_wait3A_1608 = tpu.memref_slice %arg7[%dma_wait3A_1600, %dma_wait3A_1607] : memref<50x128xi32, #tpu.memory_space<vmem>> -> memref<1x128xi32, #tpu.memory_space<vmem>>
    %dma_wait3A_1609 = tpu.memref_squeeze %dma_wait3A_1608 : memref<1x128xi32, #tpu.memory_space<vmem>> -> memref<128xi32, #tpu.memory_space<vmem>>
    %dma_wait3A_1610 = arith.constant 0 : i32
    %dma_wait3A_1611 = arith.constant 0 : i32
    %dma_wait3A_1612 = tpu.memref_slice %arg2[%dma_wait3A_1610, %dma_wait3A_1611] : memref<1000000x32xf32, #tpu.memory_space<hbm>> -> memref<1000000x32xf32, #tpu.memory_space<hbm>>
    tpu.wait_indirect_dma semaphore(%arg11 : memref<!tpu.dma_semaphore, #tpu.memory_space<semaphore_mem>>) src(%dma_wait3A_1612 : memref<1000000x32xf32, #tpu.memory_space<hbm>>) dst(%dma_wait3A_1606 : memref<128x32xf32, #tpu.memory_space<vmem>>)
    %dma_wait3A_1613 = arith.constant 34 : i32
    %dma_wait3A_1614 = arith.constant 0 : i32
    %dma_wait3A_1615 = arith.constant 4 : i32
    %dma_wait3A_1616 = arith.constant 0 : i32
    %dma_wait3A_1617 = arith.constant 0 : i32
    %dma_wait3A_1618 = tpu.memref_slice %arg9[%dma_wait3A_1614, %dma_wait3A_1615, %dma_wait3A_1616, %dma_wait3A_1617] : memref<2x5x128x32xf32, #tpu.memory_space<vmem>> -> memref<1x1x128x32xf32, #tpu.memory_space<vmem>>
    %dma_wait3A_1619 = tpu.memref_squeeze %dma_wait3A_1618 : memref<1x1x128x32xf32, #tpu.memory_space<vmem>> -> memref<128x32xf32, #tpu.memory_space<vmem>>
    %dma_wait3A_1620 = arith.constant 0 : i32
    %dma_wait3A_1621 = tpu.memref_slice %arg7[%dma_wait3A_1613, %dma_wait3A_1620] : memref<50x128xi32, #tpu.memory_space<vmem>> -> memref<1x128xi32, #tpu.memory_space<vmem>>
    %dma_wait3A_1622 = tpu.memref_squeeze %dma_wait3A_1621 : memref<1x128xi32, #tpu.memory_space<vmem>> -> memref<128xi32, #tpu.memory_space<vmem>>
    %dma_wait3A_1623 = arith.constant 0 : i32
    %dma_wait3A_1624 = arith.constant 0 : i32
    %dma_wait3A_1625 = tpu.memref_slice %arg2[%dma_wait3A_1623, %dma_wait3A_1624] : memref<1000000x32xf32, #tpu.memory_space<hbm>> -> memref<1000000x32xf32, #tpu.memory_space<hbm>>
    tpu.wait_indirect_dma semaphore(%arg11 : memref<!tpu.dma_semaphore, #tpu.memory_space<semaphore_mem>>) src(%dma_wait3A_1625 : memref<1000000x32xf32, #tpu.memory_space<hbm>>) dst(%dma_wait3A_1619 : memref<128x32xf32, #tpu.memory_space<vmem>>)
    %dma_wait3A_1626 = arith.constant 1 : i32
    %dma_wait3A_1627 = arith.constant 0 : i32
    %dma_wait3A_1628 = arith.constant 25 : i32
    %dma_wait3A_1629 = arith.constant 0 : i32
    %dma_wait3A_1630 = arith.constant 0 : i32
    %dma_wait3A_1631 = tpu.memref_slice %arg9[%dma_wait3A_1626, %dma_wait3A_1627, %dma_wait3A_1629, %dma_wait3A_1630] : memref<2x5x128x32xf32, #tpu.memory_space<vmem>> -> memref<1x1x128x32xf32, #tpu.memory_space<vmem>>
    %dma_wait3A_1632 = tpu.memref_squeeze %dma_wait3A_1631 : memref<1x1x128x32xf32, #tpu.memory_space<vmem>> -> memref<128x32xf32, #tpu.memory_space<vmem>>
    %dma_wait3A_1633 = arith.constant 0 : i32
    %dma_wait3A_1634 = tpu.memref_slice %arg8[%dma_wait3A_1628, %dma_wait3A_1633] : memref<50x128xi32, #tpu.memory_space<vmem>> -> memref<1x128xi32, #tpu.memory_space<vmem>>
    %dma_wait3A_1635 = tpu.memref_squeeze %dma_wait3A_1634 : memref<1x128xi32, #tpu.memory_space<vmem>> -> memref<128xi32, #tpu.memory_space<vmem>>
    %dma_wait3A_1636 = arith.constant 0 : i32
    %dma_wait3A_1637 = arith.constant 0 : i32
    %dma_wait3A_1638 = tpu.memref_slice %arg10[%dma_wait3A_1636, %dma_wait3A_1637] : memref<2048x32xf32, #tpu.memory_space<vmem_shared>> -> memref<2048x32xf32, #tpu.memory_space<vmem_shared>>
    tpu.wait_indirect_dma semaphore(%arg12 : memref<!tpu.dma_semaphore, #tpu.memory_space<semaphore_mem>>) src(%dma_wait3A_1632 : memref<128x32xf32, #tpu.memory_space<vmem>>) dst(%dma_wait3A_1638 : memref<2048x32xf32, #tpu.memory_space<vmem_shared>>)
    %dma_wait3A_1639 = arith.constant 1 : i32
    %dma_wait3A_1640 = arith.constant 1 : i32
    %dma_wait3A_1641 = arith.constant 26 : i32
    %dma_wait3A_1642 = arith.constant 0 : i32
    %dma_wait3A_1643 = arith.constant 0 : i32
    %dma_wait3A_1644 = tpu.memref_slice %arg9[%dma_wait3A_1639, %dma_wait3A_1640, %dma_wait3A_1642, %dma_wait3A_1643] : memref<2x5x128x32xf32, #tpu.memory_space<vmem>> -> memref<1x1x128x32xf32, #tpu.memory_space<vmem>>
    %dma_wait3A_1645 = tpu.memref_squeeze %dma_wait3A_1644 : memref<1x1x128x32xf32, #tpu.memory_space<vmem>> -> memref<128x32xf32, #tpu.memory_space<vmem>>
    %dma_wait3A_1646 = arith.constant 0 : i32
    %dma_wait3A_1647 = tpu.memref_slice %arg8[%dma_wait3A_1641, %dma_wait3A_1646] : memref<50x128xi32, #tpu.memory_space<vmem>> -> memref<1x128xi32, #tpu.memory_space<vmem>>
    %dma_wait3A_1648 = tpu.memref_squeeze %dma_wait3A_1647 : memref<1x128xi32, #tpu.memory_space<vmem>> -> memref<128xi32, #tpu.memory_space<vmem>>
    %dma_wait3A_1649 = arith.constant 0 : i32
    %dma_wait3A_1650 = arith.constant 0 : i32
    %dma_wait3A_1651 = tpu.memref_slice %arg10[%dma_wait3A_1649, %dma_wait3A_1650] : memref<2048x32xf32, #tpu.memory_space<vmem_shared>> -> memref<2048x32xf32, #tpu.memory_space<vmem_shared>>
    tpu.wait_indirect_dma semaphore(%arg12 : memref<!tpu.dma_semaphore, #tpu.memory_space<semaphore_mem>>) src(%dma_wait3A_1645 : memref<128x32xf32, #tpu.memory_space<vmem>>) dst(%dma_wait3A_1651 : memref<2048x32xf32, #tpu.memory_space<vmem_shared>>)
    %dma_wait3A_1652 = arith.constant 1 : i32
    %dma_wait3A_1653 = arith.constant 2 : i32
    %dma_wait3A_1654 = arith.constant 27 : i32
    %dma_wait3A_1655 = arith.constant 0 : i32
    %dma_wait3A_1656 = arith.constant 0 : i32
    %dma_wait3A_1657 = tpu.memref_slice %arg9[%dma_wait3A_1652, %dma_wait3A_1653, %dma_wait3A_1655, %dma_wait3A_1656] : memref<2x5x128x32xf32, #tpu.memory_space<vmem>> -> memref<1x1x128x32xf32, #tpu.memory_space<vmem>>
    %dma_wait3A_1658 = tpu.memref_squeeze %dma_wait3A_1657 : memref<1x1x128x32xf32, #tpu.memory_space<vmem>> -> memref<128x32xf32, #tpu.memory_space<vmem>>
    %dma_wait3A_1659 = arith.constant 0 : i32
    %dma_wait3A_1660 = tpu.memref_slice %arg8[%dma_wait3A_1654, %dma_wait3A_1659] : memref<50x128xi32, #tpu.memory_space<vmem>> -> memref<1x128xi32, #tpu.memory_space<vmem>>
    %dma_wait3A_1661 = tpu.memref_squeeze %dma_wait3A_1660 : memref<1x128xi32, #tpu.memory_space<vmem>> -> memref<128xi32, #tpu.memory_space<vmem>>
    %dma_wait3A_1662 = arith.constant 0 : i32
    %dma_wait3A_1663 = arith.constant 0 : i32
    %dma_wait3A_1664 = tpu.memref_slice %arg10[%dma_wait3A_1662, %dma_wait3A_1663] : memref<2048x32xf32, #tpu.memory_space<vmem_shared>> -> memref<2048x32xf32, #tpu.memory_space<vmem_shared>>
    tpu.wait_indirect_dma semaphore(%arg12 : memref<!tpu.dma_semaphore, #tpu.memory_space<semaphore_mem>>) src(%dma_wait3A_1658 : memref<128x32xf32, #tpu.memory_space<vmem>>) dst(%dma_wait3A_1664 : memref<2048x32xf32, #tpu.memory_space<vmem_shared>>)
    %dma_wait3A_1665 = arith.constant 1 : i32
    %dma_wait3A_1666 = arith.constant 3 : i32
    %dma_wait3A_1667 = arith.constant 28 : i32
    %dma_wait3A_1668 = arith.constant 0 : i32
    %dma_wait3A_1669 = arith.constant 0 : i32
    %dma_wait3A_1670 = tpu.memref_slice %arg9[%dma_wait3A_1665, %dma_wait3A_1666, %dma_wait3A_1668, %dma_wait3A_1669] : memref<2x5x128x32xf32, #tpu.memory_space<vmem>> -> memref<1x1x128x32xf32, #tpu.memory_space<vmem>>
    %dma_wait3A_1671 = tpu.memref_squeeze %dma_wait3A_1670 : memref<1x1x128x32xf32, #tpu.memory_space<vmem>> -> memref<128x32xf32, #tpu.memory_space<vmem>>
    %dma_wait3A_1672 = arith.constant 0 : i32
    %dma_wait3A_1673 = tpu.memref_slice %arg8[%dma_wait3A_1667, %dma_wait3A_1672] : memref<50x128xi32, #tpu.memory_space<vmem>> -> memref<1x128xi32, #tpu.memory_space<vmem>>
    %dma_wait3A_1674 = tpu.memref_squeeze %dma_wait3A_1673 : memref<1x128xi32, #tpu.memory_space<vmem>> -> memref<128xi32, #tpu.memory_space<vmem>>
    %dma_wait3A_1675 = arith.constant 0 : i32
    %dma_wait3A_1676 = arith.constant 0 : i32
    %dma_wait3A_1677 = tpu.memref_slice %arg10[%dma_wait3A_1675, %dma_wait3A_1676] : memref<2048x32xf32, #tpu.memory_space<vmem_shared>> -> memref<2048x32xf32, #tpu.memory_space<vmem_shared>>
    tpu.wait_indirect_dma semaphore(%arg12 : memref<!tpu.dma_semaphore, #tpu.memory_space<semaphore_mem>>) src(%dma_wait3A_1671 : memref<128x32xf32, #tpu.memory_space<vmem>>) dst(%dma_wait3A_1677 : memref<2048x32xf32, #tpu.memory_space<vmem_shared>>)
    %dma_wait3A_1678 = arith.constant 1 : i32
    %dma_wait3A_1679 = arith.constant 4 : i32
    %dma_wait3A_1680 = arith.constant 29 : i32
    %dma_wait3A_1681 = arith.constant 0 : i32
    %dma_wait3A_1682 = arith.constant 0 : i32
    %dma_wait3A_1683 = tpu.memref_slice %arg9[%dma_wait3A_1678, %dma_wait3A_1679, %dma_wait3A_1681, %dma_wait3A_1682] : memref<2x5x128x32xf32, #tpu.memory_space<vmem>> -> memref<1x1x128x32xf32, #tpu.memory_space<vmem>>
    %dma_wait3A_1684 = tpu.memref_squeeze %dma_wait3A_1683 : memref<1x1x128x32xf32, #tpu.memory_space<vmem>> -> memref<128x32xf32, #tpu.memory_space<vmem>>
    %dma_wait3A_1685 = arith.constant 0 : i32
    %dma_wait3A_1686 = tpu.memref_slice %arg8[%dma_wait3A_1680, %dma_wait3A_1685] : memref<50x128xi32, #tpu.memory_space<vmem>> -> memref<1x128xi32, #tpu.memory_space<vmem>>
    %dma_wait3A_1687 = tpu.memref_squeeze %dma_wait3A_1686 : memref<1x128xi32, #tpu.memory_space<vmem>> -> memref<128xi32, #tpu.memory_space<vmem>>
    %dma_wait3A_1688 = arith.constant 0 : i32
    %dma_wait3A_1689 = arith.constant 0 : i32
    %dma_wait3A_1690 = tpu.memref_slice %arg10[%dma_wait3A_1688, %dma_wait3A_1689] : memref<2048x32xf32, #tpu.memory_space<vmem_shared>> -> memref<2048x32xf32, #tpu.memory_space<vmem_shared>>
    tpu.wait_indirect_dma semaphore(%arg12 : memref<!tpu.dma_semaphore, #tpu.memory_space<semaphore_mem>>) src(%dma_wait3A_1684 : memref<128x32xf32, #tpu.memory_space<vmem>>) dst(%dma_wait3A_1690 : memref<2048x32xf32, #tpu.memory_space<vmem_shared>>)
    %dma_start3A_1691 = arith.constant 35 : i32
    %dma_start3A_1692 = arith.constant 1 : i32
    %dma_start3A_1693 = arith.constant 0 : i32
    %dma_start3A_1694 = arith.constant 0 : i32
    %dma_start3A_1695 = arith.constant 0 : i32
    %dma_start3A_1696 = tpu.memref_slice %arg9[%dma_start3A_1692, %dma_start3A_1693, %dma_start3A_1694, %dma_start3A_1695] : memref<2x5x128x32xf32, #tpu.memory_space<vmem>> -> memref<1x1x128x32xf32, #tpu.memory_space<vmem>>
    %dma_start3A_1697 = tpu.memref_squeeze %dma_start3A_1696 : memref<1x1x128x32xf32, #tpu.memory_space<vmem>> -> memref<128x32xf32, #tpu.memory_space<vmem>>
    %dma_start3A_1698 = arith.constant 0 : i32
    %dma_start3A_1699 = tpu.memref_slice %arg7[%dma_start3A_1691, %dma_start3A_1698] : memref<50x128xi32, #tpu.memory_space<vmem>> -> memref<1x128xi32, #tpu.memory_space<vmem>>
    %dma_start3A_1700 = tpu.memref_squeeze %dma_start3A_1699 : memref<1x128xi32, #tpu.memory_space<vmem>> -> memref<128xi32, #tpu.memory_space<vmem>>
    %dma_start3A_1701 = arith.constant 0 : i32
    %dma_start3A_1702 = arith.constant 0 : i32
    %dma_start3A_1703 = tpu.memref_slice %arg2[%dma_start3A_1701, %dma_start3A_1702] : memref<1000000x32xf32, #tpu.memory_space<hbm>> -> memref<1000000x32xf32, #tpu.memory_space<hbm>>
    tpu.enqueue_indirect_dma source(%dma_start3A_1703 : memref<1000000x32xf32, #tpu.memory_space<hbm>>) target(%dma_start3A_1697 : memref<128x32xf32, #tpu.memory_space<vmem>>) offsets(%dma_start3A_1700 : memref<128xi32, #tpu.memory_space<vmem>>) semaphore(%arg11 : memref<!tpu.dma_semaphore, #tpu.memory_space<semaphore_mem>>)
    %dma_start3A_1704 = arith.constant 36 : i32
    %dma_start3A_1705 = arith.constant 1 : i32
    %dma_start3A_1706 = arith.constant 1 : i32
    %dma_start3A_1707 = arith.constant 0 : i32
    %dma_start3A_1708 = arith.constant 0 : i32
    %dma_start3A_1709 = tpu.memref_slice %arg9[%dma_start3A_1705, %dma_start3A_1706, %dma_start3A_1707, %dma_start3A_1708] : memref<2x5x128x32xf32, #tpu.memory_space<vmem>> -> memref<1x1x128x32xf32, #tpu.memory_space<vmem>>
    %dma_start3A_1710 = tpu.memref_squeeze %dma_start3A_1709 : memref<1x1x128x32xf32, #tpu.memory_space<vmem>> -> memref<128x32xf32, #tpu.memory_space<vmem>>
    %dma_start3A_1711 = arith.constant 0 : i32
    %dma_start3A_1712 = tpu.memref_slice %arg7[%dma_start3A_1704, %dma_start3A_1711] : memref<50x128xi32, #tpu.memory_space<vmem>> -> memref<1x128xi32, #tpu.memory_space<vmem>>
    %dma_start3A_1713 = tpu.memref_squeeze %dma_start3A_1712 : memref<1x128xi32, #tpu.memory_space<vmem>> -> memref<128xi32, #tpu.memory_space<vmem>>
    %dma_start3A_1714 = arith.constant 0 : i32
    %dma_start3A_1715 = arith.constant 0 : i32
    %dma_start3A_1716 = tpu.memref_slice %arg2[%dma_start3A_1714, %dma_start3A_1715] : memref<1000000x32xf32, #tpu.memory_space<hbm>> -> memref<1000000x32xf32, #tpu.memory_space<hbm>>
    tpu.enqueue_indirect_dma source(%dma_start3A_1716 : memref<1000000x32xf32, #tpu.memory_space<hbm>>) target(%dma_start3A_1710 : memref<128x32xf32, #tpu.memory_space<vmem>>) offsets(%dma_start3A_1713 : memref<128xi32, #tpu.memory_space<vmem>>) semaphore(%arg11 : memref<!tpu.dma_semaphore, #tpu.memory_space<semaphore_mem>>)
    %dma_start3A_1717 = arith.constant 37 : i32
    %dma_start3A_1718 = arith.constant 1 : i32
    %dma_start3A_1719 = arith.constant 2 : i32
    %dma_start3A_1720 = arith.constant 0 : i32
    %dma_start3A_1721 = arith.constant 0 : i32
    %dma_start3A_1722 = tpu.memref_slice %arg9[%dma_start3A_1718, %dma_start3A_1719, %dma_start3A_1720, %dma_start3A_1721] : memref<2x5x128x32xf32, #tpu.memory_space<vmem>> -> memref<1x1x128x32xf32, #tpu.memory_space<vmem>>
    %dma_start3A_1723 = tpu.memref_squeeze %dma_start3A_1722 : memref<1x1x128x32xf32, #tpu.memory_space<vmem>> -> memref<128x32xf32, #tpu.memory_space<vmem>>
    %dma_start3A_1724 = arith.constant 0 : i32
    %dma_start3A_1725 = tpu.memref_slice %arg7[%dma_start3A_1717, %dma_start3A_1724] : memref<50x128xi32, #tpu.memory_space<vmem>> -> memref<1x128xi32, #tpu.memory_space<vmem>>
    %dma_start3A_1726 = tpu.memref_squeeze %dma_start3A_1725 : memref<1x128xi32, #tpu.memory_space<vmem>> -> memref<128xi32, #tpu.memory_space<vmem>>
    %dma_start3A_1727 = arith.constant 0 : i32
    %dma_start3A_1728 = arith.constant 0 : i32
    %dma_start3A_1729 = tpu.memref_slice %arg2[%dma_start3A_1727, %dma_start3A_1728] : memref<1000000x32xf32, #tpu.memory_space<hbm>> -> memref<1000000x32xf32, #tpu.memory_space<hbm>>
    tpu.enqueue_indirect_dma source(%dma_start3A_1729 : memref<1000000x32xf32, #tpu.memory_space<hbm>>) target(%dma_start3A_1723 : memref<128x32xf32, #tpu.memory_space<vmem>>) offsets(%dma_start3A_1726 : memref<128xi32, #tpu.memory_space<vmem>>) semaphore(%arg11 : memref<!tpu.dma_semaphore, #tpu.memory_space<semaphore_mem>>)
    %dma_start3A_1730 = arith.constant 38 : i32
    %dma_start3A_1731 = arith.constant 1 : i32
    %dma_start3A_1732 = arith.constant 3 : i32
    %dma_start3A_1733 = arith.constant 0 : i32
    %dma_start3A_1734 = arith.constant 0 : i32
    %dma_start3A_1735 = tpu.memref_slice %arg9[%dma_start3A_1731, %dma_start3A_1732, %dma_start3A_1733, %dma_start3A_1734] : memref<2x5x128x32xf32, #tpu.memory_space<vmem>> -> memref<1x1x128x32xf32, #tpu.memory_space<vmem>>
    %dma_start3A_1736 = tpu.memref_squeeze %dma_start3A_1735 : memref<1x1x128x32xf32, #tpu.memory_space<vmem>> -> memref<128x32xf32, #tpu.memory_space<vmem>>
    %dma_start3A_1737 = arith.constant 0 : i32
    %dma_start3A_1738 = tpu.memref_slice %arg7[%dma_start3A_1730, %dma_start3A_1737] : memref<50x128xi32, #tpu.memory_space<vmem>> -> memref<1x128xi32, #tpu.memory_space<vmem>>
    %dma_start3A_1739 = tpu.memref_squeeze %dma_start3A_1738 : memref<1x128xi32, #tpu.memory_space<vmem>> -> memref<128xi32, #tpu.memory_space<vmem>>
    %dma_start3A_1740 = arith.constant 0 : i32
    %dma_start3A_1741 = arith.constant 0 : i32
    %dma_start3A_1742 = tpu.memref_slice %arg2[%dma_start3A_1740, %dma_start3A_1741] : memref<1000000x32xf32, #tpu.memory_space<hbm>> -> memref<1000000x32xf32, #tpu.memory_space<hbm>>
    tpu.enqueue_indirect_dma source(%dma_start3A_1742 : memref<1000000x32xf32, #tpu.memory_space<hbm>>) target(%dma_start3A_1736 : memref<128x32xf32, #tpu.memory_space<vmem>>) offsets(%dma_start3A_1739 : memref<128xi32, #tpu.memory_space<vmem>>) semaphore(%arg11 : memref<!tpu.dma_semaphore, #tpu.memory_space<semaphore_mem>>)
    %dma_start3A_1743 = arith.constant 39 : i32
    %dma_start3A_1744 = arith.constant 1 : i32
    %dma_start3A_1745 = arith.constant 4 : i32
    %dma_start3A_1746 = arith.constant 0 : i32
    %dma_start3A_1747 = arith.constant 0 : i32
    %dma_start3A_1748 = tpu.memref_slice %arg9[%dma_start3A_1744, %dma_start3A_1745, %dma_start3A_1746, %dma_start3A_1747] : memref<2x5x128x32xf32, #tpu.memory_space<vmem>> -> memref<1x1x128x32xf32, #tpu.memory_space<vmem>>
    %dma_start3A_1749 = tpu.memref_squeeze %dma_start3A_1748 : memref<1x1x128x32xf32, #tpu.memory_space<vmem>> -> memref<128x32xf32, #tpu.memory_space<vmem>>
    %dma_start3A_1750 = arith.constant 0 : i32
    %dma_start3A_1751 = tpu.memref_slice %arg7[%dma_start3A_1743, %dma_start3A_1750] : memref<50x128xi32, #tpu.memory_space<vmem>> -> memref<1x128xi32, #tpu.memory_space<vmem>>
    %dma_start3A_1752 = tpu.memref_squeeze %dma_start3A_1751 : memref<1x128xi32, #tpu.memory_space<vmem>> -> memref<128xi32, #tpu.memory_space<vmem>>
    %dma_start3A_1753 = arith.constant 0 : i32
    %dma_start3A_1754 = arith.constant 0 : i32
    %dma_start3A_1755 = tpu.memref_slice %arg2[%dma_start3A_1753, %dma_start3A_1754] : memref<1000000x32xf32, #tpu.memory_space<hbm>> -> memref<1000000x32xf32, #tpu.memory_space<hbm>>
    tpu.enqueue_indirect_dma source(%dma_start3A_1755 : memref<1000000x32xf32, #tpu.memory_space<hbm>>) target(%dma_start3A_1749 : memref<128x32xf32, #tpu.memory_space<vmem>>) offsets(%dma_start3A_1752 : memref<128xi32, #tpu.memory_space<vmem>>) semaphore(%arg11 : memref<!tpu.dma_semaphore, #tpu.memory_space<semaphore_mem>>)
    %dma_start3A_1756 = arith.constant 0 : i32
    %dma_start3A_1757 = arith.constant 0 : i32
    %dma_start3A_1758 = arith.constant 30 : i32
    %dma_start3A_1759 = arith.constant 0 : i32
    %dma_start3A_1760 = arith.constant 0 : i32
    %dma_start3A_1761 = tpu.memref_slice %arg9[%dma_start3A_1756, %dma_start3A_1757, %dma_start3A_1759, %dma_start3A_1760] : memref<2x5x128x32xf32, #tpu.memory_space<vmem>> -> memref<1x1x128x32xf32, #tpu.memory_space<vmem>>
    %dma_start3A_1762 = tpu.memref_squeeze %dma_start3A_1761 : memref<1x1x128x32xf32, #tpu.memory_space<vmem>> -> memref<128x32xf32, #tpu.memory_space<vmem>>
    %dma_start3A_1763 = arith.constant 0 : i32
    %dma_start3A_1764 = tpu.memref_slice %arg8[%dma_start3A_1758, %dma_start3A_1763] : memref<50x128xi32, #tpu.memory_space<vmem>> -> memref<1x128xi32, #tpu.memory_space<vmem>>
    %dma_start3A_1765 = tpu.memref_squeeze %dma_start3A_1764 : memref<1x128xi32, #tpu.memory_space<vmem>> -> memref<128xi32, #tpu.memory_space<vmem>>
    %dma_start3A_1766 = arith.constant 0 : i32
    %dma_start3A_1767 = arith.constant 0 : i32
    %dma_start3A_1768 = tpu.memref_slice %arg10[%dma_start3A_1766, %dma_start3A_1767] : memref<2048x32xf32, #tpu.memory_space<vmem_shared>> -> memref<2048x32xf32, #tpu.memory_space<vmem_shared>>
    tpu.enqueue_indirect_dma source(%dma_start3A_1762 : memref<128x32xf32, #tpu.memory_space<vmem>>) target(%dma_start3A_1768 : memref<2048x32xf32, #tpu.memory_space<vmem_shared>>) offsets(%dma_start3A_1765 : memref<128xi32, #tpu.memory_space<vmem>>) semaphore(%arg12 : memref<!tpu.dma_semaphore, #tpu.memory_space<semaphore_mem>>) {add = true}
    %dma_start3A_1769 = arith.constant 0 : i32
    %dma_start3A_1770 = arith.constant 1 : i32
    %dma_start3A_1771 = arith.constant 31 : i32
    %dma_start3A_1772 = arith.constant 0 : i32
    %dma_start3A_1773 = arith.constant 0 : i32
    %dma_start3A_1774 = tpu.memref_slice %arg9[%dma_start3A_1769, %dma_start3A_1770, %dma_start3A_1772, %dma_start3A_1773] : memref<2x5x128x32xf32, #tpu.memory_space<vmem>> -> memref<1x1x128x32xf32, #tpu.memory_space<vmem>>
    %dma_start3A_1775 = tpu.memref_squeeze %dma_start3A_1774 : memref<1x1x128x32xf32, #tpu.memory_space<vmem>> -> memref<128x32xf32, #tpu.memory_space<vmem>>
    %dma_start3A_1776 = arith.constant 0 : i32
    %dma_start3A_1777 = tpu.memref_slice %arg8[%dma_start3A_1771, %dma_start3A_1776] : memref<50x128xi32, #tpu.memory_space<vmem>> -> memref<1x128xi32, #tpu.memory_space<vmem>>
    %dma_start3A_1778 = tpu.memref_squeeze %dma_start3A_1777 : memref<1x128xi32, #tpu.memory_space<vmem>> -> memref<128xi32, #tpu.memory_space<vmem>>
    %dma_start3A_1779 = arith.constant 0 : i32
    %dma_start3A_1780 = arith.constant 0 : i32
    %dma_start3A_1781 = tpu.memref_slice %arg10[%dma_start3A_1779, %dma_start3A_1780] : memref<2048x32xf32, #tpu.memory_space<vmem_shared>> -> memref<2048x32xf32, #tpu.memory_space<vmem_shared>>
    tpu.enqueue_indirect_dma source(%dma_start3A_1775 : memref<128x32xf32, #tpu.memory_space<vmem>>) target(%dma_start3A_1781 : memref<2048x32xf32, #tpu.memory_space<vmem_shared>>) offsets(%dma_start3A_1778 : memref<128xi32, #tpu.memory_space<vmem>>) semaphore(%arg12 : memref<!tpu.dma_semaphore, #tpu.memory_space<semaphore_mem>>) {add = true}
    %dma_start3A_1782 = arith.constant 0 : i32
    %dma_start3A_1783 = arith.constant 2 : i32
    %dma_start3A_1784 = arith.constant 32 : i32
    %dma_start3A_1785 = arith.constant 0 : i32
    %dma_start3A_1786 = arith.constant 0 : i32
    %dma_start3A_1787 = tpu.memref_slice %arg9[%dma_start3A_1782, %dma_start3A_1783, %dma_start3A_1785, %dma_start3A_1786] : memref<2x5x128x32xf32, #tpu.memory_space<vmem>> -> memref<1x1x128x32xf32, #tpu.memory_space<vmem>>
    %dma_start3A_1788 = tpu.memref_squeeze %dma_start3A_1787 : memref<1x1x128x32xf32, #tpu.memory_space<vmem>> -> memref<128x32xf32, #tpu.memory_space<vmem>>
    %dma_start3A_1789 = arith.constant 0 : i32
    %dma_start3A_1790 = tpu.memref_slice %arg8[%dma_start3A_1784, %dma_start3A_1789] : memref<50x128xi32, #tpu.memory_space<vmem>> -> memref<1x128xi32, #tpu.memory_space<vmem>>
    %dma_start3A_1791 = tpu.memref_squeeze %dma_start3A_1790 : memref<1x128xi32, #tpu.memory_space<vmem>> -> memref<128xi32, #tpu.memory_space<vmem>>
    %dma_start3A_1792 = arith.constant 0 : i32
    %dma_start3A_1793 = arith.constant 0 : i32
    %dma_start3A_1794 = tpu.memref_slice %arg10[%dma_start3A_1792, %dma_start3A_1793] : memref<2048x32xf32, #tpu.memory_space<vmem_shared>> -> memref<2048x32xf32, #tpu.memory_space<vmem_shared>>
    tpu.enqueue_indirect_dma source(%dma_start3A_1788 : memref<128x32xf32, #tpu.memory_space<vmem>>) target(%dma_start3A_1794 : memref<2048x32xf32, #tpu.memory_space<vmem_shared>>) offsets(%dma_start3A_1791 : memref<128xi32, #tpu.memory_space<vmem>>) semaphore(%arg12 : memref<!tpu.dma_semaphore, #tpu.memory_space<semaphore_mem>>) {add = true}
    %dma_start3A_1795 = arith.constant 0 : i32
    %dma_start3A_1796 = arith.constant 3 : i32
    %dma_start3A_1797 = arith.constant 33 : i32
    %dma_start3A_1798 = arith.constant 0 : i32
    %dma_start3A_1799 = arith.constant 0 : i32
    %dma_start3A_1800 = tpu.memref_slice %arg9[%dma_start3A_1795, %dma_start3A_1796, %dma_start3A_1798, %dma_start3A_1799] : memref<2x5x128x32xf32, #tpu.memory_space<vmem>> -> memref<1x1x128x32xf32, #tpu.memory_space<vmem>>
    %dma_start3A_1801 = tpu.memref_squeeze %dma_start3A_1800 : memref<1x1x128x32xf32, #tpu.memory_space<vmem>> -> memref<128x32xf32, #tpu.memory_space<vmem>>
    %dma_start3A_1802 = arith.constant 0 : i32
    %dma_start3A_1803 = tpu.memref_slice %arg8[%dma_start3A_1797, %dma_start3A_1802] : memref<50x128xi32, #tpu.memory_space<vmem>> -> memref<1x128xi32, #tpu.memory_space<vmem>>
    %dma_start3A_1804 = tpu.memref_squeeze %dma_start3A_1803 : memref<1x128xi32, #tpu.memory_space<vmem>> -> memref<128xi32, #tpu.memory_space<vmem>>
    %dma_start3A_1805 = arith.constant 0 : i32
    %dma_start3A_1806 = arith.constant 0 : i32
    %dma_start3A_1807 = tpu.memref_slice %arg10[%dma_start3A_1805, %dma_start3A_1806] : memref<2048x32xf32, #tpu.memory_space<vmem_shared>> -> memref<2048x32xf32, #tpu.memory_space<vmem_shared>>
    tpu.enqueue_indirect_dma source(%dma_start3A_1801 : memref<128x32xf32, #tpu.memory_space<vmem>>) target(%dma_start3A_1807 : memref<2048x32xf32, #tpu.memory_space<vmem_shared>>) offsets(%dma_start3A_1804 : memref<128xi32, #tpu.memory_space<vmem>>) semaphore(%arg12 : memref<!tpu.dma_semaphore, #tpu.memory_space<semaphore_mem>>) {add = true}
    %dma_start3A_1808 = arith.constant 0 : i32
    %dma_start3A_1809 = arith.constant 4 : i32
    %dma_start3A_1810 = arith.constant 34 : i32
    %dma_start3A_1811 = arith.constant 0 : i32
    %dma_start3A_1812 = arith.constant 0 : i32
    %dma_start3A_1813 = tpu.memref_slice %arg9[%dma_start3A_1808, %dma_start3A_1809, %dma_start3A_1811, %dma_start3A_1812] : memref<2x5x128x32xf32, #tpu.memory_space<vmem>> -> memref<1x1x128x32xf32, #tpu.memory_space<vmem>>
    %dma_start3A_1814 = tpu.memref_squeeze %dma_start3A_1813 : memref<1x1x128x32xf32, #tpu.memory_space<vmem>> -> memref<128x32xf32, #tpu.memory_space<vmem>>
    %dma_start3A_1815 = arith.constant 0 : i32
    %dma_start3A_1816 = tpu.memref_slice %arg8[%dma_start3A_1810, %dma_start3A_1815] : memref<50x128xi32, #tpu.memory_space<vmem>> -> memref<1x128xi32, #tpu.memory_space<vmem>>
    %dma_start3A_1817 = tpu.memref_squeeze %dma_start3A_1816 : memref<1x128xi32, #tpu.memory_space<vmem>> -> memref<128xi32, #tpu.memory_space<vmem>>
    %dma_start3A_1818 = arith.constant 0 : i32
    %dma_start3A_1819 = arith.constant 0 : i32
    %dma_start3A_1820 = tpu.memref_slice %arg10[%dma_start3A_1818, %dma_start3A_1819] : memref<2048x32xf32, #tpu.memory_space<vmem_shared>> -> memref<2048x32xf32, #tpu.memory_space<vmem_shared>>
    tpu.enqueue_indirect_dma source(%dma_start3A_1814 : memref<128x32xf32, #tpu.memory_space<vmem>>) target(%dma_start3A_1820 : memref<2048x32xf32, #tpu.memory_space<vmem_shared>>) offsets(%dma_start3A_1817 : memref<128xi32, #tpu.memory_space<vmem>>) semaphore(%arg12 : memref<!tpu.dma_semaphore, #tpu.memory_space<semaphore_mem>>) {add = true}
    %dma_wait3A_1821 = arith.constant 35 : i32
    %dma_wait3A_1822 = arith.constant 1 : i32
    %dma_wait3A_1823 = arith.constant 0 : i32
    %dma_wait3A_1824 = arith.constant 0 : i32
    %dma_wait3A_1825 = arith.constant 0 : i32
    %dma_wait3A_1826 = tpu.memref_slice %arg9[%dma_wait3A_1822, %dma_wait3A_1823, %dma_wait3A_1824, %dma_wait3A_1825] : memref<2x5x128x32xf32, #tpu.memory_space<vmem>> -> memref<1x1x128x32xf32, #tpu.memory_space<vmem>>
    %dma_wait3A_1827 = tpu.memref_squeeze %dma_wait3A_1826 : memref<1x1x128x32xf32, #tpu.memory_space<vmem>> -> memref<128x32xf32, #tpu.memory_space<vmem>>
    %dma_wait3A_1828 = arith.constant 0 : i32
    %dma_wait3A_1829 = tpu.memref_slice %arg7[%dma_wait3A_1821, %dma_wait3A_1828] : memref<50x128xi32, #tpu.memory_space<vmem>> -> memref<1x128xi32, #tpu.memory_space<vmem>>
    %dma_wait3A_1830 = tpu.memref_squeeze %dma_wait3A_1829 : memref<1x128xi32, #tpu.memory_space<vmem>> -> memref<128xi32, #tpu.memory_space<vmem>>
    %dma_wait3A_1831 = arith.constant 0 : i32
    %dma_wait3A_1832 = arith.constant 0 : i32
    %dma_wait3A_1833 = tpu.memref_slice %arg2[%dma_wait3A_1831, %dma_wait3A_1832] : memref<1000000x32xf32, #tpu.memory_space<hbm>> -> memref<1000000x32xf32, #tpu.memory_space<hbm>>
    tpu.wait_indirect_dma semaphore(%arg11 : memref<!tpu.dma_semaphore, #tpu.memory_space<semaphore_mem>>) src(%dma_wait3A_1833 : memref<1000000x32xf32, #tpu.memory_space<hbm>>) dst(%dma_wait3A_1827 : memref<128x32xf32, #tpu.memory_space<vmem>>)
    %dma_wait3A_1834 = arith.constant 36 : i32
    %dma_wait3A_1835 = arith.constant 1 : i32
    %dma_wait3A_1836 = arith.constant 1 : i32
    %dma_wait3A_1837 = arith.constant 0 : i32
    %dma_wait3A_1838 = arith.constant 0 : i32
    %dma_wait3A_1839 = tpu.memref_slice %arg9[%dma_wait3A_1835, %dma_wait3A_1836, %dma_wait3A_1837, %dma_wait3A_1838] : memref<2x5x128x32xf32, #tpu.memory_space<vmem>> -> memref<1x1x128x32xf32, #tpu.memory_space<vmem>>
    %dma_wait3A_1840 = tpu.memref_squeeze %dma_wait3A_1839 : memref<1x1x128x32xf32, #tpu.memory_space<vmem>> -> memref<128x32xf32, #tpu.memory_space<vmem>>
    %dma_wait3A_1841 = arith.constant 0 : i32
    %dma_wait3A_1842 = tpu.memref_slice %arg7[%dma_wait3A_1834, %dma_wait3A_1841] : memref<50x128xi32, #tpu.memory_space<vmem>> -> memref<1x128xi32, #tpu.memory_space<vmem>>
    %dma_wait3A_1843 = tpu.memref_squeeze %dma_wait3A_1842 : memref<1x128xi32, #tpu.memory_space<vmem>> -> memref<128xi32, #tpu.memory_space<vmem>>
    %dma_wait3A_1844 = arith.constant 0 : i32
    %dma_wait3A_1845 = arith.constant 0 : i32
    %dma_wait3A_1846 = tpu.memref_slice %arg2[%dma_wait3A_1844, %dma_wait3A_1845] : memref<1000000x32xf32, #tpu.memory_space<hbm>> -> memref<1000000x32xf32, #tpu.memory_space<hbm>>
    tpu.wait_indirect_dma semaphore(%arg11 : memref<!tpu.dma_semaphore, #tpu.memory_space<semaphore_mem>>) src(%dma_wait3A_1846 : memref<1000000x32xf32, #tpu.memory_space<hbm>>) dst(%dma_wait3A_1840 : memref<128x32xf32, #tpu.memory_space<vmem>>)
    %dma_wait3A_1847 = arith.constant 37 : i32
    %dma_wait3A_1848 = arith.constant 1 : i32
    %dma_wait3A_1849 = arith.constant 2 : i32
    %dma_wait3A_1850 = arith.constant 0 : i32
    %dma_wait3A_1851 = arith.constant 0 : i32
    %dma_wait3A_1852 = tpu.memref_slice %arg9[%dma_wait3A_1848, %dma_wait3A_1849, %dma_wait3A_1850, %dma_wait3A_1851] : memref<2x5x128x32xf32, #tpu.memory_space<vmem>> -> memref<1x1x128x32xf32, #tpu.memory_space<vmem>>
    %dma_wait3A_1853 = tpu.memref_squeeze %dma_wait3A_1852 : memref<1x1x128x32xf32, #tpu.memory_space<vmem>> -> memref<128x32xf32, #tpu.memory_space<vmem>>
    %dma_wait3A_1854 = arith.constant 0 : i32
    %dma_wait3A_1855 = tpu.memref_slice %arg7[%dma_wait3A_1847, %dma_wait3A_1854] : memref<50x128xi32, #tpu.memory_space<vmem>> -> memref<1x128xi32, #tpu.memory_space<vmem>>
    %dma_wait3A_1856 = tpu.memref_squeeze %dma_wait3A_1855 : memref<1x128xi32, #tpu.memory_space<vmem>> -> memref<128xi32, #tpu.memory_space<vmem>>
    %dma_wait3A_1857 = arith.constant 0 : i32
    %dma_wait3A_1858 = arith.constant 0 : i32
    %dma_wait3A_1859 = tpu.memref_slice %arg2[%dma_wait3A_1857, %dma_wait3A_1858] : memref<1000000x32xf32, #tpu.memory_space<hbm>> -> memref<1000000x32xf32, #tpu.memory_space<hbm>>
    tpu.wait_indirect_dma semaphore(%arg11 : memref<!tpu.dma_semaphore, #tpu.memory_space<semaphore_mem>>) src(%dma_wait3A_1859 : memref<1000000x32xf32, #tpu.memory_space<hbm>>) dst(%dma_wait3A_1853 : memref<128x32xf32, #tpu.memory_space<vmem>>)
    %dma_wait3A_1860 = arith.constant 38 : i32
    %dma_wait3A_1861 = arith.constant 1 : i32
    %dma_wait3A_1862 = arith.constant 3 : i32
    %dma_wait3A_1863 = arith.constant 0 : i32
    %dma_wait3A_1864 = arith.constant 0 : i32
    %dma_wait3A_1865 = tpu.memref_slice %arg9[%dma_wait3A_1861, %dma_wait3A_1862, %dma_wait3A_1863, %dma_wait3A_1864] : memref<2x5x128x32xf32, #tpu.memory_space<vmem>> -> memref<1x1x128x32xf32, #tpu.memory_space<vmem>>
    %dma_wait3A_1866 = tpu.memref_squeeze %dma_wait3A_1865 : memref<1x1x128x32xf32, #tpu.memory_space<vmem>> -> memref<128x32xf32, #tpu.memory_space<vmem>>
    %dma_wait3A_1867 = arith.constant 0 : i32
    %dma_wait3A_1868 = tpu.memref_slice %arg7[%dma_wait3A_1860, %dma_wait3A_1867] : memref<50x128xi32, #tpu.memory_space<vmem>> -> memref<1x128xi32, #tpu.memory_space<vmem>>
    %dma_wait3A_1869 = tpu.memref_squeeze %dma_wait3A_1868 : memref<1x128xi32, #tpu.memory_space<vmem>> -> memref<128xi32, #tpu.memory_space<vmem>>
    %dma_wait3A_1870 = arith.constant 0 : i32
    %dma_wait3A_1871 = arith.constant 0 : i32
    %dma_wait3A_1872 = tpu.memref_slice %arg2[%dma_wait3A_1870, %dma_wait3A_1871] : memref<1000000x32xf32, #tpu.memory_space<hbm>> -> memref<1000000x32xf32, #tpu.memory_space<hbm>>
    tpu.wait_indirect_dma semaphore(%arg11 : memref<!tpu.dma_semaphore, #tpu.memory_space<semaphore_mem>>) src(%dma_wait3A_1872 : memref<1000000x32xf32, #tpu.memory_space<hbm>>) dst(%dma_wait3A_1866 : memref<128x32xf32, #tpu.memory_space<vmem>>)
    %dma_wait3A_1873 = arith.constant 39 : i32
    %dma_wait3A_1874 = arith.constant 1 : i32
    %dma_wait3A_1875 = arith.constant 4 : i32
    %dma_wait3A_1876 = arith.constant 0 : i32
    %dma_wait3A_1877 = arith.constant 0 : i32
    %dma_wait3A_1878 = tpu.memref_slice %arg9[%dma_wait3A_1874, %dma_wait3A_1875, %dma_wait3A_1876, %dma_wait3A_1877] : memref<2x5x128x32xf32, #tpu.memory_space<vmem>> -> memref<1x1x128x32xf32, #tpu.memory_space<vmem>>
    %dma_wait3A_1879 = tpu.memref_squeeze %dma_wait3A_1878 : memref<1x1x128x32xf32, #tpu.memory_space<vmem>> -> memref<128x32xf32, #tpu.memory_space<vmem>>
    %dma_wait3A_1880 = arith.constant 0 : i32
    %dma_wait3A_1881 = tpu.memref_slice %arg7[%dma_wait3A_1873, %dma_wait3A_1880] : memref<50x128xi32, #tpu.memory_space<vmem>> -> memref<1x128xi32, #tpu.memory_space<vmem>>
    %dma_wait3A_1882 = tpu.memref_squeeze %dma_wait3A_1881 : memref<1x128xi32, #tpu.memory_space<vmem>> -> memref<128xi32, #tpu.memory_space<vmem>>
    %dma_wait3A_1883 = arith.constant 0 : i32
    %dma_wait3A_1884 = arith.constant 0 : i32
    %dma_wait3A_1885 = tpu.memref_slice %arg2[%dma_wait3A_1883, %dma_wait3A_1884] : memref<1000000x32xf32, #tpu.memory_space<hbm>> -> memref<1000000x32xf32, #tpu.memory_space<hbm>>
    tpu.wait_indirect_dma semaphore(%arg11 : memref<!tpu.dma_semaphore, #tpu.memory_space<semaphore_mem>>) src(%dma_wait3A_1885 : memref<1000000x32xf32, #tpu.memory_space<hbm>>) dst(%dma_wait3A_1879 : memref<128x32xf32, #tpu.memory_space<vmem>>)
    %dma_wait3A_1886 = arith.constant 0 : i32
    %dma_wait3A_1887 = arith.constant 0 : i32
    %dma_wait3A_1888 = arith.constant 30 : i32
    %dma_wait3A_1889 = arith.constant 0 : i32
    %dma_wait3A_1890 = arith.constant 0 : i32
    %dma_wait3A_1891 = tpu.memref_slice %arg9[%dma_wait3A_1886, %dma_wait3A_1887, %dma_wait3A_1889, %dma_wait3A_1890] : memref<2x5x128x32xf32, #tpu.memory_space<vmem>> -> memref<1x1x128x32xf32, #tpu.memory_space<vmem>>
    %dma_wait3A_1892 = tpu.memref_squeeze %dma_wait3A_1891 : memref<1x1x128x32xf32, #tpu.memory_space<vmem>> -> memref<128x32xf32, #tpu.memory_space<vmem>>
    %dma_wait3A_1893 = arith.constant 0 : i32
    %dma_wait3A_1894 = tpu.memref_slice %arg8[%dma_wait3A_1888, %dma_wait3A_1893] : memref<50x128xi32, #tpu.memory_space<vmem>> -> memref<1x128xi32, #tpu.memory_space<vmem>>
    %dma_wait3A_1895 = tpu.memref_squeeze %dma_wait3A_1894 : memref<1x128xi32, #tpu.memory_space<vmem>> -> memref<128xi32, #tpu.memory_space<vmem>>
    %dma_wait3A_1896 = arith.constant 0 : i32
    %dma_wait3A_1897 = arith.constant 0 : i32
    %dma_wait3A_1898 = tpu.memref_slice %arg10[%dma_wait3A_1896, %dma_wait3A_1897] : memref<2048x32xf32, #tpu.memory_space<vmem_shared>> -> memref<2048x32xf32, #tpu.memory_space<vmem_shared>>
    tpu.wait_indirect_dma semaphore(%arg12 : memref<!tpu.dma_semaphore, #tpu.memory_space<semaphore_mem>>) src(%dma_wait3A_1892 : memref<128x32xf32, #tpu.memory_space<vmem>>) dst(%dma_wait3A_1898 : memref<2048x32xf32, #tpu.memory_space<vmem_shared>>)
    %dma_wait3A_1899 = arith.constant 0 : i32
    %dma_wait3A_1900 = arith.constant 1 : i32
    %dma_wait3A_1901 = arith.constant 31 : i32
    %dma_wait3A_1902 = arith.constant 0 : i32
    %dma_wait3A_1903 = arith.constant 0 : i32
    %dma_wait3A_1904 = tpu.memref_slice %arg9[%dma_wait3A_1899, %dma_wait3A_1900, %dma_wait3A_1902, %dma_wait3A_1903] : memref<2x5x128x32xf32, #tpu.memory_space<vmem>> -> memref<1x1x128x32xf32, #tpu.memory_space<vmem>>
    %dma_wait3A_1905 = tpu.memref_squeeze %dma_wait3A_1904 : memref<1x1x128x32xf32, #tpu.memory_space<vmem>> -> memref<128x32xf32, #tpu.memory_space<vmem>>
    %dma_wait3A_1906 = arith.constant 0 : i32
    %dma_wait3A_1907 = tpu.memref_slice %arg8[%dma_wait3A_1901, %dma_wait3A_1906] : memref<50x128xi32, #tpu.memory_space<vmem>> -> memref<1x128xi32, #tpu.memory_space<vmem>>
    %dma_wait3A_1908 = tpu.memref_squeeze %dma_wait3A_1907 : memref<1x128xi32, #tpu.memory_space<vmem>> -> memref<128xi32, #tpu.memory_space<vmem>>
    %dma_wait3A_1909 = arith.constant 0 : i32
    %dma_wait3A_1910 = arith.constant 0 : i32
    %dma_wait3A_1911 = tpu.memref_slice %arg10[%dma_wait3A_1909, %dma_wait3A_1910] : memref<2048x32xf32, #tpu.memory_space<vmem_shared>> -> memref<2048x32xf32, #tpu.memory_space<vmem_shared>>
    tpu.wait_indirect_dma semaphore(%arg12 : memref<!tpu.dma_semaphore, #tpu.memory_space<semaphore_mem>>) src(%dma_wait3A_1905 : memref<128x32xf32, #tpu.memory_space<vmem>>) dst(%dma_wait3A_1911 : memref<2048x32xf32, #tpu.memory_space<vmem_shared>>)
    %dma_wait3A_1912 = arith.constant 0 : i32
    %dma_wait3A_1913 = arith.constant 2 : i32
    %dma_wait3A_1914 = arith.constant 32 : i32
    %dma_wait3A_1915 = arith.constant 0 : i32
    %dma_wait3A_1916 = arith.constant 0 : i32
    %dma_wait3A_1917 = tpu.memref_slice %arg9[%dma_wait3A_1912, %dma_wait3A_1913, %dma_wait3A_1915, %dma_wait3A_1916] : memref<2x5x128x32xf32, #tpu.memory_space<vmem>> -> memref<1x1x128x32xf32, #tpu.memory_space<vmem>>
    %dma_wait3A_1918 = tpu.memref_squeeze %dma_wait3A_1917 : memref<1x1x128x32xf32, #tpu.memory_space<vmem>> -> memref<128x32xf32, #tpu.memory_space<vmem>>
    %dma_wait3A_1919 = arith.constant 0 : i32
    %dma_wait3A_1920 = tpu.memref_slice %arg8[%dma_wait3A_1914, %dma_wait3A_1919] : memref<50x128xi32, #tpu.memory_space<vmem>> -> memref<1x128xi32, #tpu.memory_space<vmem>>
    %dma_wait3A_1921 = tpu.memref_squeeze %dma_wait3A_1920 : memref<1x128xi32, #tpu.memory_space<vmem>> -> memref<128xi32, #tpu.memory_space<vmem>>
    %dma_wait3A_1922 = arith.constant 0 : i32
    %dma_wait3A_1923 = arith.constant 0 : i32
    %dma_wait3A_1924 = tpu.memref_slice %arg10[%dma_wait3A_1922, %dma_wait3A_1923] : memref<2048x32xf32, #tpu.memory_space<vmem_shared>> -> memref<2048x32xf32, #tpu.memory_space<vmem_shared>>
    tpu.wait_indirect_dma semaphore(%arg12 : memref<!tpu.dma_semaphore, #tpu.memory_space<semaphore_mem>>) src(%dma_wait3A_1918 : memref<128x32xf32, #tpu.memory_space<vmem>>) dst(%dma_wait3A_1924 : memref<2048x32xf32, #tpu.memory_space<vmem_shared>>)
    %dma_wait3A_1925 = arith.constant 0 : i32
    %dma_wait3A_1926 = arith.constant 3 : i32
    %dma_wait3A_1927 = arith.constant 33 : i32
    %dma_wait3A_1928 = arith.constant 0 : i32
    %dma_wait3A_1929 = arith.constant 0 : i32
    %dma_wait3A_1930 = tpu.memref_slice %arg9[%dma_wait3A_1925, %dma_wait3A_1926, %dma_wait3A_1928, %dma_wait3A_1929] : memref<2x5x128x32xf32, #tpu.memory_space<vmem>> -> memref<1x1x128x32xf32, #tpu.memory_space<vmem>>
    %dma_wait3A_1931 = tpu.memref_squeeze %dma_wait3A_1930 : memref<1x1x128x32xf32, #tpu.memory_space<vmem>> -> memref<128x32xf32, #tpu.memory_space<vmem>>
    %dma_wait3A_1932 = arith.constant 0 : i32
    %dma_wait3A_1933 = tpu.memref_slice %arg8[%dma_wait3A_1927, %dma_wait3A_1932] : memref<50x128xi32, #tpu.memory_space<vmem>> -> memref<1x128xi32, #tpu.memory_space<vmem>>
    %dma_wait3A_1934 = tpu.memref_squeeze %dma_wait3A_1933 : memref<1x128xi32, #tpu.memory_space<vmem>> -> memref<128xi32, #tpu.memory_space<vmem>>
    %dma_wait3A_1935 = arith.constant 0 : i32
    %dma_wait3A_1936 = arith.constant 0 : i32
    %dma_wait3A_1937 = tpu.memref_slice %arg10[%dma_wait3A_1935, %dma_wait3A_1936] : memref<2048x32xf32, #tpu.memory_space<vmem_shared>> -> memref<2048x32xf32, #tpu.memory_space<vmem_shared>>
    tpu.wait_indirect_dma semaphore(%arg12 : memref<!tpu.dma_semaphore, #tpu.memory_space<semaphore_mem>>) src(%dma_wait3A_1931 : memref<128x32xf32, #tpu.memory_space<vmem>>) dst(%dma_wait3A_1937 : memref<2048x32xf32, #tpu.memory_space<vmem_shared>>)
    %dma_wait3A_1938 = arith.constant 0 : i32
    %dma_wait3A_1939 = arith.constant 4 : i32
    %dma_wait3A_1940 = arith.constant 34 : i32
    %dma_wait3A_1941 = arith.constant 0 : i32
    %dma_wait3A_1942 = arith.constant 0 : i32
    %dma_wait3A_1943 = tpu.memref_slice %arg9[%dma_wait3A_1938, %dma_wait3A_1939, %dma_wait3A_1941, %dma_wait3A_1942] : memref<2x5x128x32xf32, #tpu.memory_space<vmem>> -> memref<1x1x128x32xf32, #tpu.memory_space<vmem>>
    %dma_wait3A_1944 = tpu.memref_squeeze %dma_wait3A_1943 : memref<1x1x128x32xf32, #tpu.memory_space<vmem>> -> memref<128x32xf32, #tpu.memory_space<vmem>>
    %dma_wait3A_1945 = arith.constant 0 : i32
    %dma_wait3A_1946 = tpu.memref_slice %arg8[%dma_wait3A_1940, %dma_wait3A_1945] : memref<50x128xi32, #tpu.memory_space<vmem>> -> memref<1x128xi32, #tpu.memory_space<vmem>>
    %dma_wait3A_1947 = tpu.memref_squeeze %dma_wait3A_1946 : memref<1x128xi32, #tpu.memory_space<vmem>> -> memref<128xi32, #tpu.memory_space<vmem>>
    %dma_wait3A_1948 = arith.constant 0 : i32
    %dma_wait3A_1949 = arith.constant 0 : i32
    %dma_wait3A_1950 = tpu.memref_slice %arg10[%dma_wait3A_1948, %dma_wait3A_1949] : memref<2048x32xf32, #tpu.memory_space<vmem_shared>> -> memref<2048x32xf32, #tpu.memory_space<vmem_shared>>
    tpu.wait_indirect_dma semaphore(%arg12 : memref<!tpu.dma_semaphore, #tpu.memory_space<semaphore_mem>>) src(%dma_wait3A_1944 : memref<128x32xf32, #tpu.memory_space<vmem>>) dst(%dma_wait3A_1950 : memref<2048x32xf32, #tpu.memory_space<vmem_shared>>)
    %dma_start3A_1951 = arith.constant 40 : i32
    %dma_start3A_1952 = arith.constant 0 : i32
    %dma_start3A_1953 = arith.constant 0 : i32
    %dma_start3A_1954 = arith.constant 0 : i32
    %dma_start3A_1955 = arith.constant 0 : i32
    %dma_start3A_1956 = tpu.memref_slice %arg9[%dma_start3A_1952, %dma_start3A_1953, %dma_start3A_1954, %dma_start3A_1955] : memref<2x5x128x32xf32, #tpu.memory_space<vmem>> -> memref<1x1x128x32xf32, #tpu.memory_space<vmem>>
    %dma_start3A_1957 = tpu.memref_squeeze %dma_start3A_1956 : memref<1x1x128x32xf32, #tpu.memory_space<vmem>> -> memref<128x32xf32, #tpu.memory_space<vmem>>
    %dma_start3A_1958 = arith.constant 0 : i32
    %dma_start3A_1959 = tpu.memref_slice %arg7[%dma_start3A_1951, %dma_start3A_1958] : memref<50x128xi32, #tpu.memory_space<vmem>> -> memref<1x128xi32, #tpu.memory_space<vmem>>
    %dma_start3A_1960 = tpu.memref_squeeze %dma_start3A_1959 : memref<1x128xi32, #tpu.memory_space<vmem>> -> memref<128xi32, #tpu.memory_space<vmem>>
    %dma_start3A_1961 = arith.constant 0 : i32
    %dma_start3A_1962 = arith.constant 0 : i32
    %dma_start3A_1963 = tpu.memref_slice %arg2[%dma_start3A_1961, %dma_start3A_1962] : memref<1000000x32xf32, #tpu.memory_space<hbm>> -> memref<1000000x32xf32, #tpu.memory_space<hbm>>
    tpu.enqueue_indirect_dma source(%dma_start3A_1963 : memref<1000000x32xf32, #tpu.memory_space<hbm>>) target(%dma_start3A_1957 : memref<128x32xf32, #tpu.memory_space<vmem>>) offsets(%dma_start3A_1960 : memref<128xi32, #tpu.memory_space<vmem>>) semaphore(%arg11 : memref<!tpu.dma_semaphore, #tpu.memory_space<semaphore_mem>>)
    %dma_start3A_1964 = arith.constant 41 : i32
    %dma_start3A_1965 = arith.constant 0 : i32
    %dma_start3A_1966 = arith.constant 1 : i32
    %dma_start3A_1967 = arith.constant 0 : i32
    %dma_start3A_1968 = arith.constant 0 : i32
    %dma_start3A_1969 = tpu.memref_slice %arg9[%dma_start3A_1965, %dma_start3A_1966, %dma_start3A_1967, %dma_start3A_1968] : memref<2x5x128x32xf32, #tpu.memory_space<vmem>> -> memref<1x1x128x32xf32, #tpu.memory_space<vmem>>
    %dma_start3A_1970 = tpu.memref_squeeze %dma_start3A_1969 : memref<1x1x128x32xf32, #tpu.memory_space<vmem>> -> memref<128x32xf32, #tpu.memory_space<vmem>>
    %dma_start3A_1971 = arith.constant 0 : i32
    %dma_start3A_1972 = tpu.memref_slice %arg7[%dma_start3A_1964, %dma_start3A_1971] : memref<50x128xi32, #tpu.memory_space<vmem>> -> memref<1x128xi32, #tpu.memory_space<vmem>>
    %dma_start3A_1973 = tpu.memref_squeeze %dma_start3A_1972 : memref<1x128xi32, #tpu.memory_space<vmem>> -> memref<128xi32, #tpu.memory_space<vmem>>
    %dma_start3A_1974 = arith.constant 0 : i32
    %dma_start3A_1975 = arith.constant 0 : i32
    %dma_start3A_1976 = tpu.memref_slice %arg2[%dma_start3A_1974, %dma_start3A_1975] : memref<1000000x32xf32, #tpu.memory_space<hbm>> -> memref<1000000x32xf32, #tpu.memory_space<hbm>>
    tpu.enqueue_indirect_dma source(%dma_start3A_1976 : memref<1000000x32xf32, #tpu.memory_space<hbm>>) target(%dma_start3A_1970 : memref<128x32xf32, #tpu.memory_space<vmem>>) offsets(%dma_start3A_1973 : memref<128xi32, #tpu.memory_space<vmem>>) semaphore(%arg11 : memref<!tpu.dma_semaphore, #tpu.memory_space<semaphore_mem>>)
    %dma_start3A_1977 = arith.constant 42 : i32
    %dma_start3A_1978 = arith.constant 0 : i32
    %dma_start3A_1979 = arith.constant 2 : i32
    %dma_start3A_1980 = arith.constant 0 : i32
    %dma_start3A_1981 = arith.constant 0 : i32
    %dma_start3A_1982 = tpu.memref_slice %arg9[%dma_start3A_1978, %dma_start3A_1979, %dma_start3A_1980, %dma_start3A_1981] : memref<2x5x128x32xf32, #tpu.memory_space<vmem>> -> memref<1x1x128x32xf32, #tpu.memory_space<vmem>>
    %dma_start3A_1983 = tpu.memref_squeeze %dma_start3A_1982 : memref<1x1x128x32xf32, #tpu.memory_space<vmem>> -> memref<128x32xf32, #tpu.memory_space<vmem>>
    %dma_start3A_1984 = arith.constant 0 : i32
    %dma_start3A_1985 = tpu.memref_slice %arg7[%dma_start3A_1977, %dma_start3A_1984] : memref<50x128xi32, #tpu.memory_space<vmem>> -> memref<1x128xi32, #tpu.memory_space<vmem>>
    %dma_start3A_1986 = tpu.memref_squeeze %dma_start3A_1985 : memref<1x128xi32, #tpu.memory_space<vmem>> -> memref<128xi32, #tpu.memory_space<vmem>>
    %dma_start3A_1987 = arith.constant 0 : i32
    %dma_start3A_1988 = arith.constant 0 : i32
    %dma_start3A_1989 = tpu.memref_slice %arg2[%dma_start3A_1987, %dma_start3A_1988] : memref<1000000x32xf32, #tpu.memory_space<hbm>> -> memref<1000000x32xf32, #tpu.memory_space<hbm>>
    tpu.enqueue_indirect_dma source(%dma_start3A_1989 : memref<1000000x32xf32, #tpu.memory_space<hbm>>) target(%dma_start3A_1983 : memref<128x32xf32, #tpu.memory_space<vmem>>) offsets(%dma_start3A_1986 : memref<128xi32, #tpu.memory_space<vmem>>) semaphore(%arg11 : memref<!tpu.dma_semaphore, #tpu.memory_space<semaphore_mem>>)
    %dma_start3A_1990 = arith.constant 43 : i32
    %dma_start3A_1991 = arith.constant 0 : i32
    %dma_start3A_1992 = arith.constant 3 : i32
    %dma_start3A_1993 = arith.constant 0 : i32
    %dma_start3A_1994 = arith.constant 0 : i32
    %dma_start3A_1995 = tpu.memref_slice %arg9[%dma_start3A_1991, %dma_start3A_1992, %dma_start3A_1993, %dma_start3A_1994] : memref<2x5x128x32xf32, #tpu.memory_space<vmem>> -> memref<1x1x128x32xf32, #tpu.memory_space<vmem>>
    %dma_start3A_1996 = tpu.memref_squeeze %dma_start3A_1995 : memref<1x1x128x32xf32, #tpu.memory_space<vmem>> -> memref<128x32xf32, #tpu.memory_space<vmem>>
    %dma_start3A_1997 = arith.constant 0 : i32
    %dma_start3A_1998 = tpu.memref_slice %arg7[%dma_start3A_1990, %dma_start3A_1997] : memref<50x128xi32, #tpu.memory_space<vmem>> -> memref<1x128xi32, #tpu.memory_space<vmem>>
    %dma_start3A_1999 = tpu.memref_squeeze %dma_start3A_1998 : memref<1x128xi32, #tpu.memory_space<vmem>> -> memref<128xi32, #tpu.memory_space<vmem>>
    %dma_start3A_2000 = arith.constant 0 : i32
    %dma_start3A_2001 = arith.constant 0 : i32
    %dma_start3A_2002 = tpu.memref_slice %arg2[%dma_start3A_2000, %dma_start3A_2001] : memref<1000000x32xf32, #tpu.memory_space<hbm>> -> memref<1000000x32xf32, #tpu.memory_space<hbm>>
    tpu.enqueue_indirect_dma source(%dma_start3A_2002 : memref<1000000x32xf32, #tpu.memory_space<hbm>>) target(%dma_start3A_1996 : memref<128x32xf32, #tpu.memory_space<vmem>>) offsets(%dma_start3A_1999 : memref<128xi32, #tpu.memory_space<vmem>>) semaphore(%arg11 : memref<!tpu.dma_semaphore, #tpu.memory_space<semaphore_mem>>)
    %dma_start3A_2003 = arith.constant 44 : i32
    %dma_start3A_2004 = arith.constant 0 : i32
    %dma_start3A_2005 = arith.constant 4 : i32
    %dma_start3A_2006 = arith.constant 0 : i32
    %dma_start3A_2007 = arith.constant 0 : i32
    %dma_start3A_2008 = tpu.memref_slice %arg9[%dma_start3A_2004, %dma_start3A_2005, %dma_start3A_2006, %dma_start3A_2007] : memref<2x5x128x32xf32, #tpu.memory_space<vmem>> -> memref<1x1x128x32xf32, #tpu.memory_space<vmem>>
    %dma_start3A_2009 = tpu.memref_squeeze %dma_start3A_2008 : memref<1x1x128x32xf32, #tpu.memory_space<vmem>> -> memref<128x32xf32, #tpu.memory_space<vmem>>
    %dma_start3A_2010 = arith.constant 0 : i32
    %dma_start3A_2011 = tpu.memref_slice %arg7[%dma_start3A_2003, %dma_start3A_2010] : memref<50x128xi32, #tpu.memory_space<vmem>> -> memref<1x128xi32, #tpu.memory_space<vmem>>
    %dma_start3A_2012 = tpu.memref_squeeze %dma_start3A_2011 : memref<1x128xi32, #tpu.memory_space<vmem>> -> memref<128xi32, #tpu.memory_space<vmem>>
    %dma_start3A_2013 = arith.constant 0 : i32
    %dma_start3A_2014 = arith.constant 0 : i32
    %dma_start3A_2015 = tpu.memref_slice %arg2[%dma_start3A_2013, %dma_start3A_2014] : memref<1000000x32xf32, #tpu.memory_space<hbm>> -> memref<1000000x32xf32, #tpu.memory_space<hbm>>
    tpu.enqueue_indirect_dma source(%dma_start3A_2015 : memref<1000000x32xf32, #tpu.memory_space<hbm>>) target(%dma_start3A_2009 : memref<128x32xf32, #tpu.memory_space<vmem>>) offsets(%dma_start3A_2012 : memref<128xi32, #tpu.memory_space<vmem>>) semaphore(%arg11 : memref<!tpu.dma_semaphore, #tpu.memory_space<semaphore_mem>>)
    %dma_start3A_2016 = arith.constant 1 : i32
    %dma_start3A_2017 = arith.constant 0 : i32
    %dma_start3A_2018 = arith.constant 35 : i32
    %dma_start3A_2019 = arith.constant 0 : i32
    %dma_start3A_2020 = arith.constant 0 : i32
    %dma_start3A_2021 = tpu.memref_slice %arg9[%dma_start3A_2016, %dma_start3A_2017, %dma_start3A_2019, %dma_start3A_2020] : memref<2x5x128x32xf32, #tpu.memory_space<vmem>> -> memref<1x1x128x32xf32, #tpu.memory_space<vmem>>
    %dma_start3A_2022 = tpu.memref_squeeze %dma_start3A_2021 : memref<1x1x128x32xf32, #tpu.memory_space<vmem>> -> memref<128x32xf32, #tpu.memory_space<vmem>>
    %dma_start3A_2023 = arith.constant 0 : i32
    %dma_start3A_2024 = tpu.memref_slice %arg8[%dma_start3A_2018, %dma_start3A_2023] : memref<50x128xi32, #tpu.memory_space<vmem>> -> memref<1x128xi32, #tpu.memory_space<vmem>>
    %dma_start3A_2025 = tpu.memref_squeeze %dma_start3A_2024 : memref<1x128xi32, #tpu.memory_space<vmem>> -> memref<128xi32, #tpu.memory_space<vmem>>
    %dma_start3A_2026 = arith.constant 0 : i32
    %dma_start3A_2027 = arith.constant 0 : i32
    %dma_start3A_2028 = tpu.memref_slice %arg10[%dma_start3A_2026, %dma_start3A_2027] : memref<2048x32xf32, #tpu.memory_space<vmem_shared>> -> memref<2048x32xf32, #tpu.memory_space<vmem_shared>>
    tpu.enqueue_indirect_dma source(%dma_start3A_2022 : memref<128x32xf32, #tpu.memory_space<vmem>>) target(%dma_start3A_2028 : memref<2048x32xf32, #tpu.memory_space<vmem_shared>>) offsets(%dma_start3A_2025 : memref<128xi32, #tpu.memory_space<vmem>>) semaphore(%arg12 : memref<!tpu.dma_semaphore, #tpu.memory_space<semaphore_mem>>) {add = true}
    %dma_start3A_2029 = arith.constant 1 : i32
    %dma_start3A_2030 = arith.constant 1 : i32
    %dma_start3A_2031 = arith.constant 36 : i32
    %dma_start3A_2032 = arith.constant 0 : i32
    %dma_start3A_2033 = arith.constant 0 : i32
    %dma_start3A_2034 = tpu.memref_slice %arg9[%dma_start3A_2029, %dma_start3A_2030, %dma_start3A_2032, %dma_start3A_2033] : memref<2x5x128x32xf32, #tpu.memory_space<vmem>> -> memref<1x1x128x32xf32, #tpu.memory_space<vmem>>
    %dma_start3A_2035 = tpu.memref_squeeze %dma_start3A_2034 : memref<1x1x128x32xf32, #tpu.memory_space<vmem>> -> memref<128x32xf32, #tpu.memory_space<vmem>>
    %dma_start3A_2036 = arith.constant 0 : i32
    %dma_start3A_2037 = tpu.memref_slice %arg8[%dma_start3A_2031, %dma_start3A_2036] : memref<50x128xi32, #tpu.memory_space<vmem>> -> memref<1x128xi32, #tpu.memory_space<vmem>>
    %dma_start3A_2038 = tpu.memref_squeeze %dma_start3A_2037 : memref<1x128xi32, #tpu.memory_space<vmem>> -> memref<128xi32, #tpu.memory_space<vmem>>
    %dma_start3A_2039 = arith.constant 0 : i32
    %dma_start3A_2040 = arith.constant 0 : i32
    %dma_start3A_2041 = tpu.memref_slice %arg10[%dma_start3A_2039, %dma_start3A_2040] : memref<2048x32xf32, #tpu.memory_space<vmem_shared>> -> memref<2048x32xf32, #tpu.memory_space<vmem_shared>>
    tpu.enqueue_indirect_dma source(%dma_start3A_2035 : memref<128x32xf32, #tpu.memory_space<vmem>>) target(%dma_start3A_2041 : memref<2048x32xf32, #tpu.memory_space<vmem_shared>>) offsets(%dma_start3A_2038 : memref<128xi32, #tpu.memory_space<vmem>>) semaphore(%arg12 : memref<!tpu.dma_semaphore, #tpu.memory_space<semaphore_mem>>) {add = true}
    %dma_start3A_2042 = arith.constant 1 : i32
    %dma_start3A_2043 = arith.constant 2 : i32
    %dma_start3A_2044 = arith.constant 37 : i32
    %dma_start3A_2045 = arith.constant 0 : i32
    %dma_start3A_2046 = arith.constant 0 : i32
    %dma_start3A_2047 = tpu.memref_slice %arg9[%dma_start3A_2042, %dma_start3A_2043, %dma_start3A_2045, %dma_start3A_2046] : memref<2x5x128x32xf32, #tpu.memory_space<vmem>> -> memref<1x1x128x32xf32, #tpu.memory_space<vmem>>
    %dma_start3A_2048 = tpu.memref_squeeze %dma_start3A_2047 : memref<1x1x128x32xf32, #tpu.memory_space<vmem>> -> memref<128x32xf32, #tpu.memory_space<vmem>>
    %dma_start3A_2049 = arith.constant 0 : i32
    %dma_start3A_2050 = tpu.memref_slice %arg8[%dma_start3A_2044, %dma_start3A_2049] : memref<50x128xi32, #tpu.memory_space<vmem>> -> memref<1x128xi32, #tpu.memory_space<vmem>>
    %dma_start3A_2051 = tpu.memref_squeeze %dma_start3A_2050 : memref<1x128xi32, #tpu.memory_space<vmem>> -> memref<128xi32, #tpu.memory_space<vmem>>
    %dma_start3A_2052 = arith.constant 0 : i32
    %dma_start3A_2053 = arith.constant 0 : i32
    %dma_start3A_2054 = tpu.memref_slice %arg10[%dma_start3A_2052, %dma_start3A_2053] : memref<2048x32xf32, #tpu.memory_space<vmem_shared>> -> memref<2048x32xf32, #tpu.memory_space<vmem_shared>>
    tpu.enqueue_indirect_dma source(%dma_start3A_2048 : memref<128x32xf32, #tpu.memory_space<vmem>>) target(%dma_start3A_2054 : memref<2048x32xf32, #tpu.memory_space<vmem_shared>>) offsets(%dma_start3A_2051 : memref<128xi32, #tpu.memory_space<vmem>>) semaphore(%arg12 : memref<!tpu.dma_semaphore, #tpu.memory_space<semaphore_mem>>) {add = true}
    %dma_start3A_2055 = arith.constant 1 : i32
    %dma_start3A_2056 = arith.constant 3 : i32
    %dma_start3A_2057 = arith.constant 38 : i32
    %dma_start3A_2058 = arith.constant 0 : i32
    %dma_start3A_2059 = arith.constant 0 : i32
    %dma_start3A_2060 = tpu.memref_slice %arg9[%dma_start3A_2055, %dma_start3A_2056, %dma_start3A_2058, %dma_start3A_2059] : memref<2x5x128x32xf32, #tpu.memory_space<vmem>> -> memref<1x1x128x32xf32, #tpu.memory_space<vmem>>
    %dma_start3A_2061 = tpu.memref_squeeze %dma_start3A_2060 : memref<1x1x128x32xf32, #tpu.memory_space<vmem>> -> memref<128x32xf32, #tpu.memory_space<vmem>>
    %dma_start3A_2062 = arith.constant 0 : i32
    %dma_start3A_2063 = tpu.memref_slice %arg8[%dma_start3A_2057, %dma_start3A_2062] : memref<50x128xi32, #tpu.memory_space<vmem>> -> memref<1x128xi32, #tpu.memory_space<vmem>>
    %dma_start3A_2064 = tpu.memref_squeeze %dma_start3A_2063 : memref<1x128xi32, #tpu.memory_space<vmem>> -> memref<128xi32, #tpu.memory_space<vmem>>
    %dma_start3A_2065 = arith.constant 0 : i32
    %dma_start3A_2066 = arith.constant 0 : i32
    %dma_start3A_2067 = tpu.memref_slice %arg10[%dma_start3A_2065, %dma_start3A_2066] : memref<2048x32xf32, #tpu.memory_space<vmem_shared>> -> memref<2048x32xf32, #tpu.memory_space<vmem_shared>>
    tpu.enqueue_indirect_dma source(%dma_start3A_2061 : memref<128x32xf32, #tpu.memory_space<vmem>>) target(%dma_start3A_2067 : memref<2048x32xf32, #tpu.memory_space<vmem_shared>>) offsets(%dma_start3A_2064 : memref<128xi32, #tpu.memory_space<vmem>>) semaphore(%arg12 : memref<!tpu.dma_semaphore, #tpu.memory_space<semaphore_mem>>) {add = true}
    %dma_start3A_2068 = arith.constant 1 : i32
    %dma_start3A_2069 = arith.constant 4 : i32
    %dma_start3A_2070 = arith.constant 39 : i32
    %dma_start3A_2071 = arith.constant 0 : i32
    %dma_start3A_2072 = arith.constant 0 : i32
    %dma_start3A_2073 = tpu.memref_slice %arg9[%dma_start3A_2068, %dma_start3A_2069, %dma_start3A_2071, %dma_start3A_2072] : memref<2x5x128x32xf32, #tpu.memory_space<vmem>> -> memref<1x1x128x32xf32, #tpu.memory_space<vmem>>
    %dma_start3A_2074 = tpu.memref_squeeze %dma_start3A_2073 : memref<1x1x128x32xf32, #tpu.memory_space<vmem>> -> memref<128x32xf32, #tpu.memory_space<vmem>>
    %dma_start3A_2075 = arith.constant 0 : i32
    %dma_start3A_2076 = tpu.memref_slice %arg8[%dma_start3A_2070, %dma_start3A_2075] : memref<50x128xi32, #tpu.memory_space<vmem>> -> memref<1x128xi32, #tpu.memory_space<vmem>>
    %dma_start3A_2077 = tpu.memref_squeeze %dma_start3A_2076 : memref<1x128xi32, #tpu.memory_space<vmem>> -> memref<128xi32, #tpu.memory_space<vmem>>
    %dma_start3A_2078 = arith.constant 0 : i32
    %dma_start3A_2079 = arith.constant 0 : i32
    %dma_start3A_2080 = tpu.memref_slice %arg10[%dma_start3A_2078, %dma_start3A_2079] : memref<2048x32xf32, #tpu.memory_space<vmem_shared>> -> memref<2048x32xf32, #tpu.memory_space<vmem_shared>>
    tpu.enqueue_indirect_dma source(%dma_start3A_2074 : memref<128x32xf32, #tpu.memory_space<vmem>>) target(%dma_start3A_2080 : memref<2048x32xf32, #tpu.memory_space<vmem_shared>>) offsets(%dma_start3A_2077 : memref<128xi32, #tpu.memory_space<vmem>>) semaphore(%arg12 : memref<!tpu.dma_semaphore, #tpu.memory_space<semaphore_mem>>) {add = true}
    %dma_wait3A_2081 = arith.constant 40 : i32
    %dma_wait3A_2082 = arith.constant 0 : i32
    %dma_wait3A_2083 = arith.constant 0 : i32
    %dma_wait3A_2084 = arith.constant 0 : i32
    %dma_wait3A_2085 = arith.constant 0 : i32
    %dma_wait3A_2086 = tpu.memref_slice %arg9[%dma_wait3A_2082, %dma_wait3A_2083, %dma_wait3A_2084, %dma_wait3A_2085] : memref<2x5x128x32xf32, #tpu.memory_space<vmem>> -> memref<1x1x128x32xf32, #tpu.memory_space<vmem>>
    %dma_wait3A_2087 = tpu.memref_squeeze %dma_wait3A_2086 : memref<1x1x128x32xf32, #tpu.memory_space<vmem>> -> memref<128x32xf32, #tpu.memory_space<vmem>>
    %dma_wait3A_2088 = arith.constant 0 : i32
    %dma_wait3A_2089 = tpu.memref_slice %arg7[%dma_wait3A_2081, %dma_wait3A_2088] : memref<50x128xi32, #tpu.memory_space<vmem>> -> memref<1x128xi32, #tpu.memory_space<vmem>>
    %dma_wait3A_2090 = tpu.memref_squeeze %dma_wait3A_2089 : memref<1x128xi32, #tpu.memory_space<vmem>> -> memref<128xi32, #tpu.memory_space<vmem>>
    %dma_wait3A_2091 = arith.constant 0 : i32
    %dma_wait3A_2092 = arith.constant 0 : i32
    %dma_wait3A_2093 = tpu.memref_slice %arg2[%dma_wait3A_2091, %dma_wait3A_2092] : memref<1000000x32xf32, #tpu.memory_space<hbm>> -> memref<1000000x32xf32, #tpu.memory_space<hbm>>
    tpu.wait_indirect_dma semaphore(%arg11 : memref<!tpu.dma_semaphore, #tpu.memory_space<semaphore_mem>>) src(%dma_wait3A_2093 : memref<1000000x32xf32, #tpu.memory_space<hbm>>) dst(%dma_wait3A_2087 : memref<128x32xf32, #tpu.memory_space<vmem>>)
    %dma_wait3A_2094 = arith.constant 41 : i32
    %dma_wait3A_2095 = arith.constant 0 : i32
    %dma_wait3A_2096 = arith.constant 1 : i32
    %dma_wait3A_2097 = arith.constant 0 : i32
    %dma_wait3A_2098 = arith.constant 0 : i32
    %dma_wait3A_2099 = tpu.memref_slice %arg9[%dma_wait3A_2095, %dma_wait3A_2096, %dma_wait3A_2097, %dma_wait3A_2098] : memref<2x5x128x32xf32, #tpu.memory_space<vmem>> -> memref<1x1x128x32xf32, #tpu.memory_space<vmem>>
    %dma_wait3A_2100 = tpu.memref_squeeze %dma_wait3A_2099 : memref<1x1x128x32xf32, #tpu.memory_space<vmem>> -> memref<128x32xf32, #tpu.memory_space<vmem>>
    %dma_wait3A_2101 = arith.constant 0 : i32
    %dma_wait3A_2102 = tpu.memref_slice %arg7[%dma_wait3A_2094, %dma_wait3A_2101] : memref<50x128xi32, #tpu.memory_space<vmem>> -> memref<1x128xi32, #tpu.memory_space<vmem>>
    %dma_wait3A_2103 = tpu.memref_squeeze %dma_wait3A_2102 : memref<1x128xi32, #tpu.memory_space<vmem>> -> memref<128xi32, #tpu.memory_space<vmem>>
    %dma_wait3A_2104 = arith.constant 0 : i32
    %dma_wait3A_2105 = arith.constant 0 : i32
    %dma_wait3A_2106 = tpu.memref_slice %arg2[%dma_wait3A_2104, %dma_wait3A_2105] : memref<1000000x32xf32, #tpu.memory_space<hbm>> -> memref<1000000x32xf32, #tpu.memory_space<hbm>>
    tpu.wait_indirect_dma semaphore(%arg11 : memref<!tpu.dma_semaphore, #tpu.memory_space<semaphore_mem>>) src(%dma_wait3A_2106 : memref<1000000x32xf32, #tpu.memory_space<hbm>>) dst(%dma_wait3A_2100 : memref<128x32xf32, #tpu.memory_space<vmem>>)
    %dma_wait3A_2107 = arith.constant 42 : i32
    %dma_wait3A_2108 = arith.constant 0 : i32
    %dma_wait3A_2109 = arith.constant 2 : i32
    %dma_wait3A_2110 = arith.constant 0 : i32
    %dma_wait3A_2111 = arith.constant 0 : i32
    %dma_wait3A_2112 = tpu.memref_slice %arg9[%dma_wait3A_2108, %dma_wait3A_2109, %dma_wait3A_2110, %dma_wait3A_2111] : memref<2x5x128x32xf32, #tpu.memory_space<vmem>> -> memref<1x1x128x32xf32, #tpu.memory_space<vmem>>
    %dma_wait3A_2113 = tpu.memref_squeeze %dma_wait3A_2112 : memref<1x1x128x32xf32, #tpu.memory_space<vmem>> -> memref<128x32xf32, #tpu.memory_space<vmem>>
    %dma_wait3A_2114 = arith.constant 0 : i32
    %dma_wait3A_2115 = tpu.memref_slice %arg7[%dma_wait3A_2107, %dma_wait3A_2114] : memref<50x128xi32, #tpu.memory_space<vmem>> -> memref<1x128xi32, #tpu.memory_space<vmem>>
    %dma_wait3A_2116 = tpu.memref_squeeze %dma_wait3A_2115 : memref<1x128xi32, #tpu.memory_space<vmem>> -> memref<128xi32, #tpu.memory_space<vmem>>
    %dma_wait3A_2117 = arith.constant 0 : i32
    %dma_wait3A_2118 = arith.constant 0 : i32
    %dma_wait3A_2119 = tpu.memref_slice %arg2[%dma_wait3A_2117, %dma_wait3A_2118] : memref<1000000x32xf32, #tpu.memory_space<hbm>> -> memref<1000000x32xf32, #tpu.memory_space<hbm>>
    tpu.wait_indirect_dma semaphore(%arg11 : memref<!tpu.dma_semaphore, #tpu.memory_space<semaphore_mem>>) src(%dma_wait3A_2119 : memref<1000000x32xf32, #tpu.memory_space<hbm>>) dst(%dma_wait3A_2113 : memref<128x32xf32, #tpu.memory_space<vmem>>)
    %dma_wait3A_2120 = arith.constant 43 : i32
    %dma_wait3A_2121 = arith.constant 0 : i32
    %dma_wait3A_2122 = arith.constant 3 : i32
    %dma_wait3A_2123 = arith.constant 0 : i32
    %dma_wait3A_2124 = arith.constant 0 : i32
    %dma_wait3A_2125 = tpu.memref_slice %arg9[%dma_wait3A_2121, %dma_wait3A_2122, %dma_wait3A_2123, %dma_wait3A_2124] : memref<2x5x128x32xf32, #tpu.memory_space<vmem>> -> memref<1x1x128x32xf32, #tpu.memory_space<vmem>>
    %dma_wait3A_2126 = tpu.memref_squeeze %dma_wait3A_2125 : memref<1x1x128x32xf32, #tpu.memory_space<vmem>> -> memref<128x32xf32, #tpu.memory_space<vmem>>
    %dma_wait3A_2127 = arith.constant 0 : i32
    %dma_wait3A_2128 = tpu.memref_slice %arg7[%dma_wait3A_2120, %dma_wait3A_2127] : memref<50x128xi32, #tpu.memory_space<vmem>> -> memref<1x128xi32, #tpu.memory_space<vmem>>
    %dma_wait3A_2129 = tpu.memref_squeeze %dma_wait3A_2128 : memref<1x128xi32, #tpu.memory_space<vmem>> -> memref<128xi32, #tpu.memory_space<vmem>>
    %dma_wait3A_2130 = arith.constant 0 : i32
    %dma_wait3A_2131 = arith.constant 0 : i32
    %dma_wait3A_2132 = tpu.memref_slice %arg2[%dma_wait3A_2130, %dma_wait3A_2131] : memref<1000000x32xf32, #tpu.memory_space<hbm>> -> memref<1000000x32xf32, #tpu.memory_space<hbm>>
    tpu.wait_indirect_dma semaphore(%arg11 : memref<!tpu.dma_semaphore, #tpu.memory_space<semaphore_mem>>) src(%dma_wait3A_2132 : memref<1000000x32xf32, #tpu.memory_space<hbm>>) dst(%dma_wait3A_2126 : memref<128x32xf32, #tpu.memory_space<vmem>>)
    %dma_wait3A_2133 = arith.constant 44 : i32
    %dma_wait3A_2134 = arith.constant 0 : i32
    %dma_wait3A_2135 = arith.constant 4 : i32
    %dma_wait3A_2136 = arith.constant 0 : i32
    %dma_wait3A_2137 = arith.constant 0 : i32
    %dma_wait3A_2138 = tpu.memref_slice %arg9[%dma_wait3A_2134, %dma_wait3A_2135, %dma_wait3A_2136, %dma_wait3A_2137] : memref<2x5x128x32xf32, #tpu.memory_space<vmem>> -> memref<1x1x128x32xf32, #tpu.memory_space<vmem>>
    %dma_wait3A_2139 = tpu.memref_squeeze %dma_wait3A_2138 : memref<1x1x128x32xf32, #tpu.memory_space<vmem>> -> memref<128x32xf32, #tpu.memory_space<vmem>>
    %dma_wait3A_2140 = arith.constant 0 : i32
    %dma_wait3A_2141 = tpu.memref_slice %arg7[%dma_wait3A_2133, %dma_wait3A_2140] : memref<50x128xi32, #tpu.memory_space<vmem>> -> memref<1x128xi32, #tpu.memory_space<vmem>>
    %dma_wait3A_2142 = tpu.memref_squeeze %dma_wait3A_2141 : memref<1x128xi32, #tpu.memory_space<vmem>> -> memref<128xi32, #tpu.memory_space<vmem>>
    %dma_wait3A_2143 = arith.constant 0 : i32
    %dma_wait3A_2144 = arith.constant 0 : i32
    %dma_wait3A_2145 = tpu.memref_slice %arg2[%dma_wait3A_2143, %dma_wait3A_2144] : memref<1000000x32xf32, #tpu.memory_space<hbm>> -> memref<1000000x32xf32, #tpu.memory_space<hbm>>
    tpu.wait_indirect_dma semaphore(%arg11 : memref<!tpu.dma_semaphore, #tpu.memory_space<semaphore_mem>>) src(%dma_wait3A_2145 : memref<1000000x32xf32, #tpu.memory_space<hbm>>) dst(%dma_wait3A_2139 : memref<128x32xf32, #tpu.memory_space<vmem>>)
    %dma_wait3A_2146 = arith.constant 1 : i32
    %dma_wait3A_2147 = arith.constant 0 : i32
    %dma_wait3A_2148 = arith.constant 35 : i32
    %dma_wait3A_2149 = arith.constant 0 : i32
    %dma_wait3A_2150 = arith.constant 0 : i32
    %dma_wait3A_2151 = tpu.memref_slice %arg9[%dma_wait3A_2146, %dma_wait3A_2147, %dma_wait3A_2149, %dma_wait3A_2150] : memref<2x5x128x32xf32, #tpu.memory_space<vmem>> -> memref<1x1x128x32xf32, #tpu.memory_space<vmem>>
    %dma_wait3A_2152 = tpu.memref_squeeze %dma_wait3A_2151 : memref<1x1x128x32xf32, #tpu.memory_space<vmem>> -> memref<128x32xf32, #tpu.memory_space<vmem>>
    %dma_wait3A_2153 = arith.constant 0 : i32
    %dma_wait3A_2154 = tpu.memref_slice %arg8[%dma_wait3A_2148, %dma_wait3A_2153] : memref<50x128xi32, #tpu.memory_space<vmem>> -> memref<1x128xi32, #tpu.memory_space<vmem>>
    %dma_wait3A_2155 = tpu.memref_squeeze %dma_wait3A_2154 : memref<1x128xi32, #tpu.memory_space<vmem>> -> memref<128xi32, #tpu.memory_space<vmem>>
    %dma_wait3A_2156 = arith.constant 0 : i32
    %dma_wait3A_2157 = arith.constant 0 : i32
    %dma_wait3A_2158 = tpu.memref_slice %arg10[%dma_wait3A_2156, %dma_wait3A_2157] : memref<2048x32xf32, #tpu.memory_space<vmem_shared>> -> memref<2048x32xf32, #tpu.memory_space<vmem_shared>>
    tpu.wait_indirect_dma semaphore(%arg12 : memref<!tpu.dma_semaphore, #tpu.memory_space<semaphore_mem>>) src(%dma_wait3A_2152 : memref<128x32xf32, #tpu.memory_space<vmem>>) dst(%dma_wait3A_2158 : memref<2048x32xf32, #tpu.memory_space<vmem_shared>>)
    %dma_wait3A_2159 = arith.constant 1 : i32
    %dma_wait3A_2160 = arith.constant 1 : i32
    %dma_wait3A_2161 = arith.constant 36 : i32
    %dma_wait3A_2162 = arith.constant 0 : i32
    %dma_wait3A_2163 = arith.constant 0 : i32
    %dma_wait3A_2164 = tpu.memref_slice %arg9[%dma_wait3A_2159, %dma_wait3A_2160, %dma_wait3A_2162, %dma_wait3A_2163] : memref<2x5x128x32xf32, #tpu.memory_space<vmem>> -> memref<1x1x128x32xf32, #tpu.memory_space<vmem>>
    %dma_wait3A_2165 = tpu.memref_squeeze %dma_wait3A_2164 : memref<1x1x128x32xf32, #tpu.memory_space<vmem>> -> memref<128x32xf32, #tpu.memory_space<vmem>>
    %dma_wait3A_2166 = arith.constant 0 : i32
    %dma_wait3A_2167 = tpu.memref_slice %arg8[%dma_wait3A_2161, %dma_wait3A_2166] : memref<50x128xi32, #tpu.memory_space<vmem>> -> memref<1x128xi32, #tpu.memory_space<vmem>>
    %dma_wait3A_2168 = tpu.memref_squeeze %dma_wait3A_2167 : memref<1x128xi32, #tpu.memory_space<vmem>> -> memref<128xi32, #tpu.memory_space<vmem>>
    %dma_wait3A_2169 = arith.constant 0 : i32
    %dma_wait3A_2170 = arith.constant 0 : i32
    %dma_wait3A_2171 = tpu.memref_slice %arg10[%dma_wait3A_2169, %dma_wait3A_2170] : memref<2048x32xf32, #tpu.memory_space<vmem_shared>> -> memref<2048x32xf32, #tpu.memory_space<vmem_shared>>
    tpu.wait_indirect_dma semaphore(%arg12 : memref<!tpu.dma_semaphore, #tpu.memory_space<semaphore_mem>>) src(%dma_wait3A_2165 : memref<128x32xf32, #tpu.memory_space<vmem>>) dst(%dma_wait3A_2171 : memref<2048x32xf32, #tpu.memory_space<vmem_shared>>)
    %dma_wait3A_2172 = arith.constant 1 : i32
    %dma_wait3A_2173 = arith.constant 2 : i32
    %dma_wait3A_2174 = arith.constant 37 : i32
    %dma_wait3A_2175 = arith.constant 0 : i32
    %dma_wait3A_2176 = arith.constant 0 : i32
    %dma_wait3A_2177 = tpu.memref_slice %arg9[%dma_wait3A_2172, %dma_wait3A_2173, %dma_wait3A_2175, %dma_wait3A_2176] : memref<2x5x128x32xf32, #tpu.memory_space<vmem>> -> memref<1x1x128x32xf32, #tpu.memory_space<vmem>>
    %dma_wait3A_2178 = tpu.memref_squeeze %dma_wait3A_2177 : memref<1x1x128x32xf32, #tpu.memory_space<vmem>> -> memref<128x32xf32, #tpu.memory_space<vmem>>
    %dma_wait3A_2179 = arith.constant 0 : i32
    %dma_wait3A_2180 = tpu.memref_slice %arg8[%dma_wait3A_2174, %dma_wait3A_2179] : memref<50x128xi32, #tpu.memory_space<vmem>> -> memref<1x128xi32, #tpu.memory_space<vmem>>
    %dma_wait3A_2181 = tpu.memref_squeeze %dma_wait3A_2180 : memref<1x128xi32, #tpu.memory_space<vmem>> -> memref<128xi32, #tpu.memory_space<vmem>>
    %dma_wait3A_2182 = arith.constant 0 : i32
    %dma_wait3A_2183 = arith.constant 0 : i32
    %dma_wait3A_2184 = tpu.memref_slice %arg10[%dma_wait3A_2182, %dma_wait3A_2183] : memref<2048x32xf32, #tpu.memory_space<vmem_shared>> -> memref<2048x32xf32, #tpu.memory_space<vmem_shared>>
    tpu.wait_indirect_dma semaphore(%arg12 : memref<!tpu.dma_semaphore, #tpu.memory_space<semaphore_mem>>) src(%dma_wait3A_2178 : memref<128x32xf32, #tpu.memory_space<vmem>>) dst(%dma_wait3A_2184 : memref<2048x32xf32, #tpu.memory_space<vmem_shared>>)
    %dma_wait3A_2185 = arith.constant 1 : i32
    %dma_wait3A_2186 = arith.constant 3 : i32
    %dma_wait3A_2187 = arith.constant 38 : i32
    %dma_wait3A_2188 = arith.constant 0 : i32
    %dma_wait3A_2189 = arith.constant 0 : i32
    %dma_wait3A_2190 = tpu.memref_slice %arg9[%dma_wait3A_2185, %dma_wait3A_2186, %dma_wait3A_2188, %dma_wait3A_2189] : memref<2x5x128x32xf32, #tpu.memory_space<vmem>> -> memref<1x1x128x32xf32, #tpu.memory_space<vmem>>
    %dma_wait3A_2191 = tpu.memref_squeeze %dma_wait3A_2190 : memref<1x1x128x32xf32, #tpu.memory_space<vmem>> -> memref<128x32xf32, #tpu.memory_space<vmem>>
    %dma_wait3A_2192 = arith.constant 0 : i32
    %dma_wait3A_2193 = tpu.memref_slice %arg8[%dma_wait3A_2187, %dma_wait3A_2192] : memref<50x128xi32, #tpu.memory_space<vmem>> -> memref<1x128xi32, #tpu.memory_space<vmem>>
    %dma_wait3A_2194 = tpu.memref_squeeze %dma_wait3A_2193 : memref<1x128xi32, #tpu.memory_space<vmem>> -> memref<128xi32, #tpu.memory_space<vmem>>
    %dma_wait3A_2195 = arith.constant 0 : i32
    %dma_wait3A_2196 = arith.constant 0 : i32
    %dma_wait3A_2197 = tpu.memref_slice %arg10[%dma_wait3A_2195, %dma_wait3A_2196] : memref<2048x32xf32, #tpu.memory_space<vmem_shared>> -> memref<2048x32xf32, #tpu.memory_space<vmem_shared>>
    tpu.wait_indirect_dma semaphore(%arg12 : memref<!tpu.dma_semaphore, #tpu.memory_space<semaphore_mem>>) src(%dma_wait3A_2191 : memref<128x32xf32, #tpu.memory_space<vmem>>) dst(%dma_wait3A_2197 : memref<2048x32xf32, #tpu.memory_space<vmem_shared>>)
    %dma_wait3A_2198 = arith.constant 1 : i32
    %dma_wait3A_2199 = arith.constant 4 : i32
    %dma_wait3A_2200 = arith.constant 39 : i32
    %dma_wait3A_2201 = arith.constant 0 : i32
    %dma_wait3A_2202 = arith.constant 0 : i32
    %dma_wait3A_2203 = tpu.memref_slice %arg9[%dma_wait3A_2198, %dma_wait3A_2199, %dma_wait3A_2201, %dma_wait3A_2202] : memref<2x5x128x32xf32, #tpu.memory_space<vmem>> -> memref<1x1x128x32xf32, #tpu.memory_space<vmem>>
    %dma_wait3A_2204 = tpu.memref_squeeze %dma_wait3A_2203 : memref<1x1x128x32xf32, #tpu.memory_space<vmem>> -> memref<128x32xf32, #tpu.memory_space<vmem>>
    %dma_wait3A_2205 = arith.constant 0 : i32
    %dma_wait3A_2206 = tpu.memref_slice %arg8[%dma_wait3A_2200, %dma_wait3A_2205] : memref<50x128xi32, #tpu.memory_space<vmem>> -> memref<1x128xi32, #tpu.memory_space<vmem>>
    %dma_wait3A_2207 = tpu.memref_squeeze %dma_wait3A_2206 : memref<1x128xi32, #tpu.memory_space<vmem>> -> memref<128xi32, #tpu.memory_space<vmem>>
    %dma_wait3A_2208 = arith.constant 0 : i32
    %dma_wait3A_2209 = arith.constant 0 : i32
    %dma_wait3A_2210 = tpu.memref_slice %arg10[%dma_wait3A_2208, %dma_wait3A_2209] : memref<2048x32xf32, #tpu.memory_space<vmem_shared>> -> memref<2048x32xf32, #tpu.memory_space<vmem_shared>>
    tpu.wait_indirect_dma semaphore(%arg12 : memref<!tpu.dma_semaphore, #tpu.memory_space<semaphore_mem>>) src(%dma_wait3A_2204 : memref<128x32xf32, #tpu.memory_space<vmem>>) dst(%dma_wait3A_2210 : memref<2048x32xf32, #tpu.memory_space<vmem_shared>>)
    %dma_start3A_2211 = arith.constant 45 : i32
    %dma_start3A_2212 = arith.constant 1 : i32
    %dma_start3A_2213 = arith.constant 0 : i32
    %dma_start3A_2214 = arith.constant 0 : i32
    %dma_start3A_2215 = arith.constant 0 : i32
    %dma_start3A_2216 = tpu.memref_slice %arg9[%dma_start3A_2212, %dma_start3A_2213, %dma_start3A_2214, %dma_start3A_2215] : memref<2x5x128x32xf32, #tpu.memory_space<vmem>> -> memref<1x1x128x32xf32, #tpu.memory_space<vmem>>
    %dma_start3A_2217 = tpu.memref_squeeze %dma_start3A_2216 : memref<1x1x128x32xf32, #tpu.memory_space<vmem>> -> memref<128x32xf32, #tpu.memory_space<vmem>>
    %dma_start3A_2218 = arith.constant 0 : i32
    %dma_start3A_2219 = tpu.memref_slice %arg7[%dma_start3A_2211, %dma_start3A_2218] : memref<50x128xi32, #tpu.memory_space<vmem>> -> memref<1x128xi32, #tpu.memory_space<vmem>>
    %dma_start3A_2220 = tpu.memref_squeeze %dma_start3A_2219 : memref<1x128xi32, #tpu.memory_space<vmem>> -> memref<128xi32, #tpu.memory_space<vmem>>
    %dma_start3A_2221 = arith.constant 0 : i32
    %dma_start3A_2222 = arith.constant 0 : i32
    %dma_start3A_2223 = tpu.memref_slice %arg2[%dma_start3A_2221, %dma_start3A_2222] : memref<1000000x32xf32, #tpu.memory_space<hbm>> -> memref<1000000x32xf32, #tpu.memory_space<hbm>>
    tpu.enqueue_indirect_dma source(%dma_start3A_2223 : memref<1000000x32xf32, #tpu.memory_space<hbm>>) target(%dma_start3A_2217 : memref<128x32xf32, #tpu.memory_space<vmem>>) offsets(%dma_start3A_2220 : memref<128xi32, #tpu.memory_space<vmem>>) semaphore(%arg11 : memref<!tpu.dma_semaphore, #tpu.memory_space<semaphore_mem>>)
    %dma_start3A_2224 = arith.constant 46 : i32
    %dma_start3A_2225 = arith.constant 1 : i32
    %dma_start3A_2226 = arith.constant 1 : i32
    %dma_start3A_2227 = arith.constant 0 : i32
    %dma_start3A_2228 = arith.constant 0 : i32
    %dma_start3A_2229 = tpu.memref_slice %arg9[%dma_start3A_2225, %dma_start3A_2226, %dma_start3A_2227, %dma_start3A_2228] : memref<2x5x128x32xf32, #tpu.memory_space<vmem>> -> memref<1x1x128x32xf32, #tpu.memory_space<vmem>>
    %dma_start3A_2230 = tpu.memref_squeeze %dma_start3A_2229 : memref<1x1x128x32xf32, #tpu.memory_space<vmem>> -> memref<128x32xf32, #tpu.memory_space<vmem>>
    %dma_start3A_2231 = arith.constant 0 : i32
    %dma_start3A_2232 = tpu.memref_slice %arg7[%dma_start3A_2224, %dma_start3A_2231] : memref<50x128xi32, #tpu.memory_space<vmem>> -> memref<1x128xi32, #tpu.memory_space<vmem>>
    %dma_start3A_2233 = tpu.memref_squeeze %dma_start3A_2232 : memref<1x128xi32, #tpu.memory_space<vmem>> -> memref<128xi32, #tpu.memory_space<vmem>>
    %dma_start3A_2234 = arith.constant 0 : i32
    %dma_start3A_2235 = arith.constant 0 : i32
    %dma_start3A_2236 = tpu.memref_slice %arg2[%dma_start3A_2234, %dma_start3A_2235] : memref<1000000x32xf32, #tpu.memory_space<hbm>> -> memref<1000000x32xf32, #tpu.memory_space<hbm>>
    tpu.enqueue_indirect_dma source(%dma_start3A_2236 : memref<1000000x32xf32, #tpu.memory_space<hbm>>) target(%dma_start3A_2230 : memref<128x32xf32, #tpu.memory_space<vmem>>) offsets(%dma_start3A_2233 : memref<128xi32, #tpu.memory_space<vmem>>) semaphore(%arg11 : memref<!tpu.dma_semaphore, #tpu.memory_space<semaphore_mem>>)
    %dma_start3A_2237 = arith.constant 47 : i32
    %dma_start3A_2238 = arith.constant 1 : i32
    %dma_start3A_2239 = arith.constant 2 : i32
    %dma_start3A_2240 = arith.constant 0 : i32
    %dma_start3A_2241 = arith.constant 0 : i32
    %dma_start3A_2242 = tpu.memref_slice %arg9[%dma_start3A_2238, %dma_start3A_2239, %dma_start3A_2240, %dma_start3A_2241] : memref<2x5x128x32xf32, #tpu.memory_space<vmem>> -> memref<1x1x128x32xf32, #tpu.memory_space<vmem>>
    %dma_start3A_2243 = tpu.memref_squeeze %dma_start3A_2242 : memref<1x1x128x32xf32, #tpu.memory_space<vmem>> -> memref<128x32xf32, #tpu.memory_space<vmem>>
    %dma_start3A_2244 = arith.constant 0 : i32
    %dma_start3A_2245 = tpu.memref_slice %arg7[%dma_start3A_2237, %dma_start3A_2244] : memref<50x128xi32, #tpu.memory_space<vmem>> -> memref<1x128xi32, #tpu.memory_space<vmem>>
    %dma_start3A_2246 = tpu.memref_squeeze %dma_start3A_2245 : memref<1x128xi32, #tpu.memory_space<vmem>> -> memref<128xi32, #tpu.memory_space<vmem>>
    %dma_start3A_2247 = arith.constant 0 : i32
    %dma_start3A_2248 = arith.constant 0 : i32
    %dma_start3A_2249 = tpu.memref_slice %arg2[%dma_start3A_2247, %dma_start3A_2248] : memref<1000000x32xf32, #tpu.memory_space<hbm>> -> memref<1000000x32xf32, #tpu.memory_space<hbm>>
    tpu.enqueue_indirect_dma source(%dma_start3A_2249 : memref<1000000x32xf32, #tpu.memory_space<hbm>>) target(%dma_start3A_2243 : memref<128x32xf32, #tpu.memory_space<vmem>>) offsets(%dma_start3A_2246 : memref<128xi32, #tpu.memory_space<vmem>>) semaphore(%arg11 : memref<!tpu.dma_semaphore, #tpu.memory_space<semaphore_mem>>)
    %dma_start3A_2250 = arith.constant 48 : i32
    %dma_start3A_2251 = arith.constant 1 : i32
    %dma_start3A_2252 = arith.constant 3 : i32
    %dma_start3A_2253 = arith.constant 0 : i32
    %dma_start3A_2254 = arith.constant 0 : i32
    %dma_start3A_2255 = tpu.memref_slice %arg9[%dma_start3A_2251, %dma_start3A_2252, %dma_start3A_2253, %dma_start3A_2254] : memref<2x5x128x32xf32, #tpu.memory_space<vmem>> -> memref<1x1x128x32xf32, #tpu.memory_space<vmem>>
    %dma_start3A_2256 = tpu.memref_squeeze %dma_start3A_2255 : memref<1x1x128x32xf32, #tpu.memory_space<vmem>> -> memref<128x32xf32, #tpu.memory_space<vmem>>
    %dma_start3A_2257 = arith.constant 0 : i32
    %dma_start3A_2258 = tpu.memref_slice %arg7[%dma_start3A_2250, %dma_start3A_2257] : memref<50x128xi32, #tpu.memory_space<vmem>> -> memref<1x128xi32, #tpu.memory_space<vmem>>
    %dma_start3A_2259 = tpu.memref_squeeze %dma_start3A_2258 : memref<1x128xi32, #tpu.memory_space<vmem>> -> memref<128xi32, #tpu.memory_space<vmem>>
    %dma_start3A_2260 = arith.constant 0 : i32
    %dma_start3A_2261 = arith.constant 0 : i32
    %dma_start3A_2262 = tpu.memref_slice %arg2[%dma_start3A_2260, %dma_start3A_2261] : memref<1000000x32xf32, #tpu.memory_space<hbm>> -> memref<1000000x32xf32, #tpu.memory_space<hbm>>
    tpu.enqueue_indirect_dma source(%dma_start3A_2262 : memref<1000000x32xf32, #tpu.memory_space<hbm>>) target(%dma_start3A_2256 : memref<128x32xf32, #tpu.memory_space<vmem>>) offsets(%dma_start3A_2259 : memref<128xi32, #tpu.memory_space<vmem>>) semaphore(%arg11 : memref<!tpu.dma_semaphore, #tpu.memory_space<semaphore_mem>>)
    %dma_start3A_2263 = arith.constant 49 : i32
    %dma_start3A_2264 = arith.constant 1 : i32
    %dma_start3A_2265 = arith.constant 4 : i32
    %dma_start3A_2266 = arith.constant 0 : i32
    %dma_start3A_2267 = arith.constant 0 : i32
    %dma_start3A_2268 = tpu.memref_slice %arg9[%dma_start3A_2264, %dma_start3A_2265, %dma_start3A_2266, %dma_start3A_2267] : memref<2x5x128x32xf32, #tpu.memory_space<vmem>> -> memref<1x1x128x32xf32, #tpu.memory_space<vmem>>
    %dma_start3A_2269 = tpu.memref_squeeze %dma_start3A_2268 : memref<1x1x128x32xf32, #tpu.memory_space<vmem>> -> memref<128x32xf32, #tpu.memory_space<vmem>>
    %dma_start3A_2270 = arith.constant 0 : i32
    %dma_start3A_2271 = tpu.memref_slice %arg7[%dma_start3A_2263, %dma_start3A_2270] : memref<50x128xi32, #tpu.memory_space<vmem>> -> memref<1x128xi32, #tpu.memory_space<vmem>>
    %dma_start3A_2272 = tpu.memref_squeeze %dma_start3A_2271 : memref<1x128xi32, #tpu.memory_space<vmem>> -> memref<128xi32, #tpu.memory_space<vmem>>
    %dma_start3A_2273 = arith.constant 0 : i32
    %dma_start3A_2274 = arith.constant 0 : i32
    %dma_start3A_2275 = tpu.memref_slice %arg2[%dma_start3A_2273, %dma_start3A_2274] : memref<1000000x32xf32, #tpu.memory_space<hbm>> -> memref<1000000x32xf32, #tpu.memory_space<hbm>>
    tpu.enqueue_indirect_dma source(%dma_start3A_2275 : memref<1000000x32xf32, #tpu.memory_space<hbm>>) target(%dma_start3A_2269 : memref<128x32xf32, #tpu.memory_space<vmem>>) offsets(%dma_start3A_2272 : memref<128xi32, #tpu.memory_space<vmem>>) semaphore(%arg11 : memref<!tpu.dma_semaphore, #tpu.memory_space<semaphore_mem>>)
    %dma_start3A_2276 = arith.constant 0 : i32
    %dma_start3A_2277 = arith.constant 0 : i32
    %dma_start3A_2278 = arith.constant 40 : i32
    %dma_start3A_2279 = arith.constant 0 : i32
    %dma_start3A_2280 = arith.constant 0 : i32
    %dma_start3A_2281 = tpu.memref_slice %arg9[%dma_start3A_2276, %dma_start3A_2277, %dma_start3A_2279, %dma_start3A_2280] : memref<2x5x128x32xf32, #tpu.memory_space<vmem>> -> memref<1x1x128x32xf32, #tpu.memory_space<vmem>>
    %dma_start3A_2282 = tpu.memref_squeeze %dma_start3A_2281 : memref<1x1x128x32xf32, #tpu.memory_space<vmem>> -> memref<128x32xf32, #tpu.memory_space<vmem>>
    %dma_start3A_2283 = arith.constant 0 : i32
    %dma_start3A_2284 = tpu.memref_slice %arg8[%dma_start3A_2278, %dma_start3A_2283] : memref<50x128xi32, #tpu.memory_space<vmem>> -> memref<1x128xi32, #tpu.memory_space<vmem>>
    %dma_start3A_2285 = tpu.memref_squeeze %dma_start3A_2284 : memref<1x128xi32, #tpu.memory_space<vmem>> -> memref<128xi32, #tpu.memory_space<vmem>>
    %dma_start3A_2286 = arith.constant 0 : i32
    %dma_start3A_2287 = arith.constant 0 : i32
    %dma_start3A_2288 = tpu.memref_slice %arg10[%dma_start3A_2286, %dma_start3A_2287] : memref<2048x32xf32, #tpu.memory_space<vmem_shared>> -> memref<2048x32xf32, #tpu.memory_space<vmem_shared>>
    tpu.enqueue_indirect_dma source(%dma_start3A_2282 : memref<128x32xf32, #tpu.memory_space<vmem>>) target(%dma_start3A_2288 : memref<2048x32xf32, #tpu.memory_space<vmem_shared>>) offsets(%dma_start3A_2285 : memref<128xi32, #tpu.memory_space<vmem>>) semaphore(%arg12 : memref<!tpu.dma_semaphore, #tpu.memory_space<semaphore_mem>>) {add = true}
    %dma_start3A_2289 = arith.constant 0 : i32
    %dma_start3A_2290 = arith.constant 1 : i32
    %dma_start3A_2291 = arith.constant 41 : i32
    %dma_start3A_2292 = arith.constant 0 : i32
    %dma_start3A_2293 = arith.constant 0 : i32
    %dma_start3A_2294 = tpu.memref_slice %arg9[%dma_start3A_2289, %dma_start3A_2290, %dma_start3A_2292, %dma_start3A_2293] : memref<2x5x128x32xf32, #tpu.memory_space<vmem>> -> memref<1x1x128x32xf32, #tpu.memory_space<vmem>>
    %dma_start3A_2295 = tpu.memref_squeeze %dma_start3A_2294 : memref<1x1x128x32xf32, #tpu.memory_space<vmem>> -> memref<128x32xf32, #tpu.memory_space<vmem>>
    %dma_start3A_2296 = arith.constant 0 : i32
    %dma_start3A_2297 = tpu.memref_slice %arg8[%dma_start3A_2291, %dma_start3A_2296] : memref<50x128xi32, #tpu.memory_space<vmem>> -> memref<1x128xi32, #tpu.memory_space<vmem>>
    %dma_start3A_2298 = tpu.memref_squeeze %dma_start3A_2297 : memref<1x128xi32, #tpu.memory_space<vmem>> -> memref<128xi32, #tpu.memory_space<vmem>>
    %dma_start3A_2299 = arith.constant 0 : i32
    %dma_start3A_2300 = arith.constant 0 : i32
    %dma_start3A_2301 = tpu.memref_slice %arg10[%dma_start3A_2299, %dma_start3A_2300] : memref<2048x32xf32, #tpu.memory_space<vmem_shared>> -> memref<2048x32xf32, #tpu.memory_space<vmem_shared>>
    tpu.enqueue_indirect_dma source(%dma_start3A_2295 : memref<128x32xf32, #tpu.memory_space<vmem>>) target(%dma_start3A_2301 : memref<2048x32xf32, #tpu.memory_space<vmem_shared>>) offsets(%dma_start3A_2298 : memref<128xi32, #tpu.memory_space<vmem>>) semaphore(%arg12 : memref<!tpu.dma_semaphore, #tpu.memory_space<semaphore_mem>>) {add = true}
    %dma_start3A_2302 = arith.constant 0 : i32
    %dma_start3A_2303 = arith.constant 2 : i32
    %dma_start3A_2304 = arith.constant 42 : i32
    %dma_start3A_2305 = arith.constant 0 : i32
    %dma_start3A_2306 = arith.constant 0 : i32
    %dma_start3A_2307 = tpu.memref_slice %arg9[%dma_start3A_2302, %dma_start3A_2303, %dma_start3A_2305, %dma_start3A_2306] : memref<2x5x128x32xf32, #tpu.memory_space<vmem>> -> memref<1x1x128x32xf32, #tpu.memory_space<vmem>>
    %dma_start3A_2308 = tpu.memref_squeeze %dma_start3A_2307 : memref<1x1x128x32xf32, #tpu.memory_space<vmem>> -> memref<128x32xf32, #tpu.memory_space<vmem>>
    %dma_start3A_2309 = arith.constant 0 : i32
    %dma_start3A_2310 = tpu.memref_slice %arg8[%dma_start3A_2304, %dma_start3A_2309] : memref<50x128xi32, #tpu.memory_space<vmem>> -> memref<1x128xi32, #tpu.memory_space<vmem>>
    %dma_start3A_2311 = tpu.memref_squeeze %dma_start3A_2310 : memref<1x128xi32, #tpu.memory_space<vmem>> -> memref<128xi32, #tpu.memory_space<vmem>>
    %dma_start3A_2312 = arith.constant 0 : i32
    %dma_start3A_2313 = arith.constant 0 : i32
    %dma_start3A_2314 = tpu.memref_slice %arg10[%dma_start3A_2312, %dma_start3A_2313] : memref<2048x32xf32, #tpu.memory_space<vmem_shared>> -> memref<2048x32xf32, #tpu.memory_space<vmem_shared>>
    tpu.enqueue_indirect_dma source(%dma_start3A_2308 : memref<128x32xf32, #tpu.memory_space<vmem>>) target(%dma_start3A_2314 : memref<2048x32xf32, #tpu.memory_space<vmem_shared>>) offsets(%dma_start3A_2311 : memref<128xi32, #tpu.memory_space<vmem>>) semaphore(%arg12 : memref<!tpu.dma_semaphore, #tpu.memory_space<semaphore_mem>>) {add = true}
    %dma_start3A_2315 = arith.constant 0 : i32
    %dma_start3A_2316 = arith.constant 3 : i32
    %dma_start3A_2317 = arith.constant 43 : i32
    %dma_start3A_2318 = arith.constant 0 : i32
    %dma_start3A_2319 = arith.constant 0 : i32
    %dma_start3A_2320 = tpu.memref_slice %arg9[%dma_start3A_2315, %dma_start3A_2316, %dma_start3A_2318, %dma_start3A_2319] : memref<2x5x128x32xf32, #tpu.memory_space<vmem>> -> memref<1x1x128x32xf32, #tpu.memory_space<vmem>>
    %dma_start3A_2321 = tpu.memref_squeeze %dma_start3A_2320 : memref<1x1x128x32xf32, #tpu.memory_space<vmem>> -> memref<128x32xf32, #tpu.memory_space<vmem>>
    %dma_start3A_2322 = arith.constant 0 : i32
    %dma_start3A_2323 = tpu.memref_slice %arg8[%dma_start3A_2317, %dma_start3A_2322] : memref<50x128xi32, #tpu.memory_space<vmem>> -> memref<1x128xi32, #tpu.memory_space<vmem>>
    %dma_start3A_2324 = tpu.memref_squeeze %dma_start3A_2323 : memref<1x128xi32, #tpu.memory_space<vmem>> -> memref<128xi32, #tpu.memory_space<vmem>>
    %dma_start3A_2325 = arith.constant 0 : i32
    %dma_start3A_2326 = arith.constant 0 : i32
    %dma_start3A_2327 = tpu.memref_slice %arg10[%dma_start3A_2325, %dma_start3A_2326] : memref<2048x32xf32, #tpu.memory_space<vmem_shared>> -> memref<2048x32xf32, #tpu.memory_space<vmem_shared>>
    tpu.enqueue_indirect_dma source(%dma_start3A_2321 : memref<128x32xf32, #tpu.memory_space<vmem>>) target(%dma_start3A_2327 : memref<2048x32xf32, #tpu.memory_space<vmem_shared>>) offsets(%dma_start3A_2324 : memref<128xi32, #tpu.memory_space<vmem>>) semaphore(%arg12 : memref<!tpu.dma_semaphore, #tpu.memory_space<semaphore_mem>>) {add = true}
    %dma_start3A_2328 = arith.constant 0 : i32
    %dma_start3A_2329 = arith.constant 4 : i32
    %dma_start3A_2330 = arith.constant 44 : i32
    %dma_start3A_2331 = arith.constant 0 : i32
    %dma_start3A_2332 = arith.constant 0 : i32
    %dma_start3A_2333 = tpu.memref_slice %arg9[%dma_start3A_2328, %dma_start3A_2329, %dma_start3A_2331, %dma_start3A_2332] : memref<2x5x128x32xf32, #tpu.memory_space<vmem>> -> memref<1x1x128x32xf32, #tpu.memory_space<vmem>>
    %dma_start3A_2334 = tpu.memref_squeeze %dma_start3A_2333 : memref<1x1x128x32xf32, #tpu.memory_space<vmem>> -> memref<128x32xf32, #tpu.memory_space<vmem>>
    %dma_start3A_2335 = arith.constant 0 : i32
    %dma_start3A_2336 = tpu.memref_slice %arg8[%dma_start3A_2330, %dma_start3A_2335] : memref<50x128xi32, #tpu.memory_space<vmem>> -> memref<1x128xi32, #tpu.memory_space<vmem>>
    %dma_start3A_2337 = tpu.memref_squeeze %dma_start3A_2336 : memref<1x128xi32, #tpu.memory_space<vmem>> -> memref<128xi32, #tpu.memory_space<vmem>>
    %dma_start3A_2338 = arith.constant 0 : i32
    %dma_start3A_2339 = arith.constant 0 : i32
    %dma_start3A_2340 = tpu.memref_slice %arg10[%dma_start3A_2338, %dma_start3A_2339] : memref<2048x32xf32, #tpu.memory_space<vmem_shared>> -> memref<2048x32xf32, #tpu.memory_space<vmem_shared>>
    tpu.enqueue_indirect_dma source(%dma_start3A_2334 : memref<128x32xf32, #tpu.memory_space<vmem>>) target(%dma_start3A_2340 : memref<2048x32xf32, #tpu.memory_space<vmem_shared>>) offsets(%dma_start3A_2337 : memref<128xi32, #tpu.memory_space<vmem>>) semaphore(%arg12 : memref<!tpu.dma_semaphore, #tpu.memory_space<semaphore_mem>>) {add = true}
    %dma_wait3A_2341 = arith.constant 45 : i32
    %dma_wait3A_2342 = arith.constant 1 : i32
    %dma_wait3A_2343 = arith.constant 0 : i32
    %dma_wait3A_2344 = arith.constant 0 : i32
    %dma_wait3A_2345 = arith.constant 0 : i32
    %dma_wait3A_2346 = tpu.memref_slice %arg9[%dma_wait3A_2342, %dma_wait3A_2343, %dma_wait3A_2344, %dma_wait3A_2345] : memref<2x5x128x32xf32, #tpu.memory_space<vmem>> -> memref<1x1x128x32xf32, #tpu.memory_space<vmem>>
    %dma_wait3A_2347 = tpu.memref_squeeze %dma_wait3A_2346 : memref<1x1x128x32xf32, #tpu.memory_space<vmem>> -> memref<128x32xf32, #tpu.memory_space<vmem>>
    %dma_wait3A_2348 = arith.constant 0 : i32
    %dma_wait3A_2349 = tpu.memref_slice %arg7[%dma_wait3A_2341, %dma_wait3A_2348] : memref<50x128xi32, #tpu.memory_space<vmem>> -> memref<1x128xi32, #tpu.memory_space<vmem>>
    %dma_wait3A_2350 = tpu.memref_squeeze %dma_wait3A_2349 : memref<1x128xi32, #tpu.memory_space<vmem>> -> memref<128xi32, #tpu.memory_space<vmem>>
    %dma_wait3A_2351 = arith.constant 0 : i32
    %dma_wait3A_2352 = arith.constant 0 : i32
    %dma_wait3A_2353 = tpu.memref_slice %arg2[%dma_wait3A_2351, %dma_wait3A_2352] : memref<1000000x32xf32, #tpu.memory_space<hbm>> -> memref<1000000x32xf32, #tpu.memory_space<hbm>>
    tpu.wait_indirect_dma semaphore(%arg11 : memref<!tpu.dma_semaphore, #tpu.memory_space<semaphore_mem>>) src(%dma_wait3A_2353 : memref<1000000x32xf32, #tpu.memory_space<hbm>>) dst(%dma_wait3A_2347 : memref<128x32xf32, #tpu.memory_space<vmem>>)
    %dma_wait3A_2354 = arith.constant 46 : i32
    %dma_wait3A_2355 = arith.constant 1 : i32
    %dma_wait3A_2356 = arith.constant 1 : i32
    %dma_wait3A_2357 = arith.constant 0 : i32
    %dma_wait3A_2358 = arith.constant 0 : i32
    %dma_wait3A_2359 = tpu.memref_slice %arg9[%dma_wait3A_2355, %dma_wait3A_2356, %dma_wait3A_2357, %dma_wait3A_2358] : memref<2x5x128x32xf32, #tpu.memory_space<vmem>> -> memref<1x1x128x32xf32, #tpu.memory_space<vmem>>
    %dma_wait3A_2360 = tpu.memref_squeeze %dma_wait3A_2359 : memref<1x1x128x32xf32, #tpu.memory_space<vmem>> -> memref<128x32xf32, #tpu.memory_space<vmem>>
    %dma_wait3A_2361 = arith.constant 0 : i32
    %dma_wait3A_2362 = tpu.memref_slice %arg7[%dma_wait3A_2354, %dma_wait3A_2361] : memref<50x128xi32, #tpu.memory_space<vmem>> -> memref<1x128xi32, #tpu.memory_space<vmem>>
    %dma_wait3A_2363 = tpu.memref_squeeze %dma_wait3A_2362 : memref<1x128xi32, #tpu.memory_space<vmem>> -> memref<128xi32, #tpu.memory_space<vmem>>
    %dma_wait3A_2364 = arith.constant 0 : i32
    %dma_wait3A_2365 = arith.constant 0 : i32
    %dma_wait3A_2366 = tpu.memref_slice %arg2[%dma_wait3A_2364, %dma_wait3A_2365] : memref<1000000x32xf32, #tpu.memory_space<hbm>> -> memref<1000000x32xf32, #tpu.memory_space<hbm>>
    tpu.wait_indirect_dma semaphore(%arg11 : memref<!tpu.dma_semaphore, #tpu.memory_space<semaphore_mem>>) src(%dma_wait3A_2366 : memref<1000000x32xf32, #tpu.memory_space<hbm>>) dst(%dma_wait3A_2360 : memref<128x32xf32, #tpu.memory_space<vmem>>)
    %dma_wait3A_2367 = arith.constant 47 : i32
    %dma_wait3A_2368 = arith.constant 1 : i32
    %dma_wait3A_2369 = arith.constant 2 : i32
    %dma_wait3A_2370 = arith.constant 0 : i32
    %dma_wait3A_2371 = arith.constant 0 : i32
    %dma_wait3A_2372 = tpu.memref_slice %arg9[%dma_wait3A_2368, %dma_wait3A_2369, %dma_wait3A_2370, %dma_wait3A_2371] : memref<2x5x128x32xf32, #tpu.memory_space<vmem>> -> memref<1x1x128x32xf32, #tpu.memory_space<vmem>>
    %dma_wait3A_2373 = tpu.memref_squeeze %dma_wait3A_2372 : memref<1x1x128x32xf32, #tpu.memory_space<vmem>> -> memref<128x32xf32, #tpu.memory_space<vmem>>
    %dma_wait3A_2374 = arith.constant 0 : i32
    %dma_wait3A_2375 = tpu.memref_slice %arg7[%dma_wait3A_2367, %dma_wait3A_2374] : memref<50x128xi32, #tpu.memory_space<vmem>> -> memref<1x128xi32, #tpu.memory_space<vmem>>
    %dma_wait3A_2376 = tpu.memref_squeeze %dma_wait3A_2375 : memref<1x128xi32, #tpu.memory_space<vmem>> -> memref<128xi32, #tpu.memory_space<vmem>>
    %dma_wait3A_2377 = arith.constant 0 : i32
    %dma_wait3A_2378 = arith.constant 0 : i32
    %dma_wait3A_2379 = tpu.memref_slice %arg2[%dma_wait3A_2377, %dma_wait3A_2378] : memref<1000000x32xf32, #tpu.memory_space<hbm>> -> memref<1000000x32xf32, #tpu.memory_space<hbm>>
    tpu.wait_indirect_dma semaphore(%arg11 : memref<!tpu.dma_semaphore, #tpu.memory_space<semaphore_mem>>) src(%dma_wait3A_2379 : memref<1000000x32xf32, #tpu.memory_space<hbm>>) dst(%dma_wait3A_2373 : memref<128x32xf32, #tpu.memory_space<vmem>>)
    %dma_wait3A_2380 = arith.constant 48 : i32
    %dma_wait3A_2381 = arith.constant 1 : i32
    %dma_wait3A_2382 = arith.constant 3 : i32
    %dma_wait3A_2383 = arith.constant 0 : i32
    %dma_wait3A_2384 = arith.constant 0 : i32
    %dma_wait3A_2385 = tpu.memref_slice %arg9[%dma_wait3A_2381, %dma_wait3A_2382, %dma_wait3A_2383, %dma_wait3A_2384] : memref<2x5x128x32xf32, #tpu.memory_space<vmem>> -> memref<1x1x128x32xf32, #tpu.memory_space<vmem>>
    %dma_wait3A_2386 = tpu.memref_squeeze %dma_wait3A_2385 : memref<1x1x128x32xf32, #tpu.memory_space<vmem>> -> memref<128x32xf32, #tpu.memory_space<vmem>>
    %dma_wait3A_2387 = arith.constant 0 : i32
    %dma_wait3A_2388 = tpu.memref_slice %arg7[%dma_wait3A_2380, %dma_wait3A_2387] : memref<50x128xi32, #tpu.memory_space<vmem>> -> memref<1x128xi32, #tpu.memory_space<vmem>>
    %dma_wait3A_2389 = tpu.memref_squeeze %dma_wait3A_2388 : memref<1x128xi32, #tpu.memory_space<vmem>> -> memref<128xi32, #tpu.memory_space<vmem>>
    %dma_wait3A_2390 = arith.constant 0 : i32
    %dma_wait3A_2391 = arith.constant 0 : i32
    %dma_wait3A_2392 = tpu.memref_slice %arg2[%dma_wait3A_2390, %dma_wait3A_2391] : memref<1000000x32xf32, #tpu.memory_space<hbm>> -> memref<1000000x32xf32, #tpu.memory_space<hbm>>
    tpu.wait_indirect_dma semaphore(%arg11 : memref<!tpu.dma_semaphore, #tpu.memory_space<semaphore_mem>>) src(%dma_wait3A_2392 : memref<1000000x32xf32, #tpu.memory_space<hbm>>) dst(%dma_wait3A_2386 : memref<128x32xf32, #tpu.memory_space<vmem>>)
    %dma_wait3A_2393 = arith.constant 49 : i32
    %dma_wait3A_2394 = arith.constant 1 : i32
    %dma_wait3A_2395 = arith.constant 4 : i32
    %dma_wait3A_2396 = arith.constant 0 : i32
    %dma_wait3A_2397 = arith.constant 0 : i32
    %dma_wait3A_2398 = tpu.memref_slice %arg9[%dma_wait3A_2394, %dma_wait3A_2395, %dma_wait3A_2396, %dma_wait3A_2397] : memref<2x5x128x32xf32, #tpu.memory_space<vmem>> -> memref<1x1x128x32xf32, #tpu.memory_space<vmem>>
    %dma_wait3A_2399 = tpu.memref_squeeze %dma_wait3A_2398 : memref<1x1x128x32xf32, #tpu.memory_space<vmem>> -> memref<128x32xf32, #tpu.memory_space<vmem>>
    %dma_wait3A_2400 = arith.constant 0 : i32
    %dma_wait3A_2401 = tpu.memref_slice %arg7[%dma_wait3A_2393, %dma_wait3A_2400] : memref<50x128xi32, #tpu.memory_space<vmem>> -> memref<1x128xi32, #tpu.memory_space<vmem>>
    %dma_wait3A_2402 = tpu.memref_squeeze %dma_wait3A_2401 : memref<1x128xi32, #tpu.memory_space<vmem>> -> memref<128xi32, #tpu.memory_space<vmem>>
    %dma_wait3A_2403 = arith.constant 0 : i32
    %dma_wait3A_2404 = arith.constant 0 : i32
    %dma_wait3A_2405 = tpu.memref_slice %arg2[%dma_wait3A_2403, %dma_wait3A_2404] : memref<1000000x32xf32, #tpu.memory_space<hbm>> -> memref<1000000x32xf32, #tpu.memory_space<hbm>>
    tpu.wait_indirect_dma semaphore(%arg11 : memref<!tpu.dma_semaphore, #tpu.memory_space<semaphore_mem>>) src(%dma_wait3A_2405 : memref<1000000x32xf32, #tpu.memory_space<hbm>>) dst(%dma_wait3A_2399 : memref<128x32xf32, #tpu.memory_space<vmem>>)
    %dma_wait3A_2406 = arith.constant 0 : i32
    %dma_wait3A_2407 = arith.constant 0 : i32
    %dma_wait3A_2408 = arith.constant 40 : i32
    %dma_wait3A_2409 = arith.constant 0 : i32
    %dma_wait3A_2410 = arith.constant 0 : i32
    %dma_wait3A_2411 = tpu.memref_slice %arg9[%dma_wait3A_2406, %dma_wait3A_2407, %dma_wait3A_2409, %dma_wait3A_2410] : memref<2x5x128x32xf32, #tpu.memory_space<vmem>> -> memref<1x1x128x32xf32, #tpu.memory_space<vmem>>
    %dma_wait3A_2412 = tpu.memref_squeeze %dma_wait3A_2411 : memref<1x1x128x32xf32, #tpu.memory_space<vmem>> -> memref<128x32xf32, #tpu.memory_space<vmem>>
    %dma_wait3A_2413 = arith.constant 0 : i32
    %dma_wait3A_2414 = tpu.memref_slice %arg8[%dma_wait3A_2408, %dma_wait3A_2413] : memref<50x128xi32, #tpu.memory_space<vmem>> -> memref<1x128xi32, #tpu.memory_space<vmem>>
    %dma_wait3A_2415 = tpu.memref_squeeze %dma_wait3A_2414 : memref<1x128xi32, #tpu.memory_space<vmem>> -> memref<128xi32, #tpu.memory_space<vmem>>
    %dma_wait3A_2416 = arith.constant 0 : i32
    %dma_wait3A_2417 = arith.constant 0 : i32
    %dma_wait3A_2418 = tpu.memref_slice %arg10[%dma_wait3A_2416, %dma_wait3A_2417] : memref<2048x32xf32, #tpu.memory_space<vmem_shared>> -> memref<2048x32xf32, #tpu.memory_space<vmem_shared>>
    tpu.wait_indirect_dma semaphore(%arg12 : memref<!tpu.dma_semaphore, #tpu.memory_space<semaphore_mem>>) src(%dma_wait3A_2412 : memref<128x32xf32, #tpu.memory_space<vmem>>) dst(%dma_wait3A_2418 : memref<2048x32xf32, #tpu.memory_space<vmem_shared>>)
    %dma_wait3A_2419 = arith.constant 0 : i32
    %dma_wait3A_2420 = arith.constant 1 : i32
    %dma_wait3A_2421 = arith.constant 41 : i32
    %dma_wait3A_2422 = arith.constant 0 : i32
    %dma_wait3A_2423 = arith.constant 0 : i32
    %dma_wait3A_2424 = tpu.memref_slice %arg9[%dma_wait3A_2419, %dma_wait3A_2420, %dma_wait3A_2422, %dma_wait3A_2423] : memref<2x5x128x32xf32, #tpu.memory_space<vmem>> -> memref<1x1x128x32xf32, #tpu.memory_space<vmem>>
    %dma_wait3A_2425 = tpu.memref_squeeze %dma_wait3A_2424 : memref<1x1x128x32xf32, #tpu.memory_space<vmem>> -> memref<128x32xf32, #tpu.memory_space<vmem>>
    %dma_wait3A_2426 = arith.constant 0 : i32
    %dma_wait3A_2427 = tpu.memref_slice %arg8[%dma_wait3A_2421, %dma_wait3A_2426] : memref<50x128xi32, #tpu.memory_space<vmem>> -> memref<1x128xi32, #tpu.memory_space<vmem>>
    %dma_wait3A_2428 = tpu.memref_squeeze %dma_wait3A_2427 : memref<1x128xi32, #tpu.memory_space<vmem>> -> memref<128xi32, #tpu.memory_space<vmem>>
    %dma_wait3A_2429 = arith.constant 0 : i32
    %dma_wait3A_2430 = arith.constant 0 : i32
    %dma_wait3A_2431 = tpu.memref_slice %arg10[%dma_wait3A_2429, %dma_wait3A_2430] : memref<2048x32xf32, #tpu.memory_space<vmem_shared>> -> memref<2048x32xf32, #tpu.memory_space<vmem_shared>>
    tpu.wait_indirect_dma semaphore(%arg12 : memref<!tpu.dma_semaphore, #tpu.memory_space<semaphore_mem>>) src(%dma_wait3A_2425 : memref<128x32xf32, #tpu.memory_space<vmem>>) dst(%dma_wait3A_2431 : memref<2048x32xf32, #tpu.memory_space<vmem_shared>>)
    %dma_wait3A_2432 = arith.constant 0 : i32
    %dma_wait3A_2433 = arith.constant 2 : i32
    %dma_wait3A_2434 = arith.constant 42 : i32
    %dma_wait3A_2435 = arith.constant 0 : i32
    %dma_wait3A_2436 = arith.constant 0 : i32
    %dma_wait3A_2437 = tpu.memref_slice %arg9[%dma_wait3A_2432, %dma_wait3A_2433, %dma_wait3A_2435, %dma_wait3A_2436] : memref<2x5x128x32xf32, #tpu.memory_space<vmem>> -> memref<1x1x128x32xf32, #tpu.memory_space<vmem>>
    %dma_wait3A_2438 = tpu.memref_squeeze %dma_wait3A_2437 : memref<1x1x128x32xf32, #tpu.memory_space<vmem>> -> memref<128x32xf32, #tpu.memory_space<vmem>>
    %dma_wait3A_2439 = arith.constant 0 : i32
    %dma_wait3A_2440 = tpu.memref_slice %arg8[%dma_wait3A_2434, %dma_wait3A_2439] : memref<50x128xi32, #tpu.memory_space<vmem>> -> memref<1x128xi32, #tpu.memory_space<vmem>>
    %dma_wait3A_2441 = tpu.memref_squeeze %dma_wait3A_2440 : memref<1x128xi32, #tpu.memory_space<vmem>> -> memref<128xi32, #tpu.memory_space<vmem>>
    %dma_wait3A_2442 = arith.constant 0 : i32
    %dma_wait3A_2443 = arith.constant 0 : i32
    %dma_wait3A_2444 = tpu.memref_slice %arg10[%dma_wait3A_2442, %dma_wait3A_2443] : memref<2048x32xf32, #tpu.memory_space<vmem_shared>> -> memref<2048x32xf32, #tpu.memory_space<vmem_shared>>
    tpu.wait_indirect_dma semaphore(%arg12 : memref<!tpu.dma_semaphore, #tpu.memory_space<semaphore_mem>>) src(%dma_wait3A_2438 : memref<128x32xf32, #tpu.memory_space<vmem>>) dst(%dma_wait3A_2444 : memref<2048x32xf32, #tpu.memory_space<vmem_shared>>)
    %dma_wait3A_2445 = arith.constant 0 : i32
    %dma_wait3A_2446 = arith.constant 3 : i32
    %dma_wait3A_2447 = arith.constant 43 : i32
    %dma_wait3A_2448 = arith.constant 0 : i32
    %dma_wait3A_2449 = arith.constant 0 : i32
    %dma_wait3A_2450 = tpu.memref_slice %arg9[%dma_wait3A_2445, %dma_wait3A_2446, %dma_wait3A_2448, %dma_wait3A_2449] : memref<2x5x128x32xf32, #tpu.memory_space<vmem>> -> memref<1x1x128x32xf32, #tpu.memory_space<vmem>>
    %dma_wait3A_2451 = tpu.memref_squeeze %dma_wait3A_2450 : memref<1x1x128x32xf32, #tpu.memory_space<vmem>> -> memref<128x32xf32, #tpu.memory_space<vmem>>
    %dma_wait3A_2452 = arith.constant 0 : i32
    %dma_wait3A_2453 = tpu.memref_slice %arg8[%dma_wait3A_2447, %dma_wait3A_2452] : memref<50x128xi32, #tpu.memory_space<vmem>> -> memref<1x128xi32, #tpu.memory_space<vmem>>
    %dma_wait3A_2454 = tpu.memref_squeeze %dma_wait3A_2453 : memref<1x128xi32, #tpu.memory_space<vmem>> -> memref<128xi32, #tpu.memory_space<vmem>>
    %dma_wait3A_2455 = arith.constant 0 : i32
    %dma_wait3A_2456 = arith.constant 0 : i32
    %dma_wait3A_2457 = tpu.memref_slice %arg10[%dma_wait3A_2455, %dma_wait3A_2456] : memref<2048x32xf32, #tpu.memory_space<vmem_shared>> -> memref<2048x32xf32, #tpu.memory_space<vmem_shared>>
    tpu.wait_indirect_dma semaphore(%arg12 : memref<!tpu.dma_semaphore, #tpu.memory_space<semaphore_mem>>) src(%dma_wait3A_2451 : memref<128x32xf32, #tpu.memory_space<vmem>>) dst(%dma_wait3A_2457 : memref<2048x32xf32, #tpu.memory_space<vmem_shared>>)
    %dma_wait3A_2458 = arith.constant 0 : i32
    %dma_wait3A_2459 = arith.constant 4 : i32
    %dma_wait3A_2460 = arith.constant 44 : i32
    %dma_wait3A_2461 = arith.constant 0 : i32
    %dma_wait3A_2462 = arith.constant 0 : i32
    %dma_wait3A_2463 = tpu.memref_slice %arg9[%dma_wait3A_2458, %dma_wait3A_2459, %dma_wait3A_2461, %dma_wait3A_2462] : memref<2x5x128x32xf32, #tpu.memory_space<vmem>> -> memref<1x1x128x32xf32, #tpu.memory_space<vmem>>
    %dma_wait3A_2464 = tpu.memref_squeeze %dma_wait3A_2463 : memref<1x1x128x32xf32, #tpu.memory_space<vmem>> -> memref<128x32xf32, #tpu.memory_space<vmem>>
    %dma_wait3A_2465 = arith.constant 0 : i32
    %dma_wait3A_2466 = tpu.memref_slice %arg8[%dma_wait3A_2460, %dma_wait3A_2465] : memref<50x128xi32, #tpu.memory_space<vmem>> -> memref<1x128xi32, #tpu.memory_space<vmem>>
    %dma_wait3A_2467 = tpu.memref_squeeze %dma_wait3A_2466 : memref<1x128xi32, #tpu.memory_space<vmem>> -> memref<128xi32, #tpu.memory_space<vmem>>
    %dma_wait3A_2468 = arith.constant 0 : i32
    %dma_wait3A_2469 = arith.constant 0 : i32
    %dma_wait3A_2470 = tpu.memref_slice %arg10[%dma_wait3A_2468, %dma_wait3A_2469] : memref<2048x32xf32, #tpu.memory_space<vmem_shared>> -> memref<2048x32xf32, #tpu.memory_space<vmem_shared>>
    tpu.wait_indirect_dma semaphore(%arg12 : memref<!tpu.dma_semaphore, #tpu.memory_space<semaphore_mem>>) src(%dma_wait3A_2464 : memref<128x32xf32, #tpu.memory_space<vmem>>) dst(%dma_wait3A_2470 : memref<2048x32xf32, #tpu.memory_space<vmem_shared>>)
    %dma_start3A_2471 = arith.constant 1 : i32
    %dma_start3A_2472 = arith.constant 0 : i32
    %dma_start3A_2473 = arith.constant 45 : i32
    %dma_start3A_2474 = arith.constant 0 : i32
    %dma_start3A_2475 = arith.constant 0 : i32
    %dma_start3A_2476 = tpu.memref_slice %arg9[%dma_start3A_2471, %dma_start3A_2472, %dma_start3A_2474, %dma_start3A_2475] : memref<2x5x128x32xf32, #tpu.memory_space<vmem>> -> memref<1x1x128x32xf32, #tpu.memory_space<vmem>>
    %dma_start3A_2477 = tpu.memref_squeeze %dma_start3A_2476 : memref<1x1x128x32xf32, #tpu.memory_space<vmem>> -> memref<128x32xf32, #tpu.memory_space<vmem>>
    %dma_start3A_2478 = arith.constant 0 : i32
    %dma_start3A_2479 = tpu.memref_slice %arg8[%dma_start3A_2473, %dma_start3A_2478] : memref<50x128xi32, #tpu.memory_space<vmem>> -> memref<1x128xi32, #tpu.memory_space<vmem>>
    %dma_start3A_2480 = tpu.memref_squeeze %dma_start3A_2479 : memref<1x128xi32, #tpu.memory_space<vmem>> -> memref<128xi32, #tpu.memory_space<vmem>>
    %dma_start3A_2481 = arith.constant 0 : i32
    %dma_start3A_2482 = arith.constant 0 : i32
    %dma_start3A_2483 = tpu.memref_slice %arg10[%dma_start3A_2481, %dma_start3A_2482] : memref<2048x32xf32, #tpu.memory_space<vmem_shared>> -> memref<2048x32xf32, #tpu.memory_space<vmem_shared>>
    tpu.enqueue_indirect_dma source(%dma_start3A_2477 : memref<128x32xf32, #tpu.memory_space<vmem>>) target(%dma_start3A_2483 : memref<2048x32xf32, #tpu.memory_space<vmem_shared>>) offsets(%dma_start3A_2480 : memref<128xi32, #tpu.memory_space<vmem>>) semaphore(%arg12 : memref<!tpu.dma_semaphore, #tpu.memory_space<semaphore_mem>>) {add = true}
    %dma_start3A_2484 = arith.constant 1 : i32
    %dma_start3A_2485 = arith.constant 1 : i32
    %dma_start3A_2486 = arith.constant 46 : i32
    %dma_start3A_2487 = arith.constant 0 : i32
    %dma_start3A_2488 = arith.constant 0 : i32
    %dma_start3A_2489 = tpu.memref_slice %arg9[%dma_start3A_2484, %dma_start3A_2485, %dma_start3A_2487, %dma_start3A_2488] : memref<2x5x128x32xf32, #tpu.memory_space<vmem>> -> memref<1x1x128x32xf32, #tpu.memory_space<vmem>>
    %dma_start3A_2490 = tpu.memref_squeeze %dma_start3A_2489 : memref<1x1x128x32xf32, #tpu.memory_space<vmem>> -> memref<128x32xf32, #tpu.memory_space<vmem>>
    %dma_start3A_2491 = arith.constant 0 : i32
    %dma_start3A_2492 = tpu.memref_slice %arg8[%dma_start3A_2486, %dma_start3A_2491] : memref<50x128xi32, #tpu.memory_space<vmem>> -> memref<1x128xi32, #tpu.memory_space<vmem>>
    %dma_start3A_2493 = tpu.memref_squeeze %dma_start3A_2492 : memref<1x128xi32, #tpu.memory_space<vmem>> -> memref<128xi32, #tpu.memory_space<vmem>>
    %dma_start3A_2494 = arith.constant 0 : i32
    %dma_start3A_2495 = arith.constant 0 : i32
    %dma_start3A_2496 = tpu.memref_slice %arg10[%dma_start3A_2494, %dma_start3A_2495] : memref<2048x32xf32, #tpu.memory_space<vmem_shared>> -> memref<2048x32xf32, #tpu.memory_space<vmem_shared>>
    tpu.enqueue_indirect_dma source(%dma_start3A_2490 : memref<128x32xf32, #tpu.memory_space<vmem>>) target(%dma_start3A_2496 : memref<2048x32xf32, #tpu.memory_space<vmem_shared>>) offsets(%dma_start3A_2493 : memref<128xi32, #tpu.memory_space<vmem>>) semaphore(%arg12 : memref<!tpu.dma_semaphore, #tpu.memory_space<semaphore_mem>>) {add = true}
    %dma_start3A_2497 = arith.constant 1 : i32
    %dma_start3A_2498 = arith.constant 2 : i32
    %dma_start3A_2499 = arith.constant 47 : i32
    %dma_start3A_2500 = arith.constant 0 : i32
    %dma_start3A_2501 = arith.constant 0 : i32
    %dma_start3A_2502 = tpu.memref_slice %arg9[%dma_start3A_2497, %dma_start3A_2498, %dma_start3A_2500, %dma_start3A_2501] : memref<2x5x128x32xf32, #tpu.memory_space<vmem>> -> memref<1x1x128x32xf32, #tpu.memory_space<vmem>>
    %dma_start3A_2503 = tpu.memref_squeeze %dma_start3A_2502 : memref<1x1x128x32xf32, #tpu.memory_space<vmem>> -> memref<128x32xf32, #tpu.memory_space<vmem>>
    %dma_start3A_2504 = arith.constant 0 : i32
    %dma_start3A_2505 = tpu.memref_slice %arg8[%dma_start3A_2499, %dma_start3A_2504] : memref<50x128xi32, #tpu.memory_space<vmem>> -> memref<1x128xi32, #tpu.memory_space<vmem>>
    %dma_start3A_2506 = tpu.memref_squeeze %dma_start3A_2505 : memref<1x128xi32, #tpu.memory_space<vmem>> -> memref<128xi32, #tpu.memory_space<vmem>>
    %dma_start3A_2507 = arith.constant 0 : i32
    %dma_start3A_2508 = arith.constant 0 : i32
    %dma_start3A_2509 = tpu.memref_slice %arg10[%dma_start3A_2507, %dma_start3A_2508] : memref<2048x32xf32, #tpu.memory_space<vmem_shared>> -> memref<2048x32xf32, #tpu.memory_space<vmem_shared>>
    tpu.enqueue_indirect_dma source(%dma_start3A_2503 : memref<128x32xf32, #tpu.memory_space<vmem>>) target(%dma_start3A_2509 : memref<2048x32xf32, #tpu.memory_space<vmem_shared>>) offsets(%dma_start3A_2506 : memref<128xi32, #tpu.memory_space<vmem>>) semaphore(%arg12 : memref<!tpu.dma_semaphore, #tpu.memory_space<semaphore_mem>>) {add = true}
    %dma_start3A_2510 = arith.constant 1 : i32
    %dma_start3A_2511 = arith.constant 3 : i32
    %dma_start3A_2512 = arith.constant 48 : i32
    %dma_start3A_2513 = arith.constant 0 : i32
    %dma_start3A_2514 = arith.constant 0 : i32
    %dma_start3A_2515 = tpu.memref_slice %arg9[%dma_start3A_2510, %dma_start3A_2511, %dma_start3A_2513, %dma_start3A_2514] : memref<2x5x128x32xf32, #tpu.memory_space<vmem>> -> memref<1x1x128x32xf32, #tpu.memory_space<vmem>>
    %dma_start3A_2516 = tpu.memref_squeeze %dma_start3A_2515 : memref<1x1x128x32xf32, #tpu.memory_space<vmem>> -> memref<128x32xf32, #tpu.memory_space<vmem>>
    %dma_start3A_2517 = arith.constant 0 : i32
    %dma_start3A_2518 = tpu.memref_slice %arg8[%dma_start3A_2512, %dma_start3A_2517] : memref<50x128xi32, #tpu.memory_space<vmem>> -> memref<1x128xi32, #tpu.memory_space<vmem>>
    %dma_start3A_2519 = tpu.memref_squeeze %dma_start3A_2518 : memref<1x128xi32, #tpu.memory_space<vmem>> -> memref<128xi32, #tpu.memory_space<vmem>>
    %dma_start3A_2520 = arith.constant 0 : i32
    %dma_start3A_2521 = arith.constant 0 : i32
    %dma_start3A_2522 = tpu.memref_slice %arg10[%dma_start3A_2520, %dma_start3A_2521] : memref<2048x32xf32, #tpu.memory_space<vmem_shared>> -> memref<2048x32xf32, #tpu.memory_space<vmem_shared>>
    tpu.enqueue_indirect_dma source(%dma_start3A_2516 : memref<128x32xf32, #tpu.memory_space<vmem>>) target(%dma_start3A_2522 : memref<2048x32xf32, #tpu.memory_space<vmem_shared>>) offsets(%dma_start3A_2519 : memref<128xi32, #tpu.memory_space<vmem>>) semaphore(%arg12 : memref<!tpu.dma_semaphore, #tpu.memory_space<semaphore_mem>>) {add = true}
    %dma_start3A_2523 = arith.constant 1 : i32
    %dma_start3A_2524 = arith.constant 4 : i32
    %dma_start3A_2525 = arith.constant 49 : i32
    %dma_start3A_2526 = arith.constant 0 : i32
    %dma_start3A_2527 = arith.constant 0 : i32
    %dma_start3A_2528 = tpu.memref_slice %arg9[%dma_start3A_2523, %dma_start3A_2524, %dma_start3A_2526, %dma_start3A_2527] : memref<2x5x128x32xf32, #tpu.memory_space<vmem>> -> memref<1x1x128x32xf32, #tpu.memory_space<vmem>>
    %dma_start3A_2529 = tpu.memref_squeeze %dma_start3A_2528 : memref<1x1x128x32xf32, #tpu.memory_space<vmem>> -> memref<128x32xf32, #tpu.memory_space<vmem>>
    %dma_start3A_2530 = arith.constant 0 : i32
    %dma_start3A_2531 = tpu.memref_slice %arg8[%dma_start3A_2525, %dma_start3A_2530] : memref<50x128xi32, #tpu.memory_space<vmem>> -> memref<1x128xi32, #tpu.memory_space<vmem>>
    %dma_start3A_2532 = tpu.memref_squeeze %dma_start3A_2531 : memref<1x128xi32, #tpu.memory_space<vmem>> -> memref<128xi32, #tpu.memory_space<vmem>>
    %dma_start3A_2533 = arith.constant 0 : i32
    %dma_start3A_2534 = arith.constant 0 : i32
    %dma_start3A_2535 = tpu.memref_slice %arg10[%dma_start3A_2533, %dma_start3A_2534] : memref<2048x32xf32, #tpu.memory_space<vmem_shared>> -> memref<2048x32xf32, #tpu.memory_space<vmem_shared>>
    tpu.enqueue_indirect_dma source(%dma_start3A_2529 : memref<128x32xf32, #tpu.memory_space<vmem>>) target(%dma_start3A_2535 : memref<2048x32xf32, #tpu.memory_space<vmem_shared>>) offsets(%dma_start3A_2532 : memref<128xi32, #tpu.memory_space<vmem>>) semaphore(%arg12 : memref<!tpu.dma_semaphore, #tpu.memory_space<semaphore_mem>>) {add = true}
    %dma_wait3A_2536 = arith.constant 1 : i32
    %dma_wait3A_2537 = arith.constant 0 : i32
    %dma_wait3A_2538 = arith.constant 45 : i32
    %dma_wait3A_2539 = arith.constant 0 : i32
    %dma_wait3A_2540 = arith.constant 0 : i32
    %dma_wait3A_2541 = tpu.memref_slice %arg9[%dma_wait3A_2536, %dma_wait3A_2537, %dma_wait3A_2539, %dma_wait3A_2540] : memref<2x5x128x32xf32, #tpu.memory_space<vmem>> -> memref<1x1x128x32xf32, #tpu.memory_space<vmem>>
    %dma_wait3A_2542 = tpu.memref_squeeze %dma_wait3A_2541 : memref<1x1x128x32xf32, #tpu.memory_space<vmem>> -> memref<128x32xf32, #tpu.memory_space<vmem>>
    %dma_wait3A_2543 = arith.constant 0 : i32
    %dma_wait3A_2544 = tpu.memref_slice %arg8[%dma_wait3A_2538, %dma_wait3A_2543] : memref<50x128xi32, #tpu.memory_space<vmem>> -> memref<1x128xi32, #tpu.memory_space<vmem>>
    %dma_wait3A_2545 = tpu.memref_squeeze %dma_wait3A_2544 : memref<1x128xi32, #tpu.memory_space<vmem>> -> memref<128xi32, #tpu.memory_space<vmem>>
    %dma_wait3A_2546 = arith.constant 0 : i32
    %dma_wait3A_2547 = arith.constant 0 : i32
    %dma_wait3A_2548 = tpu.memref_slice %arg10[%dma_wait3A_2546, %dma_wait3A_2547] : memref<2048x32xf32, #tpu.memory_space<vmem_shared>> -> memref<2048x32xf32, #tpu.memory_space<vmem_shared>>
    tpu.wait_indirect_dma semaphore(%arg12 : memref<!tpu.dma_semaphore, #tpu.memory_space<semaphore_mem>>) src(%dma_wait3A_2542 : memref<128x32xf32, #tpu.memory_space<vmem>>) dst(%dma_wait3A_2548 : memref<2048x32xf32, #tpu.memory_space<vmem_shared>>)
    %dma_wait3A_2549 = arith.constant 1 : i32
    %dma_wait3A_2550 = arith.constant 1 : i32
    %dma_wait3A_2551 = arith.constant 46 : i32
    %dma_wait3A_2552 = arith.constant 0 : i32
    %dma_wait3A_2553 = arith.constant 0 : i32
    %dma_wait3A_2554 = tpu.memref_slice %arg9[%dma_wait3A_2549, %dma_wait3A_2550, %dma_wait3A_2552, %dma_wait3A_2553] : memref<2x5x128x32xf32, #tpu.memory_space<vmem>> -> memref<1x1x128x32xf32, #tpu.memory_space<vmem>>
    %dma_wait3A_2555 = tpu.memref_squeeze %dma_wait3A_2554 : memref<1x1x128x32xf32, #tpu.memory_space<vmem>> -> memref<128x32xf32, #tpu.memory_space<vmem>>
    %dma_wait3A_2556 = arith.constant 0 : i32
    %dma_wait3A_2557 = tpu.memref_slice %arg8[%dma_wait3A_2551, %dma_wait3A_2556] : memref<50x128xi32, #tpu.memory_space<vmem>> -> memref<1x128xi32, #tpu.memory_space<vmem>>
    %dma_wait3A_2558 = tpu.memref_squeeze %dma_wait3A_2557 : memref<1x128xi32, #tpu.memory_space<vmem>> -> memref<128xi32, #tpu.memory_space<vmem>>
    %dma_wait3A_2559 = arith.constant 0 : i32
    %dma_wait3A_2560 = arith.constant 0 : i32
    %dma_wait3A_2561 = tpu.memref_slice %arg10[%dma_wait3A_2559, %dma_wait3A_2560] : memref<2048x32xf32, #tpu.memory_space<vmem_shared>> -> memref<2048x32xf32, #tpu.memory_space<vmem_shared>>
    tpu.wait_indirect_dma semaphore(%arg12 : memref<!tpu.dma_semaphore, #tpu.memory_space<semaphore_mem>>) src(%dma_wait3A_2555 : memref<128x32xf32, #tpu.memory_space<vmem>>) dst(%dma_wait3A_2561 : memref<2048x32xf32, #tpu.memory_space<vmem_shared>>)
    %dma_wait3A_2562 = arith.constant 1 : i32
    %dma_wait3A_2563 = arith.constant 2 : i32
    %dma_wait3A_2564 = arith.constant 47 : i32
    %dma_wait3A_2565 = arith.constant 0 : i32
    %dma_wait3A_2566 = arith.constant 0 : i32
    %dma_wait3A_2567 = tpu.memref_slice %arg9[%dma_wait3A_2562, %dma_wait3A_2563, %dma_wait3A_2565, %dma_wait3A_2566] : memref<2x5x128x32xf32, #tpu.memory_space<vmem>> -> memref<1x1x128x32xf32, #tpu.memory_space<vmem>>
    %dma_wait3A_2568 = tpu.memref_squeeze %dma_wait3A_2567 : memref<1x1x128x32xf32, #tpu.memory_space<vmem>> -> memref<128x32xf32, #tpu.memory_space<vmem>>
    %dma_wait3A_2569 = arith.constant 0 : i32
    %dma_wait3A_2570 = tpu.memref_slice %arg8[%dma_wait3A_2564, %dma_wait3A_2569] : memref<50x128xi32, #tpu.memory_space<vmem>> -> memref<1x128xi32, #tpu.memory_space<vmem>>
    %dma_wait3A_2571 = tpu.memref_squeeze %dma_wait3A_2570 : memref<1x128xi32, #tpu.memory_space<vmem>> -> memref<128xi32, #tpu.memory_space<vmem>>
    %dma_wait3A_2572 = arith.constant 0 : i32
    %dma_wait3A_2573 = arith.constant 0 : i32
    %dma_wait3A_2574 = tpu.memref_slice %arg10[%dma_wait3A_2572, %dma_wait3A_2573] : memref<2048x32xf32, #tpu.memory_space<vmem_shared>> -> memref<2048x32xf32, #tpu.memory_space<vmem_shared>>
    tpu.wait_indirect_dma semaphore(%arg12 : memref<!tpu.dma_semaphore, #tpu.memory_space<semaphore_mem>>) src(%dma_wait3A_2568 : memref<128x32xf32, #tpu.memory_space<vmem>>) dst(%dma_wait3A_2574 : memref<2048x32xf32, #tpu.memory_space<vmem_shared>>)
    %dma_wait3A_2575 = arith.constant 1 : i32
    %dma_wait3A_2576 = arith.constant 3 : i32
    %dma_wait3A_2577 = arith.constant 48 : i32
    %dma_wait3A_2578 = arith.constant 0 : i32
    %dma_wait3A_2579 = arith.constant 0 : i32
    %dma_wait3A_2580 = tpu.memref_slice %arg9[%dma_wait3A_2575, %dma_wait3A_2576, %dma_wait3A_2578, %dma_wait3A_2579] : memref<2x5x128x32xf32, #tpu.memory_space<vmem>> -> memref<1x1x128x32xf32, #tpu.memory_space<vmem>>
    %dma_wait3A_2581 = tpu.memref_squeeze %dma_wait3A_2580 : memref<1x1x128x32xf32, #tpu.memory_space<vmem>> -> memref<128x32xf32, #tpu.memory_space<vmem>>
    %dma_wait3A_2582 = arith.constant 0 : i32
    %dma_wait3A_2583 = tpu.memref_slice %arg8[%dma_wait3A_2577, %dma_wait3A_2582] : memref<50x128xi32, #tpu.memory_space<vmem>> -> memref<1x128xi32, #tpu.memory_space<vmem>>
    %dma_wait3A_2584 = tpu.memref_squeeze %dma_wait3A_2583 : memref<1x128xi32, #tpu.memory_space<vmem>> -> memref<128xi32, #tpu.memory_space<vmem>>
    %dma_wait3A_2585 = arith.constant 0 : i32
    %dma_wait3A_2586 = arith.constant 0 : i32
    %dma_wait3A_2587 = tpu.memref_slice %arg10[%dma_wait3A_2585, %dma_wait3A_2586] : memref<2048x32xf32, #tpu.memory_space<vmem_shared>> -> memref<2048x32xf32, #tpu.memory_space<vmem_shared>>
    tpu.wait_indirect_dma semaphore(%arg12 : memref<!tpu.dma_semaphore, #tpu.memory_space<semaphore_mem>>) src(%dma_wait3A_2581 : memref<128x32xf32, #tpu.memory_space<vmem>>) dst(%dma_wait3A_2587 : memref<2048x32xf32, #tpu.memory_space<vmem_shared>>)
    %dma_wait3A_2588 = arith.constant 1 : i32
    %dma_wait3A_2589 = arith.constant 4 : i32
    %dma_wait3A_2590 = arith.constant 49 : i32
    %dma_wait3A_2591 = arith.constant 0 : i32
    %dma_wait3A_2592 = arith.constant 0 : i32
    %dma_wait3A_2593 = tpu.memref_slice %arg9[%dma_wait3A_2588, %dma_wait3A_2589, %dma_wait3A_2591, %dma_wait3A_2592] : memref<2x5x128x32xf32, #tpu.memory_space<vmem>> -> memref<1x1x128x32xf32, #tpu.memory_space<vmem>>
    %dma_wait3A_2594 = tpu.memref_squeeze %dma_wait3A_2593 : memref<1x1x128x32xf32, #tpu.memory_space<vmem>> -> memref<128x32xf32, #tpu.memory_space<vmem>>
    %dma_wait3A_2595 = arith.constant 0 : i32
    %dma_wait3A_2596 = tpu.memref_slice %arg8[%dma_wait3A_2590, %dma_wait3A_2595] : memref<50x128xi32, #tpu.memory_space<vmem>> -> memref<1x128xi32, #tpu.memory_space<vmem>>
    %dma_wait3A_2597 = tpu.memref_squeeze %dma_wait3A_2596 : memref<1x128xi32, #tpu.memory_space<vmem>> -> memref<128xi32, #tpu.memory_space<vmem>>
    %dma_wait3A_2598 = arith.constant 0 : i32
    %dma_wait3A_2599 = arith.constant 0 : i32
    %dma_wait3A_2600 = tpu.memref_slice %arg10[%dma_wait3A_2598, %dma_wait3A_2599] : memref<2048x32xf32, #tpu.memory_space<vmem_shared>> -> memref<2048x32xf32, #tpu.memory_space<vmem_shared>>
    tpu.wait_indirect_dma semaphore(%arg12 : memref<!tpu.dma_semaphore, #tpu.memory_space<semaphore_mem>>) src(%dma_wait3A_2594 : memref<128x32xf32, #tpu.memory_space<vmem>>) dst(%dma_wait3A_2600 : memref<2048x32xf32, #tpu.memory_space<vmem_shared>>)
    %mul3A_2601 = arith.constant 128 : i32
    %mul3A_2602 = arith.muli %arg1, %mul3A_2601 : i32
    %mul3A_2603 = arith.constant 128 : i32
    %mul3A_2604 = arith.muli %add3A, %mul3A_2603 : i32
    "tpu.region"() ({
      %run_scoped3A = tpu.sem_alloc : memref<!tpu.dma_semaphore, #tpu.memory_space<semaphore_mem>>
      %dma_start3A_2605 = arith.constant 0 : i32
      %dma_start3A_2606 = tpu.memref_slice %arg6[%mul3A_2604, %dma_start3A_2605] : memref<4096x32xf32, #tpu.memory_space<hbm>> -> memref<128x32xf32, #tpu.memory_space<hbm>>
      %dma_start3A_2607 = arith.constant 0 : i32
      %dma_start3A_2608 = tpu.memref_slice %arg10[%mul3A_2602, %dma_start3A_2607] : memref<2048x32xf32, #tpu.memory_space<vmem_shared>> -> memref<128x32xf32, #tpu.memory_space<vmem_shared>>
      tpu.enqueue_dma source(%dma_start3A_2608 : memref<128x32xf32, #tpu.memory_space<vmem_shared>>) target(%dma_start3A_2606 : memref<128x32xf32, #tpu.memory_space<hbm>>) target_semaphore(%run_scoped3A : memref<!tpu.dma_semaphore, #tpu.memory_space<semaphore_mem>>)
      %dma_wait3A_2609 = arith.constant 0 : i32
      %dma_wait3A_2610 = tpu.memref_slice %arg6[%mul3A_2604, %dma_wait3A_2609] : memref<4096x32xf32, #tpu.memory_space<hbm>> -> memref<128x32xf32, #tpu.memory_space<hbm>>
      %dma_wait3A_2611 = arith.constant 0 : i32
      %dma_wait3A_2612 = tpu.memref_slice %arg10[%mul3A_2602, %dma_wait3A_2611] : memref<2048x32xf32, #tpu.memory_space<vmem_shared>> -> memref<128x32xf32, #tpu.memory_space<vmem_shared>>
      tpu.wait_dma2 semaphore(%run_scoped3A : memref<!tpu.dma_semaphore, #tpu.memory_space<semaphore_mem>>) src(%dma_wait3A_2612 : memref<128x32xf32, #tpu.memory_space<vmem_shared>>) dst(%dma_wait3A_2610 : memref<128x32xf32, #tpu.memory_space<hbm>>)
      tpu.yield
    }) : () -> ()
    return
  }
}

</mosaic_0001>

<sc_bundles>
// kernel: kernel.3.cloned.1.call-start
scs
__scs_entry_jumppad:
0x0: {  	(pc) =	sbr.rel $0x88, $3  }
0x1: {  	(tag) =	ssettag $0x0;
	lr =	simm.s32 $0x1  }
0x2: {  	[smem:$0x3F9F] =	sst lr;
	_ =	strace $0xD0000000  }
0x3: {  	_ = 	snop  }
0x4: {  	_ = 	snop  }
0x5: {  	_ = 	snop  }
0x6: {  	_ = 	snop  }
0x7: {  	_ = 	snop  }
__scs_overlays_trampoline_lowered:
0x8: {  	[smem:$0x3FAE] =	sst s0  }
0x9: {  	[smem:$0x3FAF] =	sst s1  }
0xa: {  	[smem:$0x3FB0] =	sst s2  }
0xb: {  	[smem:$0x3FB1] =	sst s3  }
0xc: {  	[smem:$0x3FB2] =	sst s4  }
0xd: {  	[smem:$0x3FB3] =	sst s5  }
0xe: {  	[smem:$0x3FB4] =	sst s6  }
0xf: {  	[smem:$0x3FB5] =	sst s7  }
0x10: {  	[smem:$0x3FB6] =	sst s8  }
0x11: {  	[smem:$0x3FB7] =	sst s9;
	s0 =	simm.s32 @!p0 $0x0  }
0x12: {  	s1 =	sld [smem:$0x3F9D];
	s0 =	simm.s32 @p0 $0x1  }
0x13: {  	[smem:$0x3FB8] =	sst s0;
	s0 =	simm.s32 @!p1 $0x0  }
0x14: {  	s2 =	sld [smem:$0x3F9C];
	s0 =	simm.s32 @p1 $0x1  }
0x15: {  	[smem:$0x3FB9] =	sst s0;
	s0 =	simm.s32 @!p2 $0x0  }
0x16: {  	s3 =	sld [smem:$0x3FDB];
	s0 =	simm.s32 @p2 $0x1  }
0x17: {  	s4 =	simm.s32 $0x1BF5;
	[smem:$0x3FBB] =	sst s0  }
0x18: {  	s0 =	sld [smem:$0x3F9E];
	_ =	swait.ge [sflag:s4], $0x0  }
0x19: {  	s7 =	sld [smem:$0x3F9F]  }
0x1a: {  	s8 =	sadd.s32 $0xFFFFE003, lr  }
0x1b: {  	s9 =	sadd.s32 $0xFFFFFEF7, lr;
	s5 =	simm.s32 $0xFFFFFFFF;
	p2 =	slt.u32 s8, $0xFFFFF086  }
0x1c: {  	p1 =	slt.u32 s9, $0xF7A;
	s5 =	simm.s32 @!p2 $0x0  }
0x1d: {  	s5 =	simm.s32 @p1 $0x1;
	p0 =	seq.s32 s7, s2  }
0x1e: {  	s7 =	smul.u32 @!p0 $0xF7A, s2;
	p2 =	seq.s32 @!p0 s5, $0x0  }
0x1f: {  	s9 =	smul.u32 $0xF7A, s1;
	s8 =	simm.s32 @!p0 $0x1BF5;
	p2 =	por !p2, p0  }
0x20: {  	[sflag:s8] =	ssyncset.s32 @!p0 $0xFFFFF086;
	s6 =	sadd.s32 @!p0 s3, s7;
	s7 =	simm.s32 @!p0 $0x108  }
0x21: {  	s3 =	sadd.s32 s3, s9;
	s6 =	sadd.s32 @!p0 $0x88, s6;
	s7 =	simm.s32 @p2 $0x1082  }
0x22: {  	[simem:s7], [sflag:s8] =	dma.local @!p0 [hbm:s6], $0xF7A  }
0x23: {  	s9 =	sor.u32 $0xD0000000, s2;
	s6 =	simm.s32 $0x108;
	_ =	swait.ge @!p0 [sflag:s8], $0x0  }
0x24: {  	s3 =	sadd.s32 $0x88, s3;
	s6 =	simm.s32 @!p1 $0x1082;
	[sflag:s4] =	ssyncset.s32 $0xFFFFF086  }
0x25: {  	[simem:s6], [sflag:s4] =	dma.local [hbm:s3], $0xF7A  }
0x26: {  	[smem:$0x3F9F] =	sst s1;
	(tag) =	ssettag s2;
	_ =	strace s9  }
0x27: {  	s1 =	sld [smem:$0x3FAF]  }
0x28: {  	s2 =	sld [smem:$0x3FB0]  }
0x29: {  	s4 =	sld [smem:$0x3FB2]  }
0x2a: {  	p0 =	seq.s32 s5, $0x0;
	s5 =	sld [smem:$0x3FB3]  }
0x2b: {  	s6 =	sld [smem:$0x3FB4]  }
0x2c: {  	s7 =	sld [smem:$0x3FB5]  }
0x2d: {  	s3 =	simm.s32 $0x108;
	s8 =	sld [smem:$0x3FB6]  }
0x2e: {  	s3 =	simm.s32 @!p0 $0x1082;
	s9 =	sld [smem:$0x3FB7]  }
0x2f: {  	lr =	sadd.s32 s0, s3;
	s0 =	sld [smem:$0x3FAE]  }
0x30: {  	s3 =	sld [smem:$0x3FB1]  }
0x31: {  	[smem:$0x3FBA] =	sst s10  }
0x32: {  	s10 =	sld [smem:$0x3FB8];
	_ =	sdelay $0x3  }
0x33: {  	p0 =	seq.s32 s10, $0x1;
	s10 =	sld [smem:$0x3FBA];
	_ =	sdelay $0x3  }
0x34: {  	[smem:$0x3FBA] =	sst s10  }
0x35: {  	s10 =	sld [smem:$0x3FB9];
	_ =	sdelay $0x3  }
0x36: {  	p1 =	seq.s32 s10, $0x1;
	s10 =	sld [smem:$0x3FBA];
	_ =	sdelay $0x3  }
0x37: {  	[smem:$0x3FBA] =	sst s10  }
0x38: {  	s10 =	sld [smem:$0x3FBB]  }
0x39: {  	_ = 	snop;
	(pc) =	sbr.ind lr, $3  }
0x3a: {  	_ = 	snop  }
0x3b: {  	_ = 	snop  }
0x3c: {  	p2 =	seq.s32 s10, $0x1;
	s10 =	sld [smem:$0x3FBA]  }
0x3d: {  	_ =	shalt  }
0x3e: {  	_ =	shalt  }
0x3f: {  	_ =	shalt  }
0x40: {  	_ =	shalt  }
0x41: {  	_ =	shalt  }
0x42: {  	_ =	shalt  }
0x43: {  	_ =	shalt  }
0x44: {  	_ =	shalt  }
0x45: {  	_ =	shalt  }
0x46: {  	_ =	shalt  }
0x47: {  	_ =	shalt  }
0x48: {  	_ =	shalt  }
0x49: {  	_ =	shalt  }
0x4a: {  	_ =	shalt  }
0x4b: {  	_ =	shalt  }
0x4c: {  	_ =	shalt  }
0x4d: {  	_ =	shalt  }
0x4e: {  	_ =	shalt  }
0x4f: {  	_ =	shalt  }
0x50: {  	_ =	shalt  }
0x51: {  	_ =	shalt  }
0x52: {  	_ =	shalt  }
0x53: {  	_ =	shalt  }
0x54: {  	_ =	shalt  }
0x55: {  	_ =	shalt  }
0x56: {  	_ =	shalt  }
0x57: {  	_ =	shalt  }
0x58: {  	_ =	shalt  }
0x59: {  	_ =	shalt  }
0x5a: {  	_ =	shalt  }
0x5b: {  	_ =	shalt  }
0x5c: {  	_ =	shalt  }
0x5d: {  	_ =	shalt  }
0x5e: {  	_ =	shalt  }
0x5f: {  	_ =	shalt  }
0x60: {  	_ =	shalt  }
0x61: {  	_ =	shalt  }
0x62: {  	_ =	shalt  }
0x63: {  	_ =	shalt  }
0x64: {  	_ =	shalt  }
0x65: {  	_ =	shalt  }
0x66: {  	_ =	shalt  }
0x67: {  	_ =	shalt  }
0x68: {  	_ =	shalt  }
0x69: {  	_ =	shalt  }
0x6a: {  	_ =	shalt  }
0x6b: {  	_ =	shalt  }
0x6c: {  	_ =	shalt  }
0x6d: {  	_ =	shalt  }
0x6e: {  	_ =	shalt  }
0x6f: {  	_ =	shalt  }
0x70: {  	_ =	shalt  }
0x71: {  	_ =	shalt  }
0x72: {  	_ =	shalt  }
0x73: {  	_ =	shalt  }
0x74: {  	_ =	shalt  }
0x75: {  	_ =	shalt  }
0x76: {  	_ =	shalt  }
0x77: {  	_ =	shalt  }
0x78: {  	_ =	shalt  }
0x79: {  	_ =	shalt  }
0x7a: {  	_ =	shalt  }
0x7b: {  	_ =	shalt  }
0x7c: {  	_ =	shalt  }
0x7d: {  	_ =	shalt  }
0x7e: {  	_ =	shalt  }
0x7f: {  	_ =	shalt  }
0x80: {  	_ =	shalt  }
0x81: {  	_ =	shalt  }
0x82: {  	_ =	shalt  }
0x83: {  	_ =	shalt  }
0x84: {  	_ =	shalt  }
0x85: {  	_ =	shalt  }
0x86: {  	_ =	shalt  }
0x87: {  	_ =	shalt  }
.Lfunc_end0:
.L_simem_size_0:
called_computation_lowered:
.L_overlay_start_0:
0x88: {  	s2 =	sld [smem:$0x3FD9]  }
0x89: {  	s3 =	sld [smem:$0x3FFE];
	_ =	sdelay $0x1  }
0x8a: {  	s1 =	srdreg.scid  }
0x8b: {  	s0 =	sand.u32 $0x1, s1  }
0x8c: {  	s17 =	sshll.u32 s0, $0xA;
	s2 =	sadd.s32 s3, s2  }
0x8d: {  	s2 =	sadd.s32 s2, s17  }
0x8e: {  	[smem:$0x3FC6] =	sst s2  }
0x8f: {  	_ = 	snop  }
0x90: {  	s2 =	sld [smem:$0x3FD0];
	(tm) =	ssettm $0x1  }
0x91: {  	s18 =	sld [smem:$0x3FFB];
	_ =	sdelay $0x3  }
0x92: {  	_ =	strace s18  }
0x93: {  	s3 =	sld [smem:$0x3FFC];
	_ =	sdelay $0x3  }
0x94: {  	_ =	strace s3  }
0x95: {  	s3 =	sld [smem:$0x3FFD];
	_ =	sdelay $0x3  }
0x96: {  	_ =	strace s3  }
0x97: {  	_ =	strace $0x8FFFFFFF  }
0x98: {  	s19 =	sld [smem:$0x3FDB];
	_ =	sdelay $0x1  }
0x99: {  	s4 =	simm.s32 $_scs_section_size  }
0x9a: {  	s5 =	simm.s32 $_size__tile_overlayer_lowered;
	s6 =	simm.s32 $_tile_overlayer_lowered  }
0x9b: {  	s22 =	simm.s32 $0x1BFF;
	s21 =	sshll.u32 s6, $0x1;
	s3 =	sadd.s32 s4, s19  }
0x9c: {  	s7 =	simm.s32 $0x0;
	s20 =	sshll.u32 s5, $0x1;
	s5 =	sadd.s32 s21, s3  }
0x9d: {  	[timem:s7], [sflag:s22] =	dma.local [hbm:s5], s20  }
0x9e: {  	_ =	swait.ge [sflag:s22], s20  }
0x9f: {  	s4 =	ssub.s32 $0x0, s20;
	[sflag:s22] =	ssyncset.done $0x0  }
0xa0: {  	[sflag:s22] =	ssyncadd.s32 s4;
	_ =	sdelay $0x1  }
0xa1: {  	s23 =	simm.s32 $0x1B8B  }
0xa2: {  	_ =	swait.ge [sflag:s23], $0x1  }
0xa3: {  	[sflag:s23] =	ssyncset.done $0x0  }
0xa4: {  	s25 =	simm.s32 $0x1B8E;
	s24 =	sld [smem:$0x3FFE];
	[sflag:s23] =	ssyncadd.s32 $0xFFFFFFFF  }
0xa5: {  	s26 =	simm.s32 $execute0_lowered;
	[smem:$0x3FD2] =	sst s25  }
0xa6: {  	s5 =	sshll.u32 s26, $0x1;
	_ =	strace $0x80000046;
	[dreg:$0x1] =	wrdreg $0xFFFFFFFF  }
0xa7: {  	s28 =	simm.s32 $_size_execute0_lowered;
	s3 =	sadd.s32 s3, s5;
	[dreg:$0x0] =	wrdreg $0x0  }
0xa8: {  	s5 =	sshll.u32 s28, $0x1;
	[dreg:$0x2] =	wrdreg s3  }
0xa9: {  	[dreg:$0x3] =	wrdreg s5  }
0xaa: {  	[dreg:$0x4] =	wrdreg $0xC0  }
0xab: {  	_ =	task [dreg:s7], $0x5FFFF  }
0xac: {  	[dreg:$0x1] =	wrdreg $0xFFFFFFFF  }
0xad: {  	[dreg:$0x0] =	wrdreg $0x60  }
0xae: {  	[dreg:$0x2] =	wrdreg s24  }
0xaf: {  	[dreg:$0x3] =	wrdreg s2  }
0xb0: {  	[dreg:$0x4] =	wrdreg $0xD2000  }
0xb1: {  	[dreg:$0x5] =	wrdreg $0x9  }
0xb2: {  	_ =	task.clear_ibuf [dreg:s7], $0x6FFFF;
	_ =	strace $0x90000046  }
0xb3: {  	s29 =	simm.s32 $0x9;
	_ =	strace $0x80000048  }
0xb4: {  	_ =	swait.ge [sflag:s29], $0x1  }
0xb5: {  	[sflag:s29] =	ssyncadd.s32 $0xFFFFFFFF  }
0xb6: {  	_ =	strace $0x90000048  }
0xb7: {  	_ =	sfence  }
0xb8: {  	s30 =	sld [smem:$0x0];
	_ =	sdelay $0x2  }
0xb9: {  	s31 =	sshll.u32 s1, $0xD;
	s1 =	sshrl.u32 s1, $0x2  }
0xba: {  	s3 =	sand.u32 $0x4000, s31;
	s1 =	sadd.s32 s1, s30  }
0xbb: {  	s0 =	sor.u32 s3, s0;
	s1 =	sshll.u32 s1, $0x11  }
0xbc: {  	s0 =	sor.u32 s1, s0  }
0xbd: {  	s0 =	sadd.s32 $0x8F2B, s0  }
0xbe: {  	[sflag:s0] =	ssyncadd.remote.s32 $0x1  }
0xbf: {  	_ =	sfence.sel $0xFFFF  }
0xc0: {  	[dreg:$0x0] =	wrdreg $0xFFFFFFFF;
	(pc) =	sbr.abs _section_cstart, $3  }
0xc1: {  	[dreg:$0x1] =	wrdreg $0xFFFFFFFF  }
0xc2: {  	_ =	task.clear_ibuf [dreg:s7], $0x2FFFF;
	_ =	strace $0x9FFFFFFF  }
0xc3: {  	(tm) =	ssettm $0x7FFFFFFF  }
tec
execute0_lowered:
.L_overlay_start_1:
0x0: {  	(tag) =	ssettag $0x1  }
0x1: {  	s1 =	rddreg [dreg:$0x0]  }
0x2: {  	s4 =	rddreg [dreg:$0x1]  }
0x3: {  	s2 =	rddreg [dreg:$0x2];
	s30 =	simm.s32 $0x0  }
0x4: {  	[smem:$0x7FF] =	sst s30;
	s7 =	sadd.s32 $0xA200, s1  }
0x5: {  	s12 =	simm.s32 $0x100;
	_ =	strace $0x80000047;
	[dreg:$0x4] =	wrdreg s7  }
0x6: {  	s13 =	simm.s32 $0x180;
	[dreg:$0x8] =	wrdreg s12  }
0x7: {  	s14 =	simm.s32 $0x200;
	[dreg:$0x9] =	wrdreg s13  }
0x8: {  	s15 =	simm.s32 $0x280;
	[dreg:$0xa] =	wrdreg s14  }
0x9: {  	s16 =	simm.s32 $0x300;
	[dreg:$0xb] =	wrdreg s15  }
0xa: {  	s17 =	simm.s32 $0x380;
	[dreg:$0xc] =	wrdreg s16  }
0xb: {  	s18 =	simm.s32 $0x400;
	[dreg:$0xd] =	wrdreg s17  }
0xc: {  	s20 =	simm.s32 $0x480;
	[dreg:$0xe] =	wrdreg s18  }
0xd: {  	s21 =	simm.s32 $0x1980;
	[dreg:$0xf] =	wrdreg s20  }
0xe: {  	s22 =	simm.s32 $0x1A00;
	[dreg:$0x10] =	wrdreg s21  }
0xf: {  	s23 =	simm.s32 $0x1A80;
	[dreg:$0x11] =	wrdreg s22  }
0x10: {  	s24 =	simm.s32 $0x1B00;
	[dreg:$0x12] =	wrdreg s23  }
0x11: {  	s25 =	simm.s32 $0x500;
	[dreg:$0x13] =	wrdreg s24  }
0x12: {  	s0 =	srdreg.scid;
	s26 =	simm.s32 $0x580;
	[dreg:$0x14] =	wrdreg s25  }
0x13: {  	s19 =	stileid.u32;
	s8 =	simm.s32 $0x1C00;
	[dreg:$0x15] =	wrdreg s26  }
0x14: {  	s9 =	simm.s32 $0x1C80;
	s3 =	sand.u32 $0x1, s0;
	[dreg:$0x1a] =	wrdreg s8  }
0x15: {  	s10 =	sshll.u32 s19, $0x1;
	s7 =	simm.s32 $0x1B80;
	[dreg:$0x1b] =	wrdreg s9  }
0x16: {  	s0 =	sor.u32 s3, s10;
	s10 =	simm.s32 $0x1D00;
	[dreg:$0x19] =	wrdreg s7  }
0x17: {  	s12 =	simm.s32 $0x780;
	[dreg:$0x1c] =	wrdreg s10  }
0x18: {  	s13 =	simm.s32 $0x800;
	[dreg:$0x1e] =	wrdreg s12  }
0x19: {  	s14 =	simm.s32 $0x880;
	[dreg:$0x1f] =	wrdreg s13  }
0x1a: {  	s15 =	simm.s32 $0x900;
	[smem:$0x7BE] =	sst s14  }
0x1b: {  	s16 =	simm.s32 $0x980;
	[smem:$0x7BF] =	sst s15  }
0x1c: {  	s17 =	simm.s32 $0x1E00;
	[smem:$0x7C0] =	sst s16  }
0x1d: {  	s18 =	simm.s32 $0x1E80;
	[smem:$0x7C1] =	sst s17  }
0x1e: {  	s20 =	simm.s32 $0x1F00;
	[smem:$0x7C2] =	sst s18  }
0x1f: {  	s21 =	simm.s32 $0x1F80;
	[smem:$0x7C3] =	sst s20  }
0x20: {  	s22 =	simm.s32 $0x2000;
	[smem:$0x7C4] =	sst s21  }
0x21: {  	s23 =	simm.s32 $0xA00;
	[smem:$0x7C5] =	sst s22  }
0x22: {  	s24 =	simm.s32 $0xA80;
	[smem:$0x7C6] =	sst s23  }
0x23: {  	s25 =	simm.s32 $0xB00;
	[smem:$0x7C7] =	sst s24  }
0x24: {  	s26 =	simm.s32 $0xB80;
	[smem:$0x7C8] =	sst s25  }
0x25: {  	s8 =	simm.s32 $0x2200;
	[smem:$0x7C9] =	sst s26  }
0x26: {  	s9 =	simm.s32 $0x2280;
	[smem:$0x7CE] =	sst s8  }
0x27: {  	s7 =	simm.s32 $0x2180;
	[smem:$0x7CF] =	sst s9  }
0x28: {  	s10 =	simm.s32 $0xC80;
	[smem:$0x7CD] =	sst s7  }
0x29: {  	s12 =	simm.s32 $0xD80;
	[smem:$0x7D0] =	sst s10  }
0x2a: {  	s13 =	simm.s32 $0xE00;
	[smem:$0x7D2] =	sst s12  }
0x2b: {  	s14 =	simm.s32 $0xE80;
	[smem:$0x7D3] =	sst s13  }
0x2c: {  	s15 =	simm.s32 $0x2300;
	[smem:$0x7D4] =	sst s14  }
0x2d: {  	s16 =	simm.s32 $0x2380;
	[smem:$0x7D5] =	sst s15  }
0x2e: {  	s17 =	simm.s32 $0x2400;
	[smem:$0x7D6] =	sst s16  }
0x2f: {  	s18 =	simm.s32 $0x2480;
	[smem:$0x7D7] =	sst s17  }
0x30: {  	s20 =	simm.s32 $0x2500;
	[smem:$0x7D8] =	sst s18  }
0x31: {  	s21 =	simm.s32 $0xF00;
	[smem:$0x7D9] =	sst s20  }
0x32: {  	s22 =	simm.s32 $0xF80;
	[smem:$0x7DA] =	sst s21  }
0x33: {  	s23 =	simm.s32 $0x1000;
	[smem:$0x7DB] =	sst s22  }
0x34: {  	s24 =	simm.s32 $0x1080;
	[smem:$0x7DC] =	sst s23  }
0x35: {  	s25 =	simm.s32 $0x1100;
	[smem:$0x7DD] =	sst s24  }
0x36: {  	s6 =	smul.u32 $0x320, s19;
	s26 =	simm.s32 $0x2580;
	[smem:$0x7DE] =	sst s25  }
0x37: {  	s5 =	smul.u32 $0x320, s0;
	s8 =	simm.s32 $0x1180;
	[smem:$0x7DF] =	sst s26  }
0x38: {  	s6 =	sadd.s32 s6, s1;
	s9 =	simm.s32 $0x1200;
	[smem:$0x7E4] =	sst s8  }
0x39: {  	s0 =	sshll.u32 s0, $0x9;
	s11 =	sadd.s32 $0x7000, s6;
	[smem:$0x7E5] =	sst s9  }
0x3a: {  	s0 =	sadd.s32 s4, s0;
	[dreg:$0x6] =	wrdreg s11  }
0x3b: {  	s4 =	simm.s32 $0x600;
	[dreg:$0x7] =	wrdreg s0  }
0x3c: {  	s6 =	simm.s32 $0x700;
	[dreg:$0x16] =	wrdreg s4  }
0x3d: {  	s7 =	simm.s32 $0x2780;
	[dreg:$0x18] =	wrdreg s6  }
0x3e: {  	s10 =	simm.s32 $0x1280;
	[smem:$0x7E3] =	sst s7  }
0x3f: {  	s12 =	simm.s32 $0x1300;
	[smem:$0x7E6] =	sst s10  }
0x40: {  	s13 =	simm.s32 $0x1380;
	[smem:$0x7E7] =	sst s12  }
0x41: {  	s31 =	simm.s32 $0x1900;
	s14 =	simm.s32 $0x2800;
	[smem:$0x7E8] =	sst s13  }
0x42: {  	s28 =	simm.s32 $0x2E00;
	s16 =	simm.s32 $0x2880;
	[smem:$0x7E9] =	sst s14  }
0x43: {  	s29 =	simm.s32 $0x2E80;
	s18 =	simm.s32 $0x2900;
	[smem:$0x7EA] =	sst s16  }
0x44: {  	p0 =	por $0x0, $0x0;
	s20 =	simm.s32 $0x2980;
	[smem:$0x7EB] =	sst s18  }
0x45: {  	s15 =	sshll.u32 s19, $0xC;
	s21 =	simm.s32 $0x2A00;
	[smem:$0x7EC] =	sst s20  }
0x46: {  	s22 =	simm.s32 $0x1400;
	s23 =	sshll.u32 s19, $0x6;
	[smem:$0x7ED] =	sst s21  }
0x47: {  	s24 =	simm.s32 $0x1480;
	s25 =	simm.s32 $0x1500;
	[smem:$0x7EE] =	sst s22  }
0x48: {  	s26 =	simm.s32 $0x1580;
	s8 =	simm.s32 $0x1600;
	[smem:$0x7EF] =	sst s24  }
0x49: {  	s9 =	simm.s32 $0x2A80;
	s5 =	sadd.s32 s5, s1;
	[smem:$0x7F0] =	sst s25  }
0x4a: {  	s11 =	simm.s32 $0x1D80;
	s4 =	simm.s32 $0xC00;
	[smem:$0x7F1] =	sst s26  }
0x4b: {  	s6 =	simm.s32 $0x2100;
	s7 =	sadd.s32 $0xF43000, s1;
	[smem:$0x7F2] =	sst s8  }
0x4c: {  	s17 =	sadd.s32 s15, s2;
	s15 =	simm.s32 $0x3200;
	[smem:$0x7F3] =	sst s9  }
0x4d: {  	s16 =	simm.s32 $0x4200;
	s10 =	simm.s32 $0x2B00;
	[dreg:$0x1d] =	wrdreg s11  }
0x4e: {  	s18 =	simm.s32 $0x6200;
	s12 =	simm.s32 $0x2C00;
	[smem:$0x7CA] =	sst s4  }
0x4f: {  	s24 =	simm.s32 $0x7200;
	s13 =	simm.s32 $0x2C80;
	[smem:$0x7CC] =	sst s6  }
0x50: {  	s14 =	simm.s32 $0x1;
	s20 =	simm.s32 $0x1680;
	[smem:$0x7F4] =	sst s10  }
0x51: {  	s9 =	simm.s32 $0x8200;
	s21 =	simm.s32 $0x1700;
	[smem:$0x7F6] =	sst s12  }
0x52: {  	s22 =	simm.s32 $0x1780;
	s25 =	simm.s32 $0x1880;
	[smem:$0x7F7] =	sst s13  }
0x53: {  	s26 =	simm.s32 $0x2D00;
	s8 =	simm.s32 $0x2;
	[smem:$0x7F8] =	sst s20  }
0x54: {  	s5 =	sadd.s32 $0xC00, s5;
	s11 =	simm.s32 $0xD00;
	[smem:$0x7F9] =	sst s21  }
0x55: {  	s4 =	simm.s32 $0x2600;
	s6 =	simm.s32 $0x2700;
	[smem:$0x7FA] =	sst s22  }
0x56: {  	s10 =	simm.s32 $0x9200;
	s12 =	simm.s32 $0xB200;
	[smem:$0x7FC] =	sst s25  }
0x57: {  	s13 =	simm.s32 $0xC200;
	[smem:$0x7FD] =	sst s26;
	s26 =	simm.s32 $0x2F00  }
0x58: {  	s20 =	simm.s32 $0x2F80;
	s21 =	simm.s32 $0x3000;
	[dreg:$0x5] =	wrdreg s5  }
0x59: {  	s22 =	simm.s32 $0x3080;
	[smem:$0x7D1] =	sst s11;
	s11 =	ssub.s32 $0x2, s3  }
0x5a: {  	s5 =	simm.s32 $0x680;
	[smem:$0x7E0] =	sst s4;
	s3 =	sshrl.u32 s11, $0x1  }
0x5b: {  	[smem:$0x7E2] =	sst s6;
	s4 =	sor.u32 $0x1C03, s23;
	s1 =	ssub.s32 s11, s3  }
0x5c: {  	s23 =	simm.s32 $0x1800;
	[dreg:$0x17] =	wrdreg s5;
	s1 =	smax.u32 s1, $0x1  }
0x5d: {  	s25 =	simm.s32 $0x3180;
	[smem:$0x7FB] =	sst s23;
	p1 =	sne.s32 s1, $0x1  }
.Ltmp0:
0x5e: {  	s5 =	simm.s32 $0x2080;
	s0 =	rddreg [dreg:$0x5];
	(pc) =	sbr.rel @!p1 .LBB2_1-.Ltmp0, $4  }
0x5f: {  	s6 =	simm.s32 $0x80;
	s23 =	simm.s32 $0x3100;
	[smem:$0x7CB] =	sst s5  }
0x60: {  	s5 =	simm.s32 $0x2680;
	s3 =	simm.s32 $0x3;
	s11 =	simm.s32 $0x2B80  }
0x61: {  	[smem:$0x7E1] =	sst s5;
	s5 =	sshrl.u32 s17, $0x3;
	s17 =	simm.s32 $0x5200  }
0x62: {  	[smem:$0x7F5] =	sst s11;
	s11 =	simm.s32 $0xA200;
	s1 =	sadd.s32 $0xFFFFFFFF, s1  }
0x63: {  	[tilespmem:s30], [sflag:$0x3] =	stream.linear.gather [hbm4b:s0+s30], $0x1900, $0x38;
	[tilespmem:$0xE200] =	vst v63  }
0x64: {  	_ =	swait.ge [sflag:s3], $0x1900  }
0x65: {  	[sflag:s3] =	ssyncset.done $0x0  }
0x66: {  	s19 =	rddreg [dreg:$0x6];
	[sflag:s3] =	ssyncadd.s32 $0xFFFFE700  }
0x67: {  	[tilespmem:s31], [sflag:$0x3] =	stream.linear.gather [hbm4b:s19+s30], $0x1900, $0x38;
	[tilespmem:$0xE200] =	vst v63  }
0x68: {  	_ =	swait.ge [sflag:s3], $0x1900  }
0x69: {  	[sflag:s3] =	ssyncset.done $0x0  }
0x6a: {  	s19 =	rddreg [dreg:$0x4];
	[sflag:s3] =	ssyncadd.s32 $0xFFFFE700  }
0x6b: {  	[spmem:s5], [sflag:s4] =	dma.local [hbm:s19], $0x200  }
0x6c: {  	_ =	swait.ge [sflag:s3], $0x200  }
0x6d: {  	[sflag:s3] =	ssyncset.done $0x0  }
0x6e: {  	[sflag:s3] =	ssyncadd.s32 $0xFFFFFE00  }
0x6f: {  	[tilespmem:s15], [sflag:$0x1] =	stream.indirect.gather [hbm4b:s7+s6], $0x20, s30, s6, $0xb8;
	[tilespmem:$0xE200] =	vst v63  }
0x70: {  	_ = 	snop  }
0x71: {  	[tilespmem:s16], [sflag:$0x1] =	stream.indirect.gather [hbm4b:s7+s6], $0x20, s6, s6, $0xb8;
	[tilespmem:$0xE200] =	vst v63  }
0x72: {  	s0 =	rddreg [dreg:$0x8]  }
0x73: {  	[tilespmem:s17], [sflag:$0x1] =	stream.indirect.gather [hbm4b:s7+s6], $0x20, s0, s6, $0xb8;
	[tilespmem:$0xE200] =	vst v63  }
0x74: {  	s19 =	smov.u32 s1;
	s1 =	rddreg [dreg:$0x9]  }
0x75: {  	[tilespmem:s18], [sflag:$0x1] =	stream.indirect.gather [hbm4b:s7+s6], $0x20, s1, s6, $0xb8;
	[tilespmem:$0xE200] =	vst v63  }
0x76: {  	s0 =	rddreg [dreg:$0xa]  }
0x77: {  	[tilespmem:s24], [sflag:$0x1] =	stream.indirect.gather [hbm4b:s7+s6], $0x20, s0, s6, $0xb8;
	[tilespmem:$0xE200] =	vst v63  }
0x78: {  	_ =	swait.ge [sflag:s14], $0x1000  }
0x79: {  	[sflag:s14] =	ssyncset.done $0x0  }
0x7a: {  	[sflag:s14] =	ssyncadd.s32 $0xFFFFF000  }
0x7b: {  	_ =	swait.ge [sflag:s14], $0x1000  }
0x7c: {  	[sflag:s14] =	ssyncset.done $0x0  }
0x7d: {  	[sflag:s14] =	ssyncadd.s32 $0xFFFFF000  }
0x7e: {  	_ =	swait.ge [sflag:s14], $0x1000  }
0x7f: {  	[sflag:s14] =	ssyncset.done $0x0  }
0x80: {  	[sflag:s14] =	ssyncadd.s32 $0xFFFFF000  }
0x81: {  	_ =	swait.ge [sflag:s14], $0x1000  }
0x82: {  	[sflag:s14] =	ssyncset.done $0x0  }
0x83: {  	[sflag:s14] =	ssyncadd.s32 $0xFFFFF000  }
0x84: {  	_ =	swait.ge [sflag:s14], $0x1000  }
0x85: {  	[sflag:s14] =	ssyncset.done $0x0  }
0x86: {  	s0 =	rddreg [dreg:$0xb];
	[sflag:s14] =	ssyncadd.s32 $0xFFFFF000  }
0x87: {  	[tilespmem:s9], [sflag:$0x1] =	stream.indirect.gather [hbm4b:s7+s6], $0x20, s0, s6, $0xb8;
	[tilespmem:$0xE200] =	vst v63  }
0x88: {  	s1 =	rddreg [dreg:$0xc]  }
0x89: {  	[tilespmem:s10], [sflag:$0x1] =	stream.indirect.gather [hbm4b:s7+s6], $0x20, s1, s6, $0xb8;
	[tilespmem:$0xE200] =	vst v63  }
0x8a: {  	s0 =	rddreg [dreg:$0xd]  }
0x8b: {  	[tilespmem:s11], [sflag:$0x1] =	stream.indirect.gather [hbm4b:s7+s6], $0x20, s0, s6, $0xb8;
	[tilespmem:$0xE200] =	vst v63  }
0x8c: {  	s1 =	rddreg [dreg:$0xe]  }
0x8d: {  	[tilespmem:s12], [sflag:$0x1] =	stream.indirect.gather [hbm4b:s7+s6], $0x20, s1, s6, $0xb8;
	[tilespmem:$0xE200] =	vst v63  }
0x8e: {  	s0 =	rddreg [dreg:$0xf]  }
0x8f: {  	[tilespmem:s13], [sflag:$0x1] =	stream.indirect.gather [hbm4b:s7+s6], $0x20, s0, s6, $0xb8;
	[tilespmem:$0xE200] =	vst v63  }
0x90: {  	_ = 	snop  }
0x91: {  	[spmem:s2] =	stream.indirect.scatter.add.f32 [tilespmem:s15], [sflag:$0x2], $0x20, s31, s6, $0xb8;
	[tilespmem:$0xE200] =	vst v63  }
0x92: {  	s0 =	rddreg [dreg:$0x10]  }
0x93: {  	[spmem:s2] =	stream.indirect.scatter.add.f32 [tilespmem:s16], [sflag:$0x2], $0x20, s0, s6, $0xb8;
	[tilespmem:$0xE200] =	vst v63  }
0x94: {  	s1 =	rddreg [dreg:$0x11]  }
0x95: {  	[spmem:s2] =	stream.indirect.scatter.add.f32 [tilespmem:s17], [sflag:$0x2], $0x20, s1, s6, $0xb8;
	[tilespmem:$0xE200] =	vst v63  }
0x96: {  	s0 =	rddreg [dreg:$0x12]  }
0x97: {  	[spmem:s2] =	stream.indirect.scatter.add.f32 [tilespmem:s18], [sflag:$0x2], $0x20, s0, s6, $0xb8;
	[tilespmem:$0xE200] =	vst v63  }
0x98: {  	s1 =	rddreg [dreg:$0x13]  }
0x99: {  	[spmem:s2] =	stream.indirect.scatter.add.f32 [tilespmem:s24], [sflag:$0x2], $0x20, s1, s6, $0xb8;
	[tilespmem:$0xE200] =	vst v63  }
0x9a: {  	_ =	swait.ge [sflag:s14], $0x1000  }
0x9b: {  	[sflag:s14] =	ssyncset.done $0x0  }
0x9c: {  	[sflag:s14] =	ssyncadd.s32 $0xFFFFF000  }
0x9d: {  	_ =	swait.ge [sflag:s14], $0x1000  }
0x9e: {  	[sflag:s14] =	ssyncset.done $0x0  }
0x9f: {  	[sflag:s14] =	ssyncadd.s32 $0xFFFFF000  }
0xa0: {  	_ =	swait.ge [sflag:s14], $0x1000  }
0xa1: {  	[sflag:s14] =	ssyncset.done $0x0  }
0xa2: {  	[sflag:s14] =	ssyncadd.s32 $0xFFFFF000  }
0xa3: {  	_ =	swait.ge [sflag:s14], $0x1000  }
0xa4: {  	[sflag:s14] =	ssyncset.done $0x0  }
0xa5: {  	[sflag:s14] =	ssyncadd.s32 $0xFFFFF000  }
0xa6: {  	_ =	swait.ge [sflag:s14], $0x1000  }
0xa7: {  	[sflag:s14] =	ssyncset.done $0x0  }
0xa8: {  	[sflag:s14] =	ssyncadd.s32 $0xFFFFF000  }
0xa9: {  	_ =	swait.ge [sflag:s8], $0x1000  }
0xaa: {  	[sflag:s8] =	ssyncset.done $0x0  }
0xab: {  	[sflag:s8] =	ssyncadd.s32 $0xFFFFF000  }
0xac: {  	_ =	swait.ge [sflag:s8], $0x1000  }
0xad: {  	[sflag:s8] =	ssyncset.done $0x0  }
0xae: {  	[sflag:s8] =	ssyncadd.s32 $0xFFFFF000  }
0xaf: {  	_ =	swait.ge [sflag:s8], $0x1000  }
0xb0: {  	[sflag:s8] =	ssyncset.done $0x0  }
0xb1: {  	[sflag:s8] =	ssyncadd.s32 $0xFFFFF000  }
0xb2: {  	_ =	swait.ge [sflag:s8], $0x1000  }
0xb3: {  	[sflag:s8] =	ssyncset.done $0x0  }
0xb4: {  	[sflag:s8] =	ssyncadd.s32 $0xFFFFF000  }
0xb5: {  	_ =	swait.ge [sflag:s8], $0x1000  }
0xb6: {  	[sflag:s8] =	ssyncset.done $0x0  }
0xb7: {  	s0 =	rddreg [dreg:$0x14];
	[sflag:s8] =	ssyncadd.s32 $0xFFFFF000  }
0xb8: {  	[tilespmem:s15], [sflag:$0x1] =	stream.indirect.gather [hbm4b:s7+s6], $0x20, s0, s6, $0xb8;
	[tilespmem:$0xE200] =	vst v63  }
0xb9: {  	s1 =	rddreg [dreg:$0x15]  }
0xba: {  	[tilespmem:s16], [sflag:$0x1] =	stream.indirect.gather [hbm4b:s7+s6], $0x20, s1, s6, $0xb8;
	[tilespmem:$0xE200] =	vst v63  }
0xbb: {  	s0 =	rddreg [dreg:$0x16]  }
0xbc: {  	[tilespmem:s17], [sflag:$0x1] =	stream.indirect.gather [hbm4b:s7+s6], $0x20, s0, s6, $0xb8;
	[tilespmem:$0xE200] =	vst v63  }
0xbd: {  	s1 =	rddreg [dreg:$0x17]  }
0xbe: {  	[tilespmem:s18], [sflag:$0x1] =	stream.indirect.gather [hbm4b:s7+s6], $0x20, s1, s6, $0xb8;
	[tilespmem:$0xE200] =	vst v63  }
0xbf: {  	s0 =	rddreg [dreg:$0x18]  }
0xc0: {  	[tilespmem:s24], [sflag:$0x1] =	stream.indirect.gather [hbm4b:s7+s6], $0x20, s0, s6, $0xb8;
	[tilespmem:$0xE200] =	vst v63  }
0xc1: {  	s1 =	rddreg [dreg:$0x19]  }
0xc2: {  	[spmem:s2] =	stream.indirect.scatter.add.f32 [tilespmem:s9], [sflag:$0x2], $0x20, s1, s6, $0xb8;
	[tilespmem:$0xE200] =	vst v63  }
0xc3: {  	s0 =	rddreg [dreg:$0x1a]  }
0xc4: {  	[spmem:s2] =	stream.indirect.scatter.add.f32 [tilespmem:s10], [sflag:$0x2], $0x20, s0, s6, $0xb8;
	[tilespmem:$0xE200] =	vst v63  }
0xc5: {  	s1 =	rddreg [dreg:$0x1b]  }
0xc6: {  	[spmem:s2] =	stream.indirect.scatter.add.f32 [tilespmem:s11], [sflag:$0x2], $0x20, s1, s6, $0xb8;
	[tilespmem:$0xE200] =	vst v63  }
0xc7: {  	s0 =	rddreg [dreg:$0x1c]  }
0xc8: {  	[spmem:s2] =	stream.indirect.scatter.add.f32 [tilespmem:s12], [sflag:$0x2], $0x20, s0, s6, $0xb8;
	[tilespmem:$0xE200] =	vst v63  }
0xc9: {  	s1 =	rddreg [dreg:$0x1d]  }
0xca: {  	[spmem:s2] =	stream.indirect.scatter.add.f32 [tilespmem:s13], [sflag:$0x2], $0x20, s1, s6, $0xb8;
	[tilespmem:$0xE200] =	vst v63  }
0xcb: {  	_ =	swait.ge [sflag:s14], $0x1000  }
0xcc: {  	[sflag:s14] =	ssyncset.done $0x0  }
0xcd: {  	[sflag:s14] =	ssyncadd.s32 $0xFFFFF000  }
0xce: {  	_ =	swait.ge [sflag:s14], $0x1000  }
0xcf: {  	[sflag:s14] =	ssyncset.done $0x0  }
0xd0: {  	[sflag:s14] =	ssyncadd.s32 $0xFFFFF000  }
0xd1: {  	_ =	swait.ge [sflag:s14], $0x1000  }
0xd2: {  	[sflag:s14] =	ssyncset.done $0x0  }
0xd3: {  	[sflag:s14] =	ssyncadd.s32 $0xFFFFF000  }
0xd4: {  	_ =	swait.ge [sflag:s14], $0x1000  }
0xd5: {  	[sflag:s14] =	ssyncset.done $0x0  }
0xd6: {  	[sflag:s14] =	ssyncadd.s32 $0xFFFFF000  }
0xd7: {  	_ =	swait.ge [sflag:s14], $0x1000  }
0xd8: {  	[sflag:s14] =	ssyncset.done $0x0  }
0xd9: {  	[sflag:s14] =	ssyncadd.s32 $0xFFFFF000  }
0xda: {  	_ =	swait.ge [sflag:s8], $0x1000  }
0xdb: {  	[sflag:s8] =	ssyncset.done $0x0  }
0xdc: {  	[sflag:s8] =	ssyncadd.s32 $0xFFFFF000  }
0xdd: {  	_ =	swait.ge [sflag:s8], $0x1000  }
0xde: {  	[sflag:s8] =	ssyncset.done $0x0  }
0xdf: {  	[sflag:s8] =	ssyncadd.s32 $0xFFFFF000  }
0xe0: {  	_ =	swait.ge [sflag:s8], $0x1000  }
0xe1: {  	[sflag:s8] =	ssyncset.done $0x0  }
0xe2: {  	[sflag:s8] =	ssyncadd.s32 $0xFFFFF000  }
0xe3: {  	_ =	swait.ge [sflag:s8], $0x1000  }
0xe4: {  	[sflag:s8] =	ssyncset.done $0x0  }
0xe5: {  	[sflag:s8] =	ssyncadd.s32 $0xFFFFF000  }
0xe6: {  	_ =	swait.ge [sflag:s8], $0x1000  }
0xe7: {  	s0 =	rddreg [dreg:$0x1e];
	[sflag:s8] =	ssyncset.done $0x0  }
0xe8: {  	s1 =	rddreg [dreg:$0x1f];
	[sflag:s8] =	ssyncadd.s32 $0xFFFFF000  }
0xe9: {  	[tilespmem:s9], [sflag:$0x1] =	stream.indirect.gather [hbm4b:s7+s6], $0x20, s0, s6, $0xb8;
	[tilespmem:$0xE200] =	vst v63  }
0xea: {  	s0 =	sld [smem:$0x7BE]  }
0xeb: {  	[tilespmem:s10], [sflag:$0x1] =	stream.indirect.gather [hbm4b:s7+s6], $0x20, s1, s6, $0xb8;
	[tilespmem:$0xE200] =	vst v63  }
0xec: {  	s1 =	sld [smem:$0x7BF]  }
0xed: {  	[tilespmem:s11], [sflag:$0x1] =	stream.indirect.gather [hbm4b:s7+s6], $0x20, s0, s6, $0xb8;
	[tilespmem:$0xE200] =	vst v63  }
0xee: {  	s0 =	sld [smem:$0x7C0]  }
0xef: {  	[tilespmem:s12], [sflag:$0x1] =	stream.indirect.gather [hbm4b:s7+s6], $0x20, s1, s6, $0xb8;
	[tilespmem:$0xE200] =	vst v63  }
0xf0: {  	s1 =	sld [smem:$0x7C1]  }
0xf1: {  	[tilespmem:s13], [sflag:$0x1] =	stream.indirect.gather [hbm4b:s7+s6], $0x20, s0, s6, $0xb8;
	[tilespmem:$0xE200] =	vst v63  }
0xf2: {  	s0 =	sld [smem:$0x7C2]  }
0xf3: {  	[spmem:s2] =	stream.indirect.scatter.add.f32 [tilespmem:s15], [sflag:$0x2], $0x20, s1, s6, $0xb8;
	[tilespmem:$0xE200] =	vst v63  }
0xf4: {  	s1 =	sld [smem:$0x7C3]  }
0xf5: {  	[spmem:s2] =	stream.indirect.scatter.add.f32 [tilespmem:s16], [sflag:$0x2], $0x20, s0, s6, $0xb8;
	[tilespmem:$0xE200] =	vst v63  }
0xf6: {  	s0 =	sld [smem:$0x7C4]  }
0xf7: {  	[spmem:s2] =	stream.indirect.scatter.add.f32 [tilespmem:s17], [sflag:$0x2], $0x20, s1, s6, $0xb8;
	[tilespmem:$0xE200] =	vst v63  }
0xf8: {  	s1 =	sld [smem:$0x7C5]  }
0xf9: {  	[spmem:s2] =	stream.indirect.scatter.add.f32 [tilespmem:s18], [sflag:$0x2], $0x20, s0, s6, $0xb8;
	[tilespmem:$0xE200] =	vst v63  }
0xfa: {  	_ = 	snop  }
0xfb: {  	[spmem:s2] =	stream.indirect.scatter.add.f32 [tilespmem:s24], [sflag:$0x2], $0x20, s1, s6, $0xb8;
	[tilespmem:$0xE200] =	vst v63  }
0xfc: {  	_ =	swait.ge [sflag:s14], $0x1000  }
0xfd: {  	[sflag:s14] =	ssyncset.done $0x0  }
0xfe: {  	[sflag:s14] =	ssyncadd.s32 $0xFFFFF000  }
0xff: {  	_ =	swait.ge [sflag:s14], $0x1000  }
0x100: {  	[sflag:s14] =	ssyncset.done $0x0  }
0x101: {  	[sflag:s14] =	ssyncadd.s32 $0xFFFFF000  }
0x102: {  	_ =	swait.ge [sflag:s14], $0x1000  }
0x103: {  	[sflag:s14] =	ssyncset.done $0x0  }
0x104: {  	[sflag:s14] =	ssyncadd.s32 $0xFFFFF000  }
0x105: {  	_ =	swait.ge [sflag:s14], $0x1000  }
0x106: {  	[sflag:s14] =	ssyncset.done $0x0  }
0x107: {  	[sflag:s14] =	ssyncadd.s32 $0xFFFFF000  }
0x108: {  	_ =	swait.ge [sflag:s14], $0x1000  }
0x109: {  	[sflag:s14] =	ssyncset.done $0x0  }
0x10a: {  	[sflag:s14] =	ssyncadd.s32 $0xFFFFF000  }
0x10b: {  	_ =	swait.ge [sflag:s8], $0x1000  }
0x10c: {  	[sflag:s8] =	ssyncset.done $0x0  }
0x10d: {  	[sflag:s8] =	ssyncadd.s32 $0xFFFFF000  }
0x10e: {  	_ =	swait.ge [sflag:s8], $0x1000  }
0x10f: {  	[sflag:s8] =	ssyncset.done $0x0  }
0x110: {  	[sflag:s8] =	ssyncadd.s32 $0xFFFFF000  }
0x111: {  	_ =	swait.ge [sflag:s8], $0x1000  }
0x112: {  	[sflag:s8] =	ssyncset.done $0x0  }
0x113: {  	[sflag:s8] =	ssyncadd.s32 $0xFFFFF000  }
0x114: {  	_ =	swait.ge [sflag:s8], $0x1000  }
0x115: {  	[sflag:s8] =	ssyncset.done $0x0  }
0x116: {  	[sflag:s8] =	ssyncadd.s32 $0xFFFFF000  }
0x117: {  	_ =	swait.ge [sflag:s8], $0x1000  }
0x118: {  	s0 =	sld [smem:$0x7C6]  }
0x119: {  	[sflag:s8] =	ssyncset.done $0x0  }
0x11a: {  	s1 =	sld [smem:$0x7C7];
	[sflag:s8] =	ssyncadd.s32 $0xFFFFF000  }
0x11b: {  	[tilespmem:s15], [sflag:$0x1] =	stream.indirect.gather [hbm4b:s7+s6], $0x20, s0, s6, $0xb8;
	[tilespmem:$0xE200] =	vst v63  }
0x11c: {  	s0 =	sld [smem:$0x7C8]  }
0x11d: {  	[tilespmem:s16], [sflag:$0x1] =	stream.indirect.gather [hbm4b:s7+s6], $0x20, s1, s6, $0xb8;
	[tilespmem:$0xE200] =	vst v63  }
0x11e: {  	s1 =	sld [smem:$0x7C9]  }
0x11f: {  	[tilespmem:s17], [sflag:$0x1] =	stream.indirect.gather [hbm4b:s7+s6], $0x20, s0, s6, $0xb8;
	[tilespmem:$0xE200] =	vst v63  }
0x120: {  	s0 =	sld [smem:$0x7CA]  }
0x121: {  	[tilespmem:s18], [sflag:$0x1] =	stream.indirect.gather [hbm4b:s7+s6], $0x20, s1, s6, $0xb8;
	[tilespmem:$0xE200] =	vst v63  }
0x122: {  	s1 =	sld [smem:$0x7CB]  }
0x123: {  	[tilespmem:s24], [sflag:$0x1] =	stream.indirect.gather [hbm4b:s7+s6], $0x20, s0, s6, $0xb8;
	[tilespmem:$0xE200] =	vst v63  }
0x124: {  	s0 =	sld [smem:$0x7CC]  }
0x125: {  	[spmem:s2] =	stream.indirect.scatter.add.f32 [tilespmem:s9], [sflag:$0x2], $0x20, s1, s6, $0xb8;
	[tilespmem:$0xE200] =	vst v63  }
0x126: {  	s1 =	sld [smem:$0x7CD]  }
0x127: {  	[spmem:s2] =	stream.indirect.scatter.add.f32 [tilespmem:s10], [sflag:$0x2], $0x20, s0, s6, $0xb8;
	[tilespmem:$0xE200] =	vst v63  }
0x128: {  	s0 =	sld [smem:$0x7CE]  }
0x129: {  	[spmem:s2] =	stream.indirect.scatter.add.f32 [tilespmem:s11], [sflag:$0x2], $0x20, s1, s6, $0xb8;
	[tilespmem:$0xE200] =	vst v63  }
0x12a: {  	s1 =	sld [smem:$0x7CF]  }
0x12b: {  	[spmem:s2] =	stream.indirect.scatter.add.f32 [tilespmem:s12], [sflag:$0x2], $0x20, s0, s6, $0xb8;
	[tilespmem:$0xE200] =	vst v63  }
0x12c: {  	_ = 	snop  }
0x12d: {  	[spmem:s2] =	stream.indirect.scatter.add.f32 [tilespmem:s13], [sflag:$0x2], $0x20, s1, s6, $0xb8;
	[tilespmem:$0xE200] =	vst v63  }
0x12e: {  	_ =	swait.ge [sflag:s14], $0x1000  }
0x12f: {  	[sflag:s14] =	ssyncset.done $0x0  }
0x130: {  	[sflag:s14] =	ssyncadd.s32 $0xFFFFF000  }
0x131: {  	_ =	swait.ge [sflag:s14], $0x1000  }
0x132: {  	[sflag:s14] =	ssyncset.done $0x0  }
0x133: {  	[sflag:s14] =	ssyncadd.s32 $0xFFFFF000  }
0x134: {  	_ =	swait.ge [sflag:s14], $0x1000  }
0x135: {  	[sflag:s14] =	ssyncset.done $0x0  }
0x136: {  	[sflag:s14] =	ssyncadd.s32 $0xFFFFF000  }
0x137: {  	_ =	swait.ge [sflag:s14], $0x1000  }
0x138: {  	[sflag:s14] =	ssyncset.done $0x0  }
0x139: {  	[sflag:s14] =	ssyncadd.s32 $0xFFFFF000  }
0x13a: {  	_ =	swait.ge [sflag:s14], $0x1000  }
0x13b: {  	[sflag:s14] =	ssyncset.done $0x0  }
0x13c: {  	[sflag:s14] =	ssyncadd.s32 $0xFFFFF000  }
0x13d: {  	_ =	swait.ge [sflag:s8], $0x1000  }
0x13e: {  	[sflag:s8] =	ssyncset.done $0x0  }
0x13f: {  	[sflag:s8] =	ssyncadd.s32 $0xFFFFF000  }
0x140: {  	_ =	swait.ge [sflag:s8], $0x1000  }
0x141: {  	[sflag:s8] =	ssyncset.done $0x0  }
0x142: {  	[sflag:s8] =	ssyncadd.s32 $0xFFFFF000  }
0x143: {  	_ =	swait.ge [sflag:s8], $0x1000  }
0x144: {  	[sflag:s8] =	ssyncset.done $0x0  }
0x145: {  	[sflag:s8] =	ssyncadd.s32 $0xFFFFF000  }
0x146: {  	_ =	swait.ge [sflag:s8], $0x1000  }
0x147: {  	[sflag:s8] =	ssyncset.done $0x0  }
0x148: {  	[sflag:s8] =	ssyncadd.s32 $0xFFFFF000  }
0x149: {  	_ =	swait.ge [sflag:s8], $0x1000  }
0x14a: {  	s0 =	sld [smem:$0x7D0]  }
0x14b: {  	[sflag:s8] =	ssyncset.done $0x0  }
0x14c: {  	s1 =	sld [smem:$0x7D1];
	[sflag:s8] =	ssyncadd.s32 $0xFFFFF000  }
0x14d: {  	[tilespmem:s9], [sflag:$0x1] =	stream.indirect.gather [hbm4b:s7+s6], $0x20, s0, s6, $0xb8;
	[tilespmem:$0xE200] =	vst v63  }
0x14e: {  	s0 =	sld [smem:$0x7D2]  }
0x14f: {  	[tilespmem:s10], [sflag:$0x1] =	stream.indirect.gather [hbm4b:s7+s6], $0x20, s1, s6, $0xb8;
	[tilespmem:$0xE200] =	vst v63  }
0x150: {  	s1 =	sld [smem:$0x7D3]  }
0x151: {  	[tilespmem:s11], [sflag:$0x1] =	stream.indirect.gather [hbm4b:s7+s6], $0x20, s0, s6, $0xb8;
	[tilespmem:$0xE200] =	vst v63  }
0x152: {  	s0 =	sld [smem:$0x7D4]  }
0x153: {  	[tilespmem:s12], [sflag:$0x1] =	stream.indirect.gather [hbm4b:s7+s6], $0x20, s1, s6, $0xb8;
	[tilespmem:$0xE200] =	vst v63  }
0x154: {  	s1 =	sld [smem:$0x7D5]  }
0x155: {  	[tilespmem:s13], [sflag:$0x1] =	stream.indirect.gather [hbm4b:s7+s6], $0x20, s0, s6, $0xb8;
	[tilespmem:$0xE200] =	vst v63  }
0x156: {  	s0 =	sld [smem:$0x7D6]  }
0x157: {  	[spmem:s2] =	stream.indirect.scatter.add.f32 [tilespmem:s15], [sflag:$0x2], $0x20, s1, s6, $0xb8;
	[tilespmem:$0xE200] =	vst v63  }
0x158: {  	s1 =	sld [smem:$0x7D7]  }
0x159: {  	[spmem:s2] =	stream.indirect.scatter.add.f32 [tilespmem:s16], [sflag:$0x2], $0x20, s0, s6, $0xb8;
	[tilespmem:$0xE200] =	vst v63  }
0x15a: {  	s0 =	sld [smem:$0x7D8]  }
0x15b: {  	[spmem:s2] =	stream.indirect.scatter.add.f32 [tilespmem:s17], [sflag:$0x2], $0x20, s1, s6, $0xb8;
	[tilespmem:$0xE200] =	vst v63  }
0x15c: {  	s1 =	sld [smem:$0x7D9]  }
0x15d: {  	[spmem:s2] =	stream.indirect.scatter.add.f32 [tilespmem:s18], [sflag:$0x2], $0x20, s0, s6, $0xb8;
	[tilespmem:$0xE200] =	vst v63  }
0x15e: {  	_ = 	snop  }
0x15f: {  	[spmem:s2] =	stream.indirect.scatter.add.f32 [tilespmem:s24], [sflag:$0x2], $0x20, s1, s6, $0xb8;
	[tilespmem:$0xE200] =	vst v63  }
0x160: {  	_ =	swait.ge [sflag:s14], $0x1000  }
0x161: {  	[sflag:s14] =	ssyncset.done $0x0  }
0x162: {  	[sflag:s14] =	ssyncadd.s32 $0xFFFFF000  }
0x163: {  	_ =	swait.ge [sflag:s14], $0x1000  }
0x164: {  	[sflag:s14] =	ssyncset.done $0x0  }
0x165: {  	[sflag:s14] =	ssyncadd.s32 $0xFFFFF000  }
0x166: {  	_ =	swait.ge [sflag:s14], $0x1000  }
0x167: {  	[sflag:s14] =	ssyncset.done $0x0  }
0x168: {  	[sflag:s14] =	ssyncadd.s32 $0xFFFFF000  }
0x169: {  	_ =	swait.ge [sflag:s14], $0x1000  }
0x16a: {  	[sflag:s14] =	ssyncset.done $0x0  }
0x16b: {  	[sflag:s14] =	ssyncadd.s32 $0xFFFFF000  }
0x16c: {  	_ =	swait.ge [sflag:s14], $0x1000  }
0x16d: {  	[sflag:s14] =	ssyncset.done $0x0  }
0x16e: {  	[sflag:s14] =	ssyncadd.s32 $0xFFFFF000  }
0x16f: {  	_ =	swait.ge [sflag:s8], $0x1000  }
0x170: {  	[sflag:s8] =	ssyncset.done $0x0  }
0x171: {  	[sflag:s8] =	ssyncadd.s32 $0xFFFFF000  }
0x172: {  	_ =	swait.ge [sflag:s8], $0x1000  }
0x173: {  	[sflag:s8] =	ssyncset.done $0x0  }
0x174: {  	[sflag:s8] =	ssyncadd.s32 $0xFFFFF000  }
0x175: {  	_ =	swait.ge [sflag:s8], $0x1000  }
0x176: {  	[sflag:s8] =	ssyncset.done $0x0  }
0x177: {  	[sflag:s8] =	ssyncadd.s32 $0xFFFFF000  }
0x178: {  	_ =	swait.ge [sflag:s8], $0x1000  }
0x179: {  	[sflag:s8] =	ssyncset.done $0x0  }
0x17a: {  	[sflag:s8] =	ssyncadd.s32 $0xFFFFF000  }
0x17b: {  	_ =	swait.ge [sflag:s8], $0x1000  }
0x17c: {  	s0 =	sld [smem:$0x7DA]  }
0x17d: {  	[sflag:s8] =	ssyncset.done $0x0  }
0x17e: {  	s1 =	sld [smem:$0x7DB];
	[sflag:s8] =	ssyncadd.s32 $0xFFFFF000  }
0x17f: {  	[tilespmem:s15], [sflag:$0x1] =	stream.indirect.gather [hbm4b:s7+s6], $0x20, s0, s6, $0xb8;
	[tilespmem:$0xE200] =	vst v63  }
0x180: {  	s0 =	sld [smem:$0x7DC]  }
0x181: {  	[tilespmem:s16], [sflag:$0x1] =	stream.indirect.gather [hbm4b:s7+s6], $0x20, s1, s6, $0xb8;
	[tilespmem:$0xE200] =	vst v63  }
0x182: {  	s1 =	sld [smem:$0x7DD]  }
0x183: {  	[tilespmem:s17], [sflag:$0x1] =	stream.indirect.gather [hbm4b:s7+s6], $0x20, s0, s6, $0xb8;
	[tilespmem:$0xE200] =	vst v63  }
0x184: {  	s0 =	sld [smem:$0x7DE]  }
0x185: {  	[tilespmem:s18], [sflag:$0x1] =	stream.indirect.gather [hbm4b:s7+s6], $0x20, s1, s6, $0xb8;
	[tilespmem:$0xE200] =	vst v63  }
0x186: {  	s1 =	sld [smem:$0x7DF]  }
0x187: {  	[tilespmem:s24], [sflag:$0x1] =	stream.indirect.gather [hbm4b:s7+s6], $0x20, s0, s6, $0xb8;
	[tilespmem:$0xE200] =	vst v63  }
0x188: {  	s0 =	sld [smem:$0x7E0]  }
0x189: {  	[spmem:s2] =	stream.indirect.scatter.add.f32 [tilespmem:s9], [sflag:$0x2], $0x20, s1, s6, $0xb8;
	[tilespmem:$0xE200] =	vst v63  }
0x18a: {  	s1 =	sld [smem:$0x7E1]  }
0x18b: {  	[spmem:s2] =	stream.indirect.scatter.add.f32 [tilespmem:s10], [sflag:$0x2], $0x20, s0, s6, $0xb8;
	[tilespmem:$0xE200] =	vst v63  }
0x18c: {  	s0 =	sld [smem:$0x7E2]  }
0x18d: {  	[spmem:s2] =	stream.indirect.scatter.add.f32 [tilespmem:s11], [sflag:$0x2], $0x20, s1, s6, $0xb8;
	[tilespmem:$0xE200] =	vst v63  }
0x18e: {  	s1 =	sld [smem:$0x7E3]  }
0x18f: {  	[spmem:s2] =	stream.indirect.scatter.add.f32 [tilespmem:s12], [sflag:$0x2], $0x20, s0, s6, $0xb8;
	[tilespmem:$0xE200] =	vst v63  }
0x190: {  	_ = 	snop  }
0x191: {  	[spmem:s2] =	stream.indirect.scatter.add.f32 [tilespmem:s13], [sflag:$0x2], $0x20, s1, s6, $0xb8;
	[tilespmem:$0xE200] =	vst v63  }
0x192: {  	_ =	swait.ge [sflag:s14], $0x1000  }
0x193: {  	[sflag:s14] =	ssyncset.done $0x0  }
0x194: {  	[sflag:s14] =	ssyncadd.s32 $0xFFFFF000  }
0x195: {  	_ =	swait.ge [sflag:s14], $0x1000  }
0x196: {  	[sflag:s14] =	ssyncset.done $0x0  }
0x197: {  	[sflag:s14] =	ssyncadd.s32 $0xFFFFF000  }
0x198: {  	_ =	swait.ge [sflag:s14], $0x1000  }
0x199: {  	[sflag:s14] =	ssyncset.done $0x0  }
0x19a: {  	[sflag:s14] =	ssyncadd.s32 $0xFFFFF000  }
0x19b: {  	_ =	swait.ge [sflag:s14], $0x1000  }
0x19c: {  	[sflag:s14] =	ssyncset.done $0x0  }
0x19d: {  	[sflag:s14] =	ssyncadd.s32 $0xFFFFF000  }
0x19e: {  	_ =	swait.ge [sflag:s14], $0x1000  }
0x19f: {  	[sflag:s14] =	ssyncset.done $0x0  }
0x1a0: {  	[sflag:s14] =	ssyncadd.s32 $0xFFFFF000  }
0x1a1: {  	_ =	swait.ge [sflag:s8], $0x1000  }
0x1a2: {  	[sflag:s8] =	ssyncset.done $0x0  }
0x1a3: {  	[sflag:s8] =	ssyncadd.s32 $0xFFFFF000  }
0x1a4: {  	_ =	swait.ge [sflag:s8], $0x1000  }
0x1a5: {  	[sflag:s8] =	ssyncset.done $0x0  }
0x1a6: {  	[sflag:s8] =	ssyncadd.s32 $0xFFFFF000  }
0x1a7: {  	_ =	swait.ge [sflag:s8], $0x1000  }
0x1a8: {  	[sflag:s8] =	ssyncset.done $0x0  }
0x1a9: {  	[sflag:s8] =	ssyncadd.s32 $0xFFFFF000  }
0x1aa: {  	_ =	swait.ge [sflag:s8], $0x1000  }
0x1ab: {  	[sflag:s8] =	ssyncset.done $0x0  }
0x1ac: {  	[sflag:s8] =	ssyncadd.s32 $0xFFFFF000  }
0x1ad: {  	_ =	swait.ge [sflag:s8], $0x1000  }
0x1ae: {  	s0 =	sld [smem:$0x7E4]  }
0x1af: {  	[sflag:s8] =	ssyncset.done $0x0  }
0x1b0: {  	s1 =	sld [smem:$0x7E5];
	[sflag:s8] =	ssyncadd.s32 $0xFFFFF000  }
0x1b1: {  	[tilespmem:s9], [sflag:$0x1] =	stream.indirect.gather [hbm4b:s7+s6], $0x20, s0, s6, $0xb8;
	[tilespmem:$0xE200] =	vst v63  }
0x1b2: {  	s0 =	sld [smem:$0x7E6]  }
0x1b3: {  	[tilespmem:s10], [sflag:$0x1] =	stream.indirect.gather [hbm4b:s7+s6], $0x20, s1, s6, $0xb8;
	[tilespmem:$0xE200] =	vst v63  }
0x1b4: {  	s1 =	sld [smem:$0x7E7]  }
0x1b5: {  	[tilespmem:s11], [sflag:$0x1] =	stream.indirect.gather [hbm4b:s7+s6], $0x20, s0, s6, $0xb8;
	[tilespmem:$0xE200] =	vst v63  }
0x1b6: {  	s0 =	sld [smem:$0x7E8]  }
0x1b7: {  	[tilespmem:s12], [sflag:$0x1] =	stream.indirect.gather [hbm4b:s7+s6], $0x20, s1, s6, $0xb8;
	[tilespmem:$0xE200] =	vst v63  }
0x1b8: {  	s1 =	sld [smem:$0x7E9]  }
0x1b9: {  	[tilespmem:s13], [sflag:$0x1] =	stream.indirect.gather [hbm4b:s7+s6], $0x20, s0, s6, $0xb8;
	[tilespmem:$0xE200] =	vst v63  }
0x1ba: {  	s0 =	sld [smem:$0x7EA]  }
0x1bb: {  	[spmem:s2] =	stream.indirect.scatter.add.f32 [tilespmem:s15], [sflag:$0x2], $0x20, s1, s6, $0xb8;
	[tilespmem:$0xE200] =	vst v63  }
0x1bc: {  	s1 =	sld [smem:$0x7EB]  }
0x1bd: {  	[spmem:s2] =	stream.indirect.scatter.add.f32 [tilespmem:s16], [sflag:$0x2], $0x20, s0, s6, $0xb8;
	[tilespmem:$0xE200] =	vst v63  }
0x1be: {  	s0 =	sld [smem:$0x7EC]  }
0x1bf: {  	[spmem:s2] =	stream.indirect.scatter.add.f32 [tilespmem:s17], [sflag:$0x2], $0x20, s1, s6, $0xb8;
	[tilespmem:$0xE200] =	vst v63  }
0x1c0: {  	s1 =	sld [smem:$0x7ED]  }
0x1c1: {  	[spmem:s2] =	stream.indirect.scatter.add.f32 [tilespmem:s18], [sflag:$0x2], $0x20, s0, s6, $0xb8;
	[tilespmem:$0xE200] =	vst v63  }
0x1c2: {  	_ = 	snop  }
0x1c3: {  	[spmem:s2] =	stream.indirect.scatter.add.f32 [tilespmem:s24], [sflag:$0x2], $0x20, s1, s6, $0xb8;
	[tilespmem:$0xE200] =	vst v63  }
0x1c4: {  	_ =	swait.ge [sflag:s14], $0x1000  }
0x1c5: {  	[sflag:s14] =	ssyncset.done $0x0  }
0x1c6: {  	[sflag:s14] =	ssyncadd.s32 $0xFFFFF000  }
0x1c7: {  	_ =	swait.ge [sflag:s14], $0x1000  }
0x1c8: {  	[sflag:s14] =	ssyncset.done $0x0  }
0x1c9: {  	[sflag:s14] =	ssyncadd.s32 $0xFFFFF000  }
0x1ca: {  	_ =	swait.ge [sflag:s14], $0x1000  }
0x1cb: {  	[sflag:s14] =	ssyncset.done $0x0  }
0x1cc: {  	[sflag:s14] =	ssyncadd.s32 $0xFFFFF000  }
0x1cd: {  	_ =	swait.ge [sflag:s14], $0x1000  }
0x1ce: {  	[sflag:s14] =	ssyncset.done $0x0  }
0x1cf: {  	[sflag:s14] =	ssyncadd.s32 $0xFFFFF000  }
0x1d0: {  	_ =	swait.ge [sflag:s14], $0x1000  }
0x1d1: {  	[sflag:s14] =	ssyncset.done $0x0  }
0x1d2: {  	[sflag:s14] =	ssyncadd.s32 $0xFFFFF000  }
0x1d3: {  	_ =	swait.ge [sflag:s8], $0x1000  }
0x1d4: {  	[sflag:s8] =	ssyncset.done $0x0  }
0x1d5: {  	[sflag:s8] =	ssyncadd.s32 $0xFFFFF000  }
0x1d6: {  	_ =	swait.ge [sflag:s8], $0x1000  }
0x1d7: {  	[sflag:s8] =	ssyncset.done $0x0  }
0x1d8: {  	[sflag:s8] =	ssyncadd.s32 $0xFFFFF000  }
0x1d9: {  	_ =	swait.ge [sflag:s8], $0x1000  }
0x1da: {  	[sflag:s8] =	ssyncset.done $0x0  }
0x1db: {  	[sflag:s8] =	ssyncadd.s32 $0xFFFFF000  }
0x1dc: {  	_ =	swait.ge [sflag:s8], $0x1000  }
0x1dd: {  	[sflag:s8] =	ssyncset.done $0x0  }
0x1de: {  	[sflag:s8] =	ssyncadd.s32 $0xFFFFF000  }
0x1df: {  	_ =	swait.ge [sflag:s8], $0x1000  }
0x1e0: {  	s0 =	sld [smem:$0x7EE]  }
0x1e1: {  	[sflag:s8] =	ssyncset.done $0x0  }
0x1e2: {  	s1 =	sld [smem:$0x7EF];
	[sflag:s8] =	ssyncadd.s32 $0xFFFFF000  }
0x1e3: {  	[tilespmem:s15], [sflag:$0x1] =	stream.indirect.gather [hbm4b:s7+s6], $0x20, s0, s6, $0xb8;
	[tilespmem:$0xE200] =	vst v63  }
0x1e4: {  	s0 =	sld [smem:$0x7F0]  }
0x1e5: {  	[tilespmem:s16], [sflag:$0x1] =	stream.indirect.gather [hbm4b:s7+s6], $0x20, s1, s6, $0xb8;
	[tilespmem:$0xE200] =	vst v63  }
0x1e6: {  	s1 =	sld [smem:$0x7F1]  }
0x1e7: {  	[tilespmem:s17], [sflag:$0x1] =	stream.indirect.gather [hbm4b:s7+s6], $0x20, s0, s6, $0xb8;
	[tilespmem:$0xE200] =	vst v63  }
0x1e8: {  	s0 =	sld [smem:$0x7F2]  }
0x1e9: {  	[tilespmem:s18], [sflag:$0x1] =	stream.indirect.gather [hbm4b:s7+s6], $0x20, s1, s6, $0xb8;
	[tilespmem:$0xE200] =	vst v63  }
0x1ea: {  	s1 =	sld [smem:$0x7F3]  }
0x1eb: {  	[tilespmem:s24], [sflag:$0x1] =	stream.indirect.gather [hbm4b:s7+s6], $0x20, s0, s6, $0xb8;
	[tilespmem:$0xE200] =	vst v63  }
0x1ec: {  	s0 =	sld [smem:$0x7F4]  }
0x1ed: {  	[spmem:s2] =	stream.indirect.scatter.add.f32 [tilespmem:s9], [sflag:$0x2], $0x20, s1, s6, $0xb8;
	[tilespmem:$0xE200] =	vst v63  }
0x1ee: {  	s1 =	sld [smem:$0x7F5]  }
0x1ef: {  	[spmem:s2] =	stream.indirect.scatter.add.f32 [tilespmem:s10], [sflag:$0x2], $0x20, s0, s6, $0xb8;
	[tilespmem:$0xE200] =	vst v63  }
0x1f0: {  	s0 =	sld [smem:$0x7F6]  }
0x1f1: {  	[spmem:s2] =	stream.indirect.scatter.add.f32 [tilespmem:s11], [sflag:$0x2], $0x20, s1, s6, $0xb8;
	[tilespmem:$0xE200] =	vst v63  }
0x1f2: {  	s1 =	sld [smem:$0x7F7]  }
0x1f3: {  	[spmem:s2] =	stream.indirect.scatter.add.f32 [tilespmem:s12], [sflag:$0x2], $0x20, s0, s6, $0xb8;
	[tilespmem:$0xE200] =	vst v63  }
0x1f4: {  	_ = 	snop  }
0x1f5: {  	[spmem:s2] =	stream.indirect.scatter.add.f32 [tilespmem:s13], [sflag:$0x2], $0x20, s1, s6, $0xb8;
	[tilespmem:$0xE200] =	vst v63  }
0x1f6: {  	_ =	swait.ge [sflag:s14], $0x1000  }
0x1f7: {  	[sflag:s14] =	ssyncset.done $0x0  }
0x1f8: {  	[sflag:s14] =	ssyncadd.s32 $0xFFFFF000  }
0x1f9: {  	_ =	swait.ge [sflag:s14], $0x1000  }
0x1fa: {  	[sflag:s14] =	ssyncset.done $0x0  }
0x1fb: {  	[sflag:s14] =	ssyncadd.s32 $0xFFFFF000  }
0x1fc: {  	_ =	swait.ge [sflag:s14], $0x1000  }
0x1fd: {  	[sflag:s14] =	ssyncset.done $0x0  }
0x1fe: {  	[sflag:s14] =	ssyncadd.s32 $0xFFFFF000  }
0x1ff: {  	_ =	swait.ge [sflag:s14], $0x1000  }
0x200: {  	[sflag:s14] =	ssyncset.done $0x0  }
0x201: {  	[sflag:s14] =	ssyncadd.s32 $0xFFFFF000  }
0x202: {  	_ =	swait.ge [sflag:s14], $0x1000  }
0x203: {  	[sflag:s14] =	ssyncset.done $0x0  }
0x204: {  	[sflag:s14] =	ssyncadd.s32 $0xFFFFF000  }
0x205: {  	_ =	swait.ge [sflag:s8], $0x1000  }
0x206: {  	[sflag:s8] =	ssyncset.done $0x0  }
0x207: {  	[sflag:s8] =	ssyncadd.s32 $0xFFFFF000  }
0x208: {  	_ =	swait.ge [sflag:s8], $0x1000  }
0x209: {  	[sflag:s8] =	ssyncset.done $0x0  }
0x20a: {  	[sflag:s8] =	ssyncadd.s32 $0xFFFFF000  }
0x20b: {  	_ =	swait.ge [sflag:s8], $0x1000  }
0x20c: {  	[sflag:s8] =	ssyncset.done $0x0  }
0x20d: {  	[sflag:s8] =	ssyncadd.s32 $0xFFFFF000  }
0x20e: {  	_ =	swait.ge [sflag:s8], $0x1000  }
0x20f: {  	[sflag:s8] =	ssyncset.done $0x0  }
0x210: {  	[sflag:s8] =	ssyncadd.s32 $0xFFFFF000  }
0x211: {  	_ =	swait.ge [sflag:s8], $0x1000  }
0x212: {  	s0 =	sld [smem:$0x7F8]  }
0x213: {  	[sflag:s8] =	ssyncset.done $0x0  }
0x214: {  	s1 =	sld [smem:$0x7F9];
	[sflag:s8] =	ssyncadd.s32 $0xFFFFF000  }
0x215: {  	[tilespmem:s9], [sflag:$0x1] =	stream.indirect.gather [hbm4b:s7+s6], $0x20, s0, s6, $0xb8;
	[tilespmem:$0xE200] =	vst v63  }
0x216: {  	s0 =	sld [smem:$0x7FA]  }
0x217: {  	[tilespmem:s10], [sflag:$0x1] =	stream.indirect.gather [hbm4b:s7+s6], $0x20, s1, s6, $0xb8;
	[tilespmem:$0xE200] =	vst v63  }
0x218: {  	s1 =	sld [smem:$0x7FB]  }
0x219: {  	[tilespmem:s11], [sflag:$0x1] =	stream.indirect.gather [hbm4b:s7+s6], $0x20, s0, s6, $0xb8;
	[tilespmem:$0xE200] =	vst v63  }
0x21a: {  	s0 =	sld [smem:$0x7FC]  }
0x21b: {  	[tilespmem:s12], [sflag:$0x1] =	stream.indirect.gather [hbm4b:s7+s6], $0x20, s1, s6, $0xb8;
	[tilespmem:$0xE200] =	vst v63  }
0x21c: {  	s1 =	sld [smem:$0x7FD]  }
0x21d: {  	[tilespmem:s13], [sflag:$0x1] =	stream.indirect.gather [hbm4b:s7+s6], $0x20, s0, s6, $0xb8;
	[tilespmem:$0xE200] =	vst v63  }
0x21e: {  	_ = 	snop  }
0x21f: {  	[spmem:s2] =	stream.indirect.scatter.add.f32 [tilespmem:s15], [sflag:$0x2], $0x20, s1, s6, $0xb8;
	[tilespmem:$0xE200] =	vst v63  }
0x220: {  	s1 =	simm.s32 $0x2D80  }
0x221: {  	[spmem:s2] =	stream.indirect.scatter.add.f32 [tilespmem:s16], [sflag:$0x2], $0x20, s1, s6, $0xb8;
	[tilespmem:$0xE200] =	vst v63  }
0x222: {  	_ = 	snop  }
0x223: {  	[spmem:s2] =	stream.indirect.scatter.add.f32 [tilespmem:s17], [sflag:$0x2], $0x20, s28, s6, $0xb8;
	[tilespmem:$0xE200] =	vst v63  }
0x224: {  	_ = 	snop  }
0x225: {  	[spmem:s2] =	stream.indirect.scatter.add.f32 [tilespmem:s18], [sflag:$0x2], $0x20, s29, s6, $0xb8;
	[tilespmem:$0xE200] =	vst v63  }
0x226: {  	_ = 	snop  }
0x227: {  	[spmem:s2] =	stream.indirect.scatter.add.f32 [tilespmem:s24], [sflag:$0x2], $0x20, s26, s6, $0xb8;
	[tilespmem:$0xE200] =	vst v63  }
0x228: {  	_ =	swait.ge [sflag:s14], $0x1000  }
0x229: {  	[sflag:s14] =	ssyncset.done $0x0  }
0x22a: {  	[sflag:s14] =	ssyncadd.s32 $0xFFFFF000  }
0x22b: {  	_ =	swait.ge [sflag:s14], $0x1000  }
0x22c: {  	[sflag:s14] =	ssyncset.done $0x0  }
0x22d: {  	[sflag:s14] =	ssyncadd.s32 $0xFFFFF000  }
0x22e: {  	_ =	swait.ge [sflag:s14], $0x1000  }
0x22f: {  	[sflag:s14] =	ssyncset.done $0x0  }
0x230: {  	[sflag:s14] =	ssyncadd.s32 $0xFFFFF000  }
0x231: {  	_ =	swait.ge [sflag:s14], $0x1000  }
0x232: {  	[sflag:s14] =	ssyncset.done $0x0  }
0x233: {  	[sflag:s14] =	ssyncadd.s32 $0xFFFFF000  }
0x234: {  	_ =	swait.ge [sflag:s14], $0x1000  }
0x235: {  	[sflag:s14] =	ssyncset.done $0x0  }
0x236: {  	[sflag:s14] =	ssyncadd.s32 $0xFFFFF000  }
0x237: {  	_ =	swait.ge [sflag:s8], $0x1000  }
0x238: {  	[sflag:s8] =	ssyncset.done $0x0  }
0x239: {  	[sflag:s8] =	ssyncadd.s32 $0xFFFFF000  }
0x23a: {  	_ =	swait.ge [sflag:s8], $0x1000  }
0x23b: {  	[sflag:s8] =	ssyncset.done $0x0  }
0x23c: {  	[sflag:s8] =	ssyncadd.s32 $0xFFFFF000  }
0x23d: {  	_ =	swait.ge [sflag:s8], $0x1000  }
0x23e: {  	[sflag:s8] =	ssyncset.done $0x0  }
0x23f: {  	[sflag:s8] =	ssyncadd.s32 $0xFFFFF000  }
0x240: {  	_ =	swait.ge [sflag:s8], $0x1000  }
0x241: {  	[sflag:s8] =	ssyncset.done $0x0  }
0x242: {  	[sflag:s8] =	ssyncadd.s32 $0xFFFFF000  }
0x243: {  	_ =	swait.ge [sflag:s8], $0x1000  }
0x244: {  	[sflag:s8] =	ssyncset.done $0x0  }
0x245: {  	[sflag:s8] =	ssyncadd.s32 $0xFFFFF000  }
0x246: {  	[spmem:s2] =	stream.indirect.scatter.add.f32 [tilespmem:s9], [sflag:$0x2], $0x20, s20, s6, $0xb8;
	[tilespmem:$0xE200] =	vst v63  }
0x247: {  	_ = 	snop  }
0x248: {  	[spmem:s2] =	stream.indirect.scatter.add.f32 [tilespmem:s10], [sflag:$0x2], $0x20, s21, s6, $0xb8;
	[tilespmem:$0xE200] =	vst v63  }
0x249: {  	_ = 	snop  }
0x24a: {  	[spmem:s2] =	stream.indirect.scatter.add.f32 [tilespmem:s11], [sflag:$0x2], $0x20, s22, s6, $0xb8;
	[tilespmem:$0xE200] =	vst v63  }
0x24b: {  	_ = 	snop  }
0x24c: {  	[spmem:s2] =	stream.indirect.scatter.add.f32 [tilespmem:s12], [sflag:$0x2], $0x20, s23, s6, $0xb8;
	[tilespmem:$0xE200] =	vst v63  }
0x24d: {  	_ = 	snop  }
0x24e: {  	[spmem:s2] =	stream.indirect.scatter.add.f32 [tilespmem:s13], [sflag:$0x2], $0x20, s25, s6, $0xb8;
	[tilespmem:$0xE200] =	vst v63  }
0x24f: {  	_ =	swait.ge [sflag:s8], $0x1000  }
0x250: {  	[sflag:s8] =	ssyncset.done $0x0  }
0x251: {  	[sflag:s8] =	ssyncadd.s32 $0xFFFFF000  }
0x252: {  	_ =	swait.ge [sflag:s8], $0x1000  }
0x253: {  	[sflag:s8] =	ssyncset.done $0x0  }
0x254: {  	[sflag:s8] =	ssyncadd.s32 $0xFFFFF000  }
0x255: {  	_ =	swait.ge [sflag:s8], $0x1000  }
0x256: {  	[sflag:s8] =	ssyncset.done $0x0  }
0x257: {  	[sflag:s8] =	ssyncadd.s32 $0xFFFFF000  }
0x258: {  	_ =	swait.ge [sflag:s8], $0x1000  }
0x259: {  	[sflag:s8] =	ssyncset.done $0x0  }
0x25a: {  	[sflag:s8] =	ssyncadd.s32 $0xFFFFF000  }
0x25b: {  	p1 =	sne.s32 s19, $0x1;
	_ =	swait.ge [sflag:s8], $0x1000  }
.Ltmp1:
0x25c: {  	[sflag:s8] =	ssyncset.done $0x0;
	(pc) =	sbr.rel @!p1 .LBB2_3-.Ltmp1, $4  }
0x25d: {  	s1 =	rddreg [dreg:$0x7];
	[sflag:s8] =	ssyncadd.s32 $0xFFFFF000  }
0x25e: {  	[hbm:s1], [sflag:s4] =	dma.local [spmem:s5], $0x200  }
0x25f: {  	p0 =	por $0x1, $0x1;
	_ =	swait.ge [sflag:s3], $0x200  }
0x260: {  	s1 =	sadd.s32 $0xFFFFFFFF, s19;
	s0 =	rddreg [dreg:$0x5];
	[sflag:s3] =	ssyncset.done $0x0  }
.LBB2_4:
0x261: {  	[sflag:s3] =	ssyncadd.s32 $0xFFFFFE00  }
0x262: {  	[tilespmem:s30], [sflag:$0x3] =	stream.linear.gather [hbm4b:s0+s30], $0x1900, $0x38;
	[tilespmem:$0xE200] =	vst v63  }
0x263: {  	_ =	swait.ge [sflag:s3], $0x1900  }
0x264: {  	[sflag:s3] =	ssyncset.done $0x0  }
0x265: {  	s19 =	rddreg [dreg:$0x6];
	[sflag:s3] =	ssyncadd.s32 $0xFFFFE700  }
0x266: {  	[tilespmem:s31], [sflag:$0x3] =	stream.linear.gather [hbm4b:s19+s30], $0x1900, $0x38;
	[tilespmem:$0xE200] =	vst v63  }
0x267: {  	_ =	swait.ge [sflag:s3], $0x1900  }
0x268: {  	[sflag:s3] =	ssyncset.done $0x0  }
0x269: {  	s19 =	rddreg [dreg:$0x4];
	[sflag:s3] =	ssyncadd.s32 $0xFFFFE700  }
0x26a: {  	[spmem:s5], [sflag:s4] =	dma.local [hbm:s19], $0x200  }
0x26b: {  	_ =	swait.ge [sflag:s3], $0x200  }
0x26c: {  	[sflag:s3] =	ssyncset.done $0x0  }
0x26d: {  	[sflag:s3] =	ssyncadd.s32 $0xFFFFFE00  }
0x26e: {  	[tilespmem:s15], [sflag:$0x1] =	stream.indirect.gather [hbm4b:s7+s6], $0x20, s30, s6, $0xb8;
	[tilespmem:$0xE200] =	vst v63  }
0x26f: {  	_ = 	snop  }
0x270: {  	[tilespmem:s16], [sflag:$0x1] =	stream.indirect.gather [hbm4b:s7+s6], $0x20, s6, s6, $0xb8;
	[tilespmem:$0xE200] =	vst v63  }
0x271: {  	s0 =	rddreg [dreg:$0x8]  }
0x272: {  	[tilespmem:s17], [sflag:$0x1] =	stream.indirect.gather [hbm4b:s7+s6], $0x20, s0, s6, $0xb8;
	[tilespmem:$0xE200] =	vst v63  }
0x273: {  	s19 =	rddreg [dreg:$0x9]  }
0x274: {  	[tilespmem:s18], [sflag:$0x1] =	stream.indirect.gather [hbm4b:s7+s6], $0x20, s19, s6, $0xb8;
	[tilespmem:$0xE200] =	vst v63  }
0x275: {  	s0 =	rddreg [dreg:$0xa]  }
0x276: {  	[tilespmem:s24], [sflag:$0x1] =	stream.indirect.gather [hbm4b:s7+s6], $0x20, s0, s6, $0xb8;
	[tilespmem:$0xE200] =	vst v63  }
0x277: {  	_ =	swait.ge [sflag:s14], $0x1000  }
0x278: {  	[sflag:s14] =	ssyncset.done $0x0  }
0x279: {  	[sflag:s14] =	ssyncadd.s32 $0xFFFFF000  }
0x27a: {  	_ =	swait.ge [sflag:s14], $0x1000  }
0x27b: {  	[sflag:s14] =	ssyncset.done $0x0  }
0x27c: {  	[sflag:s14] =	ssyncadd.s32 $0xFFFFF000  }
0x27d: {  	_ =	swait.ge [sflag:s14], $0x1000  }
0x27e: {  	[sflag:s14] =	ssyncset.done $0x0  }
0x27f: {  	[sflag:s14] =	ssyncadd.s32 $0xFFFFF000  }
0x280: {  	_ =	swait.ge [sflag:s14], $0x1000  }
0x281: {  	[sflag:s14] =	ssyncset.done $0x0  }
0x282: {  	[sflag:s14] =	ssyncadd.s32 $0xFFFFF000  }
0x283: {  	_ =	swait.ge [sflag:s14], $0x1000  }
0x284: {  	[sflag:s14] =	ssyncset.done $0x0  }
0x285: {  	s0 =	rddreg [dreg:$0xb];
	[sflag:s14] =	ssyncadd.s32 $0xFFFFF000  }
0x286: {  	[tilespmem:s9], [sflag:$0x1] =	stream.indirect.gather [hbm4b:s7+s6], $0x20, s0, s6, $0xb8;
	[tilespmem:$0xE200] =	vst v63  }
0x287: {  	s19 =	rddreg [dreg:$0xc]  }
0x288: {  	[tilespmem:s10], [sflag:$0x1] =	stream.indirect.gather [hbm4b:s7+s6], $0x20, s19, s6, $0xb8;
	[tilespmem:$0xE200] =	vst v63  }
0x289: {  	s0 =	rddreg [dreg:$0xd]  }
0x28a: {  	[tilespmem:s11], [sflag:$0x1] =	stream.indirect.gather [hbm4b:s7+s6], $0x20, s0, s6, $0xb8;
	[tilespmem:$0xE200] =	vst v63  }
0x28b: {  	s19 =	rddreg [dreg:$0xe]  }
0x28c: {  	[tilespmem:s12], [sflag:$0x1] =	stream.indirect.gather [hbm4b:s7+s6], $0x20, s19, s6, $0xb8;
	[tilespmem:$0xE200] =	vst v63  }
0x28d: {  	s0 =	rddreg [dreg:$0xf]  }
0x28e: {  	[tilespmem:s13], [sflag:$0x1] =	stream.indirect.gather [hbm4b:s7+s6], $0x20, s0, s6, $0xb8;
	[tilespmem:$0xE200] =	vst v63  }
0x28f: {  	_ = 	snop  }
0x290: {  	[spmem:s2] =	stream.indirect.scatter.add.f32 [tilespmem:s15], [sflag:$0x2], $0x20, s31, s6, $0xb8;
	[tilespmem:$0xE200] =	vst v63  }
0x291: {  	s0 =	rddreg [dreg:$0x10]  }
0x292: {  	[spmem:s2] =	stream.indirect.scatter.add.f32 [tilespmem:s16], [sflag:$0x2], $0x20, s0, s6, $0xb8;
	[tilespmem:$0xE200] =	vst v63  }
0x293: {  	s19 =	rddreg [dreg:$0x11]  }
0x294: {  	[spmem:s2] =	stream.indirect.scatter.add.f32 [tilespmem:s17], [sflag:$0x2], $0x20, s19, s6, $0xb8;
	[tilespmem:$0xE200] =	vst v63  }
0x295: {  	s0 =	rddreg [dreg:$0x12]  }
0x296: {  	[spmem:s2] =	stream.indirect.scatter.add.f32 [tilespmem:s18], [sflag:$0x2], $0x20, s0, s6, $0xb8;
	[tilespmem:$0xE200] =	vst v63  }
0x297: {  	s19 =	rddreg [dreg:$0x13]  }
0x298: {  	[spmem:s2] =	stream.indirect.scatter.add.f32 [tilespmem:s24], [sflag:$0x2], $0x20, s19, s6, $0xb8;
	[tilespmem:$0xE200] =	vst v63  }
0x299: {  	_ =	swait.ge [sflag:s14], $0x1000  }
0x29a: {  	[sflag:s14] =	ssyncset.done $0x0  }
0x29b: {  	[sflag:s14] =	ssyncadd.s32 $0xFFFFF000  }
0x29c: {  	_ =	swait.ge [sflag:s14], $0x1000  }
0x29d: {  	[sflag:s14] =	ssyncset.done $0x0  }
0x29e: {  	[sflag:s14] =	ssyncadd.s32 $0xFFFFF000  }
0x29f: {  	_ =	swait.ge [sflag:s14], $0x1000  }
0x2a0: {  	[sflag:s14] =	ssyncset.done $0x0  }
0x2a1: {  	[sflag:s14] =	ssyncadd.s32 $0xFFFFF000  }
0x2a2: {  	_ =	swait.ge [sflag:s14], $0x1000  }
0x2a3: {  	[sflag:s14] =	ssyncset.done $0x0  }
0x2a4: {  	[sflag:s14] =	ssyncadd.s32 $0xFFFFF000  }
0x2a5: {  	_ =	swait.ge [sflag:s14], $0x1000  }
0x2a6: {  	[sflag:s14] =	ssyncset.done $0x0  }
0x2a7: {  	[sflag:s14] =	ssyncadd.s32 $0xFFFFF000  }
0x2a8: {  	_ =	swait.ge [sflag:s8], $0x1000  }
0x2a9: {  	[sflag:s8] =	ssyncset.done $0x0  }
0x2aa: {  	[sflag:s8] =	ssyncadd.s32 $0xFFFFF000  }
0x2ab: {  	_ =	swait.ge [sflag:s8], $0x1000  }
0x2ac: {  	[sflag:s8] =	ssyncset.done $0x0  }
0x2ad: {  	[sflag:s8] =	ssyncadd.s32 $0xFFFFF000  }
0x2ae: {  	_ =	swait.ge [sflag:s8], $0x1000  }
0x2af: {  	[sflag:s8] =	ssyncset.done $0x0  }
0x2b0: {  	[sflag:s8] =	ssyncadd.s32 $0xFFFFF000  }
0x2b1: {  	_ =	swait.ge [sflag:s8], $0x1000  }
0x2b2: {  	[sflag:s8] =	ssyncset.done $0x0  }
0x2b3: {  	[sflag:s8] =	ssyncadd.s32 $0xFFFFF000  }
0x2b4: {  	_ =	swait.ge [sflag:s8], $0x1000  }
0x2b5: {  	[sflag:s8] =	ssyncset.done $0x0  }
0x2b6: {  	s0 =	rddreg [dreg:$0x14];
	[sflag:s8] =	ssyncadd.s32 $0xFFFFF000  }
0x2b7: {  	[tilespmem:s15], [sflag:$0x1] =	stream.indirect.gather [hbm4b:s7+s6], $0x20, s0, s6, $0xb8;
	[tilespmem:$0xE200] =	vst v63  }
0x2b8: {  	s19 =	rddreg [dreg:$0x15]  }
0x2b9: {  	[tilespmem:s16], [sflag:$0x1] =	stream.indirect.gather [hbm4b:s7+s6], $0x20, s19, s6, $0xb8;
	[tilespmem:$0xE200] =	vst v63  }
0x2ba: {  	s0 =	rddreg [dreg:$0x16]  }
0x2bb: {  	[tilespmem:s17], [sflag:$0x1] =	stream.indirect.gather [hbm4b:s7+s6], $0x20, s0, s6, $0xb8;
	[tilespmem:$0xE200] =	vst v63  }
0x2bc: {  	s19 =	rddreg [dreg:$0x17]  }
0x2bd: {  	[tilespmem:s18], [sflag:$0x1] =	stream.indirect.gather [hbm4b:s7+s6], $0x20, s19, s6, $0xb8;
	[tilespmem:$0xE200] =	vst v63  }
0x2be: {  	s0 =	rddreg [dreg:$0x18]  }
0x2bf: {  	[tilespmem:s24], [sflag:$0x1] =	stream.indirect.gather [hbm4b:s7+s6], $0x20, s0, s6, $0xb8;
	[tilespmem:$0xE200] =	vst v63  }
0x2c0: {  	s19 =	rddreg [dreg:$0x19]  }
0x2c1: {  	[spmem:s2] =	stream.indirect.scatter.add.f32 [tilespmem:s9], [sflag:$0x2], $0x20, s19, s6, $0xb8;
	[tilespmem:$0xE200] =	vst v63  }
0x2c2: {  	s0 =	rddreg [dreg:$0x1a]  }
0x2c3: {  	[spmem:s2] =	stream.indirect.scatter.add.f32 [tilespmem:s10], [sflag:$0x2], $0x20, s0, s6, $0xb8;
	[tilespmem:$0xE200] =	vst v63  }
0x2c4: {  	s19 =	rddreg [dreg:$0x1b]  }
0x2c5: {  	[spmem:s2] =	stream.indirect.scatter.add.f32 [tilespmem:s11], [sflag:$0x2], $0x20, s19, s6, $0xb8;
	[tilespmem:$0xE200] =	vst v63  }
0x2c6: {  	s0 =	rddreg [dreg:$0x1c]  }
0x2c7: {  	[spmem:s2] =	stream.indirect.scatter.add.f32 [tilespmem:s12], [sflag:$0x2], $0x20, s0, s6, $0xb8;
	[tilespmem:$0xE200] =	vst v63  }
0x2c8: {  	s19 =	rddreg [dreg:$0x1d]  }
0x2c9: {  	[spmem:s2] =	stream.indirect.scatter.add.f32 [tilespmem:s13], [sflag:$0x2], $0x20, s19, s6, $0xb8;
	[tilespmem:$0xE200] =	vst v63  }
0x2ca: {  	_ =	swait.ge [sflag:s14], $0x1000  }
0x2cb: {  	[sflag:s14] =	ssyncset.done $0x0  }
0x2cc: {  	[sflag:s14] =	ssyncadd.s32 $0xFFFFF000  }
0x2cd: {  	_ =	swait.ge [sflag:s14], $0x1000  }
0x2ce: {  	[sflag:s14] =	ssyncset.done $0x0  }
0x2cf: {  	[sflag:s14] =	ssyncadd.s32 $0xFFFFF000  }
0x2d0: {  	_ =	swait.ge [sflag:s14], $0x1000  }
0x2d1: {  	[sflag:s14] =	ssyncset.done $0x0  }
0x2d2: {  	[sflag:s14] =	ssyncadd.s32 $0xFFFFF000  }
0x2d3: {  	_ =	swait.ge [sflag:s14], $0x1000  }
0x2d4: {  	[sflag:s14] =	ssyncset.done $0x0  }
0x2d5: {  	[sflag:s14] =	ssyncadd.s32 $0xFFFFF000  }
0x2d6: {  	_ =	swait.ge [sflag:s14], $0x1000  }
0x2d7: {  	[sflag:s14] =	ssyncset.done $0x0  }
0x2d8: {  	[sflag:s14] =	ssyncadd.s32 $0xFFFFF000  }
0x2d9: {  	_ =	swait.ge [sflag:s8], $0x1000  }
0x2da: {  	[sflag:s8] =	ssyncset.done $0x0  }
0x2db: {  	[sflag:s8] =	ssyncadd.s32 $0xFFFFF000  }
0x2dc: {  	_ =	swait.ge [sflag:s8], $0x1000  }
0x2dd: {  	[sflag:s8] =	ssyncset.done $0x0  }
0x2de: {  	[sflag:s8] =	ssyncadd.s32 $0xFFFFF000  }
0x2df: {  	_ =	swait.ge [sflag:s8], $0x1000  }
0x2e0: {  	[sflag:s8] =	ssyncset.done $0x0  }
0x2e1: {  	[sflag:s8] =	ssyncadd.s32 $0xFFFFF000  }
0x2e2: {  	_ =	swait.ge [sflag:s8], $0x1000  }
0x2e3: {  	[sflag:s8] =	ssyncset.done $0x0  }
0x2e4: {  	[sflag:s8] =	ssyncadd.s32 $0xFFFFF000  }
0x2e5: {  	_ =	swait.ge [sflag:s8], $0x1000  }
0x2e6: {  	s0 =	rddreg [dreg:$0x1e];
	[sflag:s8] =	ssyncset.done $0x0  }
0x2e7: {  	s19 =	rddreg [dreg:$0x1f];
	[sflag:s8] =	ssyncadd.s32 $0xFFFFF000  }
0x2e8: {  	[tilespmem:s9], [sflag:$0x1] =	stream.indirect.gather [hbm4b:s7+s6], $0x20, s0, s6, $0xb8;
	[tilespmem:$0xE200] =	vst v63  }
0x2e9: {  	s0 =	sld [smem:$0x7BE]  }
0x2ea: {  	[tilespmem:s10], [sflag:$0x1] =	stream.indirect.gather [hbm4b:s7+s6], $0x20, s19, s6, $0xb8;
	[tilespmem:$0xE200] =	vst v63  }
0x2eb: {  	s19 =	sld [smem:$0x7BF]  }
0x2ec: {  	[tilespmem:s11], [sflag:$0x1] =	stream.indirect.gather [hbm4b:s7+s6], $0x20, s0, s6, $0xb8;
	[tilespmem:$0xE200] =	vst v63  }
0x2ed: {  	s0 =	sld [smem:$0x7C0]  }
0x2ee: {  	[tilespmem:s12], [sflag:$0x1] =	stream.indirect.gather [hbm4b:s7+s6], $0x20, s19, s6, $0xb8;
	[tilespmem:$0xE200] =	vst v63  }
0x2ef: {  	s19 =	sld [smem:$0x7C1]  }
0x2f0: {  	[tilespmem:s13], [sflag:$0x1] =	stream.indirect.gather [hbm4b:s7+s6], $0x20, s0, s6, $0xb8;
	[tilespmem:$0xE200] =	vst v63  }
0x2f1: {  	s0 =	sld [smem:$0x7C2]  }
0x2f2: {  	[spmem:s2] =	stream.indirect.scatter.add.f32 [tilespmem:s15], [sflag:$0x2], $0x20, s19, s6, $0xb8;
	[tilespmem:$0xE200] =	vst v63  }
0x2f3: {  	s19 =	sld [smem:$0x7C3]  }
0x2f4: {  	[spmem:s2] =	stream.indirect.scatter.add.f32 [tilespmem:s16], [sflag:$0x2], $0x20, s0, s6, $0xb8;
	[tilespmem:$0xE200] =	vst v63  }
0x2f5: {  	s0 =	sld [smem:$0x7C4]  }
0x2f6: {  	[spmem:s2] =	stream.indirect.scatter.add.f32 [tilespmem:s17], [sflag:$0x2], $0x20, s19, s6, $0xb8;
	[tilespmem:$0xE200] =	vst v63  }
0x2f7: {  	s19 =	sld [smem:$0x7C5]  }
0x2f8: {  	[spmem:s2] =	stream.indirect.scatter.add.f32 [tilespmem:s18], [sflag:$0x2], $0x20, s0, s6, $0xb8;
	[tilespmem:$0xE200] =	vst v63  }
0x2f9: {  	_ = 	snop  }
0x2fa: {  	[spmem:s2] =	stream.indirect.scatter.add.f32 [tilespmem:s24], [sflag:$0x2], $0x20, s19, s6, $0xb8;
	[tilespmem:$0xE200] =	vst v63  }
0x2fb: {  	_ =	swait.ge [sflag:s14], $0x1000  }
0x2fc: {  	[sflag:s14] =	ssyncset.done $0x0  }
0x2fd: {  	[sflag:s14] =	ssyncadd.s32 $0xFFFFF000  }
0x2fe: {  	_ =	swait.ge [sflag:s14], $0x1000  }
0x2ff: {  	[sflag:s14] =	ssyncset.done $0x0  }
0x300: {  	[sflag:s14] =	ssyncadd.s32 $0xFFFFF000  }
0x301: {  	_ =	swait.ge [sflag:s14], $0x1000  }
0x302: {  	[sflag:s14] =	ssyncset.done $0x0  }
0x303: {  	[sflag:s14] =	ssyncadd.s32 $0xFFFFF000  }
0x304: {  	_ =	swait.ge [sflag:s14], $0x1000  }
0x305: {  	[sflag:s14] =	ssyncset.done $0x0  }
0x306: {  	[sflag:s14] =	ssyncadd.s32 $0xFFFFF000  }
0x307: {  	_ =	swait.ge [sflag:s14], $0x1000  }
0x308: {  	[sflag:s14] =	ssyncset.done $0x0  }
0x309: {  	[sflag:s14] =	ssyncadd.s32 $0xFFFFF000  }
0x30a: {  	_ =	swait.ge [sflag:s8], $0x1000  }
0x30b: {  	[sflag:s8] =	ssyncset.done $0x0  }
0x30c: {  	[sflag:s8] =	ssyncadd.s32 $0xFFFFF000  }
0x30d: {  	_ =	swait.ge [sflag:s8], $0x1000  }
0x30e: {  	[sflag:s8] =	ssyncset.done $0x0  }
0x30f: {  	[sflag:s8] =	ssyncadd.s32 $0xFFFFF000  }
0x310: {  	_ =	swait.ge [sflag:s8], $0x1000  }
0x311: {  	[sflag:s8] =	ssyncset.done $0x0  }
0x312: {  	[sflag:s8] =	ssyncadd.s32 $0xFFFFF000  }
0x313: {  	_ =	swait.ge [sflag:s8], $0x1000  }
0x314: {  	[sflag:s8] =	ssyncset.done $0x0  }
0x315: {  	[sflag:s8] =	ssyncadd.s32 $0xFFFFF000  }
0x316: {  	_ =	swait.ge [sflag:s8], $0x1000  }
0x317: {  	s0 =	sld [smem:$0x7C6]  }
0x318: {  	[sflag:s8] =	ssyncset.done $0x0  }
0x319: {  	s19 =	sld [smem:$0x7C7];
	[sflag:s8] =	ssyncadd.s32 $0xFFFFF000  }
0x31a: {  	[tilespmem:s15], [sflag:$0x1] =	stream.indirect.gather [hbm4b:s7+s6], $0x20, s0, s6, $0xb8;
	[tilespmem:$0xE200] =	vst v63  }
0x31b: {  	s0 =	sld [smem:$0x7C8]  }
0x31c: {  	[tilespmem:s16], [sflag:$0x1] =	stream.indirect.gather [hbm4b:s7+s6], $0x20, s19, s6, $0xb8;
	[tilespmem:$0xE200] =	vst v63  }
0x31d: {  	s19 =	sld [smem:$0x7C9]  }
0x31e: {  	[tilespmem:s17], [sflag:$0x1] =	stream.indirect.gather [hbm4b:s7+s6], $0x20, s0, s6, $0xb8;
	[tilespmem:$0xE200] =	vst v63  }
0x31f: {  	s0 =	sld [smem:$0x7CA]  }
0x320: {  	[tilespmem:s18], [sflag:$0x1] =	stream.indirect.gather [hbm4b:s7+s6], $0x20, s19, s6, $0xb8;
	[tilespmem:$0xE200] =	vst v63  }
0x321: {  	s19 =	sld [smem:$0x7CB]  }
0x322: {  	[tilespmem:s24], [sflag:$0x1] =	stream.indirect.gather [hbm4b:s7+s6], $0x20, s0, s6, $0xb8;
	[tilespmem:$0xE200] =	vst v63  }
0x323: {  	s0 =	sld [smem:$0x7CC]  }
0x324: {  	[spmem:s2] =	stream.indirect.scatter.add.f32 [tilespmem:s9], [sflag:$0x2], $0x20, s19, s6, $0xb8;
	[tilespmem:$0xE200] =	vst v63  }
0x325: {  	s19 =	sld [smem:$0x7CD]  }
0x326: {  	[spmem:s2] =	stream.indirect.scatter.add.f32 [tilespmem:s10], [sflag:$0x2], $0x20, s0, s6, $0xb8;
	[tilespmem:$0xE200] =	vst v63  }
0x327: {  	s0 =	sld [smem:$0x7CE]  }
0x328: {  	[spmem:s2] =	stream.indirect.scatter.add.f32 [tilespmem:s11], [sflag:$0x2], $0x20, s19, s6, $0xb8;
	[tilespmem:$0xE200] =	vst v63  }
0x329: {  	s19 =	sld [smem:$0x7CF]  }
0x32a: {  	[spmem:s2] =	stream.indirect.scatter.add.f32 [tilespmem:s12], [sflag:$0x2], $0x20, s0, s6, $0xb8;
	[tilespmem:$0xE200] =	vst v63  }
0x32b: {  	_ = 	snop  }
0x32c: {  	[spmem:s2] =	stream.indirect.scatter.add.f32 [tilespmem:s13], [sflag:$0x2], $0x20, s19, s6, $0xb8;
	[tilespmem:$0xE200] =	vst v63  }
0x32d: {  	_ =	swait.ge [sflag:s14], $0x1000  }
0x32e: {  	[sflag:s14] =	ssyncset.done $0x0  }
0x32f: {  	[sflag:s14] =	ssyncadd.s32 $0xFFFFF000  }
0x330: {  	_ =	swait.ge [sflag:s14], $0x1000  }
0x331: {  	[sflag:s14] =	ssyncset.done $0x0  }
0x332: {  	[sflag:s14] =	ssyncadd.s32 $0xFFFFF000  }
0x333: {  	_ =	swait.ge [sflag:s14], $0x1000  }
0x334: {  	[sflag:s14] =	ssyncset.done $0x0  }
0x335: {  	[sflag:s14] =	ssyncadd.s32 $0xFFFFF000  }
0x336: {  	_ =	swait.ge [sflag:s14], $0x1000  }
0x337: {  	[sflag:s14] =	ssyncset.done $0x0  }
0x338: {  	[sflag:s14] =	ssyncadd.s32 $0xFFFFF000  }
0x339: {  	_ =	swait.ge [sflag:s14], $0x1000  }
0x33a: {  	[sflag:s14] =	ssyncset.done $0x0  }
0x33b: {  	[sflag:s14] =	ssyncadd.s32 $0xFFFFF000  }
0x33c: {  	_ =	swait.ge [sflag:s8], $0x1000  }
0x33d: {  	[sflag:s8] =	ssyncset.done $0x0  }
0x33e: {  	[sflag:s8] =	ssyncadd.s32 $0xFFFFF000  }
0x33f: {  	_ =	swait.ge [sflag:s8], $0x1000  }
0x340: {  	[sflag:s8] =	ssyncset.done $0x0  }
0x341: {  	[sflag:s8] =	ssyncadd.s32 $0xFFFFF000  }
0x342: {  	_ =	swait.ge [sflag:s8], $0x1000  }
0x343: {  	[sflag:s8] =	ssyncset.done $0x0  }
0x344: {  	[sflag:s8] =	ssyncadd.s32 $0xFFFFF000  }
0x345: {  	_ =	swait.ge [sflag:s8], $0x1000  }
0x346: {  	[sflag:s8] =	ssyncset.done $0x0  }
0x347: {  	[sflag:s8] =	ssyncadd.s32 $0xFFFFF000  }
0x348: {  	_ =	swait.ge [sflag:s8], $0x1000  }
0x349: {  	s0 =	sld [smem:$0x7D0]  }
0x34a: {  	[sflag:s8] =	ssyncset.done $0x0  }
0x34b: {  	s19 =	sld [smem:$0x7D1];
	[sflag:s8] =	ssyncadd.s32 $0xFFFFF000  }
0x34c: {  	[tilespmem:s9], [sflag:$0x1] =	stream.indirect.gather [hbm4b:s7+s6], $0x20, s0, s6, $0xb8;
	[tilespmem:$0xE200] =	vst v63  }
0x34d: {  	s0 =	sld [smem:$0x7D2]  }
0x34e: {  	[tilespmem:s10], [sflag:$0x1] =	stream.indirect.gather [hbm4b:s7+s6], $0x20, s19, s6, $0xb8;
	[tilespmem:$0xE200] =	vst v63  }
0x34f: {  	s19 =	sld [smem:$0x7D3]  }
0x350: {  	[tilespmem:s11], [sflag:$0x1] =	stream.indirect.gather [hbm4b:s7+s6], $0x20, s0, s6, $0xb8;
	[tilespmem:$0xE200] =	vst v63  }
0x351: {  	s0 =	sld [smem:$0x7D4]  }
0x352: {  	[tilespmem:s12], [sflag:$0x1] =	stream.indirect.gather [hbm4b:s7+s6], $0x20, s19, s6, $0xb8;
	[tilespmem:$0xE200] =	vst v63  }
0x353: {  	s19 =	sld [smem:$0x7D5]  }
0x354: {  	[tilespmem:s13], [sflag:$0x1] =	stream.indirect.gather [hbm4b:s7+s6], $0x20, s0, s6, $0xb8;
	[tilespmem:$0xE200] =	vst v63  }
0x355: {  	s0 =	sld [smem:$0x7D6]  }
0x356: {  	[spmem:s2] =	stream.indirect.scatter.add.f32 [tilespmem:s15], [sflag:$0x2], $0x20, s19, s6, $0xb8;
	[tilespmem:$0xE200] =	vst v63  }
0x357: {  	s19 =	sld [smem:$0x7D7]  }
0x358: {  	[spmem:s2] =	stream.indirect.scatter.add.f32 [tilespmem:s16], [sflag:$0x2], $0x20, s0, s6, $0xb8;
	[tilespmem:$0xE200] =	vst v63  }
0x359: {  	s0 =	sld [smem:$0x7D8]  }
0x35a: {  	[spmem:s2] =	stream.indirect.scatter.add.f32 [tilespmem:s17], [sflag:$0x2], $0x20, s19, s6, $0xb8;
	[tilespmem:$0xE200] =	vst v63  }
0x35b: {  	s19 =	sld [smem:$0x7D9]  }
0x35c: {  	[spmem:s2] =	stream.indirect.scatter.add.f32 [tilespmem:s18], [sflag:$0x2], $0x20, s0, s6, $0xb8;
	[tilespmem:$0xE200] =	vst v63  }
0x35d: {  	_ = 	snop  }
0x35e: {  	[spmem:s2] =	stream.indirect.scatter.add.f32 [tilespmem:s24], [sflag:$0x2], $0x20, s19, s6, $0xb8;
	[tilespmem:$0xE200] =	vst v63  }
0x35f: {  	_ =	swait.ge [sflag:s14], $0x1000  }
0x360: {  	[sflag:s14] =	ssyncset.done $0x0  }
0x361: {  	[sflag:s14] =	ssyncadd.s32 $0xFFFFF000  }
0x362: {  	_ =	swait.ge [sflag:s14], $0x1000  }
0x363: {  	[sflag:s14] =	ssyncset.done $0x0  }
0x364: {  	[sflag:s14] =	ssyncadd.s32 $0xFFFFF000  }
0x365: {  	_ =	swait.ge [sflag:s14], $0x1000  }
0x366: {  	[sflag:s14] =	ssyncset.done $0x0  }
0x367: {  	[sflag:s14] =	ssyncadd.s32 $0xFFFFF000  }
0x368: {  	_ =	swait.ge [sflag:s14], $0x1000  }
0x369: {  	[sflag:s14] =	ssyncset.done $0x0  }
0x36a: {  	[sflag:s14] =	ssyncadd.s32 $0xFFFFF000  }
0x36b: {  	_ =	swait.ge [sflag:s14], $0x1000  }
0x36c: {  	[sflag:s14] =	ssyncset.done $0x0  }
0x36d: {  	[sflag:s14] =	ssyncadd.s32 $0xFFFFF000  }
0x36e: {  	_ =	swait.ge [sflag:s8], $0x1000  }
0x36f: {  	[sflag:s8] =	ssyncset.done $0x0  }
0x370: {  	[sflag:s8] =	ssyncadd.s32 $0xFFFFF000  }
0x371: {  	_ =	swait.ge [sflag:s8], $0x1000  }
0x372: {  	[sflag:s8] =	ssyncset.done $0x0  }
0x373: {  	[sflag:s8] =	ssyncadd.s32 $0xFFFFF000  }
0x374: {  	_ =	swait.ge [sflag:s8], $0x1000  }
0x375: {  	[sflag:s8] =	ssyncset.done $0x0  }
0x376: {  	[sflag:s8] =	ssyncadd.s32 $0xFFFFF000  }
0x377: {  	_ =	swait.ge [sflag:s8], $0x1000  }
0x378: {  	[sflag:s8] =	ssyncset.done $0x0  }
0x379: {  	[sflag:s8] =	ssyncadd.s32 $0xFFFFF000  }
0x37a: {  	_ =	swait.ge [sflag:s8], $0x1000  }
0x37b: {  	s0 =	sld [smem:$0x7DA]  }
0x37c: {  	[sflag:s8] =	ssyncset.done $0x0  }
0x37d: {  	s19 =	sld [smem:$0x7DB];
	[sflag:s8] =	ssyncadd.s32 $0xFFFFF000  }
0x37e: {  	[tilespmem:s15], [sflag:$0x1] =	stream.indirect.gather [hbm4b:s7+s6], $0x20, s0, s6, $0xb8;
	[tilespmem:$0xE200] =	vst v63  }
0x37f: {  	s0 =	sld [smem:$0x7DC]  }
0x380: {  	[tilespmem:s16], [sflag:$0x1] =	stream.indirect.gather [hbm4b:s7+s6], $0x20, s19, s6, $0xb8;
	[tilespmem:$0xE200] =	vst v63  }
0x381: {  	s19 =	sld [smem:$0x7DD]  }
0x382: {  	[tilespmem:s17], [sflag:$0x1] =	stream.indirect.gather [hbm4b:s7+s6], $0x20, s0, s6, $0xb8;
	[tilespmem:$0xE200] =	vst v63  }
0x383: {  	s0 =	sld [smem:$0x7DE]  }
0x384: {  	[tilespmem:s18], [sflag:$0x1] =	stream.indirect.gather [hbm4b:s7+s6], $0x20, s19, s6, $0xb8;
	[tilespmem:$0xE200] =	vst v63  }
0x385: {  	s19 =	sld [smem:$0x7DF]  }
0x386: {  	[tilespmem:s24], [sflag:$0x1] =	stream.indirect.gather [hbm4b:s7+s6], $0x20, s0, s6, $0xb8;
	[tilespmem:$0xE200] =	vst v63  }
0x387: {  	s0 =	sld [smem:$0x7E0]  }
0x388: {  	[spmem:s2] =	stream.indirect.scatter.add.f32 [tilespmem:s9], [sflag:$0x2], $0x20, s19, s6, $0xb8;
	[tilespmem:$0xE200] =	vst v63  }
0x389: {  	s19 =	sld [smem:$0x7E1]  }
0x38a: {  	[spmem:s2] =	stream.indirect.scatter.add.f32 [tilespmem:s10], [sflag:$0x2], $0x20, s0, s6, $0xb8;
	[tilespmem:$0xE200] =	vst v63  }
0x38b: {  	s0 =	sld [smem:$0x7E2]  }
0x38c: {  	[spmem:s2] =	stream.indirect.scatter.add.f32 [tilespmem:s11], [sflag:$0x2], $0x20, s19, s6, $0xb8;
	[tilespmem:$0xE200] =	vst v63  }
0x38d: {  	s19 =	sld [smem:$0x7E3]  }
0x38e: {  	[spmem:s2] =	stream.indirect.scatter.add.f32 [tilespmem:s12], [sflag:$0x2], $0x20, s0, s6, $0xb8;
	[tilespmem:$0xE200] =	vst v63  }
0x38f: {  	_ = 	snop  }
0x390: {  	[spmem:s2] =	stream.indirect.scatter.add.f32 [tilespmem:s13], [sflag:$0x2], $0x20, s19, s6, $0xb8;
	[tilespmem:$0xE200] =	vst v63  }
0x391: {  	_ =	swait.ge [sflag:s14], $0x1000  }
0x392: {  	[sflag:s14] =	ssyncset.done $0x0  }
0x393: {  	[sflag:s14] =	ssyncadd.s32 $0xFFFFF000  }
0x394: {  	_ =	swait.ge [sflag:s14], $0x1000  }
0x395: {  	[sflag:s14] =	ssyncset.done $0x0  }
0x396: {  	[sflag:s14] =	ssyncadd.s32 $0xFFFFF000  }
0x397: {  	_ =	swait.ge [sflag:s14], $0x1000  }
0x398: {  	[sflag:s14] =	ssyncset.done $0x0  }
0x399: {  	[sflag:s14] =	ssyncadd.s32 $0xFFFFF000  }
0x39a: {  	_ =	swait.ge [sflag:s14], $0x1000  }
0x39b: {  	[sflag:s14] =	ssyncset.done $0x0  }
0x39c: {  	[sflag:s14] =	ssyncadd.s32 $0xFFFFF000  }
0x39d: {  	_ =	swait.ge [sflag:s14], $0x1000  }
0x39e: {  	[sflag:s14] =	ssyncset.done $0x0  }
0x39f: {  	[sflag:s14] =	ssyncadd.s32 $0xFFFFF000  }
0x3a0: {  	_ =	swait.ge [sflag:s8], $0x1000  }
0x3a1: {  	[sflag:s8] =	ssyncset.done $0x0  }
0x3a2: {  	[sflag:s8] =	ssyncadd.s32 $0xFFFFF000  }
0x3a3: {  	_ =	swait.ge [sflag:s8], $0x1000  }
0x3a4: {  	[sflag:s8] =	ssyncset.done $0x0  }
0x3a5: {  	[sflag:s8] =	ssyncadd.s32 $0xFFFFF000  }
0x3a6: {  	_ =	swait.ge [sflag:s8], $0x1000  }
0x3a7: {  	[sflag:s8] =	ssyncset.done $0x0  }
0x3a8: {  	[sflag:s8] =	ssyncadd.s32 $0xFFFFF000  }
0x3a9: {  	_ =	swait.ge [sflag:s8], $0x1000  }
0x3aa: {  	[sflag:s8] =	ssyncset.done $0x0  }
0x3ab: {  	[sflag:s8] =	ssyncadd.s32 $0xFFFFF000  }
0x3ac: {  	_ =	swait.ge [sflag:s8], $0x1000  }
0x3ad: {  	s0 =	sld [smem:$0x7E4]  }
0x3ae: {  	[sflag:s8] =	ssyncset.done $0x0  }
0x3af: {  	s19 =	sld [smem:$0x7E5];
	[sflag:s8] =	ssyncadd.s32 $0xFFFFF000  }
0x3b0: {  	[tilespmem:s9], [sflag:$0x1] =	stream.indirect.gather [hbm4b:s7+s6], $0x20, s0, s6, $0xb8;
	[tilespmem:$0xE200] =	vst v63  }
0x3b1: {  	s0 =	sld [smem:$0x7E6]  }
0x3b2: {  	[tilespmem:s10], [sflag:$0x1] =	stream.indirect.gather [hbm4b:s7+s6], $0x20, s19, s6, $0xb8;
	[tilespmem:$0xE200] =	vst v63  }
0x3b3: {  	s19 =	sld [smem:$0x7E7]  }
0x3b4: {  	[tilespmem:s11], [sflag:$0x1] =	stream.indirect.gather [hbm4b:s7+s6], $0x20, s0, s6, $0xb8;
	[tilespmem:$0xE200] =	vst v63  }
0x3b5: {  	s0 =	sld [smem:$0x7E8]  }
0x3b6: {  	[tilespmem:s12], [sflag:$0x1] =	stream.indirect.gather [hbm4b:s7+s6], $0x20, s19, s6, $0xb8;
	[tilespmem:$0xE200] =	vst v63  }
0x3b7: {  	s19 =	sld [smem:$0x7E9]  }
0x3b8: {  	[tilespmem:s13], [sflag:$0x1] =	stream.indirect.gather [hbm4b:s7+s6], $0x20, s0, s6, $0xb8;
	[tilespmem:$0xE200] =	vst v63  }
0x3b9: {  	s0 =	sld [smem:$0x7EA]  }
0x3ba: {  	[spmem:s2] =	stream.indirect.scatter.add.f32 [tilespmem:s15], [sflag:$0x2], $0x20, s19, s6, $0xb8;
	[tilespmem:$0xE200] =	vst v63  }
0x3bb: {  	s19 =	sld [smem:$0x7EB]  }
0x3bc: {  	[spmem:s2] =	stream.indirect.scatter.add.f32 [tilespmem:s16], [sflag:$0x2], $0x20, s0, s6, $0xb8;
	[tilespmem:$0xE200] =	vst v63  }
0x3bd: {  	s0 =	sld [smem:$0x7EC]  }
0x3be: {  	[spmem:s2] =	stream.indirect.scatter.add.f32 [tilespmem:s17], [sflag:$0x2], $0x20, s19, s6, $0xb8;
	[tilespmem:$0xE200] =	vst v63  }
0x3bf: {  	s19 =	sld [smem:$0x7ED]  }
0x3c0: {  	[spmem:s2] =	stream.indirect.scatter.add.f32 [tilespmem:s18], [sflag:$0x2], $0x20, s0, s6, $0xb8;
	[tilespmem:$0xE200] =	vst v63  }
0x3c1: {  	_ = 	snop  }
0x3c2: {  	[spmem:s2] =	stream.indirect.scatter.add.f32 [tilespmem:s24], [sflag:$0x2], $0x20, s19, s6, $0xb8;
	[tilespmem:$0xE200] =	vst v63  }
0x3c3: {  	_ =	swait.ge [sflag:s14], $0x1000  }
0x3c4: {  	[sflag:s14] =	ssyncset.done $0x0  }
0x3c5: {  	[sflag:s14] =	ssyncadd.s32 $0xFFFFF000  }
0x3c6: {  	_ =	swait.ge [sflag:s14], $0x1000  }
0x3c7: {  	[sflag:s14] =	ssyncset.done $0x0  }
0x3c8: {  	[sflag:s14] =	ssyncadd.s32 $0xFFFFF000  }
0x3c9: {  	_ =	swait.ge [sflag:s14], $0x1000  }
0x3ca: {  	[sflag:s14] =	ssyncset.done $0x0  }
0x3cb: {  	[sflag:s14] =	ssyncadd.s32 $0xFFFFF000  }
0x3cc: {  	_ =	swait.ge [sflag:s14], $0x1000  }
0x3cd: {  	[sflag:s14] =	ssyncset.done $0x0  }
0x3ce: {  	[sflag:s14] =	ssyncadd.s32 $0xFFFFF000  }
0x3cf: {  	_ =	swait.ge [sflag:s14], $0x1000  }
0x3d0: {  	[sflag:s14] =	ssyncset.done $0x0  }
0x3d1: {  	[sflag:s14] =	ssyncadd.s32 $0xFFFFF000  }
0x3d2: {  	_ =	swait.ge [sflag:s8], $0x1000  }
0x3d3: {  	[sflag:s8] =	ssyncset.done $0x0  }
0x3d4: {  	[sflag:s8] =	ssyncadd.s32 $0xFFFFF000  }
0x3d5: {  	_ =	swait.ge [sflag:s8], $0x1000  }
0x3d6: {  	[sflag:s8] =	ssyncset.done $0x0  }
0x3d7: {  	[sflag:s8] =	ssyncadd.s32 $0xFFFFF000  }
0x3d8: {  	_ =	swait.ge [sflag:s8], $0x1000  }
0x3d9: {  	[sflag:s8] =	ssyncset.done $0x0  }
0x3da: {  	[sflag:s8] =	ssyncadd.s32 $0xFFFFF000  }
0x3db: {  	_ =	swait.ge [sflag:s8], $0x1000  }
0x3dc: {  	[sflag:s8] =	ssyncset.done $0x0  }
0x3dd: {  	[sflag:s8] =	ssyncadd.s32 $0xFFFFF000  }
0x3de: {  	_ =	swait.ge [sflag:s8], $0x1000  }
0x3df: {  	s0 =	sld [smem:$0x7EE]  }
0x3e0: {  	[sflag:s8] =	ssyncset.done $0x0  }
0x3e1: {  	s19 =	sld [smem:$0x7EF];
	[sflag:s8] =	ssyncadd.s32 $0xFFFFF000  }
0x3e2: {  	[tilespmem:s15], [sflag:$0x1] =	stream.indirect.gather [hbm4b:s7+s6], $0x20, s0, s6, $0xb8;
	[tilespmem:$0xE200] =	vst v63  }
0x3e3: {  	s0 =	sld [smem:$0x7F0]  }
0x3e4: {  	[tilespmem:s16], [sflag:$0x1] =	stream.indirect.gather [hbm4b:s7+s6], $0x20, s19, s6, $0xb8;
	[tilespmem:$0xE200] =	vst v63  }
0x3e5: {  	s19 =	sld [smem:$0x7F1]  }
0x3e6: {  	[tilespmem:s17], [sflag:$0x1] =	stream.indirect.gather [hbm4b:s7+s6], $0x20, s0, s6, $0xb8;
	[tilespmem:$0xE200] =	vst v63  }
0x3e7: {  	s0 =	sld [smem:$0x7F2]  }
0x3e8: {  	[tilespmem:s18], [sflag:$0x1] =	stream.indirect.gather [hbm4b:s7+s6], $0x20, s19, s6, $0xb8;
	[tilespmem:$0xE200] =	vst v63  }
0x3e9: {  	s19 =	sld [smem:$0x7F3]  }
0x3ea: {  	[tilespmem:s24], [sflag:$0x1] =	stream.indirect.gather [hbm4b:s7+s6], $0x20, s0, s6, $0xb8;
	[tilespmem:$0xE200] =	vst v63  }
0x3eb: {  	s0 =	sld [smem:$0x7F4]  }
0x3ec: {  	[spmem:s2] =	stream.indirect.scatter.add.f32 [tilespmem:s9], [sflag:$0x2], $0x20, s19, s6, $0xb8;
	[tilespmem:$0xE200] =	vst v63  }
0x3ed: {  	s19 =	sld [smem:$0x7F5]  }
0x3ee: {  	[spmem:s2] =	stream.indirect.scatter.add.f32 [tilespmem:s10], [sflag:$0x2], $0x20, s0, s6, $0xb8;
	[tilespmem:$0xE200] =	vst v63  }
0x3ef: {  	s0 =	sld [smem:$0x7F6]  }
0x3f0: {  	[spmem:s2] =	stream.indirect.scatter.add.f32 [tilespmem:s11], [sflag:$0x2], $0x20, s19, s6, $0xb8;
	[tilespmem:$0xE200] =	vst v63  }
0x3f1: {  	s19 =	sld [smem:$0x7F7]  }
0x3f2: {  	[spmem:s2] =	stream.indirect.scatter.add.f32 [tilespmem:s12], [sflag:$0x2], $0x20, s0, s6, $0xb8;
	[tilespmem:$0xE200] =	vst v63  }
0x3f3: {  	_ = 	snop  }
0x3f4: {  	[spmem:s2] =	stream.indirect.scatter.add.f32 [tilespmem:s13], [sflag:$0x2], $0x20, s19, s6, $0xb8;
	[tilespmem:$0xE200] =	vst v63  }
0x3f5: {  	_ =	swait.ge [sflag:s14], $0x1000  }
0x3f6: {  	[sflag:s14] =	ssyncset.done $0x0  }
0x3f7: {  	[sflag:s14] =	ssyncadd.s32 $0xFFFFF000  }
0x3f8: {  	_ =	swait.ge [sflag:s14], $0x1000  }
0x3f9: {  	[sflag:s14] =	ssyncset.done $0x0  }
0x3fa: {  	[sflag:s14] =	ssyncadd.s32 $0xFFFFF000  }
0x3fb: {  	_ =	swait.ge [sflag:s14], $0x1000  }
0x3fc: {  	[sflag:s14] =	ssyncset.done $0x0  }
0x3fd: {  	[sflag:s14] =	ssyncadd.s32 $0xFFFFF000  }
0x3fe: {  	_ =	swait.ge [sflag:s14], $0x1000  }
0x3ff: {  	[sflag:s14] =	ssyncset.done $0x0  }
0x400: {  	[sflag:s14] =	ssyncadd.s32 $0xFFFFF000  }
0x401: {  	_ =	swait.ge [sflag:s14], $0x1000  }
0x402: {  	[sflag:s14] =	ssyncset.done $0x0  }
0x403: {  	[sflag:s14] =	ssyncadd.s32 $0xFFFFF000  }
0x404: {  	_ =	swait.ge [sflag:s8], $0x1000  }
0x405: {  	[sflag:s8] =	ssyncset.done $0x0  }
0x406: {  	[sflag:s8] =	ssyncadd.s32 $0xFFFFF000  }
0x407: {  	_ =	swait.ge [sflag:s8], $0x1000  }
0x408: {  	[sflag:s8] =	ssyncset.done $0x0  }
0x409: {  	[sflag:s8] =	ssyncadd.s32 $0xFFFFF000  }
0x40a: {  	_ =	swait.ge [sflag:s8], $0x1000  }
0x40b: {  	[sflag:s8] =	ssyncset.done $0x0  }
0x40c: {  	[sflag:s8] =	ssyncadd.s32 $0xFFFFF000  }
0x40d: {  	_ =	swait.ge [sflag:s8], $0x1000  }
0x40e: {  	[sflag:s8] =	ssyncset.done $0x0  }
0x40f: {  	[sflag:s8] =	ssyncadd.s32 $0xFFFFF000  }
0x410: {  	_ =	swait.ge [sflag:s8], $0x1000  }
0x411: {  	s0 =	sld [smem:$0x7F8]  }
0x412: {  	[sflag:s8] =	ssyncset.done $0x0  }
0x413: {  	s19 =	sld [smem:$0x7F9];
	[sflag:s8] =	ssyncadd.s32 $0xFFFFF000  }
0x414: {  	[tilespmem:s9], [sflag:$0x1] =	stream.indirect.gather [hbm4b:s7+s6], $0x20, s0, s6, $0xb8;
	[tilespmem:$0xE200] =	vst v63  }
0x415: {  	s0 =	sld [smem:$0x7FA]  }
0x416: {  	[tilespmem:s10], [sflag:$0x1] =	stream.indirect.gather [hbm4b:s7+s6], $0x20, s19, s6, $0xb8;
	[tilespmem:$0xE200] =	vst v63  }
0x417: {  	s19 =	sld [smem:$0x7FB]  }
0x418: {  	[tilespmem:s11], [sflag:$0x1] =	stream.indirect.gather [hbm4b:s7+s6], $0x20, s0, s6, $0xb8;
	[tilespmem:$0xE200] =	vst v63  }
0x419: {  	s0 =	sld [smem:$0x7FC]  }
0x41a: {  	[tilespmem:s12], [sflag:$0x1] =	stream.indirect.gather [hbm4b:s7+s6], $0x20, s19, s6, $0xb8;
	[tilespmem:$0xE200] =	vst v63  }
0x41b: {  	s19 =	sld [smem:$0x7FD]  }
0x41c: {  	[tilespmem:s13], [sflag:$0x1] =	stream.indirect.gather [hbm4b:s7+s6], $0x20, s0, s6, $0xb8;
	[tilespmem:$0xE200] =	vst v63  }
0x41d: {  	_ = 	snop  }
0x41e: {  	[spmem:s2] =	stream.indirect.scatter.add.f32 [tilespmem:s15], [sflag:$0x2], $0x20, s19, s6, $0xb8;
	[tilespmem:$0xE200] =	vst v63  }
0x41f: {  	s19 =	simm.s32 $0x2D80  }
0x420: {  	[spmem:s2] =	stream.indirect.scatter.add.f32 [tilespmem:s16], [sflag:$0x2], $0x20, s19, s6, $0xb8;
	[tilespmem:$0xE200] =	vst v63  }
0x421: {  	_ = 	snop  }
0x422: {  	[spmem:s2] =	stream.indirect.scatter.add.f32 [tilespmem:s17], [sflag:$0x2], $0x20, s28, s6, $0xb8;
	[tilespmem:$0xE200] =	vst v63  }
0x423: {  	_ = 	snop  }
0x424: {  	[spmem:s2] =	stream.indirect.scatter.add.f32 [tilespmem:s18], [sflag:$0x2], $0x20, s29, s6, $0xb8;
	[tilespmem:$0xE200] =	vst v63  }
0x425: {  	_ = 	snop  }
0x426: {  	[spmem:s2] =	stream.indirect.scatter.add.f32 [tilespmem:s24], [sflag:$0x2], $0x20, s26, s6, $0xb8;
	[tilespmem:$0xE200] =	vst v63  }
0x427: {  	_ =	swait.ge [sflag:s14], $0x1000  }
0x428: {  	[sflag:s14] =	ssyncset.done $0x0  }
0x429: {  	[sflag:s14] =	ssyncadd.s32 $0xFFFFF000  }
0x42a: {  	_ =	swait.ge [sflag:s14], $0x1000  }
0x42b: {  	[sflag:s14] =	ssyncset.done $0x0  }
0x42c: {  	[sflag:s14] =	ssyncadd.s32 $0xFFFFF000  }
0x42d: {  	_ =	swait.ge [sflag:s14], $0x1000  }
0x42e: {  	[sflag:s14] =	ssyncset.done $0x0  }
0x42f: {  	[sflag:s14] =	ssyncadd.s32 $0xFFFFF000  }
0x430: {  	_ =	swait.ge [sflag:s14], $0x1000  }
0x431: {  	[sflag:s14] =	ssyncset.done $0x0  }
0x432: {  	[sflag:s14] =	ssyncadd.s32 $0xFFFFF000  }
0x433: {  	_ =	swait.ge [sflag:s14], $0x1000  }
0x434: {  	[sflag:s14] =	ssyncset.done $0x0  }
0x435: {  	[sflag:s14] =	ssyncadd.s32 $0xFFFFF000  }
0x436: {  	_ =	swait.ge [sflag:s8], $0x1000  }
0x437: {  	[sflag:s8] =	ssyncset.done $0x0  }
0x438: {  	[sflag:s8] =	ssyncadd.s32 $0xFFFFF000  }
0x439: {  	_ =	swait.ge [sflag:s8], $0x1000  }
0x43a: {  	[sflag:s8] =	ssyncset.done $0x0  }
0x43b: {  	[sflag:s8] =	ssyncadd.s32 $0xFFFFF000  }
0x43c: {  	_ =	swait.ge [sflag:s8], $0x1000  }
0x43d: {  	[sflag:s8] =	ssyncset.done $0x0  }
0x43e: {  	[sflag:s8] =	ssyncadd.s32 $0xFFFFF000  }
0x43f: {  	_ =	swait.ge [sflag:s8], $0x1000  }
0x440: {  	[sflag:s8] =	ssyncset.done $0x0  }
0x441: {  	[sflag:s8] =	ssyncadd.s32 $0xFFFFF000  }
0x442: {  	_ =	swait.ge [sflag:s8], $0x1000  }
0x443: {  	[sflag:s8] =	ssyncset.done $0x0  }
0x444: {  	[sflag:s8] =	ssyncadd.s32 $0xFFFFF000  }
0x445: {  	[spmem:s2] =	stream.indirect.scatter.add.f32 [tilespmem:s9], [sflag:$0x2], $0x20, s20, s6, $0xb8;
	[tilespmem:$0xE200] =	vst v63  }
0x446: {  	_ = 	snop  }
0x447: {  	[spmem:s2] =	stream.indirect.scatter.add.f32 [tilespmem:s10], [sflag:$0x2], $0x20, s21, s6, $0xb8;
	[tilespmem:$0xE200] =	vst v63  }
0x448: {  	_ = 	snop  }
0x449: {  	[spmem:s2] =	stream.indirect.scatter.add.f32 [tilespmem:s11], [sflag:$0x2], $0x20, s22, s6, $0xb8;
	[tilespmem:$0xE200] =	vst v63  }
0x44a: {  	_ = 	snop  }
0x44b: {  	[spmem:s2] =	stream.indirect.scatter.add.f32 [tilespmem:s12], [sflag:$0x2], $0x20, s23, s6, $0xb8;
	[tilespmem:$0xE200] =	vst v63  }
0x44c: {  	_ = 	snop  }
0x44d: {  	[spmem:s2] =	stream.indirect.scatter.add.f32 [tilespmem:s13], [sflag:$0x2], $0x20, s25, s6, $0xb8;
	[tilespmem:$0xE200] =	vst v63  }
0x44e: {  	_ =	swait.ge [sflag:s8], $0x1000  }
0x44f: {  	[sflag:s8] =	ssyncset.done $0x0  }
0x450: {  	[sflag:s8] =	ssyncadd.s32 $0xFFFFF000  }
0x451: {  	_ =	swait.ge [sflag:s8], $0x1000  }
0x452: {  	[sflag:s8] =	ssyncset.done $0x0  }
0x453: {  	[sflag:s8] =	ssyncadd.s32 $0xFFFFF000  }
0x454: {  	_ =	swait.ge [sflag:s8], $0x1000  }
0x455: {  	[sflag:s8] =	ssyncset.done $0x0  }
0x456: {  	[sflag:s8] =	ssyncadd.s32 $0xFFFFF000  }
0x457: {  	_ =	swait.ge [sflag:s8], $0x1000  }
0x458: {  	[sflag:s8] =	ssyncset.done $0x0  }
0x459: {  	[sflag:s8] =	ssyncadd.s32 $0xFFFFF000  }
0x45a: {  	p1 =	sne.s32 s1, $0x1;
	_ =	swait.ge [sflag:s8], $0x1000  }
.Ltmp2:
0x45b: {  	[sflag:s8] =	ssyncset.done $0x0;
	(pc) =	sbr.rel @p1 .LBB2_4-.Ltmp2, $4  }
0x45c: {  	s19 =	rddreg [dreg:$0x7];
	[sflag:s8] =	ssyncadd.s32 $0xFFFFF000  }
0x45d: {  	[hbm:s19], [sflag:s4] =	dma.local [spmem:s5], $0x200  }
0x45e: {  	_ =	swait.ge [sflag:s3], $0x200  }
0x45f: {  	s1 =	sadd.s32 $0xFFFFFFFF, s1;
	s0 =	rddreg [dreg:$0x5];
	[sflag:s3] =	ssyncset.done $0x0  }
0x460: {  	s25 =	simm.s32 $0x2F00;
	s29 =	simm.s32 $0x2E80;
	s28 =	simm.s32 $0x2E00  }
0x461: {  	s26 =	simm.s32 $0x2D80;
	s23 =	simm.s32 $0x3100;
	s22 =	simm.s32 $0x3080  }
0x462: {  	s21 =	simm.s32 $0x3000;
	s20 =	simm.s32 $0x2F80;
	s19 =	stileid.u32  }
.LBB2_6:
0x463: {  	[sflag:s3] =	ssyncadd.s32 @p0 $0xFFFFFE00  }
0x464: {  	[tilespmem:s30], [sflag:$0x3] =	stream.linear.gather [hbm4b:s0+s30], $0x1900, $0x38;
	[tilespmem:$0xE200] =	vst v63  }
0x465: {  	_ =	swait.ge [sflag:s3], $0x1900  }
0x466: {  	[sflag:s3] =	ssyncset.done $0x0  }
0x467: {  	s1 =	rddreg [dreg:$0x6];
	[sflag:s3] =	ssyncadd.s32 $0xFFFFE700  }
0x468: {  	[tilespmem:s31], [sflag:$0x3] =	stream.linear.gather [hbm4b:s1+s30], $0x1900, $0x38;
	[tilespmem:$0xE200] =	vst v63  }
0x469: {  	_ =	swait.ge [sflag:s3], $0x1900  }
0x46a: {  	[sflag:s3] =	ssyncset.done $0x0  }
0x46b: {  	s1 =	rddreg [dreg:$0x4];
	[sflag:s3] =	ssyncadd.s32 $0xFFFFE700  }
0x46c: {  	[spmem:s5], [sflag:s4] =	dma.local [hbm:s1], $0x200  }
0x46d: {  	_ =	swait.ge [sflag:s3], $0x200  }
0x46e: {  	[sflag:s3] =	ssyncset.done $0x0  }
0x46f: {  	[sflag:s3] =	ssyncadd.s32 $0xFFFFFE00  }
0x470: {  	[tilespmem:s15], [sflag:$0x1] =	stream.indirect.gather [hbm4b:s7+s6], $0x20, s30, s6, $0xb8;
	[tilespmem:$0xE200] =	vst v63  }
0x471: {  	_ = 	snop  }
0x472: {  	[tilespmem:s16], [sflag:$0x1] =	stream.indirect.gather [hbm4b:s7+s6], $0x20, s6, s6, $0xb8;
	[tilespmem:$0xE200] =	vst v63  }
0x473: {  	s30 =	rddreg [dreg:$0x8]  }
0x474: {  	[tilespmem:s17], [sflag:$0x1] =	stream.indirect.gather [hbm4b:s7+s6], $0x20, s30, s6, $0xb8;
	[tilespmem:$0xE200] =	vst v63  }
0x475: {  	s1 =	rddreg [dreg:$0x9]  }
0x476: {  	[tilespmem:s18], [sflag:$0x1] =	stream.indirect.gather [hbm4b:s7+s6], $0x20, s1, s6, $0xb8;
	[tilespmem:$0xE200] =	vst v63  }
0x477: {  	s30 =	rddreg [dreg:$0xa]  }
0x478: {  	[tilespmem:s24], [sflag:$0x1] =	stream.indirect.gather [hbm4b:s7+s6], $0x20, s30, s6, $0xb8;
	[tilespmem:$0xE200] =	vst v63  }
0x479: {  	_ =	swait.ge [sflag:s14], $0x1000  }
0x47a: {  	[sflag:s14] =	ssyncset.done $0x0  }
0x47b: {  	[sflag:s14] =	ssyncadd.s32 $0xFFFFF000  }
0x47c: {  	_ =	swait.ge [sflag:s14], $0x1000  }
0x47d: {  	[sflag:s14] =	ssyncset.done $0x0  }
0x47e: {  	[sflag:s14] =	ssyncadd.s32 $0xFFFFF000  }
0x47f: {  	_ =	swait.ge [sflag:s14], $0x1000  }
0x480: {  	[sflag:s14] =	ssyncset.done $0x0  }
0x481: {  	[sflag:s14] =	ssyncadd.s32 $0xFFFFF000  }
0x482: {  	_ =	swait.ge [sflag:s14], $0x1000  }
0x483: {  	[sflag:s14] =	ssyncset.done $0x0  }
0x484: {  	[sflag:s14] =	ssyncadd.s32 $0xFFFFF000  }
0x485: {  	_ =	swait.ge [sflag:s14], $0x1000  }
0x486: {  	[sflag:s14] =	ssyncset.done $0x0  }
0x487: {  	s30 =	rddreg [dreg:$0xb];
	[sflag:s14] =	ssyncadd.s32 $0xFFFFF000  }
0x488: {  	[tilespmem:s9], [sflag:$0x1] =	stream.indirect.gather [hbm4b:s7+s6], $0x20, s30, s6, $0xb8;
	[tilespmem:$0xE200] =	vst v63  }
0x489: {  	s1 =	rddreg [dreg:$0xc]  }
0x48a: {  	[tilespmem:s10], [sflag:$0x1] =	stream.indirect.gather [hbm4b:s7+s6], $0x20, s1, s6, $0xb8;
	[tilespmem:$0xE200] =	vst v63  }
0x48b: {  	s30 =	rddreg [dreg:$0xd]  }
0x48c: {  	[tilespmem:s11], [sflag:$0x1] =	stream.indirect.gather [hbm4b:s7+s6], $0x20, s30, s6, $0xb8;
	[tilespmem:$0xE200] =	vst v63  }
0x48d: {  	s1 =	rddreg [dreg:$0xe]  }
0x48e: {  	[tilespmem:s12], [sflag:$0x1] =	stream.indirect.gather [hbm4b:s7+s6], $0x20, s1, s6, $0xb8;
	[tilespmem:$0xE200] =	vst v63  }
0x48f: {  	s30 =	rddreg [dreg:$0xf]  }
0x490: {  	[tilespmem:s13], [sflag:$0x1] =	stream.indirect.gather [hbm4b:s7+s6], $0x20, s30, s6, $0xb8;
	[tilespmem:$0xE200] =	vst v63  }
0x491: {  	_ = 	snop  }
0x492: {  	[spmem:s2] =	stream.indirect.scatter.add.f32 [tilespmem:s15], [sflag:$0x2], $0x20, s31, s6, $0xb8;
	[tilespmem:$0xE200] =	vst v63  }
0x493: {  	s30 =	rddreg [dreg:$0x10]  }
0x494: {  	[spmem:s2] =	stream.indirect.scatter.add.f32 [tilespmem:s16], [sflag:$0x2], $0x20, s30, s6, $0xb8;
	[tilespmem:$0xE200] =	vst v63  }
0x495: {  	s31 =	rddreg [dreg:$0x11]  }
0x496: {  	[spmem:s2] =	stream.indirect.scatter.add.f32 [tilespmem:s17], [sflag:$0x2], $0x20, s31, s6, $0xb8;
	[tilespmem:$0xE200] =	vst v63  }
0x497: {  	s30 =	rddreg [dreg:$0x12]  }
0x498: {  	[spmem:s2] =	stream.indirect.scatter.add.f32 [tilespmem:s18], [sflag:$0x2], $0x20, s30, s6, $0xb8;
	[tilespmem:$0xE200] =	vst v63  }
0x499: {  	s31 =	rddreg [dreg:$0x13]  }
0x49a: {  	[spmem:s2] =	stream.indirect.scatter.add.f32 [tilespmem:s24], [sflag:$0x2], $0x20, s31, s6, $0xb8;
	[tilespmem:$0xE200] =	vst v63  }
0x49b: {  	_ =	swait.ge [sflag:s14], $0x1000  }
0x49c: {  	[sflag:s14] =	ssyncset.done $0x0  }
0x49d: {  	[sflag:s14] =	ssyncadd.s32 $0xFFFFF000  }
0x49e: {  	_ =	swait.ge [sflag:s14], $0x1000  }
0x49f: {  	[sflag:s14] =	ssyncset.done $0x0  }
0x4a0: {  	[sflag:s14] =	ssyncadd.s32 $0xFFFFF000  }
0x4a1: {  	_ =	swait.ge [sflag:s14], $0x1000  }
0x4a2: {  	[sflag:s14] =	ssyncset.done $0x0  }
0x4a3: {  	[sflag:s14] =	ssyncadd.s32 $0xFFFFF000  }
0x4a4: {  	_ =	swait.ge [sflag:s14], $0x1000  }
0x4a5: {  	[sflag:s14] =	ssyncset.done $0x0  }
0x4a6: {  	[sflag:s14] =	ssyncadd.s32 $0xFFFFF000  }
0x4a7: {  	_ =	swait.ge [sflag:s14], $0x1000  }
0x4a8: {  	[sflag:s14] =	ssyncset.done $0x0  }
0x4a9: {  	[sflag:s14] =	ssyncadd.s32 $0xFFFFF000  }
0x4aa: {  	_ =	swait.ge [sflag:s8], $0x1000  }
0x4ab: {  	[sflag:s8] =	ssyncset.done $0x0  }
0x4ac: {  	[sflag:s8] =	ssyncadd.s32 $0xFFFFF000  }
0x4ad: {  	_ =	swait.ge [sflag:s8], $0x1000  }
0x4ae: {  	[sflag:s8] =	ssyncset.done $0x0  }
0x4af: {  	[sflag:s8] =	ssyncadd.s32 $0xFFFFF000  }
0x4b0: {  	_ =	swait.ge [sflag:s8], $0x1000  }
0x4b1: {  	[sflag:s8] =	ssyncset.done $0x0  }
0x4b2: {  	[sflag:s8] =	ssyncadd.s32 $0xFFFFF000  }
0x4b3: {  	_ =	swait.ge [sflag:s8], $0x1000  }
0x4b4: {  	[sflag:s8] =	ssyncset.done $0x0  }
0x4b5: {  	[sflag:s8] =	ssyncadd.s32 $0xFFFFF000  }
0x4b6: {  	_ =	swait.ge [sflag:s8], $0x1000  }
0x4b7: {  	[sflag:s8] =	ssyncset.done $0x0  }
0x4b8: {  	s30 =	rddreg [dreg:$0x14];
	[sflag:s8] =	ssyncadd.s32 $0xFFFFF000  }
0x4b9: {  	[tilespmem:s15], [sflag:$0x1] =	stream.indirect.gather [hbm4b:s7+s6], $0x20, s30, s6, $0xb8;
	[tilespmem:$0xE200] =	vst v63  }
0x4ba: {  	s31 =	rddreg [dreg:$0x15]  }
0x4bb: {  	[tilespmem:s16], [sflag:$0x1] =	stream.indirect.gather [hbm4b:s7+s6], $0x20, s31, s6, $0xb8;
	[tilespmem:$0xE200] =	vst v63  }
0x4bc: {  	s30 =	rddreg [dreg:$0x16]  }
0x4bd: {  	[tilespmem:s17], [sflag:$0x1] =	stream.indirect.gather [hbm4b:s7+s6], $0x20, s30, s6, $0xb8;
	[tilespmem:$0xE200] =	vst v63  }
0x4be: {  	s31 =	rddreg [dreg:$0x17]  }
0x4bf: {  	[tilespmem:s18], [sflag:$0x1] =	stream.indirect.gather [hbm4b:s7+s6], $0x20, s31, s6, $0xb8;
	[tilespmem:$0xE200] =	vst v63  }
0x4c0: {  	s30 =	rddreg [dreg:$0x18]  }
0x4c1: {  	[tilespmem:s24], [sflag:$0x1] =	stream.indirect.gather [hbm4b:s7+s6], $0x20, s30, s6, $0xb8;
	[tilespmem:$0xE200] =	vst v63  }
0x4c2: {  	s31 =	rddreg [dreg:$0x19]  }
0x4c3: {  	[spmem:s2] =	stream.indirect.scatter.add.f32 [tilespmem:s9], [sflag:$0x2], $0x20, s31, s6, $0xb8;
	[tilespmem:$0xE200] =	vst v63  }
0x4c4: {  	s30 =	rddreg [dreg:$0x1a]  }
0x4c5: {  	[spmem:s2] =	stream.indirect.scatter.add.f32 [tilespmem:s10], [sflag:$0x2], $0x20, s30, s6, $0xb8;
	[tilespmem:$0xE200] =	vst v63  }
0x4c6: {  	s31 =	rddreg [dreg:$0x1b]  }
0x4c7: {  	[spmem:s2] =	stream.indirect.scatter.add.f32 [tilespmem:s11], [sflag:$0x2], $0x20, s31, s6, $0xb8;
	[tilespmem:$0xE200] =	vst v63  }
0x4c8: {  	s30 =	rddreg [dreg:$0x1c]  }
0x4c9: {  	[spmem:s2] =	stream.indirect.scatter.add.f32 [tilespmem:s12], [sflag:$0x2], $0x20, s30, s6, $0xb8;
	[tilespmem:$0xE200] =	vst v63  }
0x4ca: {  	s31 =	rddreg [dreg:$0x1d]  }
0x4cb: {  	[spmem:s2] =	stream.indirect.scatter.add.f32 [tilespmem:s13], [sflag:$0x2], $0x20, s31, s6, $0xb8;
	[tilespmem:$0xE200] =	vst v63  }
0x4cc: {  	_ =	swait.ge [sflag:s14], $0x1000  }
0x4cd: {  	[sflag:s14] =	ssyncset.done $0x0  }
0x4ce: {  	[sflag:s14] =	ssyncadd.s32 $0xFFFFF000  }
0x4cf: {  	_ =	swait.ge [sflag:s14], $0x1000  }
0x4d0: {  	[sflag:s14] =	ssyncset.done $0x0  }
0x4d1: {  	[sflag:s14] =	ssyncadd.s32 $0xFFFFF000  }
0x4d2: {  	_ =	swait.ge [sflag:s14], $0x1000  }
0x4d3: {  	[sflag:s14] =	ssyncset.done $0x0  }
0x4d4: {  	[sflag:s14] =	ssyncadd.s32 $0xFFFFF000  }
0x4d5: {  	_ =	swait.ge [sflag:s14], $0x1000  }
0x4d6: {  	[sflag:s14] =	ssyncset.done $0x0  }
0x4d7: {  	[sflag:s14] =	ssyncadd.s32 $0xFFFFF000  }
0x4d8: {  	_ =	swait.ge [sflag:s14], $0x1000  }
0x4d9: {  	[sflag:s14] =	ssyncset.done $0x0  }
0x4da: {  	[sflag:s14] =	ssyncadd.s32 $0xFFFFF000  }
0x4db: {  	_ =	swait.ge [sflag:s8], $0x1000  }
0x4dc: {  	[sflag:s8] =	ssyncset.done $0x0  }
0x4dd: {  	[sflag:s8] =	ssyncadd.s32 $0xFFFFF000  }
0x4de: {  	_ =	swait.ge [sflag:s8], $0x1000  }
0x4df: {  	[sflag:s8] =	ssyncset.done $0x0  }
0x4e0: {  	[sflag:s8] =	ssyncadd.s32 $0xFFFFF000  }
0x4e1: {  	_ =	swait.ge [sflag:s8], $0x1000  }
0x4e2: {  	[sflag:s8] =	ssyncset.done $0x0  }
0x4e3: {  	[sflag:s8] =	ssyncadd.s32 $0xFFFFF000  }
0x4e4: {  	_ =	swait.ge [sflag:s8], $0x1000  }
0x4e5: {  	[sflag:s8] =	ssyncset.done $0x0  }
0x4e6: {  	[sflag:s8] =	ssyncadd.s32 $0xFFFFF000  }
0x4e7: {  	_ =	swait.ge [sflag:s8], $0x1000  }
0x4e8: {  	s30 =	rddreg [dreg:$0x1e];
	[sflag:s8] =	ssyncset.done $0x0  }
0x4e9: {  	s31 =	rddreg [dreg:$0x1f];
	[sflag:s8] =	ssyncadd.s32 $0xFFFFF000  }
0x4ea: {  	[tilespmem:s9], [sflag:$0x1] =	stream.indirect.gather [hbm4b:s7+s6], $0x20, s30, s6, $0xb8;
	[tilespmem:$0xE200] =	vst v63  }
0x4eb: {  	s30 =	sld [smem:$0x7BE]  }
0x4ec: {  	[tilespmem:s10], [sflag:$0x1] =	stream.indirect.gather [hbm4b:s7+s6], $0x20, s31, s6, $0xb8;
	[tilespmem:$0xE200] =	vst v63  }
0x4ed: {  	s31 =	sld [smem:$0x7BF]  }
0x4ee: {  	[tilespmem:s11], [sflag:$0x1] =	stream.indirect.gather [hbm4b:s7+s6], $0x20, s30, s6, $0xb8;
	[tilespmem:$0xE200] =	vst v63  }
0x4ef: {  	s30 =	sld [smem:$0x7C0]  }
0x4f0: {  	[tilespmem:s12], [sflag:$0x1] =	stream.indirect.gather [hbm4b:s7+s6], $0x20, s31, s6, $0xb8;
	[tilespmem:$0xE200] =	vst v63  }
0x4f1: {  	s31 =	sld [smem:$0x7C1]  }
0x4f2: {  	[tilespmem:s13], [sflag:$0x1] =	stream.indirect.gather [hbm4b:s7+s6], $0x20, s30, s6, $0xb8;
	[tilespmem:$0xE200] =	vst v63  }
0x4f3: {  	s30 =	sld [smem:$0x7C2]  }
0x4f4: {  	[spmem:s2] =	stream.indirect.scatter.add.f32 [tilespmem:s15], [sflag:$0x2], $0x20, s31, s6, $0xb8;
	[tilespmem:$0xE200] =	vst v63  }
0x4f5: {  	s31 =	sld [smem:$0x7C3]  }
0x4f6: {  	[spmem:s2] =	stream.indirect.scatter.add.f32 [tilespmem:s16], [sflag:$0x2], $0x20, s30, s6, $0xb8;
	[tilespmem:$0xE200] =	vst v63  }
0x4f7: {  	s30 =	sld [smem:$0x7C4]  }
0x4f8: {  	[spmem:s2] =	stream.indirect.scatter.add.f32 [tilespmem:s17], [sflag:$0x2], $0x20, s31, s6, $0xb8;
	[tilespmem:$0xE200] =	vst v63  }
0x4f9: {  	s31 =	sld [smem:$0x7C5]  }
0x4fa: {  	[spmem:s2] =	stream.indirect.scatter.add.f32 [tilespmem:s18], [sflag:$0x2], $0x20, s30, s6, $0xb8;
	[tilespmem:$0xE200] =	vst v63  }
0x4fb: {  	_ = 	snop  }
0x4fc: {  	[spmem:s2] =	stream.indirect.scatter.add.f32 [tilespmem:s24], [sflag:$0x2], $0x20, s31, s6, $0xb8;
	[tilespmem:$0xE200] =	vst v63  }
0x4fd: {  	_ =	swait.ge [sflag:s14], $0x1000  }
0x4fe: {  	[sflag:s14] =	ssyncset.done $0x0  }
0x4ff: {  	[sflag:s14] =	ssyncadd.s32 $0xFFFFF000  }
0x500: {  	_ =	swait.ge [sflag:s14], $0x1000  }
0x501: {  	[sflag:s14] =	ssyncset.done $0x0  }
0x502: {  	[sflag:s14] =	ssyncadd.s32 $0xFFFFF000  }
0x503: {  	_ =	swait.ge [sflag:s14], $0x1000  }
0x504: {  	[sflag:s14] =	ssyncset.done $0x0  }
0x505: {  	[sflag:s14] =	ssyncadd.s32 $0xFFFFF000  }
0x506: {  	_ =	swait.ge [sflag:s14], $0x1000  }
0x507: {  	[sflag:s14] =	ssyncset.done $0x0  }
0x508: {  	[sflag:s14] =	ssyncadd.s32 $0xFFFFF000  }
0x509: {  	_ =	swait.ge [sflag:s14], $0x1000  }
0x50a: {  	[sflag:s14] =	ssyncset.done $0x0  }
0x50b: {  	[sflag:s14] =	ssyncadd.s32 $0xFFFFF000  }
0x50c: {  	_ =	swait.ge [sflag:s8], $0x1000  }
0x50d: {  	[sflag:s8] =	ssyncset.done $0x0  }
0x50e: {  	[sflag:s8] =	ssyncadd.s32 $0xFFFFF000  }
0x50f: {  	_ =	swait.ge [sflag:s8], $0x1000  }
0x510: {  	[sflag:s8] =	ssyncset.done $0x0  }
0x511: {  	[sflag:s8] =	ssyncadd.s32 $0xFFFFF000  }
0x512: {  	_ =	swait.ge [sflag:s8], $0x1000  }
0x513: {  	[sflag:s8] =	ssyncset.done $0x0  }
0x514: {  	[sflag:s8] =	ssyncadd.s32 $0xFFFFF000  }
0x515: {  	_ =	swait.ge [sflag:s8], $0x1000  }
0x516: {  	[sflag:s8] =	ssyncset.done $0x0  }
0x517: {  	[sflag:s8] =	ssyncadd.s32 $0xFFFFF000  }
0x518: {  	_ =	swait.ge [sflag:s8], $0x1000  }
0x519: {  	s30 =	sld [smem:$0x7C6]  }
0x51a: {  	[sflag:s8] =	ssyncset.done $0x0  }
0x51b: {  	s31 =	sld [smem:$0x7C7];
	[sflag:s8] =	ssyncadd.s32 $0xFFFFF000  }
0x51c: {  	[tilespmem:s15], [sflag:$0x1] =	stream.indirect.gather [hbm4b:s7+s6], $0x20, s30, s6, $0xb8;
	[tilespmem:$0xE200] =	vst v63  }
0x51d: {  	s30 =	sld [smem:$0x7C8]  }
0x51e: {  	[tilespmem:s16], [sflag:$0x1] =	stream.indirect.gather [hbm4b:s7+s6], $0x20, s31, s6, $0xb8;
	[tilespmem:$0xE200] =	vst v63  }
0x51f: {  	s31 =	sld [smem:$0x7C9]  }
0x520: {  	[tilespmem:s17], [sflag:$0x1] =	stream.indirect.gather [hbm4b:s7+s6], $0x20, s30, s6, $0xb8;
	[tilespmem:$0xE200] =	vst v63  }
0x521: {  	s30 =	sld [smem:$0x7CA]  }
0x522: {  	[tilespmem:s18], [sflag:$0x1] =	stream.indirect.gather [hbm4b:s7+s6], $0x20, s31, s6, $0xb8;
	[tilespmem:$0xE200] =	vst v63  }
0x523: {  	s31 =	sld [smem:$0x7CB]  }
0x524: {  	[tilespmem:s24], [sflag:$0x1] =	stream.indirect.gather [hbm4b:s7+s6], $0x20, s30, s6, $0xb8;
	[tilespmem:$0xE200] =	vst v63  }
0x525: {  	s30 =	sld [smem:$0x7CC]  }
0x526: {  	[spmem:s2] =	stream.indirect.scatter.add.f32 [tilespmem:s9], [sflag:$0x2], $0x20, s31, s6, $0xb8;
	[tilespmem:$0xE200] =	vst v63  }
0x527: {  	s31 =	sld [smem:$0x7CD]  }
0x528: {  	[spmem:s2] =	stream.indirect.scatter.add.f32 [tilespmem:s10], [sflag:$0x2], $0x20, s30, s6, $0xb8;
	[tilespmem:$0xE200] =	vst v63  }
0x529: {  	s30 =	sld [smem:$0x7CE]  }
0x52a: {  	[spmem:s2] =	stream.indirect.scatter.add.f32 [tilespmem:s11], [sflag:$0x2], $0x20, s31, s6, $0xb8;
	[tilespmem:$0xE200] =	vst v63  }
0x52b: {  	s31 =	sld [smem:$0x7CF]  }
0x52c: {  	[spmem:s2] =	stream.indirect.scatter.add.f32 [tilespmem:s12], [sflag:$0x2], $0x20, s30, s6, $0xb8;
	[tilespmem:$0xE200] =	vst v63  }
0x52d: {  	_ = 	snop  }
0x52e: {  	[spmem:s2] =	stream.indirect.scatter.add.f32 [tilespmem:s13], [sflag:$0x2], $0x20, s31, s6, $0xb8;
	[tilespmem:$0xE200] =	vst v63  }
0x52f: {  	_ =	swait.ge [sflag:s14], $0x1000  }
0x530: {  	[sflag:s14] =	ssyncset.done $0x0  }
0x531: {  	[sflag:s14] =	ssyncadd.s32 $0xFFFFF000  }
0x532: {  	_ =	swait.ge [sflag:s14], $0x1000  }
0x533: {  	[sflag:s14] =	ssyncset.done $0x0  }
0x534: {  	[sflag:s14] =	ssyncadd.s32 $0xFFFFF000  }
0x535: {  	_ =	swait.ge [sflag:s14], $0x1000  }
0x536: {  	[sflag:s14] =	ssyncset.done $0x0  }
0x537: {  	[sflag:s14] =	ssyncadd.s32 $0xFFFFF000  }
0x538: {  	_ =	swait.ge [sflag:s14], $0x1000  }
0x539: {  	[sflag:s14] =	ssyncset.done $0x0  }
0x53a: {  	[sflag:s14] =	ssyncadd.s32 $0xFFFFF000  }
0x53b: {  	_ =	swait.ge [sflag:s14], $0x1000  }
0x53c: {  	[sflag:s14] =	ssyncset.done $0x0  }
0x53d: {  	[sflag:s14] =	ssyncadd.s32 $0xFFFFF000  }
0x53e: {  	_ =	swait.ge [sflag:s8], $0x1000  }
0x53f: {  	[sflag:s8] =	ssyncset.done $0x0  }
0x540: {  	[sflag:s8] =	ssyncadd.s32 $0xFFFFF000  }
0x541: {  	_ =	swait.ge [sflag:s8], $0x1000  }
0x542: {  	[sflag:s8] =	ssyncset.done $0x0  }
0x543: {  	[sflag:s8] =	ssyncadd.s32 $0xFFFFF000  }
0x544: {  	_ =	swait.ge [sflag:s8], $0x1000  }
0x545: {  	[sflag:s8] =	ssyncset.done $0x0  }
0x546: {  	[sflag:s8] =	ssyncadd.s32 $0xFFFFF000  }
0x547: {  	_ =	swait.ge [sflag:s8], $0x1000  }
0x548: {  	[sflag:s8] =	ssyncset.done $0x0  }
0x549: {  	[sflag:s8] =	ssyncadd.s32 $0xFFFFF000  }
0x54a: {  	_ =	swait.ge [sflag:s8], $0x1000  }
0x54b: {  	s30 =	sld [smem:$0x7D0]  }
0x54c: {  	[sflag:s8] =	ssyncset.done $0x0  }
0x54d: {  	s31 =	sld [smem:$0x7D1];
	[sflag:s8] =	ssyncadd.s32 $0xFFFFF000  }
0x54e: {  	[tilespmem:s9], [sflag:$0x1] =	stream.indirect.gather [hbm4b:s7+s6], $0x20, s30, s6, $0xb8;
	[tilespmem:$0xE200] =	vst v63  }
0x54f: {  	s30 =	sld [smem:$0x7D2]  }
0x550: {  	[tilespmem:s10], [sflag:$0x1] =	stream.indirect.gather [hbm4b:s7+s6], $0x20, s31, s6, $0xb8;
	[tilespmem:$0xE200] =	vst v63  }
0x551: {  	s31 =	sld [smem:$0x7D3]  }
0x552: {  	[tilespmem:s11], [sflag:$0x1] =	stream.indirect.gather [hbm4b:s7+s6], $0x20, s30, s6, $0xb8;
	[tilespmem:$0xE200] =	vst v63  }
0x553: {  	s30 =	sld [smem:$0x7D4]  }
0x554: {  	[tilespmem:s12], [sflag:$0x1] =	stream.indirect.gather [hbm4b:s7+s6], $0x20, s31, s6, $0xb8;
	[tilespmem:$0xE200] =	vst v63  }
0x555: {  	s31 =	sld [smem:$0x7D5]  }
0x556: {  	[tilespmem:s13], [sflag:$0x1] =	stream.indirect.gather [hbm4b:s7+s6], $0x20, s30, s6, $0xb8;
	[tilespmem:$0xE200] =	vst v63  }
0x557: {  	s30 =	sld [smem:$0x7D6]  }
0x558: {  	[spmem:s2] =	stream.indirect.scatter.add.f32 [tilespmem:s15], [sflag:$0x2], $0x20, s31, s6, $0xb8;
	[tilespmem:$0xE200] =	vst v63  }
0x559: {  	s31 =	sld [smem:$0x7D7]  }
0x55a: {  	[spmem:s2] =	stream.indirect.scatter.add.f32 [tilespmem:s16], [sflag:$0x2], $0x20, s30, s6, $0xb8;
	[tilespmem:$0xE200] =	vst v63  }
0x55b: {  	s30 =	sld [smem:$0x7D8]  }
0x55c: {  	[spmem:s2] =	stream.indirect.scatter.add.f32 [tilespmem:s17], [sflag:$0x2], $0x20, s31, s6, $0xb8;
	[tilespmem:$0xE200] =	vst v63  }
0x55d: {  	s31 =	sld [smem:$0x7D9]  }
0x55e: {  	[spmem:s2] =	stream.indirect.scatter.add.f32 [tilespmem:s18], [sflag:$0x2], $0x20, s30, s6, $0xb8;
	[tilespmem:$0xE200] =	vst v63  }
0x55f: {  	_ = 	snop  }
0x560: {  	[spmem:s2] =	stream.indirect.scatter.add.f32 [tilespmem:s24], [sflag:$0x2], $0x20, s31, s6, $0xb8;
	[tilespmem:$0xE200] =	vst v63  }
0x561: {  	_ =	swait.ge [sflag:s14], $0x1000  }
0x562: {  	[sflag:s14] =	ssyncset.done $0x0  }
0x563: {  	[sflag:s14] =	ssyncadd.s32 $0xFFFFF000  }
0x564: {  	_ =	swait.ge [sflag:s14], $0x1000  }
0x565: {  	[sflag:s14] =	ssyncset.done $0x0  }
0x566: {  	[sflag:s14] =	ssyncadd.s32 $0xFFFFF000  }
0x567: {  	_ =	swait.ge [sflag:s14], $0x1000  }
0x568: {  	[sflag:s14] =	ssyncset.done $0x0  }
0x569: {  	[sflag:s14] =	ssyncadd.s32 $0xFFFFF000  }
0x56a: {  	_ =	swait.ge [sflag:s14], $0x1000  }
0x56b: {  	[sflag:s14] =	ssyncset.done $0x0  }
0x56c: {  	[sflag:s14] =	ssyncadd.s32 $0xFFFFF000  }
0x56d: {  	_ =	swait.ge [sflag:s14], $0x1000  }
0x56e: {  	[sflag:s14] =	ssyncset.done $0x0  }
0x56f: {  	[sflag:s14] =	ssyncadd.s32 $0xFFFFF000  }
0x570: {  	_ =	swait.ge [sflag:s8], $0x1000  }
0x571: {  	[sflag:s8] =	ssyncset.done $0x0  }
0x572: {  	[sflag:s8] =	ssyncadd.s32 $0xFFFFF000  }
0x573: {  	_ =	swait.ge [sflag:s8], $0x1000  }
0x574: {  	[sflag:s8] =	ssyncset.done $0x0  }
0x575: {  	[sflag:s8] =	ssyncadd.s32 $0xFFFFF000  }
0x576: {  	_ =	swait.ge [sflag:s8], $0x1000  }
0x577: {  	[sflag:s8] =	ssyncset.done $0x0  }
0x578: {  	[sflag:s8] =	ssyncadd.s32 $0xFFFFF000  }
0x579: {  	_ =	swait.ge [sflag:s8], $0x1000  }
0x57a: {  	[sflag:s8] =	ssyncset.done $0x0  }
0x57b: {  	[sflag:s8] =	ssyncadd.s32 $0xFFFFF000  }
0x57c: {  	_ =	swait.ge [sflag:s8], $0x1000  }
0x57d: {  	s30 =	sld [smem:$0x7DA]  }
0x57e: {  	[sflag:s8] =	ssyncset.done $0x0  }
0x57f: {  	s31 =	sld [smem:$0x7DB];
	[sflag:s8] =	ssyncadd.s32 $0xFFFFF000  }
0x580: {  	[tilespmem:s15], [sflag:$0x1] =	stream.indirect.gather [hbm4b:s7+s6], $0x20, s30, s6, $0xb8;
	[tilespmem:$0xE200] =	vst v63  }
0x581: {  	s30 =	sld [smem:$0x7DC]  }
0x582: {  	[tilespmem:s16], [sflag:$0x1] =	stream.indirect.gather [hbm4b:s7+s6], $0x20, s31, s6, $0xb8;
	[tilespmem:$0xE200] =	vst v63  }
0x583: {  	s31 =	sld [smem:$0x7DD]  }
0x584: {  	[tilespmem:s17], [sflag:$0x1] =	stream.indirect.gather [hbm4b:s7+s6], $0x20, s30, s6, $0xb8;
	[tilespmem:$0xE200] =	vst v63  }
0x585: {  	s30 =	sld [smem:$0x7DE]  }
0x586: {  	[tilespmem:s18], [sflag:$0x1] =	stream.indirect.gather [hbm4b:s7+s6], $0x20, s31, s6, $0xb8;
	[tilespmem:$0xE200] =	vst v63  }
0x587: {  	s31 =	sld [smem:$0x7DF]  }
0x588: {  	[tilespmem:s24], [sflag:$0x1] =	stream.indirect.gather [hbm4b:s7+s6], $0x20, s30, s6, $0xb8;
	[tilespmem:$0xE200] =	vst v63  }
0x589: {  	s30 =	sld [smem:$0x7E0]  }
0x58a: {  	[spmem:s2] =	stream.indirect.scatter.add.f32 [tilespmem:s9], [sflag:$0x2], $0x20, s31, s6, $0xb8;
	[tilespmem:$0xE200] =	vst v63  }
0x58b: {  	s31 =	sld [smem:$0x7E1]  }
0x58c: {  	[spmem:s2] =	stream.indirect.scatter.add.f32 [tilespmem:s10], [sflag:$0x2], $0x20, s30, s6, $0xb8;
	[tilespmem:$0xE200] =	vst v63  }
0x58d: {  	s30 =	sld [smem:$0x7E2]  }
0x58e: {  	[spmem:s2] =	stream.indirect.scatter.add.f32 [tilespmem:s11], [sflag:$0x2], $0x20, s31, s6, $0xb8;
	[tilespmem:$0xE200] =	vst v63  }
0x58f: {  	s31 =	sld [smem:$0x7E3]  }
0x590: {  	[spmem:s2] =	stream.indirect.scatter.add.f32 [tilespmem:s12], [sflag:$0x2], $0x20, s30, s6, $0xb8;
	[tilespmem:$0xE200] =	vst v63  }
0x591: {  	_ = 	snop  }
0x592: {  	[spmem:s2] =	stream.indirect.scatter.add.f32 [tilespmem:s13], [sflag:$0x2], $0x20, s31, s6, $0xb8;
	[tilespmem:$0xE200] =	vst v63  }
0x593: {  	_ =	swait.ge [sflag:s14], $0x1000  }
0x594: {  	[sflag:s14] =	ssyncset.done $0x0  }
0x595: {  	[sflag:s14] =	ssyncadd.s32 $0xFFFFF000  }
0x596: {  	_ =	swait.ge [sflag:s14], $0x1000  }
0x597: {  	[sflag:s14] =	ssyncset.done $0x0  }
0x598: {  	[sflag:s14] =	ssyncadd.s32 $0xFFFFF000  }
0x599: {  	_ =	swait.ge [sflag:s14], $0x1000  }
0x59a: {  	[sflag:s14] =	ssyncset.done $0x0  }
0x59b: {  	[sflag:s14] =	ssyncadd.s32 $0xFFFFF000  }
0x59c: {  	_ =	swait.ge [sflag:s14], $0x1000  }
0x59d: {  	[sflag:s14] =	ssyncset.done $0x0  }
0x59e: {  	[sflag:s14] =	ssyncadd.s32 $0xFFFFF000  }
0x59f: {  	_ =	swait.ge [sflag:s14], $0x1000  }
0x5a0: {  	[sflag:s14] =	ssyncset.done $0x0  }
0x5a1: {  	[sflag:s14] =	ssyncadd.s32 $0xFFFFF000  }
0x5a2: {  	_ =	swait.ge [sflag:s8], $0x1000  }
0x5a3: {  	[sflag:s8] =	ssyncset.done $0x0  }
0x5a4: {  	[sflag:s8] =	ssyncadd.s32 $0xFFFFF000  }
0x5a5: {  	_ =	swait.ge [sflag:s8], $0x1000  }
0x5a6: {  	[sflag:s8] =	ssyncset.done $0x0  }
0x5a7: {  	[sflag:s8] =	ssyncadd.s32 $0xFFFFF000  }
0x5a8: {  	_ =	swait.ge [sflag:s8], $0x1000  }
0x5a9: {  	[sflag:s8] =	ssyncset.done $0x0  }
0x5aa: {  	[sflag:s8] =	ssyncadd.s32 $0xFFFFF000  }
0x5ab: {  	_ =	swait.ge [sflag:s8], $0x1000  }
0x5ac: {  	[sflag:s8] =	ssyncset.done $0x0  }
0x5ad: {  	[sflag:s8] =	ssyncadd.s32 $0xFFFFF000  }
0x5ae: {  	_ =	swait.ge [sflag:s8], $0x1000  }
0x5af: {  	s30 =	sld [smem:$0x7E4]  }
0x5b0: {  	[sflag:s8] =	ssyncset.done $0x0  }
0x5b1: {  	s31 =	sld [smem:$0x7E5];
	[sflag:s8] =	ssyncadd.s32 $0xFFFFF000  }
0x5b2: {  	[tilespmem:s9], [sflag:$0x1] =	stream.indirect.gather [hbm4b:s7+s6], $0x20, s30, s6, $0xb8;
	[tilespmem:$0xE200] =	vst v63  }
0x5b3: {  	s30 =	sld [smem:$0x7E6]  }
0x5b4: {  	[tilespmem:s10], [sflag:$0x1] =	stream.indirect.gather [hbm4b:s7+s6], $0x20, s31, s6, $0xb8;
	[tilespmem:$0xE200] =	vst v63  }
0x5b5: {  	s31 =	sld [smem:$0x7E7]  }
0x5b6: {  	[tilespmem:s11], [sflag:$0x1] =	stream.indirect.gather [hbm4b:s7+s6], $0x20, s30, s6, $0xb8;
	[tilespmem:$0xE200] =	vst v63  }
0x5b7: {  	s30 =	sld [smem:$0x7E8]  }
0x5b8: {  	[tilespmem:s12], [sflag:$0x1] =	stream.indirect.gather [hbm4b:s7+s6], $0x20, s31, s6, $0xb8;
	[tilespmem:$0xE200] =	vst v63  }
0x5b9: {  	s31 =	sld [smem:$0x7E9]  }
0x5ba: {  	[tilespmem:s13], [sflag:$0x1] =	stream.indirect.gather [hbm4b:s7+s6], $0x20, s30, s6, $0xb8;
	[tilespmem:$0xE200] =	vst v63  }
0x5bb: {  	s30 =	sld [smem:$0x7EA]  }
0x5bc: {  	[spmem:s2] =	stream.indirect.scatter.add.f32 [tilespmem:s15], [sflag:$0x2], $0x20, s31, s6, $0xb8;
	[tilespmem:$0xE200] =	vst v63  }
0x5bd: {  	s31 =	sld [smem:$0x7EB]  }
0x5be: {  	[spmem:s2] =	stream.indirect.scatter.add.f32 [tilespmem:s16], [sflag:$0x2], $0x20, s30, s6, $0xb8;
	[tilespmem:$0xE200] =	vst v63  }
0x5bf: {  	s30 =	sld [smem:$0x7EC]  }
0x5c0: {  	[spmem:s2] =	stream.indirect.scatter.add.f32 [tilespmem:s17], [sflag:$0x2], $0x20, s31, s6, $0xb8;
	[tilespmem:$0xE200] =	vst v63  }
0x5c1: {  	s31 =	sld [smem:$0x7ED]  }
0x5c2: {  	[spmem:s2] =	stream.indirect.scatter.add.f32 [tilespmem:s18], [sflag:$0x2], $0x20, s30, s6, $0xb8;
	[tilespmem:$0xE200] =	vst v63  }
0x5c3: {  	_ = 	snop  }
0x5c4: {  	[spmem:s2] =	stream.indirect.scatter.add.f32 [tilespmem:s24], [sflag:$0x2], $0x20, s31, s6, $0xb8;
	[tilespmem:$0xE200] =	vst v63  }
0x5c5: {  	_ =	swait.ge [sflag:s14], $0x1000  }
0x5c6: {  	[sflag:s14] =	ssyncset.done $0x0  }
0x5c7: {  	[sflag:s14] =	ssyncadd.s32 $0xFFFFF000  }
0x5c8: {  	_ =	swait.ge [sflag:s14], $0x1000  }
0x5c9: {  	[sflag:s14] =	ssyncset.done $0x0  }
0x5ca: {  	[sflag:s14] =	ssyncadd.s32 $0xFFFFF000  }
0x5cb: {  	_ =	swait.ge [sflag:s14], $0x1000  }
0x5cc: {  	[sflag:s14] =	ssyncset.done $0x0  }
0x5cd: {  	[sflag:s14] =	ssyncadd.s32 $0xFFFFF000  }
0x5ce: {  	_ =	swait.ge [sflag:s14], $0x1000  }
0x5cf: {  	[sflag:s14] =	ssyncset.done $0x0  }
0x5d0: {  	[sflag:s14] =	ssyncadd.s32 $0xFFFFF000  }
0x5d1: {  	_ =	swait.ge [sflag:s14], $0x1000  }
0x5d2: {  	[sflag:s14] =	ssyncset.done $0x0  }
0x5d3: {  	[sflag:s14] =	ssyncadd.s32 $0xFFFFF000  }
0x5d4: {  	_ =	swait.ge [sflag:s8], $0x1000  }
0x5d5: {  	[sflag:s8] =	ssyncset.done $0x0  }
0x5d6: {  	[sflag:s8] =	ssyncadd.s32 $0xFFFFF000  }
0x5d7: {  	_ =	swait.ge [sflag:s8], $0x1000  }
0x5d8: {  	[sflag:s8] =	ssyncset.done $0x0  }
0x5d9: {  	[sflag:s8] =	ssyncadd.s32 $0xFFFFF000  }
0x5da: {  	_ =	swait.ge [sflag:s8], $0x1000  }
0x5db: {  	[sflag:s8] =	ssyncset.done $0x0  }
0x5dc: {  	[sflag:s8] =	ssyncadd.s32 $0xFFFFF000  }
0x5dd: {  	_ =	swait.ge [sflag:s8], $0x1000  }
0x5de: {  	[sflag:s8] =	ssyncset.done $0x0  }
0x5df: {  	[sflag:s8] =	ssyncadd.s32 $0xFFFFF000  }
0x5e0: {  	_ =	swait.ge [sflag:s8], $0x1000  }
0x5e1: {  	s30 =	sld [smem:$0x7EE]  }
0x5e2: {  	[sflag:s8] =	ssyncset.done $0x0  }
0x5e3: {  	s31 =	sld [smem:$0x7EF];
	[sflag:s8] =	ssyncadd.s32 $0xFFFFF000  }
0x5e4: {  	[tilespmem:s15], [sflag:$0x1] =	stream.indirect.gather [hbm4b:s7+s6], $0x20, s30, s6, $0xb8;
	[tilespmem:$0xE200] =	vst v63  }
0x5e5: {  	s30 =	sld [smem:$0x7F0]  }
0x5e6: {  	[tilespmem:s16], [sflag:$0x1] =	stream.indirect.gather [hbm4b:s7+s6], $0x20, s31, s6, $0xb8;
	[tilespmem:$0xE200] =	vst v63  }
0x5e7: {  	s31 =	sld [smem:$0x7F1]  }
0x5e8: {  	[tilespmem:s17], [sflag:$0x1] =	stream.indirect.gather [hbm4b:s7+s6], $0x20, s30, s6, $0xb8;
	[tilespmem:$0xE200] =	vst v63  }
0x5e9: {  	s30 =	sld [smem:$0x7F2]  }
0x5ea: {  	[tilespmem:s18], [sflag:$0x1] =	stream.indirect.gather [hbm4b:s7+s6], $0x20, s31, s6, $0xb8;
	[tilespmem:$0xE200] =	vst v63  }
0x5eb: {  	s31 =	sld [smem:$0x7F3]  }
0x5ec: {  	[tilespmem:s24], [sflag:$0x1] =	stream.indirect.gather [hbm4b:s7+s6], $0x20, s30, s6, $0xb8;
	[tilespmem:$0xE200] =	vst v63  }
0x5ed: {  	s30 =	sld [smem:$0x7F4]  }
0x5ee: {  	[spmem:s2] =	stream.indirect.scatter.add.f32 [tilespmem:s9], [sflag:$0x2], $0x20, s31, s6, $0xb8;
	[tilespmem:$0xE200] =	vst v63  }
0x5ef: {  	s31 =	sld [smem:$0x7F5]  }
0x5f0: {  	[spmem:s2] =	stream.indirect.scatter.add.f32 [tilespmem:s10], [sflag:$0x2], $0x20, s30, s6, $0xb8;
	[tilespmem:$0xE200] =	vst v63  }
0x5f1: {  	s30 =	sld [smem:$0x7F6]  }
0x5f2: {  	[spmem:s2] =	stream.indirect.scatter.add.f32 [tilespmem:s11], [sflag:$0x2], $0x20, s31, s6, $0xb8;
	[tilespmem:$0xE200] =	vst v63  }
0x5f3: {  	s31 =	sld [smem:$0x7F7]  }
0x5f4: {  	[spmem:s2] =	stream.indirect.scatter.add.f32 [tilespmem:s12], [sflag:$0x2], $0x20, s30, s6, $0xb8;
	[tilespmem:$0xE200] =	vst v63  }
0x5f5: {  	_ = 	snop  }
0x5f6: {  	[spmem:s2] =	stream.indirect.scatter.add.f32 [tilespmem:s13], [sflag:$0x2], $0x20, s31, s6, $0xb8;
	[tilespmem:$0xE200] =	vst v63  }
0x5f7: {  	_ =	swait.ge [sflag:s14], $0x1000  }
0x5f8: {  	[sflag:s14] =	ssyncset.done $0x0  }
0x5f9: {  	[sflag:s14] =	ssyncadd.s32 $0xFFFFF000  }
0x5fa: {  	_ =	swait.ge [sflag:s14], $0x1000  }
0x5fb: {  	[sflag:s14] =	ssyncset.done $0x0  }
0x5fc: {  	[sflag:s14] =	ssyncadd.s32 $0xFFFFF000  }
0x5fd: {  	_ =	swait.ge [sflag:s14], $0x1000  }
0x5fe: {  	[sflag:s14] =	ssyncset.done $0x0  }
0x5ff: {  	[sflag:s14] =	ssyncadd.s32 $0xFFFFF000  }
0x600: {  	_ =	swait.ge [sflag:s14], $0x1000  }
0x601: {  	[sflag:s14] =	ssyncset.done $0x0  }
0x602: {  	[sflag:s14] =	ssyncadd.s32 $0xFFFFF000  }
0x603: {  	_ =	swait.ge [sflag:s14], $0x1000  }
0x604: {  	[sflag:s14] =	ssyncset.done $0x0  }
0x605: {  	[sflag:s14] =	ssyncadd.s32 $0xFFFFF000  }
0x606: {  	_ =	swait.ge [sflag:s8], $0x1000  }
0x607: {  	[sflag:s8] =	ssyncset.done $0x0  }
0x608: {  	[sflag:s8] =	ssyncadd.s32 $0xFFFFF000  }
0x609: {  	_ =	swait.ge [sflag:s8], $0x1000  }
0x60a: {  	[sflag:s8] =	ssyncset.done $0x0  }
0x60b: {  	[sflag:s8] =	ssyncadd.s32 $0xFFFFF000  }
0x60c: {  	_ =	swait.ge [sflag:s8], $0x1000  }
0x60d: {  	[sflag:s8] =	ssyncset.done $0x0  }
0x60e: {  	[sflag:s8] =	ssyncadd.s32 $0xFFFFF000  }
0x60f: {  	_ =	swait.ge [sflag:s8], $0x1000  }
0x610: {  	[sflag:s8] =	ssyncset.done $0x0  }
0x611: {  	[sflag:s8] =	ssyncadd.s32 $0xFFFFF000  }
0x612: {  	_ =	swait.ge [sflag:s8], $0x1000  }
0x613: {  	s30 =	sld [smem:$0x7F8]  }
0x614: {  	[sflag:s8] =	ssyncset.done $0x0  }
0x615: {  	s31 =	sld [smem:$0x7F9];
	[sflag:s8] =	ssyncadd.s32 $0xFFFFF000  }
0x616: {  	[tilespmem:s9], [sflag:$0x1] =	stream.indirect.gather [hbm4b:s7+s6], $0x20, s30, s6, $0xb8;
	[tilespmem:$0xE200] =	vst v63  }
0x617: {  	s30 =	sld [smem:$0x7FA]  }
0x618: {  	[tilespmem:s10], [sflag:$0x1] =	stream.indirect.gather [hbm4b:s7+s6], $0x20, s31, s6, $0xb8;
	[tilespmem:$0xE200] =	vst v63  }
0x619: {  	s31 =	sld [smem:$0x7FB]  }
0x61a: {  	[tilespmem:s11], [sflag:$0x1] =	stream.indirect.gather [hbm4b:s7+s6], $0x20, s30, s6, $0xb8;
	[tilespmem:$0xE200] =	vst v63  }
0x61b: {  	s30 =	sld [smem:$0x7FC]  }
0x61c: {  	[tilespmem:s12], [sflag:$0x1] =	stream.indirect.gather [hbm4b:s7+s6], $0x20, s31, s6, $0xb8;
	[tilespmem:$0xE200] =	vst v63  }
0x61d: {  	s31 =	sld [smem:$0x7FD]  }
0x61e: {  	[tilespmem:s13], [sflag:$0x1] =	stream.indirect.gather [hbm4b:s7+s6], $0x20, s30, s6, $0xb8;
	[tilespmem:$0xE200] =	vst v63  }
0x61f: {  	_ = 	snop  }
0x620: {  	[spmem:s2] =	stream.indirect.scatter.add.f32 [tilespmem:s15], [sflag:$0x2], $0x20, s31, s6, $0xb8;
	[tilespmem:$0xE200] =	vst v63  }
0x621: {  	_ = 	snop  }
0x622: {  	[spmem:s2] =	stream.indirect.scatter.add.f32 [tilespmem:s16], [sflag:$0x2], $0x20, s26, s6, $0xb8;
	[tilespmem:$0xE200] =	vst v63  }
0x623: {  	_ = 	snop  }
0x624: {  	[spmem:s2] =	stream.indirect.scatter.add.f32 [tilespmem:s17], [sflag:$0x2], $0x20, s28, s6, $0xb8;
	[tilespmem:$0xE200] =	vst v63  }
0x625: {  	_ = 	snop  }
0x626: {  	[spmem:s2] =	stream.indirect.scatter.add.f32 [tilespmem:s18], [sflag:$0x2], $0x20, s29, s6, $0xb8;
	[tilespmem:$0xE200] =	vst v63  }
0x627: {  	_ = 	snop  }
0x628: {  	[spmem:s2] =	stream.indirect.scatter.add.f32 [tilespmem:s24], [sflag:$0x2], $0x20, s25, s6, $0xb8;
	[tilespmem:$0xE200] =	vst v63  }
0x629: {  	_ =	swait.ge [sflag:s14], $0x1000  }
0x62a: {  	[sflag:s14] =	ssyncset.done $0x0  }
0x62b: {  	[sflag:s14] =	ssyncadd.s32 $0xFFFFF000  }
0x62c: {  	_ =	swait.ge [sflag:s14], $0x1000  }
0x62d: {  	[sflag:s14] =	ssyncset.done $0x0  }
0x62e: {  	[sflag:s14] =	ssyncadd.s32 $0xFFFFF000  }
0x62f: {  	_ =	swait.ge [sflag:s14], $0x1000  }
0x630: {  	[sflag:s14] =	ssyncset.done $0x0  }
0x631: {  	[sflag:s14] =	ssyncadd.s32 $0xFFFFF000  }
0x632: {  	_ =	swait.ge [sflag:s14], $0x1000  }
0x633: {  	[sflag:s14] =	ssyncset.done $0x0  }
0x634: {  	[sflag:s14] =	ssyncadd.s32 $0xFFFFF000  }
0x635: {  	_ =	swait.ge [sflag:s14], $0x1000  }
0x636: {  	[sflag:s14] =	ssyncset.done $0x0  }
0x637: {  	[sflag:s14] =	ssyncadd.s32 $0xFFFFF000  }
0x638: {  	_ =	swait.ge [sflag:s8], $0x1000  }
0x639: {  	[sflag:s8] =	ssyncset.done $0x0  }
0x63a: {  	[sflag:s8] =	ssyncadd.s32 $0xFFFFF000  }
0x63b: {  	_ =	swait.ge [sflag:s8], $0x1000  }
0x63c: {  	[sflag:s8] =	ssyncset.done $0x0  }
0x63d: {  	[sflag:s8] =	ssyncadd.s32 $0xFFFFF000  }
0x63e: {  	_ =	swait.ge [sflag:s8], $0x1000  }
0x63f: {  	[sflag:s8] =	ssyncset.done $0x0  }
0x640: {  	[sflag:s8] =	ssyncadd.s32 $0xFFFFF000  }
0x641: {  	_ =	swait.ge [sflag:s8], $0x1000  }
0x642: {  	[sflag:s8] =	ssyncset.done $0x0  }
0x643: {  	[sflag:s8] =	ssyncadd.s32 $0xFFFFF000  }
0x644: {  	_ =	swait.ge [sflag:s8], $0x1000  }
0x645: {  	[sflag:s8] =	ssyncset.done $0x0  }
0x646: {  	[sflag:s8] =	ssyncadd.s32 $0xFFFFF000  }
0x647: {  	[spmem:s2] =	stream.indirect.scatter.add.f32 [tilespmem:s9], [sflag:$0x2], $0x20, s20, s6, $0xb8;
	[tilespmem:$0xE200] =	vst v63  }
0x648: {  	_ = 	snop  }
0x649: {  	[spmem:s2] =	stream.indirect.scatter.add.f32 [tilespmem:s10], [sflag:$0x2], $0x20, s21, s6, $0xb8;
	[tilespmem:$0xE200] =	vst v63  }
0x64a: {  	_ = 	snop  }
0x64b: {  	[spmem:s2] =	stream.indirect.scatter.add.f32 [tilespmem:s11], [sflag:$0x2], $0x20, s22, s6, $0xb8;
	[tilespmem:$0xE200] =	vst v63  }
0x64c: {  	_ = 	snop  }
0x64d: {  	[spmem:s2] =	stream.indirect.scatter.add.f32 [tilespmem:s12], [sflag:$0x2], $0x20, s23, s6, $0xb8;
	[tilespmem:$0xE200] =	vst v63  }
0x64e: {  	s30 =	simm.s32 $0x3180  }
0x64f: {  	[spmem:s2] =	stream.indirect.scatter.add.f32 [tilespmem:s13], [sflag:$0x2], $0x20, s30, s6, $0xb8;
	[tilespmem:$0xE200] =	vst v63  }
0x650: {  	_ =	swait.ge [sflag:s8], $0x1000  }
0x651: {  	[sflag:s8] =	ssyncset.done $0x0  }
0x652: {  	[sflag:s8] =	ssyncadd.s32 $0xFFFFF000  }
0x653: {  	_ =	swait.ge [sflag:s8], $0x1000  }
0x654: {  	[sflag:s8] =	ssyncset.done $0x0  }
0x655: {  	[sflag:s8] =	ssyncadd.s32 $0xFFFFF000  }
0x656: {  	_ =	swait.ge [sflag:s8], $0x1000  }
0x657: {  	[sflag:s8] =	ssyncset.done $0x0  }
0x658: {  	[sflag:s8] =	ssyncadd.s32 $0xFFFFF000  }
0x659: {  	_ =	swait.ge [sflag:s8], $0x1000  }
0x65a: {  	[sflag:s8] =	ssyncset.done $0x0  }
0x65b: {  	[sflag:s8] =	ssyncadd.s32 $0xFFFFF000  }
0x65c: {  	_ =	swait.ge [sflag:s8], $0x1000  }
0x65d: {  	[sflag:s8] =	ssyncset.done $0x0  }
0x65e: {  	s31 =	rddreg [dreg:$0x7];
	[sflag:s8] =	ssyncadd.s32 $0xFFFFF000  }
0x65f: {  	[hbm:s31], [sflag:s4] =	dma.local [spmem:s5], $0x200  }
0x660: {  	_ =	swait.ge [sflag:s3], $0x200  }
0x661: {  	[sflag:s3] =	ssyncset.done $0x0  }
0x662: {  	[sflag:s3] =	ssyncadd.s32 $0xFFFFFE00  }
0x663: {  	_ =	sfence.sel $0x180000  }
0x664: {  	[bflag:$0x0] =	sbarrier.arrive $0xFFFF  }
0x665: {  	_ =	strace $0x90000047  }
0x666: {  	[bflag:$0x2] =	sbarrier.arrive $0xFFFF  }
0x667: {  	p0 =	sne.s32 s19, $0x0;
	s0 =	rddreg [dreg:$0x3]  }
0x668: {  	s0 =	sadd.s32 @!p0 $0x100000, s0  }
0x669: {  	[sflag:s0] =	ssyncadd.tile.s32 @!p0 $0x1;
	_ =	shalt  }
.LBB2_1:
.Ltmp3:
0x66a: {  	(pc) =	sbr.rel .LBB2_6-.Ltmp3, $4  }
0x66b: {  	_ = 	snop  }
0x66c: {  	s25 =	simm.s32 $0x2F00;
	s29 =	simm.s32 $0x2E80  }
0x66d: {  	s28 =	simm.s32 $0x2E00;
	s26 =	simm.s32 $0x2D80;
	s23 =	simm.s32 $0x3100  }
0x66e: {  	s22 =	simm.s32 $0x3080;
	s21 =	simm.s32 $0x3000;
	s20 =	simm.s32 $0x2F80  }
.LBB2_3:
.Ltmp4:
0x66f: {  	(pc) =	sbr.rel .LBB2_6-.Ltmp4, $4  }
0x670: {  	_ = 	snop  }
0x671: {  	s25 =	simm.s32 $0x2F00;
	s29 =	simm.s32 $0x2E80;
	s28 =	simm.s32 $0x2E00  }
0x672: {  	s26 =	simm.s32 $0x2D80;
	s23 =	simm.s32 $0x3100;
	s22 =	simm.s32 $0x3080  }
0x673: {  	s21 =	simm.s32 $0x3000;
	s20 =	simm.s32 $0x2F80;
	s19 =	stileid.u32  }
.Lfunc_end2:
_tile_overlayer_lowered:
.L_overlay_start_2:
0x674: {  	(tag) =	ssettag $0x2  }
0x675: {  	s0 =	rddreg [dreg:$0x0];
	s2 =	stileid.u32  }
0x676: {  	s1 =	rddreg [dreg:$0x1];
	p0 =	sne.s32 s2, $0x0  }
0x677: {  	s3 =	rddreg [dreg:$0x2];
	[bflag:$0x3] =	sbarrier.arrive $0xFFFF;
	s2 =	simm.s32 @!p0 $0x1C03  }
0x678: {  	[timem:s3], [sflag:s2] =	dma.local @!p0 [hbm:s0], s1  }
0x679: {  	s0 =	simm.s32 @!p0 $0x3  }
0x67a: {  	_ =	swait.ge @!p0 [sflag:s0], s1  }
0x67b: {  	s1 =	ssub.s32 @!p0 $0x0, s1;
	[sflag:s0] =	ssyncset.done @!p0 $0x0  }
0x67c: {  	[sflag:s0] =	ssyncadd.s32 @!p0 s1  }
0x67d: {  	[bflag:$0x3] =	sbarrier.arrive $0xFFFF  }
0x67e: {  	_ =	shalt  }

</sc_bundles>
